<compile_context>
chip_gen: v7x
topology: tpu7x:2x2x1
jax: 0.10.2.dev20260603
libtpu: 0.0.44.dev20260713+nightly
codegen_flags: <defaults>
</compile_context>

<pallas_src>
import functools

import jax
import jax.numpy as jnp
from jax import lax
from jax.experimental import pallas as pl
from jax.experimental.pallas import tpu as pltpu
from jax.experimental.pallas import tpu_sc as plsc

EMB = 64
HASH = 64
N = 16384
L = 20
HID = 32
SAMPLE = 100000
SAMPLE_PAD = 100096

NC, NS = 2, 16
NW = NC * NS
R_TOTAL = L * N
R_PER_W = R_TOTAL // NW
CHUNK = 128
N_CHUNK = R_PER_W // CHUNK


@functools.cache
def _sc_gather_fn():
    mesh = plsc.VectorSubcoreMesh(
        core_axis_name="c", subcore_axis_name="s", num_cores=NC, num_subcores=NS)

    @functools.partial(
        pl.kernel,
        out_type=jax.ShapeDtypeStruct((R_TOTAL, EMB), jnp.float32),
        mesh=mesh,
        scratch_types=[
            pltpu.VMEM((CHUNK,), jnp.int32),
            pltpu.VMEM((CHUNK,), jnp.int32),
            pltpu.VMEM((CHUNK, EMB), jnp.float32),
            pltpu.SemaphoreType.DMA,
        ],
        compiler_params=pltpu.CompilerParams(use_tc_tiling_on_sc=False),
    )
    def k(spi_hbm, obf_hbm, emb_hbm, out_hbm, idx_v, oidx_v, rows_v, sem):
        wid = lax.axis_index("s") * NC + lax.axis_index("c")
        base = pl.multiple_of(wid * R_PER_W, CHUNK)

        def chunk_body(ci, _):
            r0 = pl.multiple_of(base + ci * CHUNK, CHUNK)
            pltpu.sync_copy(spi_hbm.at[pl.ds(r0, CHUNK)], idx_v)
            pltpu.async_copy(obf_hbm.at[idx_v], oidx_v, sem).wait()
            pltpu.async_copy(emb_hbm.at[oidx_v], rows_v, sem).wait()
            pltpu.sync_copy(rows_v, out_hbm.at[pl.ds(r0, CHUNK)])
            return 0

        lax.fori_loop(0, N_CHUNK, chunk_body, 0)

    return k

BN = 256
GRID = N // BN


def _tc_body(emb_r, hash_r, mask_r, whT_r, wc1_r, wc2_r, bc_r, wf_r, bfin_r,
             wihf_r, whhf_r, bf_r, wihb_r, whhb_r, bb_r, a1_r, a2_r, v_r,
             out_r, xs_r, hf_r, hb_r):
    whT = whT_r[...]
    wc1 = wc1_r[...]
    wc2 = wc2_r[...]
    bc = bc_r[...]
    wf = wf_r[...]
    bfin = bfin_r[...]

    def lstm_pass(wih, whh, b, hout_r, t_order):
        h = jnp.zeros((BN, HID), jnp.float32)
        c = jnp.zeros((BN, HID), jnp.float32)
        for t in t_order:
            m = mask_r[:, t:t + 1]
            x = xs_r[t]
            g = jnp.dot(x, wih) + jnp.dot(h, whh) + b
            i_g = jax.nn.sigmoid(g[:, 0:HID])
            f_g = jax.nn.sigmoid(g[:, HID:2 * HID])
            g_g = jnp.tanh(g[:, 2 * HID:3 * HID])
            o_g = jax.nn.sigmoid(g[:, 3 * HID:4 * HID])
            c_new = f_g * c + i_g * g_g
            h_new = o_g * jnp.tanh(c_new)
            h = m * h_new + (1.0 - m) * h
            c = m * c_new + (1.0 - m) * c
            hout_r[t] = h

    for t in range(L):
        m = mask_r[:, t:t + 1]
        e = emb_r[t]
        hsh = hash_r[:, t, :]
        hp = jnp.dot(hsh, whT)
        comb = jnp.dot(e, wc1) + jnp.dot(hp, wc2) + bc
        x = jnp.maximum(comb, 0.0)
        x = jnp.dot(x, wf) + bfin
        xs_r[t] = jnp.maximum(x, 0.0) * m

    lstm_pass(wihf_r[...], whhf_r[...], bf_r[...], hf_r, range(L))
    lstm_pass(wihb_r[...], whhb_r[...], bb_r[...], hb_r, range(L - 1, -1, -1))

    a1 = a1_r[...]
    a2 = a2_r[...]
    v = v_r[...]
    cols = []
    for t in range(L):
        ht = jnp.tanh(jnp.dot(hf_r[t], a1) + jnp.dot(hb_r[t], a2))
        cols.append(jnp.sum(ht * v, axis=1, keepdims=True))
    s = jnp.concatenate(cols, axis=1)
    s = jnp.where(mask_r[...] > 0.5, s, -1e9)
    s = s - jnp.max(s, axis=1, keepdims=True)
    ex = jnp.exp(s)
    attn = ex / jnp.sum(ex, axis=1, keepdims=True)
    accf = jnp.zeros((BN, HID), jnp.float32)
    accb = jnp.zeros((BN, HID), jnp.float32)
    for t in range(L):
        a = attn[:, t:t + 1]
        accf = accf + a * hf_r[t]
        accb = accb + a * hb_r[t]
    out_r[...] = jnp.concatenate([accf, accb], axis=1)


def _tc_encode(emb3, hashings, maskf, *weights):
    def full(shape):
        return pl.BlockSpec(shape, lambda i: (0,) * len(shape))

    in_specs = [
        pl.BlockSpec((L, BN, EMB), lambda i: (0, i, 0)),
        pl.BlockSpec((BN, L, HASH), lambda i: (i, 0, 0)),
        pl.BlockSpec((BN, L), lambda i: (i, 0)),
    ] + [full(w.shape) for w in weights]
    return pl.pallas_call(
        _tc_body,
        grid=(GRID,),
        in_specs=in_specs,
        out_specs=pl.BlockSpec((BN, EMB), lambda i: (i, 0)),
        out_shape=jax.ShapeDtypeStruct((N, EMB), jnp.float32),
        scratch_shapes=[
            pltpu.VMEM((L, BN, EMB), jnp.float32),
            pltpu.VMEM((L, BN, HID), jnp.float32),
            pltpu.VMEM((L, BN, HID), jnp.float32),
        ],
        compiler_params=pltpu.CompilerParams(
            dimension_semantics=("parallel",),
        ),
    )(emb3, hashings, maskf, *weights)


def kernel(sub_parts_index, obf_sample, mask, lengths, hashings, emb_table,
           W_hash, W_comb, b_comb, W_final, b_final,
           W_ih_f, W_hh_f, b_f, W_ih_b, W_hh_b, b_b, W_att, v_att):
    spi_t = sub_parts_index.T.reshape(R_TOTAL).astype(jnp.int32)
    obf_pad = jnp.pad(obf_sample.astype(jnp.int32), (0, SAMPLE_PAD - SAMPLE))
    emb_flat = _sc_gather_fn()(spi_t, obf_pad, emb_table)
    emb3 = emb_flat.reshape(L, N, EMB)

    maskf = mask.astype(jnp.float32)
    wcT = W_comb.T
    waT = W_att.T
    weights = (
        W_hash.T,
        wcT[:EMB, :],
        wcT[EMB:, :],
        b_comb.reshape(1, -1),
        W_final.T,
        b_final.reshape(1, -1),
        W_ih_f.T, W_hh_f.T, b_f.reshape(1, -1),
        W_ih_b.T, W_hh_b.T, b_b.reshape(1, -1),
        waT[:HID, :],
        waT[HID:, :],
        v_att.reshape(1, -1),
    )
    return _tc_encode(emb3, hashings, maskf, *weights)

# --- scband reference (transcript-rebuilt; emitter-appended) ---
"""Pipeline reference for scband-identifier-encoder-25151328485482 (READ-ONLY COPY).

The authoritative reference and input builder live on the scoring server;
editing this copy changes nothing except your own understanding.
"""

import jax, jax.numpy as jnp
import numpy as np

VOCAB = 1000000
EMB = 64
HASH = 64
N = 16384
L = 20
HID = 32  # per LSTM direction; bi-dir concat = EMB
SAMPLE = 100000


def setup_inputs(seed: int = 0) -> dict:
    key = jax.random.key(seed)
    ks = jax.random.split(key, 20)
    sub_parts_index = jax.random.randint(ks[0], (N, L), 0, SAMPLE)
    lengths = jax.random.randint(ks[1], (N,), 1, L + 1)
    mask = jnp.arange(L)[None, :] < lengths[:, None]
    obf_sample = jax.random.randint(ks[2], (SAMPLE,), 1, VOCAB)
    hashings = jax.random.normal(ks[3], (N, L, HASH), dtype=jnp.float32)
    emb_table = jax.random.normal(ks[4], (VOCAB, EMB), dtype=jnp.float32) * 0.02
    emb_table = emb_table.at[0].set(0.0)  # padding_idx
    W_hash = jax.random.normal(ks[5], (HASH, HASH), dtype=jnp.float32) * 0.1
    W_comb = jax.random.normal(ks[6], (EMB + HASH, EMB + HASH), dtype=jnp.float32) * 0.05
    b_comb = jnp.zeros((EMB + HASH,), jnp.float32)
    W_final = jax.random.normal(ks[7], (EMB, EMB + HASH), dtype=jnp.float32) * 0.05
    b_final = jnp.zeros((EMB,), jnp.float32)
    W_ih_f = jax.random.normal(ks[8], (4 * HID, EMB), dtype=jnp.float32) * 0.1
    W_hh_f = jax.random.normal(ks[9], (4 * HID, HID), dtype=jnp.float32) * 0.1
    b_f = jnp.zeros((4 * HID,), jnp.float32)
    W_ih_b = jax.random.normal(ks[10], (4 * HID, EMB), dtype=jnp.float32) * 0.1
    W_hh_b = jax.random.normal(ks[11], (4 * HID, HID), dtype=jnp.float32) * 0.1
    b_b = jnp.zeros((4 * HID,), jnp.float32)
    W_att = jax.random.normal(ks[12], (EMB, EMB), dtype=jnp.float32) * 0.1
    v_att = jax.random.normal(ks[13], (EMB,), dtype=jnp.float32) * 0.1
    return {
        'sub_parts_index': sub_parts_index, 'obf_sample': obf_sample, 'mask': mask,
        'lengths': lengths, 'hashings': hashings, 'emb_table': emb_table,
        'W_hash': W_hash, 'W_comb': W_comb, 'b_comb': b_comb,
        'W_final': W_final, 'b_final': b_final,
        'W_ih_f': W_ih_f, 'W_hh_f': W_hh_f, 'b_f': b_f,
        'W_ih_b': W_ih_b, 'W_hh_b': W_hh_b, 'b_b': b_b,
        'W_att': W_att, 'v_att': v_att,
    }


def _lstm(xs, ms, W_ih, W_hh, b):
    # xs: [L, N, D], ms: [L, N] bool
    H = W_hh.shape[1]

    def step(carry, inp):
        h, c = carry
        x_t, m_t = inp
        gates = x_t @ W_ih.T + h @ W_hh.T + b
        i, f, g, o = jnp.split(gates, 4, axis=-1)
        i = jax.nn.sigmoid(i); f = jax.nn.sigmoid(f)
        g = jnp.tanh(g); o = jax.nn.sigmoid(o)
        c_new = f * c + i * g
        h_new = o * jnp.tanh(c_new)
        m_ = m_t[:, None]
        h = jnp.where(m_, h_new, h)
        c = jnp.where(m_, c_new, c)
        return (h, c), h

    h0 = jnp.zeros((xs.shape[1], H), xs.dtype)
    (_, _), hs = jax.lax.scan(step, (h0, h0), (xs, ms))
    return hs  # [L, N, H]


def reference(sub_parts_index, obf_sample, mask, lengths, hashings, emb_table,
              W_hash, W_comb, b_comb, W_final, b_final,
              W_ih_f, W_hh_f, b_f, W_ih_b, W_hh_b, b_b, W_att, v_att):
    # obfuscated sub-part index lookup (gather into obfuscation sample)
    obf_idx = jnp.take(obf_sample, sub_parts_index, axis=0)
    obf_idx = jnp.where(mask, obf_idx, 0)  # masked_fill_ -> padding idx 0
    # embedding gather (padding row 0 is zero)
    emb = jnp.take(emb_table, obf_idx, axis=0)  # [N, L, EMB]
    # hashing trick path
    hash_proj = hashings @ W_hash.T
    comb = jnp.concatenate([emb, hash_proj], axis=-1) @ W_comb.T + b_comb
    x = jax.nn.relu(comb) @ W_final.T + b_final
    x = jax.nn.relu(x)
    x = jnp.where(mask[..., None], x, 0.0)  # [N, L, EMB]
    # bi-LSTM with attention pooling (AttnRNNEncoder)
    xs = jnp.swapaxes(x, 0, 1)  # [L, N, EMB]
    ms = jnp.swapaxes(mask, 0, 1)
    h_f = _lstm(xs, ms, W_ih_f, W_hh_f, b_f)
    h_b = _lstm(xs[::-1], ms[::-1], W_ih_b, W_hh_b, b_b)[::-1]
    Hseq = jnp.swapaxes(jnp.concatenate([h_f, h_b], axis=-1), 0, 1)  # [N, L, EMB]
    scores = jnp.tanh(Hseq @ W_att.T) @ v_att  # [N, L]
    scores = jnp.where(mask, scores, -1e9)
    attn = jax.nn.softmax(scores, axis=-1)
    encoded = jnp.einsum('nl,nld->nd', attn, Hseq)  # [N, EMB]
    return encoded

if __name__ == "__main__":
    import jax
    _d = setup_inputs()
    print(jax.jit(kernel)(*tuple(_d.values())))

</pallas_src>

<mosaic_0001>
#map = affine_map<(d0, d1) -> (0)>
#map1 = affine_map<(d0, d1) -> (0, 0)>
module attributes {stable_mosaic.version = 14 : i64} {
  func.func @k(%arg0: i32, %arg1: i32, %arg2: memref<327680xi32, #tpu.memory_space<hbm>>, %arg3: memref<100096xi32, #tpu.memory_space<hbm>>, %arg4: memref<1000000x64xf32, #tpu.memory_space<hbm>>, %arg5: memref<327680x64xf32, #tpu.memory_space<hbm>>, %arg6: memref<128xi32, #tpu.memory_space<vmem>>, %arg7: memref<128xi32, #tpu.memory_space<vmem>>, %arg8: memref<128x64xf32, #tpu.memory_space<vmem>>, %arg9: memref<!tpu.dma_semaphore, #tpu.memory_space<semaphore_mem>>) attributes {dimension_semantics = [#tpu.dimension_semantics<core_parallel>, #tpu.dimension_semantics<subcore_parallel>], iteration_bounds = array<i64: 2, 16>, scalar_prefetch = 0 : i64, scratch_operands = 4 : i64, tpu.core_type = #tpu.core_type<sc_vector_subcore>, window_params = [{transform_indices = #map}, {transform_indices = #map}, {transform_indices = #map1}, {transform_indices = #map1}]} {
    %mul3A = arith.constant 2 : i32
    %mul3A_0 = arith.muli %arg1, %mul3A : i32
    %add3A = arith.addi %mul3A_0, %arg0 : i32
    %mul3A_1 = arith.constant 10240 : i32
    %mul3A_2 = arith.muli %add3A, %mul3A_1 : i32
    %multiple_of3A = tpu.assume_multiple %mul3A_2, 128 : i32
    %scan3A = arith.constant 0 : i32
    %scan3A_3 = arith.constant 0 : i32
    %scan3A_4 = arith.constant 80 : i32
    %scan3A_5 = arith.addi %scan3A_3, %scan3A_4 : i32
    %scan3A_6 = arith.constant 1 : i32
    %scan3A_7 = scf.for %scan3A_9 = %scan3A_3 to %scan3A_5 step %scan3A_6 iter_args(%scan3A_10 = %scan3A) -> (i32)  : i32 {
      %mul3A_11 = arith.constant 128 : i32
      %mul3A_12 = arith.muli %scan3A_9, %mul3A_11 : i32
      %add3A_13 = arith.addi %multiple_of3A, %mul3A_12 : i32
      %multiple_of3A_14 = tpu.assume_multiple %add3A_13, 128 : i32
      "tpu.region"() ({
        %run_scoped3A = tpu.sem_alloc : memref<!tpu.dma_semaphore, #tpu.memory_space<semaphore_mem>>
        %dma_start3A_24 = tpu.memref_slice %arg2[%multiple_of3A_14] : memref<327680xi32, #tpu.memory_space<hbm>> -> memref<128xi32, #tpu.memory_space<hbm>>
        %dma_start3A_25 = tpu.memref_slice %arg2[%multiple_of3A_14] : memref<327680xi32, #tpu.memory_space<hbm>> -> memref<128xi32, #tpu.memory_space<hbm>>
        tpu.enqueue_dma source(%dma_start3A_25 : memref<128xi32, #tpu.memory_space<hbm>>) target(%arg6 : memref<128xi32, #tpu.memory_space<vmem>>) target_semaphore(%run_scoped3A : memref<!tpu.dma_semaphore, #tpu.memory_space<semaphore_mem>>)
        %dma_wait3A_26 = tpu.memref_slice %arg2[%multiple_of3A_14] : memref<327680xi32, #tpu.memory_space<hbm>> -> memref<128xi32, #tpu.memory_space<hbm>>
        %dma_wait3A_27 = tpu.memref_slice %arg2[%multiple_of3A_14] : memref<327680xi32, #tpu.memory_space<hbm>> -> memref<128xi32, #tpu.memory_space<hbm>>
        tpu.wait_dma2 semaphore(%run_scoped3A : memref<!tpu.dma_semaphore, #tpu.memory_space<semaphore_mem>>) src(%dma_wait3A_27 : memref<128xi32, #tpu.memory_space<hbm>>) dst(%arg6 : memref<128xi32, #tpu.memory_space<vmem>>)
        tpu.yield
      }) : () -> ()
      %dma_start3A = arith.constant 0 : i32
      %dma_start3A_15 = tpu.memref_slice %arg3[%dma_start3A] : memref<100096xi32, #tpu.memory_space<hbm>> -> memref<100096xi32, #tpu.memory_space<hbm>>
      tpu.enqueue_indirect_dma source(%dma_start3A_15 : memref<100096xi32, #tpu.memory_space<hbm>>) target(%arg7 : memref<128xi32, #tpu.memory_space<vmem>>) offsets(%arg6 : memref<128xi32, #tpu.memory_space<vmem>>) semaphore(%arg9 : memref<!tpu.dma_semaphore, #tpu.memory_space<semaphore_mem>>)
      %dma_wait3A = arith.constant 0 : i32
      %dma_wait3A_16 = tpu.memref_slice %arg3[%dma_wait3A] : memref<100096xi32, #tpu.memory_space<hbm>> -> memref<100096xi32, #tpu.memory_space<hbm>>
      tpu.wait_indirect_dma semaphore(%arg9 : memref<!tpu.dma_semaphore, #tpu.memory_space<semaphore_mem>>) src(%dma_wait3A_16 : memref<100096xi32, #tpu.memory_space<hbm>>) dst(%arg7 : memref<128xi32, #tpu.memory_space<vmem>>)
      %dma_start3A_17 = arith.constant 0 : i32
      %dma_start3A_18 = arith.constant 0 : i32
      %dma_start3A_19 = tpu.memref_slice %arg4[%dma_start3A_17, %dma_start3A_18] : memref<1000000x64xf32, #tpu.memory_space<hbm>> -> memref<1000000x64xf32, #tpu.memory_space<hbm>>
      tpu.enqueue_indirect_dma source(%dma_start3A_19 : memref<1000000x64xf32, #tpu.memory_space<hbm>>) target(%arg8 : memref<128x64xf32, #tpu.memory_space<vmem>>) offsets(%arg7 : memref<128xi32, #tpu.memory_space<vmem>>) semaphore(%arg9 : memref<!tpu.dma_semaphore, #tpu.memory_space<semaphore_mem>>)
      %dma_wait3A_20 = arith.constant 0 : i32
      %dma_wait3A_21 = arith.constant 0 : i32
      %dma_wait3A_22 = tpu.memref_slice %arg4[%dma_wait3A_20, %dma_wait3A_21] : memref<1000000x64xf32, #tpu.memory_space<hbm>> -> memref<1000000x64xf32, #tpu.memory_space<hbm>>
      tpu.wait_indirect_dma semaphore(%arg9 : memref<!tpu.dma_semaphore, #tpu.memory_space<semaphore_mem>>) src(%dma_wait3A_22 : memref<1000000x64xf32, #tpu.memory_space<hbm>>) dst(%arg8 : memref<128x64xf32, #tpu.memory_space<vmem>>)
      "tpu.region"() ({
        %run_scoped3A = tpu.sem_alloc : memref<!tpu.dma_semaphore, #tpu.memory_space<semaphore_mem>>
        %dma_start3A_24 = arith.constant 0 : i32
        %dma_start3A_25 = tpu.memref_slice %arg5[%multiple_of3A_14, %dma_start3A_24] : memref<327680x64xf32, #tpu.memory_space<hbm>> -> memref<128x64xf32, #tpu.memory_space<hbm>>
        %dma_start3A_26 = arith.constant 0 : i32
        %dma_start3A_27 = tpu.memref_slice %arg5[%multiple_of3A_14, %dma_start3A_26] : memref<327680x64xf32, #tpu.memory_space<hbm>> -> memref<128x64xf32, #tpu.memory_space<hbm>>
        tpu.enqueue_dma source(%arg8 : memref<128x64xf32, #tpu.memory_space<vmem>>) target(%dma_start3A_27 : memref<128x64xf32, #tpu.memory_space<hbm>>) target_semaphore(%run_scoped3A : memref<!tpu.dma_semaphore, #tpu.memory_space<semaphore_mem>>)
        %dma_wait3A_28 = arith.constant 0 : i32
        %dma_wait3A_29 = tpu.memref_slice %arg5[%multiple_of3A_14, %dma_wait3A_28] : memref<327680x64xf32, #tpu.memory_space<hbm>> -> memref<128x64xf32, #tpu.memory_space<hbm>>
        %dma_wait3A_30 = arith.constant 0 : i32
        %dma_wait3A_31 = tpu.memref_slice %arg5[%multiple_of3A_14, %dma_wait3A_30] : memref<327680x64xf32, #tpu.memory_space<hbm>> -> memref<128x64xf32, #tpu.memory_space<hbm>>
        tpu.wait_dma2 semaphore(%run_scoped3A : memref<!tpu.dma_semaphore, #tpu.memory_space<semaphore_mem>>) src(%arg8 : memref<128x64xf32, #tpu.memory_space<vmem>>) dst(%dma_wait3A_31 : memref<128x64xf32, #tpu.memory_space<hbm>>)
        tpu.yield
      }) : () -> ()
      %scan3A_23 = arith.constant 0 : i32
      scf.yield %scan3A_23 : i32
    }
    %scan3A_8 = arith.constant 80 : i32
    return
  }
}

module attributes {stable_mosaic.version = 14 : i64} {
  func.func @_tc_body(%arg0: i32, %arg1: memref<20x256x64xf32, #tpu.memory_space<vmem>>, %arg2: memref<256x20x64xf32, #tpu.memory_space<vmem>>, %arg3: memref<256x20xf32, #tpu.memory_space<vmem>>, %arg4: memref<64x64xf32, #tpu.memory_space<vmem>>, %arg5: memref<64x128xf32, #tpu.memory_space<vmem>>, %arg6: memref<64x128xf32, #tpu.memory_space<vmem>>, %arg7: memref<1x128xf32, #tpu.memory_space<vmem>>, %arg8: memref<128x64xf32, #tpu.memory_space<vmem>>, %arg9: memref<1x64xf32, #tpu.memory_space<vmem>>, %arg10: memref<64x128xf32, #tpu.memory_space<vmem>>, %arg11: memref<32x128xf32, #tpu.memory_space<vmem>>, %arg12: memref<1x128xf32, #tpu.memory_space<vmem>>, %arg13: memref<64x128xf32, #tpu.memory_space<vmem>>, %arg14: memref<32x128xf32, #tpu.memory_space<vmem>>, %arg15: memref<1x128xf32, #tpu.memory_space<vmem>>, %arg16: memref<32x64xf32, #tpu.memory_space<vmem>>, %arg17: memref<32x64xf32, #tpu.memory_space<vmem>>, %arg18: memref<1x64xf32, #tpu.memory_space<vmem>>, %arg19: memref<256x64xf32, #tpu.memory_space<vmem>>, %arg20: memref<20x256x64xf32, #tpu.memory_space<vmem>>, %arg21: memref<20x256x32xf32, #tpu.memory_space<vmem>>, %arg22: memref<20x256x32xf32, #tpu.memory_space<vmem>>) attributes {dimension_semantics = [#tpu.dimension_semantics<parallel>], iteration_bounds = array<i64: 64>, scalar_prefetch = 0 : i64, scratch_operands = 3 : i64, tpu.core_type = #tpu.core_type<tc>, window_params = [{transform_indices = @transform_0, window_bounds = array<i64: 20, 256, 64>}, {transform_indices = @transform_1, window_bounds = array<i64: 256, 20, 64>}, {transform_indices = @transform_2, window_bounds = array<i64: 256, 20>}, {pipeline_mode = #tpu.pipeline_mode<synchronous>, transform_indices = @transform_3, window_bounds = array<i64: 64, 64>}, {pipeline_mode = #tpu.pipeline_mode<synchronous>, transform_indices = @transform_4, window_bounds = array<i64: 64, 128>}, {pipeline_mode = #tpu.pipeline_mode<synchronous>, transform_indices = @transform_5, window_bounds = array<i64: 64, 128>}, {pipeline_mode = #tpu.pipeline_mode<synchronous>, transform_indices = @transform_6, window_bounds = array<i64: 1, 128>}, {pipeline_mode = #tpu.pipeline_mode<synchronous>, transform_indices = @transform_7, window_bounds = array<i64: 128, 64>}, {pipeline_mode = #tpu.pipeline_mode<synchronous>, transform_indices = @transform_8, window_bounds = array<i64: 1, 64>}, {pipeline_mode = #tpu.pipeline_mode<synchronous>, transform_indices = @transform_9, window_bounds = array<i64: 64, 128>}, {pipeline_mode = #tpu.pipeline_mode<synchronous>, transform_indices = @transform_10, window_bounds = array<i64: 32, 128>}, {pipeline_mode = #tpu.pipeline_mode<synchronous>, transform_indices = @transform_11, window_bounds = array<i64: 1, 128>}, {pipeline_mode = #tpu.pipeline_mode<synchronous>, transform_indices = @transform_12, window_bounds = array<i64: 64, 128>}, {pipeline_mode = #tpu.pipeline_mode<synchronous>, transform_indices = @transform_13, window_bounds = array<i64: 32, 128>}, {pipeline_mode = #tpu.pipeline_mode<synchronous>, transform_indices = @transform_14, window_bounds = array<i64: 1, 128>}, {pipeline_mode = #tpu.pipeline_mode<synchronous>, transform_indices = @transform_15, window_bounds = array<i64: 32, 64>}, {pipeline_mode = #tpu.pipeline_mode<synchronous>, transform_indices = @transform_16, window_bounds = array<i64: 32, 64>}, {pipeline_mode = #tpu.pipeline_mode<synchronous>, transform_indices = @transform_17, window_bounds = array<i64: 1, 64>}, {transform_indices = @transform_18, window_bounds = array<i64: 256, 64>}]} {
    %get3A = arith.constant 0 : index
    %get3A_0 = arith.constant 0 : index
    %get3A_1 = vector.load %arg4[%get3A, %get3A_0] : memref<64x64xf32, #tpu.memory_space<vmem>>, vector<64x64xf32>
    %get3A_2 = arith.constant 0 : index
    %get3A_3 = arith.constant 0 : index
    %get3A_4 = vector.load %arg5[%get3A_2, %get3A_3] : memref<64x128xf32, #tpu.memory_space<vmem>>, vector<64x128xf32>
    %get3A_5 = arith.constant 0 : index
    %get3A_6 = arith.constant 0 : index
    %get3A_7 = vector.load %arg6[%get3A_5, %get3A_6] : memref<64x128xf32, #tpu.memory_space<vmem>>, vector<64x128xf32>
    %get3A_8 = arith.constant 0 : index
    %get3A_9 = arith.constant 0 : index
    %get3A_10 = vector.load %arg7[%get3A_8, %get3A_9] : memref<1x128xf32, #tpu.memory_space<vmem>>, vector<1x128xf32>
    %get3A_11 = arith.constant 0 : index
    %get3A_12 = arith.constant 0 : index
    %get3A_13 = vector.load %arg8[%get3A_11, %get3A_12] : memref<128x64xf32, #tpu.memory_space<vmem>>, vector<128x64xf32>
    %get3A_14 = arith.constant 0 : index
    %get3A_15 = arith.constant 0 : index
    %get3A_16 = vector.load %arg9[%get3A_14, %get3A_15] : memref<1x64xf32, #tpu.memory_space<vmem>>, vector<1x64xf32>
    %get3A_17 = arith.constant 0 : index
    %get3A_18 = arith.constant 0 : index
    %get3A_19 = vector.load %arg3[%get3A_17, %get3A_18] : memref<256x20xf32, #tpu.memory_space<vmem>>, vector<256x1xf32>
    %get3A_20 = arith.constant 0 : index
    %get3A_21 = arith.constant 0 : index
    %get3A_22 = arith.constant 0 : index
    %get3A_23 = vector.load %arg1[%get3A_20, %get3A_21, %get3A_22] : memref<20x256x64xf32, #tpu.memory_space<vmem>>, vector<1x256x64xf32>
    %get3A_24 = vector.shape_cast %get3A_23 : vector<1x256x64xf32> to vector<256x64xf32>
    %get3A_25 = arith.constant 0 : index
    %get3A_26 = arith.constant 0 : index
    %get3A_27 = arith.constant 0 : index
    %get3A_28 = vector.load %arg2[%get3A_25, %get3A_26, %get3A_27] : memref<256x20x64xf32, #tpu.memory_space<vmem>>, vector<256x1x64xf32>
    %get3A_29 = vector.shape_cast %get3A_28 : vector<256x1x64xf32> to vector<256x64xf32>
    %dot_general3A = arith.constant dense<0.000000e+00> : vector<256x64xf32>
    %dot_general3A_30 = tpu.matmul %get3A_29, %get3A_1, %dot_general3A {dimension_numbers = #tpu.dot_dimension_numbers<[1], [0], [0], [1], [0, 0, 1, 1], [], []>, transpose_lhs_hint = false} : vector<256x64xf32>, vector<64x64xf32>, vector<256x64xf32> -> vector<256x64xf32>
    %dot_general3A_31 = arith.constant dense<0.000000e+00> : vector<256x128xf32>
    %dot_general3A_32 = tpu.matmul %get3A_24, %get3A_4, %dot_general3A_31 {dimension_numbers = #tpu.dot_dimension_numbers<[1], [0], [0], [1], [0, 0, 1, 1], [], []>, transpose_lhs_hint = false} : vector<256x64xf32>, vector<64x128xf32>, vector<256x128xf32> -> vector<256x128xf32>
    %dot_general3A_33 = arith.constant dense<0.000000e+00> : vector<256x128xf32>
    %dot_general3A_34 = tpu.matmul %dot_general3A_30, %get3A_7, %dot_general3A_33 {dimension_numbers = #tpu.dot_dimension_numbers<[1], [0], [0], [1], [0, 0, 1, 1], [], []>, transpose_lhs_hint = false} : vector<256x64xf32>, vector<64x128xf32>, vector<256x128xf32> -> vector<256x128xf32>
    %add3A = arith.addf %dot_general3A_32, %dot_general3A_34 : vector<256x128xf32>
    %add3A_35 = vector.broadcast %get3A_10 : vector<1x128xf32> to vector<256x128xf32>
    %add3A_36 = arith.addf %add3A, %add3A_35 : vector<256x128xf32>
    %max3A = arith.constant 0.000000e+00 : f32
    %max3A_37 = vector.broadcast %max3A : f32 to vector<256x128xf32>
    %max3A_38 = arith.maximumf %add3A_36, %max3A_37 : vector<256x128xf32>
    %dot_general3A_39 = arith.constant dense<0.000000e+00> : vector<256x64xf32>
    %dot_general3A_40 = tpu.matmul %max3A_38, %get3A_13, %dot_general3A_39 {dimension_numbers = #tpu.dot_dimension_numbers<[1], [0], [0], [1], [0, 0, 1, 1], [], []>, transpose_lhs_hint = false} : vector<256x128xf32>, vector<128x64xf32>, vector<256x64xf32> -> vector<256x64xf32>
    %add3A_41 = vector.broadcast %get3A_16 : vector<1x64xf32> to vector<256x64xf32>
    %add3A_42 = arith.addf %dot_general3A_40, %add3A_41 : vector<256x64xf32>
    %max3A_43 = arith.constant 0.000000e+00 : f32
    %max3A_44 = vector.broadcast %max3A_43 : f32 to vector<256x64xf32>
    %max3A_45 = arith.maximumf %add3A_42, %max3A_44 : vector<256x64xf32>
    %mul3A = vector.broadcast %get3A_19 : vector<256x1xf32> to vector<256x64xf32>
    %mul3A_46 = arith.mulf %max3A_45, %mul3A : vector<256x64xf32>
    %swap3A = arith.constant 0 : index
    %swap3A_47 = arith.constant 0 : index
    %swap3A_48 = arith.constant 0 : index
    %swap3A_49 = vector.load %arg20[%swap3A, %swap3A_47, %swap3A_48] : memref<20x256x64xf32, #tpu.memory_space<vmem>>, vector<1x256x64xf32>
    %swap3A_50 = vector.shape_cast %swap3A_49 : vector<1x256x64xf32> to vector<256x64xf32>
    %swap3A_51 = vector.shape_cast %mul3A_46 : vector<256x64xf32> to vector<1x256x64xf32>
    tpu.vector_store %arg20[%swap3A, %swap3A_47, %swap3A_48], %swap3A_51 {strides = array<i32>} : memref<20x256x64xf32, #tpu.memory_space<vmem>>, vector<1x256x64xf32>,
    %get3A_52 = arith.constant 0 : index
    %get3A_53 = arith.constant 1 : index
    %get3A_54 = vector.load %arg3[%get3A_52, %get3A_53] : memref<256x20xf32, #tpu.memory_space<vmem>>, vector<256x1xf32>
    %get3A_55 = arith.constant 1 : index
    %get3A_56 = arith.constant 0 : index
    %get3A_57 = arith.constant 0 : index
    %get3A_58 = vector.load %arg1[%get3A_55, %get3A_56, %get3A_57] : memref<20x256x64xf32, #tpu.memory_space<vmem>>, vector<1x256x64xf32>
    %get3A_59 = vector.shape_cast %get3A_58 : vector<1x256x64xf32> to vector<256x64xf32>
    %get3A_60 = arith.constant 0 : index
    %get3A_61 = arith.constant 1 : index
    %get3A_62 = arith.constant 0 : index
    %get3A_63 = vector.load %arg2[%get3A_60, %get3A_61, %get3A_62] : memref<256x20x64xf32, #tpu.memory_space<vmem>>, vector<256x1x64xf32>
    %get3A_64 = vector.shape_cast %get3A_63 : vector<256x1x64xf32> to vector<256x64xf32>
    %dot_general3A_65 = arith.constant dense<0.000000e+00> : vector<256x64xf32>
    %dot_general3A_66 = tpu.matmul %get3A_64, %get3A_1, %dot_general3A_65 {dimension_numbers = #tpu.dot_dimension_numbers<[1], [0], [0], [1], [0, 0, 1, 1], [], []>, transpose_lhs_hint = false} : vector<256x64xf32>, vector<64x64xf32>, vector<256x64xf32> -> vector<256x64xf32>
    %dot_general3A_67 = arith.constant dense<0.000000e+00> : vector<256x128xf32>
    %dot_general3A_68 = tpu.matmul %get3A_59, %get3A_4, %dot_general3A_67 {dimension_numbers = #tpu.dot_dimension_numbers<[1], [0], [0], [1], [0, 0, 1, 1], [], []>, transpose_lhs_hint = false} : vector<256x64xf32>, vector<64x128xf32>, vector<256x128xf32> -> vector<256x128xf32>
    %dot_general3A_69 = arith.constant dense<0.000000e+00> : vector<256x128xf32>
    %dot_general3A_70 = tpu.matmul %dot_general3A_66, %get3A_7, %dot_general3A_69 {dimension_numbers = #tpu.dot_dimension_numbers<[1], [0], [0], [1], [0, 0, 1, 1], [], []>, transpose_lhs_hint = false} : vector<256x64xf32>, vector<64x128xf32>, vector<256x128xf32> -> vector<256x128xf32>
    %add3A_71 = arith.addf %dot_general3A_68, %dot_general3A_70 : vector<256x128xf32>
    %add3A_72 = vector.broadcast %get3A_10 : vector<1x128xf32> to vector<256x128xf32>
    %add3A_73 = arith.addf %add3A_71, %add3A_72 : vector<256x128xf32>
    %max3A_74 = arith.constant 0.000000e+00 : f32
    %max3A_75 = vector.broadcast %max3A_74 : f32 to vector<256x128xf32>
    %max3A_76 = arith.maximumf %add3A_73, %max3A_75 : vector<256x128xf32>
    %dot_general3A_77 = arith.constant dense<0.000000e+00> : vector<256x64xf32>
    %dot_general3A_78 = tpu.matmul %max3A_76, %get3A_13, %dot_general3A_77 {dimension_numbers = #tpu.dot_dimension_numbers<[1], [0], [0], [1], [0, 0, 1, 1], [], []>, transpose_lhs_hint = false} : vector<256x128xf32>, vector<128x64xf32>, vector<256x64xf32> -> vector<256x64xf32>
    %add3A_79 = vector.broadcast %get3A_16 : vector<1x64xf32> to vector<256x64xf32>
    %add3A_80 = arith.addf %dot_general3A_78, %add3A_79 : vector<256x64xf32>
    %max3A_81 = arith.constant 0.000000e+00 : f32
    %max3A_82 = vector.broadcast %max3A_81 : f32 to vector<256x64xf32>
    %max3A_83 = arith.maximumf %add3A_80, %max3A_82 : vector<256x64xf32>
    %mul3A_84 = vector.broadcast %get3A_54 : vector<256x1xf32> to vector<256x64xf32>
    %mul3A_85 = arith.mulf %max3A_83, %mul3A_84 : vector<256x64xf32>
    %swap3A_86 = arith.constant 1 : index
    %swap3A_87 = arith.constant 0 : index
    %swap3A_88 = arith.constant 0 : index
    %swap3A_89 = vector.load %arg20[%swap3A_86, %swap3A_87, %swap3A_88] : memref<20x256x64xf32, #tpu.memory_space<vmem>>, vector<1x256x64xf32>
    %swap3A_90 = vector.shape_cast %swap3A_89 : vector<1x256x64xf32> to vector<256x64xf32>
    %swap3A_91 = vector.shape_cast %mul3A_85 : vector<256x64xf32> to vector<1x256x64xf32>
    tpu.vector_store %arg20[%swap3A_86, %swap3A_87, %swap3A_88], %swap3A_91 {strides = array<i32>} : memref<20x256x64xf32, #tpu.memory_space<vmem>>, vector<1x256x64xf32>,
    %get3A_92 = arith.constant 0 : index
    %get3A_93 = arith.constant 2 : index
    %get3A_94 = vector.load %arg3[%get3A_92, %get3A_93] : memref<256x20xf32, #tpu.memory_space<vmem>>, vector<256x1xf32>
    %get3A_95 = arith.constant 2 : index
    %get3A_96 = arith.constant 0 : index
    %get3A_97 = arith.constant 0 : index
    %get3A_98 = vector.load %arg1[%get3A_95, %get3A_96, %get3A_97] : memref<20x256x64xf32, #tpu.memory_space<vmem>>, vector<1x256x64xf32>
    %get3A_99 = vector.shape_cast %get3A_98 : vector<1x256x64xf32> to vector<256x64xf32>
    %get3A_100 = arith.constant 0 : index
    %get3A_101 = arith.constant 2 : index
    %get3A_102 = arith.constant 0 : index
    %get3A_103 = vector.load %arg2[%get3A_100, %get3A_101, %get3A_102] : memref<256x20x64xf32, #tpu.memory_space<vmem>>, vector<256x1x64xf32>
    %get3A_104 = vector.shape_cast %get3A_103 : vector<256x1x64xf32> to vector<256x64xf32>
    %dot_general3A_105 = arith.constant dense<0.000000e+00> : vector<256x64xf32>
    %dot_general3A_106 = tpu.matmul %get3A_104, %get3A_1, %dot_general3A_105 {dimension_numbers = #tpu.dot_dimension_numbers<[1], [0], [0], [1], [0, 0, 1, 1], [], []>, transpose_lhs_hint = false} : vector<256x64xf32>, vector<64x64xf32>, vector<256x64xf32> -> vector<256x64xf32>
    %dot_general3A_107 = arith.constant dense<0.000000e+00> : vector<256x128xf32>
    %dot_general3A_108 = tpu.matmul %get3A_99, %get3A_4, %dot_general3A_107 {dimension_numbers = #tpu.dot_dimension_numbers<[1], [0], [0], [1], [0, 0, 1, 1], [], []>, transpose_lhs_hint = false} : vector<256x64xf32>, vector<64x128xf32>, vector<256x128xf32> -> vector<256x128xf32>
    %dot_general3A_109 = arith.constant dense<0.000000e+00> : vector<256x128xf32>
    %dot_general3A_110 = tpu.matmul %dot_general3A_106, %get3A_7, %dot_general3A_109 {dimension_numbers = #tpu.dot_dimension_numbers<[1], [0], [0], [1], [0, 0, 1, 1], [], []>, transpose_lhs_hint = false} : vector<256x64xf32>, vector<64x128xf32>, vector<256x128xf32> -> vector<256x128xf32>
    %add3A_111 = arith.addf %dot_general3A_108, %dot_general3A_110 : vector<256x128xf32>
    %add3A_112 = vector.broadcast %get3A_10 : vector<1x128xf32> to vector<256x128xf32>
    %add3A_113 = arith.addf %add3A_111, %add3A_112 : vector<256x128xf32>
    %max3A_114 = arith.constant 0.000000e+00 : f32
    %max3A_115 = vector.broadcast %max3A_114 : f32 to vector<256x128xf32>
    %max3A_116 = arith.maximumf %add3A_113, %max3A_115 : vector<256x128xf32>
    %dot_general3A_117 = arith.constant dense<0.000000e+00> : vector<256x64xf32>
    %dot_general3A_118 = tpu.matmul %max3A_116, %get3A_13, %dot_general3A_117 {dimension_numbers = #tpu.dot_dimension_numbers<[1], [0], [0], [1], [0, 0, 1, 1], [], []>, transpose_lhs_hint = false} : vector<256x128xf32>, vector<128x64xf32>, vector<256x64xf32> -> vector<256x64xf32>
    %add3A_119 = vector.broadcast %get3A_16 : vector<1x64xf32> to vector<256x64xf32>
    %add3A_120 = arith.addf %dot_general3A_118, %add3A_119 : vector<256x64xf32>
    %max3A_121 = arith.constant 0.000000e+00 : f32
    %max3A_122 = vector.broadcast %max3A_121 : f32 to vector<256x64xf32>
    %max3A_123 = arith.maximumf %add3A_120, %max3A_122 : vector<256x64xf32>
    %mul3A_124 = vector.broadcast %get3A_94 : vector<256x1xf32> to vector<256x64xf32>
    %mul3A_125 = arith.mulf %max3A_123, %mul3A_124 : vector<256x64xf32>
    %swap3A_126 = arith.constant 2 : index
    %swap3A_127 = arith.constant 0 : index
    %swap3A_128 = arith.constant 0 : index
    %swap3A_129 = vector.load %arg20[%swap3A_126, %swap3A_127, %swap3A_128] : memref<20x256x64xf32, #tpu.memory_space<vmem>>, vector<1x256x64xf32>
    %swap3A_130 = vector.shape_cast %swap3A_129 : vector<1x256x64xf32> to vector<256x64xf32>
    %swap3A_131 = vector.shape_cast %mul3A_125 : vector<256x64xf32> to vector<1x256x64xf32>
    tpu.vector_store %arg20[%swap3A_126, %swap3A_127, %swap3A_128], %swap3A_131 {strides = array<i32>} : memref<20x256x64xf32, #tpu.memory_space<vmem>>, vector<1x256x64xf32>,
    %get3A_132 = arith.constant 0 : index
    %get3A_133 = arith.constant 3 : index
    %get3A_134 = vector.load %arg3[%get3A_132, %get3A_133] : memref<256x20xf32, #tpu.memory_space<vmem>>, vector<256x1xf32>
    %get3A_135 = arith.constant 3 : index
    %get3A_136 = arith.constant 0 : index
    %get3A_137 = arith.constant 0 : index
    %get3A_138 = vector.load %arg1[%get3A_135, %get3A_136, %get3A_137] : memref<20x256x64xf32, #tpu.memory_space<vmem>>, vector<1x256x64xf32>
    %get3A_139 = vector.shape_cast %get3A_138 : vector<1x256x64xf32> to vector<256x64xf32>
    %get3A_140 = arith.constant 0 : index
    %get3A_141 = arith.constant 3 : index
    %get3A_142 = arith.constant 0 : index
    %get3A_143 = vector.load %arg2[%get3A_140, %get3A_141, %get3A_142] : memref<256x20x64xf32, #tpu.memory_space<vmem>>, vector<256x1x64xf32>
    %get3A_144 = vector.shape_cast %get3A_143 : vector<256x1x64xf32> to vector<256x64xf32>
    %dot_general3A_145 = arith.constant dense<0.000000e+00> : vector<256x64xf32>
    %dot_general3A_146 = tpu.matmul %get3A_144, %get3A_1, %dot_general3A_145 {dimension_numbers = #tpu.dot_dimension_numbers<[1], [0], [0], [1], [0, 0, 1, 1], [], []>, transpose_lhs_hint = false} : vector<256x64xf32>, vector<64x64xf32>, vector<256x64xf32> -> vector<256x64xf32>
    %dot_general3A_147 = arith.constant dense<0.000000e+00> : vector<256x128xf32>
    %dot_general3A_148 = tpu.matmul %get3A_139, %get3A_4, %dot_general3A_147 {dimension_numbers = #tpu.dot_dimension_numbers<[1], [0], [0], [1], [0, 0, 1, 1], [], []>, transpose_lhs_hint = false} : vector<256x64xf32>, vector<64x128xf32>, vector<256x128xf32> -> vector<256x128xf32>
    %dot_general3A_149 = arith.constant dense<0.000000e+00> : vector<256x128xf32>
    %dot_general3A_150 = tpu.matmul %dot_general3A_146, %get3A_7, %dot_general3A_149 {dimension_numbers = #tpu.dot_dimension_numbers<[1], [0], [0], [1], [0, 0, 1, 1], [], []>, transpose_lhs_hint = false} : vector<256x64xf32>, vector<64x128xf32>, vector<256x128xf32> -> vector<256x128xf32>
    %add3A_151 = arith.addf %dot_general3A_148, %dot_general3A_150 : vector<256x128xf32>
    %add3A_152 = vector.broadcast %get3A_10 : vector<1x128xf32> to vector<256x128xf32>
    %add3A_153 = arith.addf %add3A_151, %add3A_152 : vector<256x128xf32>
    %max3A_154 = arith.constant 0.000000e+00 : f32
    %max3A_155 = vector.broadcast %max3A_154 : f32 to vector<256x128xf32>
    %max3A_156 = arith.maximumf %add3A_153, %max3A_155 : vector<256x128xf32>
    %dot_general3A_157 = arith.constant dense<0.000000e+00> : vector<256x64xf32>
    %dot_general3A_158 = tpu.matmul %max3A_156, %get3A_13, %dot_general3A_157 {dimension_numbers = #tpu.dot_dimension_numbers<[1], [0], [0], [1], [0, 0, 1, 1], [], []>, transpose_lhs_hint = false} : vector<256x128xf32>, vector<128x64xf32>, vector<256x64xf32> -> vector<256x64xf32>
    %add3A_159 = vector.broadcast %get3A_16 : vector<1x64xf32> to vector<256x64xf32>
    %add3A_160 = arith.addf %dot_general3A_158, %add3A_159 : vector<256x64xf32>
    %max3A_161 = arith.constant 0.000000e+00 : f32
    %max3A_162 = vector.broadcast %max3A_161 : f32 to vector<256x64xf32>
    %max3A_163 = arith.maximumf %add3A_160, %max3A_162 : vector<256x64xf32>
    %mul3A_164 = vector.broadcast %get3A_134 : vector<256x1xf32> to vector<256x64xf32>
    %mul3A_165 = arith.mulf %max3A_163, %mul3A_164 : vector<256x64xf32>
    %swap3A_166 = arith.constant 3 : index
    %swap3A_167 = arith.constant 0 : index
    %swap3A_168 = arith.constant 0 : index
    %swap3A_169 = vector.load %arg20[%swap3A_166, %swap3A_167, %swap3A_168] : memref<20x256x64xf32, #tpu.memory_space<vmem>>, vector<1x256x64xf32>
    %swap3A_170 = vector.shape_cast %swap3A_169 : vector<1x256x64xf32> to vector<256x64xf32>
    %swap3A_171 = vector.shape_cast %mul3A_165 : vector<256x64xf32> to vector<1x256x64xf32>
    tpu.vector_store %arg20[%swap3A_166, %swap3A_167, %swap3A_168], %swap3A_171 {strides = array<i32>} : memref<20x256x64xf32, #tpu.memory_space<vmem>>, vector<1x256x64xf32>,
    %get3A_172 = arith.constant 0 : index
    %get3A_173 = arith.constant 4 : index
    %get3A_174 = vector.load %arg3[%get3A_172, %get3A_173] : memref<256x20xf32, #tpu.memory_space<vmem>>, vector<256x1xf32>
    %get3A_175 = arith.constant 4 : index
    %get3A_176 = arith.constant 0 : index
    %get3A_177 = arith.constant 0 : index
    %get3A_178 = vector.load %arg1[%get3A_175, %get3A_176, %get3A_177] : memref<20x256x64xf32, #tpu.memory_space<vmem>>, vector<1x256x64xf32>
    %get3A_179 = vector.shape_cast %get3A_178 : vector<1x256x64xf32> to vector<256x64xf32>
    %get3A_180 = arith.constant 0 : index
    %get3A_181 = arith.constant 4 : index
    %get3A_182 = arith.constant 0 : index
    %get3A_183 = vector.load %arg2[%get3A_180, %get3A_181, %get3A_182] : memref<256x20x64xf32, #tpu.memory_space<vmem>>, vector<256x1x64xf32>
    %get3A_184 = vector.shape_cast %get3A_183 : vector<256x1x64xf32> to vector<256x64xf32>
    %dot_general3A_185 = arith.constant dense<0.000000e+00> : vector<256x64xf32>
    %dot_general3A_186 = tpu.matmul %get3A_184, %get3A_1, %dot_general3A_185 {dimension_numbers = #tpu.dot_dimension_numbers<[1], [0], [0], [1], [0, 0, 1, 1], [], []>, transpose_lhs_hint = false} : vector<256x64xf32>, vector<64x64xf32>, vector<256x64xf32> -> vector<256x64xf32>
    %dot_general3A_187 = arith.constant dense<0.000000e+00> : vector<256x128xf32>
    %dot_general3A_188 = tpu.matmul %get3A_179, %get3A_4, %dot_general3A_187 {dimension_numbers = #tpu.dot_dimension_numbers<[1], [0], [0], [1], [0, 0, 1, 1], [], []>, transpose_lhs_hint = false} : vector<256x64xf32>, vector<64x128xf32>, vector<256x128xf32> -> vector<256x128xf32>
    %dot_general3A_189 = arith.constant dense<0.000000e+00> : vector<256x128xf32>
    %dot_general3A_190 = tpu.matmul %dot_general3A_186, %get3A_7, %dot_general3A_189 {dimension_numbers = #tpu.dot_dimension_numbers<[1], [0], [0], [1], [0, 0, 1, 1], [], []>, transpose_lhs_hint = false} : vector<256x64xf32>, vector<64x128xf32>, vector<256x128xf32> -> vector<256x128xf32>
    %add3A_191 = arith.addf %dot_general3A_188, %dot_general3A_190 : vector<256x128xf32>
    %add3A_192 = vector.broadcast %get3A_10 : vector<1x128xf32> to vector<256x128xf32>
    %add3A_193 = arith.addf %add3A_191, %add3A_192 : vector<256x128xf32>
    %max3A_194 = arith.constant 0.000000e+00 : f32
    %max3A_195 = vector.broadcast %max3A_194 : f32 to vector<256x128xf32>
    %max3A_196 = arith.maximumf %add3A_193, %max3A_195 : vector<256x128xf32>
    %dot_general3A_197 = arith.constant dense<0.000000e+00> : vector<256x64xf32>
    %dot_general3A_198 = tpu.matmul %max3A_196, %get3A_13, %dot_general3A_197 {dimension_numbers = #tpu.dot_dimension_numbers<[1], [0], [0], [1], [0, 0, 1, 1], [], []>, transpose_lhs_hint = false} : vector<256x128xf32>, vector<128x64xf32>, vector<256x64xf32> -> vector<256x64xf32>
    %add3A_199 = vector.broadcast %get3A_16 : vector<1x64xf32> to vector<256x64xf32>
    %add3A_200 = arith.addf %dot_general3A_198, %add3A_199 : vector<256x64xf32>
    %max3A_201 = arith.constant 0.000000e+00 : f32
    %max3A_202 = vector.broadcast %max3A_201 : f32 to vector<256x64xf32>
    %max3A_203 = arith.maximumf %add3A_200, %max3A_202 : vector<256x64xf32>
    %mul3A_204 = vector.broadcast %get3A_174 : vector<256x1xf32> to vector<256x64xf32>
    %mul3A_205 = arith.mulf %max3A_203, %mul3A_204 : vector<256x64xf32>
    %swap3A_206 = arith.constant 4 : index
    %swap3A_207 = arith.constant 0 : index
    %swap3A_208 = arith.constant 0 : index
    %swap3A_209 = vector.load %arg20[%swap3A_206, %swap3A_207, %swap3A_208] : memref<20x256x64xf32, #tpu.memory_space<vmem>>, vector<1x256x64xf32>
    %swap3A_210 = vector.shape_cast %swap3A_209 : vector<1x256x64xf32> to vector<256x64xf32>
    %swap3A_211 = vector.shape_cast %mul3A_205 : vector<256x64xf32> to vector<1x256x64xf32>
    tpu.vector_store %arg20[%swap3A_206, %swap3A_207, %swap3A_208], %swap3A_211 {strides = array<i32>} : memref<20x256x64xf32, #tpu.memory_space<vmem>>, vector<1x256x64xf32>,
    %get3A_212 = arith.constant 0 : index
    %get3A_213 = arith.constant 5 : index
    %get3A_214 = vector.load %arg3[%get3A_212, %get3A_213] : memref<256x20xf32, #tpu.memory_space<vmem>>, vector<256x1xf32>
    %get3A_215 = arith.constant 5 : index
    %get3A_216 = arith.constant 0 : index
    %get3A_217 = arith.constant 0 : index
    %get3A_218 = vector.load %arg1[%get3A_215, %get3A_216, %get3A_217] : memref<20x256x64xf32, #tpu.memory_space<vmem>>, vector<1x256x64xf32>
    %get3A_219 = vector.shape_cast %get3A_218 : vector<1x256x64xf32> to vector<256x64xf32>
    %get3A_220 = arith.constant 0 : index
    %get3A_221 = arith.constant 5 : index
    %get3A_222 = arith.constant 0 : index
    %get3A_223 = vector.load %arg2[%get3A_220, %get3A_221, %get3A_222] : memref<256x20x64xf32, #tpu.memory_space<vmem>>, vector<256x1x64xf32>
    %get3A_224 = vector.shape_cast %get3A_223 : vector<256x1x64xf32> to vector<256x64xf32>
    %dot_general3A_225 = arith.constant dense<0.000000e+00> : vector<256x64xf32>
    %dot_general3A_226 = tpu.matmul %get3A_224, %get3A_1, %dot_general3A_225 {dimension_numbers = #tpu.dot_dimension_numbers<[1], [0], [0], [1], [0, 0, 1, 1], [], []>, transpose_lhs_hint = false} : vector<256x64xf32>, vector<64x64xf32>, vector<256x64xf32> -> vector<256x64xf32>
    %dot_general3A_227 = arith.constant dense<0.000000e+00> : vector<256x128xf32>
    %dot_general3A_228 = tpu.matmul %get3A_219, %get3A_4, %dot_general3A_227 {dimension_numbers = #tpu.dot_dimension_numbers<[1], [0], [0], [1], [0, 0, 1, 1], [], []>, transpose_lhs_hint = false} : vector<256x64xf32>, vector<64x128xf32>, vector<256x128xf32> -> vector<256x128xf32>
    %dot_general3A_229 = arith.constant dense<0.000000e+00> : vector<256x128xf32>
    %dot_general3A_230 = tpu.matmul %dot_general3A_226, %get3A_7, %dot_general3A_229 {dimension_numbers = #tpu.dot_dimension_numbers<[1], [0], [0], [1], [0, 0, 1, 1], [], []>, transpose_lhs_hint = false} : vector<256x64xf32>, vector<64x128xf32>, vector<256x128xf32> -> vector<256x128xf32>
    %add3A_231 = arith.addf %dot_general3A_228, %dot_general3A_230 : vector<256x128xf32>
    %add3A_232 = vector.broadcast %get3A_10 : vector<1x128xf32> to vector<256x128xf32>
    %add3A_233 = arith.addf %add3A_231, %add3A_232 : vector<256x128xf32>
    %max3A_234 = arith.constant 0.000000e+00 : f32
    %max3A_235 = vector.broadcast %max3A_234 : f32 to vector<256x128xf32>
    %max3A_236 = arith.maximumf %add3A_233, %max3A_235 : vector<256x128xf32>
    %dot_general3A_237 = arith.constant dense<0.000000e+00> : vector<256x64xf32>
    %dot_general3A_238 = tpu.matmul %max3A_236, %get3A_13, %dot_general3A_237 {dimension_numbers = #tpu.dot_dimension_numbers<[1], [0], [0], [1], [0, 0, 1, 1], [], []>, transpose_lhs_hint = false} : vector<256x128xf32>, vector<128x64xf32>, vector<256x64xf32> -> vector<256x64xf32>
    %add3A_239 = vector.broadcast %get3A_16 : vector<1x64xf32> to vector<256x64xf32>
    %add3A_240 = arith.addf %dot_general3A_238, %add3A_239 : vector<256x64xf32>
    %max3A_241 = arith.constant 0.000000e+00 : f32
    %max3A_242 = vector.broadcast %max3A_241 : f32 to vector<256x64xf32>
    %max3A_243 = arith.maximumf %add3A_240, %max3A_242 : vector<256x64xf32>
    %mul3A_244 = vector.broadcast %get3A_214 : vector<256x1xf32> to vector<256x64xf32>
    %mul3A_245 = arith.mulf %max3A_243, %mul3A_244 : vector<256x64xf32>
    %swap3A_246 = arith.constant 5 : index
    %swap3A_247 = arith.constant 0 : index
    %swap3A_248 = arith.constant 0 : index
    %swap3A_249 = vector.load %arg20[%swap3A_246, %swap3A_247, %swap3A_248] : memref<20x256x64xf32, #tpu.memory_space<vmem>>, vector<1x256x64xf32>
    %swap3A_250 = vector.shape_cast %swap3A_249 : vector<1x256x64xf32> to vector<256x64xf32>
    %swap3A_251 = vector.shape_cast %mul3A_245 : vector<256x64xf32> to vector<1x256x64xf32>
    tpu.vector_store %arg20[%swap3A_246, %swap3A_247, %swap3A_248], %swap3A_251 {strides = array<i32>} : memref<20x256x64xf32, #tpu.memory_space<vmem>>, vector<1x256x64xf32>,
    %get3A_252 = arith.constant 0 : index
    %get3A_253 = arith.constant 6 : index
    %get3A_254 = vector.load %arg3[%get3A_252, %get3A_253] : memref<256x20xf32, #tpu.memory_space<vmem>>, vector<256x1xf32>
    %get3A_255 = arith.constant 6 : index
    %get3A_256 = arith.constant 0 : index
    %get3A_257 = arith.constant 0 : index
    %get3A_258 = vector.load %arg1[%get3A_255, %get3A_256, %get3A_257] : memref<20x256x64xf32, #tpu.memory_space<vmem>>, vector<1x256x64xf32>
    %get3A_259 = vector.shape_cast %get3A_258 : vector<1x256x64xf32> to vector<256x64xf32>
    %get3A_260 = arith.constant 0 : index
    %get3A_261 = arith.constant 6 : index
    %get3A_262 = arith.constant 0 : index
    %get3A_263 = vector.load %arg2[%get3A_260, %get3A_261, %get3A_262] : memref<256x20x64xf32, #tpu.memory_space<vmem>>, vector<256x1x64xf32>
    %get3A_264 = vector.shape_cast %get3A_263 : vector<256x1x64xf32> to vector<256x64xf32>
    %dot_general3A_265 = arith.constant dense<0.000000e+00> : vector<256x64xf32>
    %dot_general3A_266 = tpu.matmul %get3A_264, %get3A_1, %dot_general3A_265 {dimension_numbers = #tpu.dot_dimension_numbers<[1], [0], [0], [1], [0, 0, 1, 1], [], []>, transpose_lhs_hint = false} : vector<256x64xf32>, vector<64x64xf32>, vector<256x64xf32> -> vector<256x64xf32>
    %dot_general3A_267 = arith.constant dense<0.000000e+00> : vector<256x128xf32>
    %dot_general3A_268 = tpu.matmul %get3A_259, %get3A_4, %dot_general3A_267 {dimension_numbers = #tpu.dot_dimension_numbers<[1], [0], [0], [1], [0, 0, 1, 1], [], []>, transpose_lhs_hint = false} : vector<256x64xf32>, vector<64x128xf32>, vector<256x128xf32> -> vector<256x128xf32>
    %dot_general3A_269 = arith.constant dense<0.000000e+00> : vector<256x128xf32>
    %dot_general3A_270 = tpu.matmul %dot_general3A_266, %get3A_7, %dot_general3A_269 {dimension_numbers = #tpu.dot_dimension_numbers<[1], [0], [0], [1], [0, 0, 1, 1], [], []>, transpose_lhs_hint = false} : vector<256x64xf32>, vector<64x128xf32>, vector<256x128xf32> -> vector<256x128xf32>
    %add3A_271 = arith.addf %dot_general3A_268, %dot_general3A_270 : vector<256x128xf32>
    %add3A_272 = vector.broadcast %get3A_10 : vector<1x128xf32> to vector<256x128xf32>
    %add3A_273 = arith.addf %add3A_271, %add3A_272 : vector<256x128xf32>
    %max3A_274 = arith.constant 0.000000e+00 : f32
    %max3A_275 = vector.broadcast %max3A_274 : f32 to vector<256x128xf32>
    %max3A_276 = arith.maximumf %add3A_273, %max3A_275 : vector<256x128xf32>
    %dot_general3A_277 = arith.constant dense<0.000000e+00> : vector<256x64xf32>
    %dot_general3A_278 = tpu.matmul %max3A_276, %get3A_13, %dot_general3A_277 {dimension_numbers = #tpu.dot_dimension_numbers<[1], [0], [0], [1], [0, 0, 1, 1], [], []>, transpose_lhs_hint = false} : vector<256x128xf32>, vector<128x64xf32>, vector<256x64xf32> -> vector<256x64xf32>
    %add3A_279 = vector.broadcast %get3A_16 : vector<1x64xf32> to vector<256x64xf32>
    %add3A_280 = arith.addf %dot_general3A_278, %add3A_279 : vector<256x64xf32>
    %max3A_281 = arith.constant 0.000000e+00 : f32
    %max3A_282 = vector.broadcast %max3A_281 : f32 to vector<256x64xf32>
    %max3A_283 = arith.maximumf %add3A_280, %max3A_282 : vector<256x64xf32>
    %mul3A_284 = vector.broadcast %get3A_254 : vector<256x1xf32> to vector<256x64xf32>
    %mul3A_285 = arith.mulf %max3A_283, %mul3A_284 : vector<256x64xf32>
    %swap3A_286 = arith.constant 6 : index
    %swap3A_287 = arith.constant 0 : index
    %swap3A_288 = arith.constant 0 : index
    %swap3A_289 = vector.load %arg20[%swap3A_286, %swap3A_287, %swap3A_288] : memref<20x256x64xf32, #tpu.memory_space<vmem>>, vector<1x256x64xf32>
    %swap3A_290 = vector.shape_cast %swap3A_289 : vector<1x256x64xf32> to vector<256x64xf32>
    %swap3A_291 = vector.shape_cast %mul3A_285 : vector<256x64xf32> to vector<1x256x64xf32>
    tpu.vector_store %arg20[%swap3A_286, %swap3A_287, %swap3A_288], %swap3A_291 {strides = array<i32>} : memref<20x256x64xf32, #tpu.memory_space<vmem>>, vector<1x256x64xf32>,
    %get3A_292 = arith.constant 0 : index
    %get3A_293 = arith.constant 7 : index
    %get3A_294 = vector.load %arg3[%get3A_292, %get3A_293] : memref<256x20xf32, #tpu.memory_space<vmem>>, vector<256x1xf32>
    %get3A_295 = arith.constant 7 : index
    %get3A_296 = arith.constant 0 : index
    %get3A_297 = arith.constant 0 : index
    %get3A_298 = vector.load %arg1[%get3A_295, %get3A_296, %get3A_297] : memref<20x256x64xf32, #tpu.memory_space<vmem>>, vector<1x256x64xf32>
    %get3A_299 = vector.shape_cast %get3A_298 : vector<1x256x64xf32> to vector<256x64xf32>
    %get3A_300 = arith.constant 0 : index
    %get3A_301 = arith.constant 7 : index
    %get3A_302 = arith.constant 0 : index
    %get3A_303 = vector.load %arg2[%get3A_300, %get3A_301, %get3A_302] : memref<256x20x64xf32, #tpu.memory_space<vmem>>, vector<256x1x64xf32>
    %get3A_304 = vector.shape_cast %get3A_303 : vector<256x1x64xf32> to vector<256x64xf32>
    %dot_general3A_305 = arith.constant dense<0.000000e+00> : vector<256x64xf32>
    %dot_general3A_306 = tpu.matmul %get3A_304, %get3A_1, %dot_general3A_305 {dimension_numbers = #tpu.dot_dimension_numbers<[1], [0], [0], [1], [0, 0, 1, 1], [], []>, transpose_lhs_hint = false} : vector<256x64xf32>, vector<64x64xf32>, vector<256x64xf32> -> vector<256x64xf32>
    %dot_general3A_307 = arith.constant dense<0.000000e+00> : vector<256x128xf32>
    %dot_general3A_308 = tpu.matmul %get3A_299, %get3A_4, %dot_general3A_307 {dimension_numbers = #tpu.dot_dimension_numbers<[1], [0], [0], [1], [0, 0, 1, 1], [], []>, transpose_lhs_hint = false} : vector<256x64xf32>, vector<64x128xf32>, vector<256x128xf32> -> vector<256x128xf32>
    %dot_general3A_309 = arith.constant dense<0.000000e+00> : vector<256x128xf32>
    %dot_general3A_310 = tpu.matmul %dot_general3A_306, %get3A_7, %dot_general3A_309 {dimension_numbers = #tpu.dot_dimension_numbers<[1], [0], [0], [1], [0, 0, 1, 1], [], []>, transpose_lhs_hint = false} : vector<256x64xf32>, vector<64x128xf32>, vector<256x128xf32> -> vector<256x128xf32>
    %add3A_311 = arith.addf %dot_general3A_308, %dot_general3A_310 : vector<256x128xf32>
    %add3A_312 = vector.broadcast %get3A_10 : vector<1x128xf32> to vector<256x128xf32>
    %add3A_313 = arith.addf %add3A_311, %add3A_312 : vector<256x128xf32>
    %max3A_314 = arith.constant 0.000000e+00 : f32
    %max3A_315 = vector.broadcast %max3A_314 : f32 to vector<256x128xf32>
    %max3A_316 = arith.maximumf %add3A_313, %max3A_315 : vector<256x128xf32>
    %dot_general3A_317 = arith.constant dense<0.000000e+00> : vector<256x64xf32>
    %dot_general3A_318 = tpu.matmul %max3A_316, %get3A_13, %dot_general3A_317 {dimension_numbers = #tpu.dot_dimension_numbers<[1], [0], [0], [1], [0, 0, 1, 1], [], []>, transpose_lhs_hint = false} : vector<256x128xf32>, vector<128x64xf32>, vector<256x64xf32> -> vector<256x64xf32>
    %add3A_319 = vector.broadcast %get3A_16 : vector<1x64xf32> to vector<256x64xf32>
    %add3A_320 = arith.addf %dot_general3A_318, %add3A_319 : vector<256x64xf32>
    %max3A_321 = arith.constant 0.000000e+00 : f32
    %max3A_322 = vector.broadcast %max3A_321 : f32 to vector<256x64xf32>
    %max3A_323 = arith.maximumf %add3A_320, %max3A_322 : vector<256x64xf32>
    %mul3A_324 = vector.broadcast %get3A_294 : vector<256x1xf32> to vector<256x64xf32>
    %mul3A_325 = arith.mulf %max3A_323, %mul3A_324 : vector<256x64xf32>
    %swap3A_326 = arith.constant 7 : index
    %swap3A_327 = arith.constant 0 : index
    %swap3A_328 = arith.constant 0 : index
    %swap3A_329 = vector.load %arg20[%swap3A_326, %swap3A_327, %swap3A_328] : memref<20x256x64xf32, #tpu.memory_space<vmem>>, vector<1x256x64xf32>
    %swap3A_330 = vector.shape_cast %swap3A_329 : vector<1x256x64xf32> to vector<256x64xf32>
    %swap3A_331 = vector.shape_cast %mul3A_325 : vector<256x64xf32> to vector<1x256x64xf32>
    tpu.vector_store %arg20[%swap3A_326, %swap3A_327, %swap3A_328], %swap3A_331 {strides = array<i32>} : memref<20x256x64xf32, #tpu.memory_space<vmem>>, vector<1x256x64xf32>,
    %get3A_332 = arith.constant 0 : index
    %get3A_333 = arith.constant 8 : index
    %get3A_334 = vector.load %arg3[%get3A_332, %get3A_333] : memref<256x20xf32, #tpu.memory_space<vmem>>, vector<256x1xf32>
    %get3A_335 = arith.constant 8 : index
    %get3A_336 = arith.constant 0 : index
    %get3A_337 = arith.constant 0 : index
    %get3A_338 = vector.load %arg1[%get3A_335, %get3A_336, %get3A_337] : memref<20x256x64xf32, #tpu.memory_space<vmem>>, vector<1x256x64xf32>
    %get3A_339 = vector.shape_cast %get3A_338 : vector<1x256x64xf32> to vector<256x64xf32>
    %get3A_340 = arith.constant 0 : index
    %get3A_341 = arith.constant 8 : index
    %get3A_342 = arith.constant 0 : index
    %get3A_343 = vector.load %arg2[%get3A_340, %get3A_341, %get3A_342] : memref<256x20x64xf32, #tpu.memory_space<vmem>>, vector<256x1x64xf32>
    %get3A_344 = vector.shape_cast %get3A_343 : vector<256x1x64xf32> to vector<256x64xf32>
    %dot_general3A_345 = arith.constant dense<0.000000e+00> : vector<256x64xf32>
    %dot_general3A_346 = tpu.matmul %get3A_344, %get3A_1, %dot_general3A_345 {dimension_numbers = #tpu.dot_dimension_numbers<[1], [0], [0], [1], [0, 0, 1, 1], [], []>, transpose_lhs_hint = false} : vector<256x64xf32>, vector<64x64xf32>, vector<256x64xf32> -> vector<256x64xf32>
    %dot_general3A_347 = arith.constant dense<0.000000e+00> : vector<256x128xf32>
    %dot_general3A_348 = tpu.matmul %get3A_339, %get3A_4, %dot_general3A_347 {dimension_numbers = #tpu.dot_dimension_numbers<[1], [0], [0], [1], [0, 0, 1, 1], [], []>, transpose_lhs_hint = false} : vector<256x64xf32>, vector<64x128xf32>, vector<256x128xf32> -> vector<256x128xf32>
    %dot_general3A_349 = arith.constant dense<0.000000e+00> : vector<256x128xf32>
    %dot_general3A_350 = tpu.matmul %dot_general3A_346, %get3A_7, %dot_general3A_349 {dimension_numbers = #tpu.dot_dimension_numbers<[1], [0], [0], [1], [0, 0, 1, 1], [], []>, transpose_lhs_hint = false} : vector<256x64xf32>, vector<64x128xf32>, vector<256x128xf32> -> vector<256x128xf32>
    %add3A_351 = arith.addf %dot_general3A_348, %dot_general3A_350 : vector<256x128xf32>
    %add3A_352 = vector.broadcast %get3A_10 : vector<1x128xf32> to vector<256x128xf32>
    %add3A_353 = arith.addf %add3A_351, %add3A_352 : vector<256x128xf32>
    %max3A_354 = arith.constant 0.000000e+00 : f32
    %max3A_355 = vector.broadcast %max3A_354 : f32 to vector<256x128xf32>
    %max3A_356 = arith.maximumf %add3A_353, %max3A_355 : vector<256x128xf32>
    %dot_general3A_357 = arith.constant dense<0.000000e+00> : vector<256x64xf32>
    %dot_general3A_358 = tpu.matmul %max3A_356, %get3A_13, %dot_general3A_357 {dimension_numbers = #tpu.dot_dimension_numbers<[1], [0], [0], [1], [0, 0, 1, 1], [], []>, transpose_lhs_hint = false} : vector<256x128xf32>, vector<128x64xf32>, vector<256x64xf32> -> vector<256x64xf32>
    %add3A_359 = vector.broadcast %get3A_16 : vector<1x64xf32> to vector<256x64xf32>
    %add3A_360 = arith.addf %dot_general3A_358, %add3A_359 : vector<256x64xf32>
    %max3A_361 = arith.constant 0.000000e+00 : f32
    %max3A_362 = vector.broadcast %max3A_361 : f32 to vector<256x64xf32>
    %max3A_363 = arith.maximumf %add3A_360, %max3A_362 : vector<256x64xf32>
    %mul3A_364 = vector.broadcast %get3A_334 : vector<256x1xf32> to vector<256x64xf32>
    %mul3A_365 = arith.mulf %max3A_363, %mul3A_364 : vector<256x64xf32>
    %swap3A_366 = arith.constant 8 : index
    %swap3A_367 = arith.constant 0 : index
    %swap3A_368 = arith.constant 0 : index
    %swap3A_369 = vector.load %arg20[%swap3A_366, %swap3A_367, %swap3A_368] : memref<20x256x64xf32, #tpu.memory_space<vmem>>, vector<1x256x64xf32>
    %swap3A_370 = vector.shape_cast %swap3A_369 : vector<1x256x64xf32> to vector<256x64xf32>
    %swap3A_371 = vector.shape_cast %mul3A_365 : vector<256x64xf32> to vector<1x256x64xf32>
    tpu.vector_store %arg20[%swap3A_366, %swap3A_367, %swap3A_368], %swap3A_371 {strides = array<i32>} : memref<20x256x64xf32, #tpu.memory_space<vmem>>, vector<1x256x64xf32>,
    %get3A_372 = arith.constant 0 : index
    %get3A_373 = arith.constant 9 : index
    %get3A_374 = vector.load %arg3[%get3A_372, %get3A_373] : memref<256x20xf32, #tpu.memory_space<vmem>>, vector<256x1xf32>
    %get3A_375 = arith.constant 9 : index
    %get3A_376 = arith.constant 0 : index
    %get3A_377 = arith.constant 0 : index
    %get3A_378 = vector.load %arg1[%get3A_375, %get3A_376, %get3A_377] : memref<20x256x64xf32, #tpu.memory_space<vmem>>, vector<1x256x64xf32>
    %get3A_379 = vector.shape_cast %get3A_378 : vector<1x256x64xf32> to vector<256x64xf32>
    %get3A_380 = arith.constant 0 : index
    %get3A_381 = arith.constant 9 : index
    %get3A_382 = arith.constant 0 : index
    %get3A_383 = vector.load %arg2[%get3A_380, %get3A_381, %get3A_382] : memref<256x20x64xf32, #tpu.memory_space<vmem>>, vector<256x1x64xf32>
    %get3A_384 = vector.shape_cast %get3A_383 : vector<256x1x64xf32> to vector<256x64xf32>
    %dot_general3A_385 = arith.constant dense<0.000000e+00> : vector<256x64xf32>
    %dot_general3A_386 = tpu.matmul %get3A_384, %get3A_1, %dot_general3A_385 {dimension_numbers = #tpu.dot_dimension_numbers<[1], [0], [0], [1], [0, 0, 1, 1], [], []>, transpose_lhs_hint = false} : vector<256x64xf32>, vector<64x64xf32>, vector<256x64xf32> -> vector<256x64xf32>
    %dot_general3A_387 = arith.constant dense<0.000000e+00> : vector<256x128xf32>
    %dot_general3A_388 = tpu.matmul %get3A_379, %get3A_4, %dot_general3A_387 {dimension_numbers = #tpu.dot_dimension_numbers<[1], [0], [0], [1], [0, 0, 1, 1], [], []>, transpose_lhs_hint = false} : vector<256x64xf32>, vector<64x128xf32>, vector<256x128xf32> -> vector<256x128xf32>
    %dot_general3A_389 = arith.constant dense<0.000000e+00> : vector<256x128xf32>
    %dot_general3A_390 = tpu.matmul %dot_general3A_386, %get3A_7, %dot_general3A_389 {dimension_numbers = #tpu.dot_dimension_numbers<[1], [0], [0], [1], [0, 0, 1, 1], [], []>, transpose_lhs_hint = false} : vector<256x64xf32>, vector<64x128xf32>, vector<256x128xf32> -> vector<256x128xf32>
    %add3A_391 = arith.addf %dot_general3A_388, %dot_general3A_390 : vector<256x128xf32>
    %add3A_392 = vector.broadcast %get3A_10 : vector<1x128xf32> to vector<256x128xf32>
    %add3A_393 = arith.addf %add3A_391, %add3A_392 : vector<256x128xf32>
    %max3A_394 = arith.constant 0.000000e+00 : f32
    %max3A_395 = vector.broadcast %max3A_394 : f32 to vector<256x128xf32>
    %max3A_396 = arith.maximumf %add3A_393, %max3A_395 : vector<256x128xf32>
    %dot_general3A_397 = arith.constant dense<0.000000e+00> : vector<256x64xf32>
    %dot_general3A_398 = tpu.matmul %max3A_396, %get3A_13, %dot_general3A_397 {dimension_numbers = #tpu.dot_dimension_numbers<[1], [0], [0], [1], [0, 0, 1, 1], [], []>, transpose_lhs_hint = false} : vector<256x128xf32>, vector<128x64xf32>, vector<256x64xf32> -> vector<256x64xf32>
    %add3A_399 = vector.broadcast %get3A_16 : vector<1x64xf32> to vector<256x64xf32>
    %add3A_400 = arith.addf %dot_general3A_398, %add3A_399 : vector<256x64xf32>
    %max3A_401 = arith.constant 0.000000e+00 : f32
    %max3A_402 = vector.broadcast %max3A_401 : f32 to vector<256x64xf32>
    %max3A_403 = arith.maximumf %add3A_400, %max3A_402 : vector<256x64xf32>
    %mul3A_404 = vector.broadcast %get3A_374 : vector<256x1xf32> to vector<256x64xf32>
    %mul3A_405 = arith.mulf %max3A_403, %mul3A_404 : vector<256x64xf32>
    %swap3A_406 = arith.constant 9 : index
    %swap3A_407 = arith.constant 0 : index
    %swap3A_408 = arith.constant 0 : index
    %swap3A_409 = vector.load %arg20[%swap3A_406, %swap3A_407, %swap3A_408] : memref<20x256x64xf32, #tpu.memory_space<vmem>>, vector<1x256x64xf32>
    %swap3A_410 = vector.shape_cast %swap3A_409 : vector<1x256x64xf32> to vector<256x64xf32>
    %swap3A_411 = vector.shape_cast %mul3A_405 : vector<256x64xf32> to vector<1x256x64xf32>
    tpu.vector_store %arg20[%swap3A_406, %swap3A_407, %swap3A_408], %swap3A_411 {strides = array<i32>} : memref<20x256x64xf32, #tpu.memory_space<vmem>>, vector<1x256x64xf32>,
    %get3A_412 = arith.constant 0 : index
    %get3A_413 = arith.constant 10 : index
    %get3A_414 = vector.load %arg3[%get3A_412, %get3A_413] : memref<256x20xf32, #tpu.memory_space<vmem>>, vector<256x1xf32>
    %get3A_415 = arith.constant 10 : index
    %get3A_416 = arith.constant 0 : index
    %get3A_417 = arith.constant 0 : index
    %get3A_418 = vector.load %arg1[%get3A_415, %get3A_416, %get3A_417] : memref<20x256x64xf32, #tpu.memory_space<vmem>>, vector<1x256x64xf32>
    %get3A_419 = vector.shape_cast %get3A_418 : vector<1x256x64xf32> to vector<256x64xf32>
    %get3A_420 = arith.constant 0 : index
    %get3A_421 = arith.constant 10 : index
    %get3A_422 = arith.constant 0 : index
    %get3A_423 = vector.load %arg2[%get3A_420, %get3A_421, %get3A_422] : memref<256x20x64xf32, #tpu.memory_space<vmem>>, vector<256x1x64xf32>
    %get3A_424 = vector.shape_cast %get3A_423 : vector<256x1x64xf32> to vector<256x64xf32>
    %dot_general3A_425 = arith.constant dense<0.000000e+00> : vector<256x64xf32>
    %dot_general3A_426 = tpu.matmul %get3A_424, %get3A_1, %dot_general3A_425 {dimension_numbers = #tpu.dot_dimension_numbers<[1], [0], [0], [1], [0, 0, 1, 1], [], []>, transpose_lhs_hint = false} : vector<256x64xf32>, vector<64x64xf32>, vector<256x64xf32> -> vector<256x64xf32>
    %dot_general3A_427 = arith.constant dense<0.000000e+00> : vector<256x128xf32>
    %dot_general3A_428 = tpu.matmul %get3A_419, %get3A_4, %dot_general3A_427 {dimension_numbers = #tpu.dot_dimension_numbers<[1], [0], [0], [1], [0, 0, 1, 1], [], []>, transpose_lhs_hint = false} : vector<256x64xf32>, vector<64x128xf32>, vector<256x128xf32> -> vector<256x128xf32>
    %dot_general3A_429 = arith.constant dense<0.000000e+00> : vector<256x128xf32>
    %dot_general3A_430 = tpu.matmul %dot_general3A_426, %get3A_7, %dot_general3A_429 {dimension_numbers = #tpu.dot_dimension_numbers<[1], [0], [0], [1], [0, 0, 1, 1], [], []>, transpose_lhs_hint = false} : vector<256x64xf32>, vector<64x128xf32>, vector<256x128xf32> -> vector<256x128xf32>
    %add3A_431 = arith.addf %dot_general3A_428, %dot_general3A_430 : vector<256x128xf32>
    %add3A_432 = vector.broadcast %get3A_10 : vector<1x128xf32> to vector<256x128xf32>
    %add3A_433 = arith.addf %add3A_431, %add3A_432 : vector<256x128xf32>
    %max3A_434 = arith.constant 0.000000e+00 : f32
    %max3A_435 = vector.broadcast %max3A_434 : f32 to vector<256x128xf32>
    %max3A_436 = arith.maximumf %add3A_433, %max3A_435 : vector<256x128xf32>
    %dot_general3A_437 = arith.constant dense<0.000000e+00> : vector<256x64xf32>
    %dot_general3A_438 = tpu.matmul %max3A_436, %get3A_13, %dot_general3A_437 {dimension_numbers = #tpu.dot_dimension_numbers<[1], [0], [0], [1], [0, 0, 1, 1], [], []>, transpose_lhs_hint = false} : vector<256x128xf32>, vector<128x64xf32>, vector<256x64xf32> -> vector<256x64xf32>
    %add3A_439 = vector.broadcast %get3A_16 : vector<1x64xf32> to vector<256x64xf32>
    %add3A_440 = arith.addf %dot_general3A_438, %add3A_439 : vector<256x64xf32>
    %max3A_441 = arith.constant 0.000000e+00 : f32
    %max3A_442 = vector.broadcast %max3A_441 : f32 to vector<256x64xf32>
    %max3A_443 = arith.maximumf %add3A_440, %max3A_442 : vector<256x64xf32>
    %mul3A_444 = vector.broadcast %get3A_414 : vector<256x1xf32> to vector<256x64xf32>
    %mul3A_445 = arith.mulf %max3A_443, %mul3A_444 : vector<256x64xf32>
    %swap3A_446 = arith.constant 10 : index
    %swap3A_447 = arith.constant 0 : index
    %swap3A_448 = arith.constant 0 : index
    %swap3A_449 = vector.load %arg20[%swap3A_446, %swap3A_447, %swap3A_448] : memref<20x256x64xf32, #tpu.memory_space<vmem>>, vector<1x256x64xf32>
    %swap3A_450 = vector.shape_cast %swap3A_449 : vector<1x256x64xf32> to vector<256x64xf32>
    %swap3A_451 = vector.shape_cast %mul3A_445 : vector<256x64xf32> to vector<1x256x64xf32>
    tpu.vector_store %arg20[%swap3A_446, %swap3A_447, %swap3A_448], %swap3A_451 {strides = array<i32>} : memref<20x256x64xf32, #tpu.memory_space<vmem>>, vector<1x256x64xf32>,
    %get3A_452 = arith.constant 0 : index
    %get3A_453 = arith.constant 11 : index
    %get3A_454 = vector.load %arg3[%get3A_452, %get3A_453] : memref<256x20xf32, #tpu.memory_space<vmem>>, vector<256x1xf32>
    %get3A_455 = arith.constant 11 : index
    %get3A_456 = arith.constant 0 : index
    %get3A_457 = arith.constant 0 : index
    %get3A_458 = vector.load %arg1[%get3A_455, %get3A_456, %get3A_457] : memref<20x256x64xf32, #tpu.memory_space<vmem>>, vector<1x256x64xf32>
    %get3A_459 = vector.shape_cast %get3A_458 : vector<1x256x64xf32> to vector<256x64xf32>
    %get3A_460 = arith.constant 0 : index
    %get3A_461 = arith.constant 11 : index
    %get3A_462 = arith.constant 0 : index
    %get3A_463 = vector.load %arg2[%get3A_460, %get3A_461, %get3A_462] : memref<256x20x64xf32, #tpu.memory_space<vmem>>, vector<256x1x64xf32>
    %get3A_464 = vector.shape_cast %get3A_463 : vector<256x1x64xf32> to vector<256x64xf32>
    %dot_general3A_465 = arith.constant dense<0.000000e+00> : vector<256x64xf32>
    %dot_general3A_466 = tpu.matmul %get3A_464, %get3A_1, %dot_general3A_465 {dimension_numbers = #tpu.dot_dimension_numbers<[1], [0], [0], [1], [0, 0, 1, 1], [], []>, transpose_lhs_hint = false} : vector<256x64xf32>, vector<64x64xf32>, vector<256x64xf32> -> vector<256x64xf32>
    %dot_general3A_467 = arith.constant dense<0.000000e+00> : vector<256x128xf32>
    %dot_general3A_468 = tpu.matmul %get3A_459, %get3A_4, %dot_general3A_467 {dimension_numbers = #tpu.dot_dimension_numbers<[1], [0], [0], [1], [0, 0, 1, 1], [], []>, transpose_lhs_hint = false} : vector<256x64xf32>, vector<64x128xf32>, vector<256x128xf32> -> vector<256x128xf32>
    %dot_general3A_469 = arith.constant dense<0.000000e+00> : vector<256x128xf32>
    %dot_general3A_470 = tpu.matmul %dot_general3A_466, %get3A_7, %dot_general3A_469 {dimension_numbers = #tpu.dot_dimension_numbers<[1], [0], [0], [1], [0, 0, 1, 1], [], []>, transpose_lhs_hint = false} : vector<256x64xf32>, vector<64x128xf32>, vector<256x128xf32> -> vector<256x128xf32>
    %add3A_471 = arith.addf %dot_general3A_468, %dot_general3A_470 : vector<256x128xf32>
    %add3A_472 = vector.broadcast %get3A_10 : vector<1x128xf32> to vector<256x128xf32>
    %add3A_473 = arith.addf %add3A_471, %add3A_472 : vector<256x128xf32>
    %max3A_474 = arith.constant 0.000000e+00 : f32
    %max3A_475 = vector.broadcast %max3A_474 : f32 to vector<256x128xf32>
    %max3A_476 = arith.maximumf %add3A_473, %max3A_475 : vector<256x128xf32>
    %dot_general3A_477 = arith.constant dense<0.000000e+00> : vector<256x64xf32>
    %dot_general3A_478 = tpu.matmul %max3A_476, %get3A_13, %dot_general3A_477 {dimension_numbers = #tpu.dot_dimension_numbers<[1], [0], [0], [1], [0, 0, 1, 1], [], []>, transpose_lhs_hint = false} : vector<256x128xf32>, vector<128x64xf32>, vector<256x64xf32> -> vector<256x64xf32>
    %add3A_479 = vector.broadcast %get3A_16 : vector<1x64xf32> to vector<256x64xf32>
    %add3A_480 = arith.addf %dot_general3A_478, %add3A_479 : vector<256x64xf32>
    %max3A_481 = arith.constant 0.000000e+00 : f32
    %max3A_482 = vector.broadcast %max3A_481 : f32 to vector<256x64xf32>
    %max3A_483 = arith.maximumf %add3A_480, %max3A_482 : vector<256x64xf32>
    %mul3A_484 = vector.broadcast %get3A_454 : vector<256x1xf32> to vector<256x64xf32>
    %mul3A_485 = arith.mulf %max3A_483, %mul3A_484 : vector<256x64xf32>
    %swap3A_486 = arith.constant 11 : index
    %swap3A_487 = arith.constant 0 : index
    %swap3A_488 = arith.constant 0 : index
    %swap3A_489 = vector.load %arg20[%swap3A_486, %swap3A_487, %swap3A_488] : memref<20x256x64xf32, #tpu.memory_space<vmem>>, vector<1x256x64xf32>
    %swap3A_490 = vector.shape_cast %swap3A_489 : vector<1x256x64xf32> to vector<256x64xf32>
    %swap3A_491 = vector.shape_cast %mul3A_485 : vector<256x64xf32> to vector<1x256x64xf32>
    tpu.vector_store %arg20[%swap3A_486, %swap3A_487, %swap3A_488], %swap3A_491 {strides = array<i32>} : memref<20x256x64xf32, #tpu.memory_space<vmem>>, vector<1x256x64xf32>,
    %get3A_492 = arith.constant 0 : index
    %get3A_493 = arith.constant 12 : index
    %get3A_494 = vector.load %arg3[%get3A_492, %get3A_493] : memref<256x20xf32, #tpu.memory_space<vmem>>, vector<256x1xf32>
    %get3A_495 = arith.constant 12 : index
    %get3A_496 = arith.constant 0 : index
    %get3A_497 = arith.constant 0 : index
    %get3A_498 = vector.load %arg1[%get3A_495, %get3A_496, %get3A_497] : memref<20x256x64xf32, #tpu.memory_space<vmem>>, vector<1x256x64xf32>
    %get3A_499 = vector.shape_cast %get3A_498 : vector<1x256x64xf32> to vector<256x64xf32>
    %get3A_500 = arith.constant 0 : index
    %get3A_501 = arith.constant 12 : index
    %get3A_502 = arith.constant 0 : index
    %get3A_503 = vector.load %arg2[%get3A_500, %get3A_501, %get3A_502] : memref<256x20x64xf32, #tpu.memory_space<vmem>>, vector<256x1x64xf32>
    %get3A_504 = vector.shape_cast %get3A_503 : vector<256x1x64xf32> to vector<256x64xf32>
    %dot_general3A_505 = arith.constant dense<0.000000e+00> : vector<256x64xf32>
    %dot_general3A_506 = tpu.matmul %get3A_504, %get3A_1, %dot_general3A_505 {dimension_numbers = #tpu.dot_dimension_numbers<[1], [0], [0], [1], [0, 0, 1, 1], [], []>, transpose_lhs_hint = false} : vector<256x64xf32>, vector<64x64xf32>, vector<256x64xf32> -> vector<256x64xf32>
    %dot_general3A_507 = arith.constant dense<0.000000e+00> : vector<256x128xf32>
    %dot_general3A_508 = tpu.matmul %get3A_499, %get3A_4, %dot_general3A_507 {dimension_numbers = #tpu.dot_dimension_numbers<[1], [0], [0], [1], [0, 0, 1, 1], [], []>, transpose_lhs_hint = false} : vector<256x64xf32>, vector<64x128xf32>, vector<256x128xf32> -> vector<256x128xf32>
    %dot_general3A_509 = arith.constant dense<0.000000e+00> : vector<256x128xf32>
    %dot_general3A_510 = tpu.matmul %dot_general3A_506, %get3A_7, %dot_general3A_509 {dimension_numbers = #tpu.dot_dimension_numbers<[1], [0], [0], [1], [0, 0, 1, 1], [], []>, transpose_lhs_hint = false} : vector<256x64xf32>, vector<64x128xf32>, vector<256x128xf32> -> vector<256x128xf32>
    %add3A_511 = arith.addf %dot_general3A_508, %dot_general3A_510 : vector<256x128xf32>
    %add3A_512 = vector.broadcast %get3A_10 : vector<1x128xf32> to vector<256x128xf32>
    %add3A_513 = arith.addf %add3A_511, %add3A_512 : vector<256x128xf32>
    %max3A_514 = arith.constant 0.000000e+00 : f32
    %max3A_515 = vector.broadcast %max3A_514 : f32 to vector<256x128xf32>
    %max3A_516 = arith.maximumf %add3A_513, %max3A_515 : vector<256x128xf32>
    %dot_general3A_517 = arith.constant dense<0.000000e+00> : vector<256x64xf32>
    %dot_general3A_518 = tpu.matmul %max3A_516, %get3A_13, %dot_general3A_517 {dimension_numbers = #tpu.dot_dimension_numbers<[1], [0], [0], [1], [0, 0, 1, 1], [], []>, transpose_lhs_hint = false} : vector<256x128xf32>, vector<128x64xf32>, vector<256x64xf32> -> vector<256x64xf32>
    %add3A_519 = vector.broadcast %get3A_16 : vector<1x64xf32> to vector<256x64xf32>
    %add3A_520 = arith.addf %dot_general3A_518, %add3A_519 : vector<256x64xf32>
    %max3A_521 = arith.constant 0.000000e+00 : f32
    %max3A_522 = vector.broadcast %max3A_521 : f32 to vector<256x64xf32>
    %max3A_523 = arith.maximumf %add3A_520, %max3A_522 : vector<256x64xf32>
    %mul3A_524 = vector.broadcast %get3A_494 : vector<256x1xf32> to vector<256x64xf32>
    %mul3A_525 = arith.mulf %max3A_523, %mul3A_524 : vector<256x64xf32>
    %swap3A_526 = arith.constant 12 : index
    %swap3A_527 = arith.constant 0 : index
    %swap3A_528 = arith.constant 0 : index
    %swap3A_529 = vector.load %arg20[%swap3A_526, %swap3A_527, %swap3A_528] : memref<20x256x64xf32, #tpu.memory_space<vmem>>, vector<1x256x64xf32>
    %swap3A_530 = vector.shape_cast %swap3A_529 : vector<1x256x64xf32> to vector<256x64xf32>
    %swap3A_531 = vector.shape_cast %mul3A_525 : vector<256x64xf32> to vector<1x256x64xf32>
    tpu.vector_store %arg20[%swap3A_526, %swap3A_527, %swap3A_528], %swap3A_531 {strides = array<i32>} : memref<20x256x64xf32, #tpu.memory_space<vmem>>, vector<1x256x64xf32>,
    %get3A_532 = arith.constant 0 : index
    %get3A_533 = arith.constant 13 : index
    %get3A_534 = vector.load %arg3[%get3A_532, %get3A_533] : memref<256x20xf32, #tpu.memory_space<vmem>>, vector<256x1xf32>
    %get3A_535 = arith.constant 13 : index
    %get3A_536 = arith.constant 0 : index
    %get3A_537 = arith.constant 0 : index
    %get3A_538 = vector.load %arg1[%get3A_535, %get3A_536, %get3A_537] : memref<20x256x64xf32, #tpu.memory_space<vmem>>, vector<1x256x64xf32>
    %get3A_539 = vector.shape_cast %get3A_538 : vector<1x256x64xf32> to vector<256x64xf32>
    %get3A_540 = arith.constant 0 : index
    %get3A_541 = arith.constant 13 : index
    %get3A_542 = arith.constant 0 : index
    %get3A_543 = vector.load %arg2[%get3A_540, %get3A_541, %get3A_542] : memref<256x20x64xf32, #tpu.memory_space<vmem>>, vector<256x1x64xf32>
    %get3A_544 = vector.shape_cast %get3A_543 : vector<256x1x64xf32> to vector<256x64xf32>
    %dot_general3A_545 = arith.constant dense<0.000000e+00> : vector<256x64xf32>
    %dot_general3A_546 = tpu.matmul %get3A_544, %get3A_1, %dot_general3A_545 {dimension_numbers = #tpu.dot_dimension_numbers<[1], [0], [0], [1], [0, 0, 1, 1], [], []>, transpose_lhs_hint = false} : vector<256x64xf32>, vector<64x64xf32>, vector<256x64xf32> -> vector<256x64xf32>
    %dot_general3A_547 = arith.constant dense<0.000000e+00> : vector<256x128xf32>
    %dot_general3A_548 = tpu.matmul %get3A_539, %get3A_4, %dot_general3A_547 {dimension_numbers = #tpu.dot_dimension_numbers<[1], [0], [0], [1], [0, 0, 1, 1], [], []>, transpose_lhs_hint = false} : vector<256x64xf32>, vector<64x128xf32>, vector<256x128xf32> -> vector<256x128xf32>
    %dot_general3A_549 = arith.constant dense<0.000000e+00> : vector<256x128xf32>
    %dot_general3A_550 = tpu.matmul %dot_general3A_546, %get3A_7, %dot_general3A_549 {dimension_numbers = #tpu.dot_dimension_numbers<[1], [0], [0], [1], [0, 0, 1, 1], [], []>, transpose_lhs_hint = false} : vector<256x64xf32>, vector<64x128xf32>, vector<256x128xf32> -> vector<256x128xf32>
    %add3A_551 = arith.addf %dot_general3A_548, %dot_general3A_550 : vector<256x128xf32>
    %add3A_552 = vector.broadcast %get3A_10 : vector<1x128xf32> to vector<256x128xf32>
    %add3A_553 = arith.addf %add3A_551, %add3A_552 : vector<256x128xf32>
    %max3A_554 = arith.constant 0.000000e+00 : f32
    %max3A_555 = vector.broadcast %max3A_554 : f32 to vector<256x128xf32>
    %max3A_556 = arith.maximumf %add3A_553, %max3A_555 : vector<256x128xf32>
    %dot_general3A_557 = arith.constant dense<0.000000e+00> : vector<256x64xf32>
    %dot_general3A_558 = tpu.matmul %max3A_556, %get3A_13, %dot_general3A_557 {dimension_numbers = #tpu.dot_dimension_numbers<[1], [0], [0], [1], [0, 0, 1, 1], [], []>, transpose_lhs_hint = false} : vector<256x128xf32>, vector<128x64xf32>, vector<256x64xf32> -> vector<256x64xf32>
    %add3A_559 = vector.broadcast %get3A_16 : vector<1x64xf32> to vector<256x64xf32>
    %add3A_560 = arith.addf %dot_general3A_558, %add3A_559 : vector<256x64xf32>
    %max3A_561 = arith.constant 0.000000e+00 : f32
    %max3A_562 = vector.broadcast %max3A_561 : f32 to vector<256x64xf32>
    %max3A_563 = arith.maximumf %add3A_560, %max3A_562 : vector<256x64xf32>
    %mul3A_564 = vector.broadcast %get3A_534 : vector<256x1xf32> to vector<256x64xf32>
    %mul3A_565 = arith.mulf %max3A_563, %mul3A_564 : vector<256x64xf32>
    %swap3A_566 = arith.constant 13 : index
    %swap3A_567 = arith.constant 0 : index
    %swap3A_568 = arith.constant 0 : index
    %swap3A_569 = vector.load %arg20[%swap3A_566, %swap3A_567, %swap3A_568] : memref<20x256x64xf32, #tpu.memory_space<vmem>>, vector<1x256x64xf32>
    %swap3A_570 = vector.shape_cast %swap3A_569 : vector<1x256x64xf32> to vector<256x64xf32>
    %swap3A_571 = vector.shape_cast %mul3A_565 : vector<256x64xf32> to vector<1x256x64xf32>
    tpu.vector_store %arg20[%swap3A_566, %swap3A_567, %swap3A_568], %swap3A_571 {strides = array<i32>} : memref<20x256x64xf32, #tpu.memory_space<vmem>>, vector<1x256x64xf32>,
    %get3A_572 = arith.constant 0 : index
    %get3A_573 = arith.constant 14 : index
    %get3A_574 = vector.load %arg3[%get3A_572, %get3A_573] : memref<256x20xf32, #tpu.memory_space<vmem>>, vector<256x1xf32>
    %get3A_575 = arith.constant 14 : index
    %get3A_576 = arith.constant 0 : index
    %get3A_577 = arith.constant 0 : index
    %get3A_578 = vector.load %arg1[%get3A_575, %get3A_576, %get3A_577] : memref<20x256x64xf32, #tpu.memory_space<vmem>>, vector<1x256x64xf32>
    %get3A_579 = vector.shape_cast %get3A_578 : vector<1x256x64xf32> to vector<256x64xf32>
    %get3A_580 = arith.constant 0 : index
    %get3A_581 = arith.constant 14 : index
    %get3A_582 = arith.constant 0 : index
    %get3A_583 = vector.load %arg2[%get3A_580, %get3A_581, %get3A_582] : memref<256x20x64xf32, #tpu.memory_space<vmem>>, vector<256x1x64xf32>
    %get3A_584 = vector.shape_cast %get3A_583 : vector<256x1x64xf32> to vector<256x64xf32>
    %dot_general3A_585 = arith.constant dense<0.000000e+00> : vector<256x64xf32>
    %dot_general3A_586 = tpu.matmul %get3A_584, %get3A_1, %dot_general3A_585 {dimension_numbers = #tpu.dot_dimension_numbers<[1], [0], [0], [1], [0, 0, 1, 1], [], []>, transpose_lhs_hint = false} : vector<256x64xf32>, vector<64x64xf32>, vector<256x64xf32> -> vector<256x64xf32>
    %dot_general3A_587 = arith.constant dense<0.000000e+00> : vector<256x128xf32>
    %dot_general3A_588 = tpu.matmul %get3A_579, %get3A_4, %dot_general3A_587 {dimension_numbers = #tpu.dot_dimension_numbers<[1], [0], [0], [1], [0, 0, 1, 1], [], []>, transpose_lhs_hint = false} : vector<256x64xf32>, vector<64x128xf32>, vector<256x128xf32> -> vector<256x128xf32>
    %dot_general3A_589 = arith.constant dense<0.000000e+00> : vector<256x128xf32>
    %dot_general3A_590 = tpu.matmul %dot_general3A_586, %get3A_7, %dot_general3A_589 {dimension_numbers = #tpu.dot_dimension_numbers<[1], [0], [0], [1], [0, 0, 1, 1], [], []>, transpose_lhs_hint = false} : vector<256x64xf32>, vector<64x128xf32>, vector<256x128xf32> -> vector<256x128xf32>
    %add3A_591 = arith.addf %dot_general3A_588, %dot_general3A_590 : vector<256x128xf32>
    %add3A_592 = vector.broadcast %get3A_10 : vector<1x128xf32> to vector<256x128xf32>
    %add3A_593 = arith.addf %add3A_591, %add3A_592 : vector<256x128xf32>
    %max3A_594 = arith.constant 0.000000e+00 : f32
    %max3A_595 = vector.broadcast %max3A_594 : f32 to vector<256x128xf32>
    %max3A_596 = arith.maximumf %add3A_593, %max3A_595 : vector<256x128xf32>
    %dot_general3A_597 = arith.constant dense<0.000000e+00> : vector<256x64xf32>
    %dot_general3A_598 = tpu.matmul %max3A_596, %get3A_13, %dot_general3A_597 {dimension_numbers = #tpu.dot_dimension_numbers<[1], [0], [0], [1], [0, 0, 1, 1], [], []>, transpose_lhs_hint = false} : vector<256x128xf32>, vector<128x64xf32>, vector<256x64xf32> -> vector<256x64xf32>
    %add3A_599 = vector.broadcast %get3A_16 : vector<1x64xf32> to vector<256x64xf32>
    %add3A_600 = arith.addf %dot_general3A_598, %add3A_599 : vector<256x64xf32>
    %max3A_601 = arith.constant 0.000000e+00 : f32
    %max3A_602 = vector.broadcast %max3A_601 : f32 to vector<256x64xf32>
    %max3A_603 = arith.maximumf %add3A_600, %max3A_602 : vector<256x64xf32>
    %mul3A_604 = vector.broadcast %get3A_574 : vector<256x1xf32> to vector<256x64xf32>
    %mul3A_605 = arith.mulf %max3A_603, %mul3A_604 : vector<256x64xf32>
    %swap3A_606 = arith.constant 14 : index
    %swap3A_607 = arith.constant 0 : index
    %swap3A_608 = arith.constant 0 : index
    %swap3A_609 = vector.load %arg20[%swap3A_606, %swap3A_607, %swap3A_608] : memref<20x256x64xf32, #tpu.memory_space<vmem>>, vector<1x256x64xf32>
    %swap3A_610 = vector.shape_cast %swap3A_609 : vector<1x256x64xf32> to vector<256x64xf32>
    %swap3A_611 = vector.shape_cast %mul3A_605 : vector<256x64xf32> to vector<1x256x64xf32>
    tpu.vector_store %arg20[%swap3A_606, %swap3A_607, %swap3A_608], %swap3A_611 {strides = array<i32>} : memref<20x256x64xf32, #tpu.memory_space<vmem>>, vector<1x256x64xf32>,
    %get3A_612 = arith.constant 0 : index
    %get3A_613 = arith.constant 15 : index
    %get3A_614 = vector.load %arg3[%get3A_612, %get3A_613] : memref<256x20xf32, #tpu.memory_space<vmem>>, vector<256x1xf32>
    %get3A_615 = arith.constant 15 : index
    %get3A_616 = arith.constant 0 : index
    %get3A_617 = arith.constant 0 : index
    %get3A_618 = vector.load %arg1[%get3A_615, %get3A_616, %get3A_617] : memref<20x256x64xf32, #tpu.memory_space<vmem>>, vector<1x256x64xf32>
    %get3A_619 = vector.shape_cast %get3A_618 : vector<1x256x64xf32> to vector<256x64xf32>
    %get3A_620 = arith.constant 0 : index
    %get3A_621 = arith.constant 15 : index
    %get3A_622 = arith.constant 0 : index
    %get3A_623 = vector.load %arg2[%get3A_620, %get3A_621, %get3A_622] : memref<256x20x64xf32, #tpu.memory_space<vmem>>, vector<256x1x64xf32>
    %get3A_624 = vector.shape_cast %get3A_623 : vector<256x1x64xf32> to vector<256x64xf32>
    %dot_general3A_625 = arith.constant dense<0.000000e+00> : vector<256x64xf32>
    %dot_general3A_626 = tpu.matmul %get3A_624, %get3A_1, %dot_general3A_625 {dimension_numbers = #tpu.dot_dimension_numbers<[1], [0], [0], [1], [0, 0, 1, 1], [], []>, transpose_lhs_hint = false} : vector<256x64xf32>, vector<64x64xf32>, vector<256x64xf32> -> vector<256x64xf32>
    %dot_general3A_627 = arith.constant dense<0.000000e+00> : vector<256x128xf32>
    %dot_general3A_628 = tpu.matmul %get3A_619, %get3A_4, %dot_general3A_627 {dimension_numbers = #tpu.dot_dimension_numbers<[1], [0], [0], [1], [0, 0, 1, 1], [], []>, transpose_lhs_hint = false} : vector<256x64xf32>, vector<64x128xf32>, vector<256x128xf32> -> vector<256x128xf32>
    %dot_general3A_629 = arith.constant dense<0.000000e+00> : vector<256x128xf32>
    %dot_general3A_630 = tpu.matmul %dot_general3A_626, %get3A_7, %dot_general3A_629 {dimension_numbers = #tpu.dot_dimension_numbers<[1], [0], [0], [1], [0, 0, 1, 1], [], []>, transpose_lhs_hint = false} : vector<256x64xf32>, vector<64x128xf32>, vector<256x128xf32> -> vector<256x128xf32>
    %add3A_631 = arith.addf %dot_general3A_628, %dot_general3A_630 : vector<256x128xf32>
    %add3A_632 = vector.broadcast %get3A_10 : vector<1x128xf32> to vector<256x128xf32>
    %add3A_633 = arith.addf %add3A_631, %add3A_632 : vector<256x128xf32>
    %max3A_634 = arith.constant 0.000000e+00 : f32
    %max3A_635 = vector.broadcast %max3A_634 : f32 to vector<256x128xf32>
    %max3A_636 = arith.maximumf %add3A_633, %max3A_635 : vector<256x128xf32>
    %dot_general3A_637 = arith.constant dense<0.000000e+00> : vector<256x64xf32>
    %dot_general3A_638 = tpu.matmul %max3A_636, %get3A_13, %dot_general3A_637 {dimension_numbers = #tpu.dot_dimension_numbers<[1], [0], [0], [1], [0, 0, 1, 1], [], []>, transpose_lhs_hint = false} : vector<256x128xf32>, vector<128x64xf32>, vector<256x64xf32> -> vector<256x64xf32>
    %add3A_639 = vector.broadcast %get3A_16 : vector<1x64xf32> to vector<256x64xf32>
    %add3A_640 = arith.addf %dot_general3A_638, %add3A_639 : vector<256x64xf32>
    %max3A_641 = arith.constant 0.000000e+00 : f32
    %max3A_642 = vector.broadcast %max3A_641 : f32 to vector<256x64xf32>
    %max3A_643 = arith.maximumf %add3A_640, %max3A_642 : vector<256x64xf32>
    %mul3A_644 = vector.broadcast %get3A_614 : vector<256x1xf32> to vector<256x64xf32>
    %mul3A_645 = arith.mulf %max3A_643, %mul3A_644 : vector<256x64xf32>
    %swap3A_646 = arith.constant 15 : index
    %swap3A_647 = arith.constant 0 : index
    %swap3A_648 = arith.constant 0 : index
    %swap3A_649 = vector.load %arg20[%swap3A_646, %swap3A_647, %swap3A_648] : memref<20x256x64xf32, #tpu.memory_space<vmem>>, vector<1x256x64xf32>
    %swap3A_650 = vector.shape_cast %swap3A_649 : vector<1x256x64xf32> to vector<256x64xf32>
    %swap3A_651 = vector.shape_cast %mul3A_645 : vector<256x64xf32> to vector<1x256x64xf32>
    tpu.vector_store %arg20[%swap3A_646, %swap3A_647, %swap3A_648], %swap3A_651 {strides = array<i32>} : memref<20x256x64xf32, #tpu.memory_space<vmem>>, vector<1x256x64xf32>,
    %get3A_652 = arith.constant 0 : index
    %get3A_653 = arith.constant 16 : index
    %get3A_654 = vector.load %arg3[%get3A_652, %get3A_653] : memref<256x20xf32, #tpu.memory_space<vmem>>, vector<256x1xf32>
    %get3A_655 = arith.constant 16 : index
    %get3A_656 = arith.constant 0 : index
    %get3A_657 = arith.constant 0 : index
    %get3A_658 = vector.load %arg1[%get3A_655, %get3A_656, %get3A_657] : memref<20x256x64xf32, #tpu.memory_space<vmem>>, vector<1x256x64xf32>
    %get3A_659 = vector.shape_cast %get3A_658 : vector<1x256x64xf32> to vector<256x64xf32>
    %get3A_660 = arith.constant 0 : index
    %get3A_661 = arith.constant 16 : index
    %get3A_662 = arith.constant 0 : index
    %get3A_663 = vector.load %arg2[%get3A_660, %get3A_661, %get3A_662] : memref<256x20x64xf32, #tpu.memory_space<vmem>>, vector<256x1x64xf32>
    %get3A_664 = vector.shape_cast %get3A_663 : vector<256x1x64xf32> to vector<256x64xf32>
    %dot_general3A_665 = arith.constant dense<0.000000e+00> : vector<256x64xf32>
    %dot_general3A_666 = tpu.matmul %get3A_664, %get3A_1, %dot_general3A_665 {dimension_numbers = #tpu.dot_dimension_numbers<[1], [0], [0], [1], [0, 0, 1, 1], [], []>, transpose_lhs_hint = false} : vector<256x64xf32>, vector<64x64xf32>, vector<256x64xf32> -> vector<256x64xf32>
    %dot_general3A_667 = arith.constant dense<0.000000e+00> : vector<256x128xf32>
    %dot_general3A_668 = tpu.matmul %get3A_659, %get3A_4, %dot_general3A_667 {dimension_numbers = #tpu.dot_dimension_numbers<[1], [0], [0], [1], [0, 0, 1, 1], [], []>, transpose_lhs_hint = false} : vector<256x64xf32>, vector<64x128xf32>, vector<256x128xf32> -> vector<256x128xf32>
    %dot_general3A_669 = arith.constant dense<0.000000e+00> : vector<256x128xf32>
    %dot_general3A_670 = tpu.matmul %dot_general3A_666, %get3A_7, %dot_general3A_669 {dimension_numbers = #tpu.dot_dimension_numbers<[1], [0], [0], [1], [0, 0, 1, 1], [], []>, transpose_lhs_hint = false} : vector<256x64xf32>, vector<64x128xf32>, vector<256x128xf32> -> vector<256x128xf32>
    %add3A_671 = arith.addf %dot_general3A_668, %dot_general3A_670 : vector<256x128xf32>
    %add3A_672 = vector.broadcast %get3A_10 : vector<1x128xf32> to vector<256x128xf32>
    %add3A_673 = arith.addf %add3A_671, %add3A_672 : vector<256x128xf32>
    %max3A_674 = arith.constant 0.000000e+00 : f32
    %max3A_675 = vector.broadcast %max3A_674 : f32 to vector<256x128xf32>
    %max3A_676 = arith.maximumf %add3A_673, %max3A_675 : vector<256x128xf32>
    %dot_general3A_677 = arith.constant dense<0.000000e+00> : vector<256x64xf32>
    %dot_general3A_678 = tpu.matmul %max3A_676, %get3A_13, %dot_general3A_677 {dimension_numbers = #tpu.dot_dimension_numbers<[1], [0], [0], [1], [0, 0, 1, 1], [], []>, transpose_lhs_hint = false} : vector<256x128xf32>, vector<128x64xf32>, vector<256x64xf32> -> vector<256x64xf32>
    %add3A_679 = vector.broadcast %get3A_16 : vector<1x64xf32> to vector<256x64xf32>
    %add3A_680 = arith.addf %dot_general3A_678, %add3A_679 : vector<256x64xf32>
    %max3A_681 = arith.constant 0.000000e+00 : f32
    %max3A_682 = vector.broadcast %max3A_681 : f32 to vector<256x64xf32>
    %max3A_683 = arith.maximumf %add3A_680, %max3A_682 : vector<256x64xf32>
    %mul3A_684 = vector.broadcast %get3A_654 : vector<256x1xf32> to vector<256x64xf32>
    %mul3A_685 = arith.mulf %max3A_683, %mul3A_684 : vector<256x64xf32>
    %swap3A_686 = arith.constant 16 : index
    %swap3A_687 = arith.constant 0 : index
    %swap3A_688 = arith.constant 0 : index
    %swap3A_689 = vector.load %arg20[%swap3A_686, %swap3A_687, %swap3A_688] : memref<20x256x64xf32, #tpu.memory_space<vmem>>, vector<1x256x64xf32>
    %swap3A_690 = vector.shape_cast %swap3A_689 : vector<1x256x64xf32> to vector<256x64xf32>
    %swap3A_691 = vector.shape_cast %mul3A_685 : vector<256x64xf32> to vector<1x256x64xf32>
    tpu.vector_store %arg20[%swap3A_686, %swap3A_687, %swap3A_688], %swap3A_691 {strides = array<i32>} : memref<20x256x64xf32, #tpu.memory_space<vmem>>, vector<1x256x64xf32>,
    %get3A_692 = arith.constant 0 : index
    %get3A_693 = arith.constant 17 : index
    %get3A_694 = vector.load %arg3[%get3A_692, %get3A_693] : memref<256x20xf32, #tpu.memory_space<vmem>>, vector<256x1xf32>
    %get3A_695 = arith.constant 17 : index
    %get3A_696 = arith.constant 0 : index
    %get3A_697 = arith.constant 0 : index
    %get3A_698 = vector.load %arg1[%get3A_695, %get3A_696, %get3A_697] : memref<20x256x64xf32, #tpu.memory_space<vmem>>, vector<1x256x64xf32>
    %get3A_699 = vector.shape_cast %get3A_698 : vector<1x256x64xf32> to vector<256x64xf32>
    %get3A_700 = arith.constant 0 : index
    %get3A_701 = arith.constant 17 : index
    %get3A_702 = arith.constant 0 : index
    %get3A_703 = vector.load %arg2[%get3A_700, %get3A_701, %get3A_702] : memref<256x20x64xf32, #tpu.memory_space<vmem>>, vector<256x1x64xf32>
    %get3A_704 = vector.shape_cast %get3A_703 : vector<256x1x64xf32> to vector<256x64xf32>
    %dot_general3A_705 = arith.constant dense<0.000000e+00> : vector<256x64xf32>
    %dot_general3A_706 = tpu.matmul %get3A_704, %get3A_1, %dot_general3A_705 {dimension_numbers = #tpu.dot_dimension_numbers<[1], [0], [0], [1], [0, 0, 1, 1], [], []>, transpose_lhs_hint = false} : vector<256x64xf32>, vector<64x64xf32>, vector<256x64xf32> -> vector<256x64xf32>
    %dot_general3A_707 = arith.constant dense<0.000000e+00> : vector<256x128xf32>
    %dot_general3A_708 = tpu.matmul %get3A_699, %get3A_4, %dot_general3A_707 {dimension_numbers = #tpu.dot_dimension_numbers<[1], [0], [0], [1], [0, 0, 1, 1], [], []>, transpose_lhs_hint = false} : vector<256x64xf32>, vector<64x128xf32>, vector<256x128xf32> -> vector<256x128xf32>
    %dot_general3A_709 = arith.constant dense<0.000000e+00> : vector<256x128xf32>
    %dot_general3A_710 = tpu.matmul %dot_general3A_706, %get3A_7, %dot_general3A_709 {dimension_numbers = #tpu.dot_dimension_numbers<[1], [0], [0], [1], [0, 0, 1, 1], [], []>, transpose_lhs_hint = false} : vector<256x64xf32>, vector<64x128xf32>, vector<256x128xf32> -> vector<256x128xf32>
    %add3A_711 = arith.addf %dot_general3A_708, %dot_general3A_710 : vector<256x128xf32>
    %add3A_712 = vector.broadcast %get3A_10 : vector<1x128xf32> to vector<256x128xf32>
    %add3A_713 = arith.addf %add3A_711, %add3A_712 : vector<256x128xf32>
    %max3A_714 = arith.constant 0.000000e+00 : f32
    %max3A_715 = vector.broadcast %max3A_714 : f32 to vector<256x128xf32>
    %max3A_716 = arith.maximumf %add3A_713, %max3A_715 : vector<256x128xf32>
    %dot_general3A_717 = arith.constant dense<0.000000e+00> : vector<256x64xf32>
    %dot_general3A_718 = tpu.matmul %max3A_716, %get3A_13, %dot_general3A_717 {dimension_numbers = #tpu.dot_dimension_numbers<[1], [0], [0], [1], [0, 0, 1, 1], [], []>, transpose_lhs_hint = false} : vector<256x128xf32>, vector<128x64xf32>, vector<256x64xf32> -> vector<256x64xf32>
    %add3A_719 = vector.broadcast %get3A_16 : vector<1x64xf32> to vector<256x64xf32>
    %add3A_720 = arith.addf %dot_general3A_718, %add3A_719 : vector<256x64xf32>
    %max3A_721 = arith.constant 0.000000e+00 : f32
    %max3A_722 = vector.broadcast %max3A_721 : f32 to vector<256x64xf32>
    %max3A_723 = arith.maximumf %add3A_720, %max3A_722 : vector<256x64xf32>
    %mul3A_724 = vector.broadcast %get3A_694 : vector<256x1xf32> to vector<256x64xf32>
    %mul3A_725 = arith.mulf %max3A_723, %mul3A_724 : vector<256x64xf32>
    %swap3A_726 = arith.constant 17 : index
    %swap3A_727 = arith.constant 0 : index
    %swap3A_728 = arith.constant 0 : index
    %swap3A_729 = vector.load %arg20[%swap3A_726, %swap3A_727, %swap3A_728] : memref<20x256x64xf32, #tpu.memory_space<vmem>>, vector<1x256x64xf32>
    %swap3A_730 = vector.shape_cast %swap3A_729 : vector<1x256x64xf32> to vector<256x64xf32>
    %swap3A_731 = vector.shape_cast %mul3A_725 : vector<256x64xf32> to vector<1x256x64xf32>
    tpu.vector_store %arg20[%swap3A_726, %swap3A_727, %swap3A_728], %swap3A_731 {strides = array<i32>} : memref<20x256x64xf32, #tpu.memory_space<vmem>>, vector<1x256x64xf32>,
    %get3A_732 = arith.constant 0 : index
    %get3A_733 = arith.constant 18 : index
    %get3A_734 = vector.load %arg3[%get3A_732, %get3A_733] : memref<256x20xf32, #tpu.memory_space<vmem>>, vector<256x1xf32>
    %get3A_735 = arith.constant 18 : index
    %get3A_736 = arith.constant 0 : index
    %get3A_737 = arith.constant 0 : index
    %get3A_738 = vector.load %arg1[%get3A_735, %get3A_736, %get3A_737] : memref<20x256x64xf32, #tpu.memory_space<vmem>>, vector<1x256x64xf32>
    %get3A_739 = vector.shape_cast %get3A_738 : vector<1x256x64xf32> to vector<256x64xf32>
    %get3A_740 = arith.constant 0 : index
    %get3A_741 = arith.constant 18 : index
    %get3A_742 = arith.constant 0 : index
    %get3A_743 = vector.load %arg2[%get3A_740, %get3A_741, %get3A_742] : memref<256x20x64xf32, #tpu.memory_space<vmem>>, vector<256x1x64xf32>
    %get3A_744 = vector.shape_cast %get3A_743 : vector<256x1x64xf32> to vector<256x64xf32>
    %dot_general3A_745 = arith.constant dense<0.000000e+00> : vector<256x64xf32>
    %dot_general3A_746 = tpu.matmul %get3A_744, %get3A_1, %dot_general3A_745 {dimension_numbers = #tpu.dot_dimension_numbers<[1], [0], [0], [1], [0, 0, 1, 1], [], []>, transpose_lhs_hint = false} : vector<256x64xf32>, vector<64x64xf32>, vector<256x64xf32> -> vector<256x64xf32>
    %dot_general3A_747 = arith.constant dense<0.000000e+00> : vector<256x128xf32>
    %dot_general3A_748 = tpu.matmul %get3A_739, %get3A_4, %dot_general3A_747 {dimension_numbers = #tpu.dot_dimension_numbers<[1], [0], [0], [1], [0, 0, 1, 1], [], []>, transpose_lhs_hint = false} : vector<256x64xf32>, vector<64x128xf32>, vector<256x128xf32> -> vector<256x128xf32>
    %dot_general3A_749 = arith.constant dense<0.000000e+00> : vector<256x128xf32>
    %dot_general3A_750 = tpu.matmul %dot_general3A_746, %get3A_7, %dot_general3A_749 {dimension_numbers = #tpu.dot_dimension_numbers<[1], [0], [0], [1], [0, 0, 1, 1], [], []>, transpose_lhs_hint = false} : vector<256x64xf32>, vector<64x128xf32>, vector<256x128xf32> -> vector<256x128xf32>
    %add3A_751 = arith.addf %dot_general3A_748, %dot_general3A_750 : vector<256x128xf32>
    %add3A_752 = vector.broadcast %get3A_10 : vector<1x128xf32> to vector<256x128xf32>
    %add3A_753 = arith.addf %add3A_751, %add3A_752 : vector<256x128xf32>
    %max3A_754 = arith.constant 0.000000e+00 : f32
    %max3A_755 = vector.broadcast %max3A_754 : f32 to vector<256x128xf32>
    %max3A_756 = arith.maximumf %add3A_753, %max3A_755 : vector<256x128xf32>
    %dot_general3A_757 = arith.constant dense<0.000000e+00> : vector<256x64xf32>
    %dot_general3A_758 = tpu.matmul %max3A_756, %get3A_13, %dot_general3A_757 {dimension_numbers = #tpu.dot_dimension_numbers<[1], [0], [0], [1], [0, 0, 1, 1], [], []>, transpose_lhs_hint = false} : vector<256x128xf32>, vector<128x64xf32>, vector<256x64xf32> -> vector<256x64xf32>
    %add3A_759 = vector.broadcast %get3A_16 : vector<1x64xf32> to vector<256x64xf32>
    %add3A_760 = arith.addf %dot_general3A_758, %add3A_759 : vector<256x64xf32>
    %max3A_761 = arith.constant 0.000000e+00 : f32
    %max3A_762 = vector.broadcast %max3A_761 : f32 to vector<256x64xf32>
    %max3A_763 = arith.maximumf %add3A_760, %max3A_762 : vector<256x64xf32>
    %mul3A_764 = vector.broadcast %get3A_734 : vector<256x1xf32> to vector<256x64xf32>
    %mul3A_765 = arith.mulf %max3A_763, %mul3A_764 : vector<256x64xf32>
    %swap3A_766 = arith.constant 18 : index
    %swap3A_767 = arith.constant 0 : index
    %swap3A_768 = arith.constant 0 : index
    %swap3A_769 = vector.load %arg20[%swap3A_766, %swap3A_767, %swap3A_768] : memref<20x256x64xf32, #tpu.memory_space<vmem>>, vector<1x256x64xf32>
    %swap3A_770 = vector.shape_cast %swap3A_769 : vector<1x256x64xf32> to vector<256x64xf32>
    %swap3A_771 = vector.shape_cast %mul3A_765 : vector<256x64xf32> to vector<1x256x64xf32>
    tpu.vector_store %arg20[%swap3A_766, %swap3A_767, %swap3A_768], %swap3A_771 {strides = array<i32>} : memref<20x256x64xf32, #tpu.memory_space<vmem>>, vector<1x256x64xf32>,
    %get3A_772 = arith.constant 0 : index
    %get3A_773 = arith.constant 19 : index
    %get3A_774 = vector.load %arg3[%get3A_772, %get3A_773] : memref<256x20xf32, #tpu.memory_space<vmem>>, vector<256x1xf32>
    %get3A_775 = arith.constant 19 : index
    %get3A_776 = arith.constant 0 : index
    %get3A_777 = arith.constant 0 : index
    %get3A_778 = vector.load %arg1[%get3A_775, %get3A_776, %get3A_777] : memref<20x256x64xf32, #tpu.memory_space<vmem>>, vector<1x256x64xf32>
    %get3A_779 = vector.shape_cast %get3A_778 : vector<1x256x64xf32> to vector<256x64xf32>
    %get3A_780 = arith.constant 0 : index
    %get3A_781 = arith.constant 19 : index
    %get3A_782 = arith.constant 0 : index
    %get3A_783 = vector.load %arg2[%get3A_780, %get3A_781, %get3A_782] : memref<256x20x64xf32, #tpu.memory_space<vmem>>, vector<256x1x64xf32>
    %get3A_784 = vector.shape_cast %get3A_783 : vector<256x1x64xf32> to vector<256x64xf32>
    %dot_general3A_785 = arith.constant dense<0.000000e+00> : vector<256x64xf32>
    %dot_general3A_786 = tpu.matmul %get3A_784, %get3A_1, %dot_general3A_785 {dimension_numbers = #tpu.dot_dimension_numbers<[1], [0], [0], [1], [0, 0, 1, 1], [], []>, transpose_lhs_hint = false} : vector<256x64xf32>, vector<64x64xf32>, vector<256x64xf32> -> vector<256x64xf32>
    %dot_general3A_787 = arith.constant dense<0.000000e+00> : vector<256x128xf32>
    %dot_general3A_788 = tpu.matmul %get3A_779, %get3A_4, %dot_general3A_787 {dimension_numbers = #tpu.dot_dimension_numbers<[1], [0], [0], [1], [0, 0, 1, 1], [], []>, transpose_lhs_hint = false} : vector<256x64xf32>, vector<64x128xf32>, vector<256x128xf32> -> vector<256x128xf32>
    %dot_general3A_789 = arith.constant dense<0.000000e+00> : vector<256x128xf32>
    %dot_general3A_790 = tpu.matmul %dot_general3A_786, %get3A_7, %dot_general3A_789 {dimension_numbers = #tpu.dot_dimension_numbers<[1], [0], [0], [1], [0, 0, 1, 1], [], []>, transpose_lhs_hint = false} : vector<256x64xf32>, vector<64x128xf32>, vector<256x128xf32> -> vector<256x128xf32>
    %add3A_791 = arith.addf %dot_general3A_788, %dot_general3A_790 : vector<256x128xf32>
    %add3A_792 = vector.broadcast %get3A_10 : vector<1x128xf32> to vector<256x128xf32>
    %add3A_793 = arith.addf %add3A_791, %add3A_792 : vector<256x128xf32>
    %max3A_794 = arith.constant 0.000000e+00 : f32
    %max3A_795 = vector.broadcast %max3A_794 : f32 to vector<256x128xf32>
    %max3A_796 = arith.maximumf %add3A_793, %max3A_795 : vector<256x128xf32>
    %dot_general3A_797 = arith.constant dense<0.000000e+00> : vector<256x64xf32>
    %dot_general3A_798 = tpu.matmul %max3A_796, %get3A_13, %dot_general3A_797 {dimension_numbers = #tpu.dot_dimension_numbers<[1], [0], [0], [1], [0, 0, 1, 1], [], []>, transpose_lhs_hint = false} : vector<256x128xf32>, vector<128x64xf32>, vector<256x64xf32> -> vector<256x64xf32>
    %add3A_799 = vector.broadcast %get3A_16 : vector<1x64xf32> to vector<256x64xf32>
    %add3A_800 = arith.addf %dot_general3A_798, %add3A_799 : vector<256x64xf32>
    %max3A_801 = arith.constant 0.000000e+00 : f32
    %max3A_802 = vector.broadcast %max3A_801 : f32 to vector<256x64xf32>
    %max3A_803 = arith.maximumf %add3A_800, %max3A_802 : vector<256x64xf32>
    %mul3A_804 = vector.broadcast %get3A_774 : vector<256x1xf32> to vector<256x64xf32>
    %mul3A_805 = arith.mulf %max3A_803, %mul3A_804 : vector<256x64xf32>
    %swap3A_806 = arith.constant 19 : index
    %swap3A_807 = arith.constant 0 : index
    %swap3A_808 = arith.constant 0 : index
    %swap3A_809 = vector.load %arg20[%swap3A_806, %swap3A_807, %swap3A_808] : memref<20x256x64xf32, #tpu.memory_space<vmem>>, vector<1x256x64xf32>
    %swap3A_810 = vector.shape_cast %swap3A_809 : vector<1x256x64xf32> to vector<256x64xf32>
    %swap3A_811 = vector.shape_cast %mul3A_805 : vector<256x64xf32> to vector<1x256x64xf32>
    tpu.vector_store %arg20[%swap3A_806, %swap3A_807, %swap3A_808], %swap3A_811 {strides = array<i32>} : memref<20x256x64xf32, #tpu.memory_space<vmem>>, vector<1x256x64xf32>,
    %get3A_812 = arith.constant 0 : index
    %get3A_813 = arith.constant 0 : index
    %get3A_814 = vector.load %arg10[%get3A_812, %get3A_813] : memref<64x128xf32, #tpu.memory_space<vmem>>, vector<64x128xf32>
    %get3A_815 = arith.constant 0 : index
    %get3A_816 = arith.constant 0 : index
    %get3A_817 = vector.load %arg11[%get3A_815, %get3A_816] : memref<32x128xf32, #tpu.memory_space<vmem>>, vector<32x128xf32>
    %get3A_818 = arith.constant 0 : index
    %get3A_819 = arith.constant 0 : index
    %get3A_820 = vector.load %arg12[%get3A_818, %get3A_819] : memref<1x128xf32, #tpu.memory_space<vmem>>, vector<1x128xf32>
    %broadcast_in_dim3A = arith.constant 0.000000e+00 : f32
    %broadcast_in_dim3A_821 = vector.broadcast %broadcast_in_dim3A : f32 to vector<256x32xf32>
    %broadcast_in_dim3A_822 = arith.constant 0.000000e+00 : f32
    %broadcast_in_dim3A_823 = vector.broadcast %broadcast_in_dim3A_822 : f32 to vector<256x32xf32>
    %get3A_824 = arith.constant 0 : index
    %get3A_825 = arith.constant 0 : index
    %get3A_826 = vector.load %arg3[%get3A_824, %get3A_825] : memref<256x20xf32, #tpu.memory_space<vmem>>, vector<256x1xf32>
    %get3A_827 = arith.constant 0 : index
    %get3A_828 = arith.constant 0 : index
    %get3A_829 = arith.constant 0 : index
    %get3A_830 = vector.load %arg20[%get3A_827, %get3A_828, %get3A_829] : memref<20x256x64xf32, #tpu.memory_space<vmem>>, vector<1x256x64xf32>
    %get3A_831 = vector.shape_cast %get3A_830 : vector<1x256x64xf32> to vector<256x64xf32>
    %dot_general3A_832 = arith.constant dense<0.000000e+00> : vector<256x128xf32>
    %dot_general3A_833 = tpu.matmul %get3A_831, %get3A_814, %dot_general3A_832 {dimension_numbers = #tpu.dot_dimension_numbers<[1], [0], [0], [1], [0, 0, 1, 1], [], []>, transpose_lhs_hint = false} : vector<256x64xf32>, vector<64x128xf32>, vector<256x128xf32> -> vector<256x128xf32>
    %dot_general3A_834 = arith.constant dense<0.000000e+00> : vector<256x128xf32>
    %dot_general3A_835 = tpu.matmul %broadcast_in_dim3A_821, %get3A_817, %dot_general3A_834 {dimension_numbers = #tpu.dot_dimension_numbers<[1], [0], [0], [1], [0, 0, 1, 1], [], []>, transpose_lhs_hint = false} : vector<256x32xf32>, vector<32x128xf32>, vector<256x128xf32> -> vector<256x128xf32>
    %add3A_836 = arith.addf %dot_general3A_833, %dot_general3A_835 : vector<256x128xf32>
    %add3A_837 = vector.broadcast %get3A_820 : vector<1x128xf32> to vector<256x128xf32>
    %add3A_838 = arith.addf %add3A_836, %add3A_837 : vector<256x128xf32>
    %slice3A = vector.extract_strided_slice %add3A_838 {offsets = [0, 0], sizes = [256, 32], strides = [1, 1]} : vector<256x128xf32> to vector<256x32xf32>
    %logistic3A = arith.negf %slice3A : vector<256x32xf32>
    %logistic3A_839 = math.exp %logistic3A : vector<256x32xf32>
    %logistic3A_840 = arith.constant 1.000000e+00 : f32
    %logistic3A_841 = vector.broadcast %logistic3A_840 : f32 to vector<256x32xf32>
    %logistic3A_842 = arith.addf %logistic3A_841, %logistic3A_839 : vector<256x32xf32>
    %logistic3A_843 = arith.divf %logistic3A_841, %logistic3A_842 : vector<256x32xf32>
    %slice3A_844 = vector.extract_strided_slice %add3A_838 {offsets = [0, 32], sizes = [256, 32], strides = [1, 1]} : vector<256x128xf32> to vector<256x32xf32>
    %logistic3A_845 = arith.negf %slice3A_844 : vector<256x32xf32>
    %logistic3A_846 = math.exp %logistic3A_845 : vector<256x32xf32>
    %logistic3A_847 = arith.constant 1.000000e+00 : f32
    %logistic3A_848 = vector.broadcast %logistic3A_847 : f32 to vector<256x32xf32>
    %logistic3A_849 = arith.addf %logistic3A_848, %logistic3A_846 : vector<256x32xf32>
    %logistic3A_850 = arith.divf %logistic3A_848, %logistic3A_849 : vector<256x32xf32>
    %slice3A_851 = vector.extract_strided_slice %add3A_838 {offsets = [0, 64], sizes = [256, 32], strides = [1, 1]} : vector<256x128xf32> to vector<256x32xf32>
    %tanh3A = math.tanh %slice3A_851 : vector<256x32xf32>
    %slice3A_852 = vector.extract_strided_slice %add3A_838 {offsets = [0, 96], sizes = [256, 32], strides = [1, 1]} : vector<256x128xf32> to vector<256x32xf32>
    %logistic3A_853 = arith.negf %slice3A_852 : vector<256x32xf32>
    %logistic3A_854 = math.exp %logistic3A_853 : vector<256x32xf32>
    %logistic3A_855 = arith.constant 1.000000e+00 : f32
    %logistic3A_856 = vector.broadcast %logistic3A_855 : f32 to vector<256x32xf32>
    %logistic3A_857 = arith.addf %logistic3A_856, %logistic3A_854 : vector<256x32xf32>
    %logistic3A_858 = arith.divf %logistic3A_856, %logistic3A_857 : vector<256x32xf32>
    %mul3A_859 = arith.mulf %logistic3A_850, %broadcast_in_dim3A_823 : vector<256x32xf32>
    %mul3A_860 = arith.mulf %logistic3A_843, %tanh3A : vector<256x32xf32>
    %add3A_861 = arith.addf %mul3A_859, %mul3A_860 : vector<256x32xf32>
    %tanh3A_862 = math.tanh %add3A_861 : vector<256x32xf32>
    %mul3A_863 = arith.mulf %logistic3A_858, %tanh3A_862 : vector<256x32xf32>
    %mul3A_864 = vector.broadcast %get3A_826 : vector<256x1xf32> to vector<256x32xf32>
    %mul3A_865 = arith.mulf %mul3A_864, %mul3A_863 : vector<256x32xf32>
    %sub3A = arith.constant 1.000000e+00 : f32
    %sub3A_866 = vector.broadcast %sub3A : f32 to vector<256x1xf32>
    %sub3A_867 = arith.subf %sub3A_866, %get3A_826 : vector<256x1xf32>
    %mul3A_868 = vector.broadcast %sub3A_867 : vector<256x1xf32> to vector<256x32xf32>
    %mul3A_869 = arith.mulf %mul3A_868, %broadcast_in_dim3A_821 : vector<256x32xf32>
    %add3A_870 = arith.addf %mul3A_865, %mul3A_869 : vector<256x32xf32>
    %mul3A_871 = vector.broadcast %get3A_826 : vector<256x1xf32> to vector<256x32xf32>
    %mul3A_872 = arith.mulf %mul3A_871, %add3A_861 : vector<256x32xf32>
    %sub3A_873 = arith.constant 1.000000e+00 : f32
    %sub3A_874 = vector.broadcast %sub3A_873 : f32 to vector<256x1xf32>
    %sub3A_875 = arith.subf %sub3A_874, %get3A_826 : vector<256x1xf32>
    %mul3A_876 = vector.broadcast %sub3A_875 : vector<256x1xf32> to vector<256x32xf32>
    %mul3A_877 = arith.mulf %mul3A_876, %broadcast_in_dim3A_823 : vector<256x32xf32>
    %add3A_878 = arith.addf %mul3A_872, %mul3A_877 : vector<256x32xf32>
    %swap3A_879 = arith.constant 0 : index
    %swap3A_880 = arith.constant 0 : index
    %swap3A_881 = arith.constant 0 : index
    %swap3A_882 = vector.load %arg21[%swap3A_879, %swap3A_880, %swap3A_881] : memref<20x256x32xf32, #tpu.memory_space<vmem>>, vector<1x256x32xf32>
    %swap3A_883 = vector.shape_cast %swap3A_882 : vector<1x256x32xf32> to vector<256x32xf32>
    %swap3A_884 = vector.shape_cast %add3A_870 : vector<256x32xf32> to vector<1x256x32xf32>
    tpu.vector_store %arg21[%swap3A_879, %swap3A_880, %swap3A_881], %swap3A_884 {strides = array<i32>} : memref<20x256x32xf32, #tpu.memory_space<vmem>>, vector<1x256x32xf32>,
    %get3A_885 = arith.constant 0 : index
    %get3A_886 = arith.constant 1 : index
    %get3A_887 = vector.load %arg3[%get3A_885, %get3A_886] : memref<256x20xf32, #tpu.memory_space<vmem>>, vector<256x1xf32>
    %get3A_888 = arith.constant 1 : index
    %get3A_889 = arith.constant 0 : index
    %get3A_890 = arith.constant 0 : index
    %get3A_891 = vector.load %arg20[%get3A_888, %get3A_889, %get3A_890] : memref<20x256x64xf32, #tpu.memory_space<vmem>>, vector<1x256x64xf32>
    %get3A_892 = vector.shape_cast %get3A_891 : vector<1x256x64xf32> to vector<256x64xf32>
    %dot_general3A_893 = arith.constant dense<0.000000e+00> : vector<256x128xf32>
    %dot_general3A_894 = tpu.matmul %get3A_892, %get3A_814, %dot_general3A_893 {dimension_numbers = #tpu.dot_dimension_numbers<[1], [0], [0], [1], [0, 0, 1, 1], [], []>, transpose_lhs_hint = false} : vector<256x64xf32>, vector<64x128xf32>, vector<256x128xf32> -> vector<256x128xf32>
    %dot_general3A_895 = arith.constant dense<0.000000e+00> : vector<256x128xf32>
    %dot_general3A_896 = tpu.matmul %add3A_870, %get3A_817, %dot_general3A_895 {dimension_numbers = #tpu.dot_dimension_numbers<[1], [0], [0], [1], [0, 0, 1, 1], [], []>, transpose_lhs_hint = false} : vector<256x32xf32>, vector<32x128xf32>, vector<256x128xf32> -> vector<256x128xf32>
    %add3A_897 = arith.addf %dot_general3A_894, %dot_general3A_896 : vector<256x128xf32>
    %add3A_898 = vector.broadcast %get3A_820 : vector<1x128xf32> to vector<256x128xf32>
    %add3A_899 = arith.addf %add3A_897, %add3A_898 : vector<256x128xf32>
    %slice3A_900 = vector.extract_strided_slice %add3A_899 {offsets = [0, 0], sizes = [256, 32], strides = [1, 1]} : vector<256x128xf32> to vector<256x32xf32>
    %logistic3A_901 = arith.negf %slice3A_900 : vector<256x32xf32>
    %logistic3A_902 = math.exp %logistic3A_901 : vector<256x32xf32>
    %logistic3A_903 = arith.constant 1.000000e+00 : f32
    %logistic3A_904 = vector.broadcast %logistic3A_903 : f32 to vector<256x32xf32>
    %logistic3A_905 = arith.addf %logistic3A_904, %logistic3A_902 : vector<256x32xf32>
    %logistic3A_906 = arith.divf %logistic3A_904, %logistic3A_905 : vector<256x32xf32>
    %slice3A_907 = vector.extract_strided_slice %add3A_899 {offsets = [0, 32], sizes = [256, 32], strides = [1, 1]} : vector<256x128xf32> to vector<256x32xf32>
    %logistic3A_908 = arith.negf %slice3A_907 : vector<256x32xf32>
    %logistic3A_909 = math.exp %logistic3A_908 : vector<256x32xf32>
    %logistic3A_910 = arith.constant 1.000000e+00 : f32
    %logistic3A_911 = vector.broadcast %logistic3A_910 : f32 to vector<256x32xf32>
    %logistic3A_912 = arith.addf %logistic3A_911, %logistic3A_909 : vector<256x32xf32>
    %logistic3A_913 = arith.divf %logistic3A_911, %logistic3A_912 : vector<256x32xf32>
    %slice3A_914 = vector.extract_strided_slice %add3A_899 {offsets = [0, 64], sizes = [256, 32], strides = [1, 1]} : vector<256x128xf32> to vector<256x32xf32>
    %tanh3A_915 = math.tanh %slice3A_914 : vector<256x32xf32>
    %slice3A_916 = vector.extract_strided_slice %add3A_899 {offsets = [0, 96], sizes = [256, 32], strides = [1, 1]} : vector<256x128xf32> to vector<256x32xf32>
    %logistic3A_917 = arith.negf %slice3A_916 : vector<256x32xf32>
    %logistic3A_918 = math.exp %logistic3A_917 : vector<256x32xf32>
    %logistic3A_919 = arith.constant 1.000000e+00 : f32
    %logistic3A_920 = vector.broadcast %logistic3A_919 : f32 to vector<256x32xf32>
    %logistic3A_921 = arith.addf %logistic3A_920, %logistic3A_918 : vector<256x32xf32>
    %logistic3A_922 = arith.divf %logistic3A_920, %logistic3A_921 : vector<256x32xf32>
    %mul3A_923 = arith.mulf %logistic3A_913, %add3A_878 : vector<256x32xf32>
    %mul3A_924 = arith.mulf %logistic3A_906, %tanh3A_915 : vector<256x32xf32>
    %add3A_925 = arith.addf %mul3A_923, %mul3A_924 : vector<256x32xf32>
    %tanh3A_926 = math.tanh %add3A_925 : vector<256x32xf32>
    %mul3A_927 = arith.mulf %logistic3A_922, %tanh3A_926 : vector<256x32xf32>
    %mul3A_928 = vector.broadcast %get3A_887 : vector<256x1xf32> to vector<256x32xf32>
    %mul3A_929 = arith.mulf %mul3A_928, %mul3A_927 : vector<256x32xf32>
    %sub3A_930 = arith.constant 1.000000e+00 : f32
    %sub3A_931 = vector.broadcast %sub3A_930 : f32 to vector<256x1xf32>
    %sub3A_932 = arith.subf %sub3A_931, %get3A_887 : vector<256x1xf32>
    %mul3A_933 = vector.broadcast %sub3A_932 : vector<256x1xf32> to vector<256x32xf32>
    %mul3A_934 = arith.mulf %mul3A_933, %add3A_870 : vector<256x32xf32>
    %add3A_935 = arith.addf %mul3A_929, %mul3A_934 : vector<256x32xf32>
    %mul3A_936 = vector.broadcast %get3A_887 : vector<256x1xf32> to vector<256x32xf32>
    %mul3A_937 = arith.mulf %mul3A_936, %add3A_925 : vector<256x32xf32>
    %sub3A_938 = arith.constant 1.000000e+00 : f32
    %sub3A_939 = vector.broadcast %sub3A_938 : f32 to vector<256x1xf32>
    %sub3A_940 = arith.subf %sub3A_939, %get3A_887 : vector<256x1xf32>
    %mul3A_941 = vector.broadcast %sub3A_940 : vector<256x1xf32> to vector<256x32xf32>
    %mul3A_942 = arith.mulf %mul3A_941, %add3A_878 : vector<256x32xf32>
    %add3A_943 = arith.addf %mul3A_937, %mul3A_942 : vector<256x32xf32>
    %swap3A_944 = arith.constant 1 : index
    %swap3A_945 = arith.constant 0 : index
    %swap3A_946 = arith.constant 0 : index
    %swap3A_947 = vector.load %arg21[%swap3A_944, %swap3A_945, %swap3A_946] : memref<20x256x32xf32, #tpu.memory_space<vmem>>, vector<1x256x32xf32>
    %swap3A_948 = vector.shape_cast %swap3A_947 : vector<1x256x32xf32> to vector<256x32xf32>
    %swap3A_949 = vector.shape_cast %add3A_935 : vector<256x32xf32> to vector<1x256x32xf32>
    tpu.vector_store %arg21[%swap3A_944, %swap3A_945, %swap3A_946], %swap3A_949 {strides = array<i32>} : memref<20x256x32xf32, #tpu.memory_space<vmem>>, vector<1x256x32xf32>,
    %get3A_950 = arith.constant 0 : index
    %get3A_951 = arith.constant 2 : index
    %get3A_952 = vector.load %arg3[%get3A_950, %get3A_951] : memref<256x20xf32, #tpu.memory_space<vmem>>, vector<256x1xf32>
    %get3A_953 = arith.constant 2 : index
    %get3A_954 = arith.constant 0 : index
    %get3A_955 = arith.constant 0 : index
    %get3A_956 = vector.load %arg20[%get3A_953, %get3A_954, %get3A_955] : memref<20x256x64xf32, #tpu.memory_space<vmem>>, vector<1x256x64xf32>
    %get3A_957 = vector.shape_cast %get3A_956 : vector<1x256x64xf32> to vector<256x64xf32>
    %dot_general3A_958 = arith.constant dense<0.000000e+00> : vector<256x128xf32>
    %dot_general3A_959 = tpu.matmul %get3A_957, %get3A_814, %dot_general3A_958 {dimension_numbers = #tpu.dot_dimension_numbers<[1], [0], [0], [1], [0, 0, 1, 1], [], []>, transpose_lhs_hint = false} : vector<256x64xf32>, vector<64x128xf32>, vector<256x128xf32> -> vector<256x128xf32>
    %dot_general3A_960 = arith.constant dense<0.000000e+00> : vector<256x128xf32>
    %dot_general3A_961 = tpu.matmul %add3A_935, %get3A_817, %dot_general3A_960 {dimension_numbers = #tpu.dot_dimension_numbers<[1], [0], [0], [1], [0, 0, 1, 1], [], []>, transpose_lhs_hint = false} : vector<256x32xf32>, vector<32x128xf32>, vector<256x128xf32> -> vector<256x128xf32>
    %add3A_962 = arith.addf %dot_general3A_959, %dot_general3A_961 : vector<256x128xf32>
    %add3A_963 = vector.broadcast %get3A_820 : vector<1x128xf32> to vector<256x128xf32>
    %add3A_964 = arith.addf %add3A_962, %add3A_963 : vector<256x128xf32>
    %slice3A_965 = vector.extract_strided_slice %add3A_964 {offsets = [0, 0], sizes = [256, 32], strides = [1, 1]} : vector<256x128xf32> to vector<256x32xf32>
    %logistic3A_966 = arith.negf %slice3A_965 : vector<256x32xf32>
    %logistic3A_967 = math.exp %logistic3A_966 : vector<256x32xf32>
    %logistic3A_968 = arith.constant 1.000000e+00 : f32
    %logistic3A_969 = vector.broadcast %logistic3A_968 : f32 to vector<256x32xf32>
    %logistic3A_970 = arith.addf %logistic3A_969, %logistic3A_967 : vector<256x32xf32>
    %logistic3A_971 = arith.divf %logistic3A_969, %logistic3A_970 : vector<256x32xf32>
    %slice3A_972 = vector.extract_strided_slice %add3A_964 {offsets = [0, 32], sizes = [256, 32], strides = [1, 1]} : vector<256x128xf32> to vector<256x32xf32>
    %logistic3A_973 = arith.negf %slice3A_972 : vector<256x32xf32>
    %logistic3A_974 = math.exp %logistic3A_973 : vector<256x32xf32>
    %logistic3A_975 = arith.constant 1.000000e+00 : f32
    %logistic3A_976 = vector.broadcast %logistic3A_975 : f32 to vector<256x32xf32>
    %logistic3A_977 = arith.addf %logistic3A_976, %logistic3A_974 : vector<256x32xf32>
    %logistic3A_978 = arith.divf %logistic3A_976, %logistic3A_977 : vector<256x32xf32>
    %slice3A_979 = vector.extract_strided_slice %add3A_964 {offsets = [0, 64], sizes = [256, 32], strides = [1, 1]} : vector<256x128xf32> to vector<256x32xf32>
    %tanh3A_980 = math.tanh %slice3A_979 : vector<256x32xf32>
    %slice3A_981 = vector.extract_strided_slice %add3A_964 {offsets = [0, 96], sizes = [256, 32], strides = [1, 1]} : vector<256x128xf32> to vector<256x32xf32>
    %logistic3A_982 = arith.negf %slice3A_981 : vector<256x32xf32>
    %logistic3A_983 = math.exp %logistic3A_982 : vector<256x32xf32>
    %logistic3A_984 = arith.constant 1.000000e+00 : f32
    %logistic3A_985 = vector.broadcast %logistic3A_984 : f32 to vector<256x32xf32>
    %logistic3A_986 = arith.addf %logistic3A_985, %logistic3A_983 : vector<256x32xf32>
    %logistic3A_987 = arith.divf %logistic3A_985, %logistic3A_986 : vector<256x32xf32>
    %mul3A_988 = arith.mulf %logistic3A_978, %add3A_943 : vector<256x32xf32>
    %mul3A_989 = arith.mulf %logistic3A_971, %tanh3A_980 : vector<256x32xf32>
    %add3A_990 = arith.addf %mul3A_988, %mul3A_989 : vector<256x32xf32>
    %tanh3A_991 = math.tanh %add3A_990 : vector<256x32xf32>
    %mul3A_992 = arith.mulf %logistic3A_987, %tanh3A_991 : vector<256x32xf32>
    %mul3A_993 = vector.broadcast %get3A_952 : vector<256x1xf32> to vector<256x32xf32>
    %mul3A_994 = arith.mulf %mul3A_993, %mul3A_992 : vector<256x32xf32>
    %sub3A_995 = arith.constant 1.000000e+00 : f32
    %sub3A_996 = vector.broadcast %sub3A_995 : f32 to vector<256x1xf32>
    %sub3A_997 = arith.subf %sub3A_996, %get3A_952 : vector<256x1xf32>
    %mul3A_998 = vector.broadcast %sub3A_997 : vector<256x1xf32> to vector<256x32xf32>
    %mul3A_999 = arith.mulf %mul3A_998, %add3A_935 : vector<256x32xf32>
    %add3A_1000 = arith.addf %mul3A_994, %mul3A_999 : vector<256x32xf32>
    %mul3A_1001 = vector.broadcast %get3A_952 : vector<256x1xf32> to vector<256x32xf32>
    %mul3A_1002 = arith.mulf %mul3A_1001, %add3A_990 : vector<256x32xf32>
    %sub3A_1003 = arith.constant 1.000000e+00 : f32
    %sub3A_1004 = vector.broadcast %sub3A_1003 : f32 to vector<256x1xf32>
    %sub3A_1005 = arith.subf %sub3A_1004, %get3A_952 : vector<256x1xf32>
    %mul3A_1006 = vector.broadcast %sub3A_1005 : vector<256x1xf32> to vector<256x32xf32>
    %mul3A_1007 = arith.mulf %mul3A_1006, %add3A_943 : vector<256x32xf32>
    %add3A_1008 = arith.addf %mul3A_1002, %mul3A_1007 : vector<256x32xf32>
    %swap3A_1009 = arith.constant 2 : index
    %swap3A_1010 = arith.constant 0 : index
    %swap3A_1011 = arith.constant 0 : index
    %swap3A_1012 = vector.load %arg21[%swap3A_1009, %swap3A_1010, %swap3A_1011] : memref<20x256x32xf32, #tpu.memory_space<vmem>>, vector<1x256x32xf32>
    %swap3A_1013 = vector.shape_cast %swap3A_1012 : vector<1x256x32xf32> to vector<256x32xf32>
    %swap3A_1014 = vector.shape_cast %add3A_1000 : vector<256x32xf32> to vector<1x256x32xf32>
    tpu.vector_store %arg21[%swap3A_1009, %swap3A_1010, %swap3A_1011], %swap3A_1014 {strides = array<i32>} : memref<20x256x32xf32, #tpu.memory_space<vmem>>, vector<1x256x32xf32>,
    %get3A_1015 = arith.constant 0 : index
    %get3A_1016 = arith.constant 3 : index
    %get3A_1017 = vector.load %arg3[%get3A_1015, %get3A_1016] : memref<256x20xf32, #tpu.memory_space<vmem>>, vector<256x1xf32>
    %get3A_1018 = arith.constant 3 : index
    %get3A_1019 = arith.constant 0 : index
    %get3A_1020 = arith.constant 0 : index
    %get3A_1021 = vector.load %arg20[%get3A_1018, %get3A_1019, %get3A_1020] : memref<20x256x64xf32, #tpu.memory_space<vmem>>, vector<1x256x64xf32>
    %get3A_1022 = vector.shape_cast %get3A_1021 : vector<1x256x64xf32> to vector<256x64xf32>
    %dot_general3A_1023 = arith.constant dense<0.000000e+00> : vector<256x128xf32>
    %dot_general3A_1024 = tpu.matmul %get3A_1022, %get3A_814, %dot_general3A_1023 {dimension_numbers = #tpu.dot_dimension_numbers<[1], [0], [0], [1], [0, 0, 1, 1], [], []>, transpose_lhs_hint = false} : vector<256x64xf32>, vector<64x128xf32>, vector<256x128xf32> -> vector<256x128xf32>
    %dot_general3A_1025 = arith.constant dense<0.000000e+00> : vector<256x128xf32>
    %dot_general3A_1026 = tpu.matmul %add3A_1000, %get3A_817, %dot_general3A_1025 {dimension_numbers = #tpu.dot_dimension_numbers<[1], [0], [0], [1], [0, 0, 1, 1], [], []>, transpose_lhs_hint = false} : vector<256x32xf32>, vector<32x128xf32>, vector<256x128xf32> -> vector<256x128xf32>
    %add3A_1027 = arith.addf %dot_general3A_1024, %dot_general3A_1026 : vector<256x128xf32>
    %add3A_1028 = vector.broadcast %get3A_820 : vector<1x128xf32> to vector<256x128xf32>
    %add3A_1029 = arith.addf %add3A_1027, %add3A_1028 : vector<256x128xf32>
    %slice3A_1030 = vector.extract_strided_slice %add3A_1029 {offsets = [0, 0], sizes = [256, 32], strides = [1, 1]} : vector<256x128xf32> to vector<256x32xf32>
    %logistic3A_1031 = arith.negf %slice3A_1030 : vector<256x32xf32>
    %logistic3A_1032 = math.exp %logistic3A_1031 : vector<256x32xf32>
    %logistic3A_1033 = arith.constant 1.000000e+00 : f32
    %logistic3A_1034 = vector.broadcast %logistic3A_1033 : f32 to vector<256x32xf32>
    %logistic3A_1035 = arith.addf %logistic3A_1034, %logistic3A_1032 : vector<256x32xf32>
    %logistic3A_1036 = arith.divf %logistic3A_1034, %logistic3A_1035 : vector<256x32xf32>
    %slice3A_1037 = vector.extract_strided_slice %add3A_1029 {offsets = [0, 32], sizes = [256, 32], strides = [1, 1]} : vector<256x128xf32> to vector<256x32xf32>
    %logistic3A_1038 = arith.negf %slice3A_1037 : vector<256x32xf32>
    %logistic3A_1039 = math.exp %logistic3A_1038 : vector<256x32xf32>
    %logistic3A_1040 = arith.constant 1.000000e+00 : f32
    %logistic3A_1041 = vector.broadcast %logistic3A_1040 : f32 to vector<256x32xf32>
    %logistic3A_1042 = arith.addf %logistic3A_1041, %logistic3A_1039 : vector<256x32xf32>
    %logistic3A_1043 = arith.divf %logistic3A_1041, %logistic3A_1042 : vector<256x32xf32>
    %slice3A_1044 = vector.extract_strided_slice %add3A_1029 {offsets = [0, 64], sizes = [256, 32], strides = [1, 1]} : vector<256x128xf32> to vector<256x32xf32>
    %tanh3A_1045 = math.tanh %slice3A_1044 : vector<256x32xf32>
    %slice3A_1046 = vector.extract_strided_slice %add3A_1029 {offsets = [0, 96], sizes = [256, 32], strides = [1, 1]} : vector<256x128xf32> to vector<256x32xf32>
    %logistic3A_1047 = arith.negf %slice3A_1046 : vector<256x32xf32>
    %logistic3A_1048 = math.exp %logistic3A_1047 : vector<256x32xf32>
    %logistic3A_1049 = arith.constant 1.000000e+00 : f32
    %logistic3A_1050 = vector.broadcast %logistic3A_1049 : f32 to vector<256x32xf32>
    %logistic3A_1051 = arith.addf %logistic3A_1050, %logistic3A_1048 : vector<256x32xf32>
    %logistic3A_1052 = arith.divf %logistic3A_1050, %logistic3A_1051 : vector<256x32xf32>
    %mul3A_1053 = arith.mulf %logistic3A_1043, %add3A_1008 : vector<256x32xf32>
    %mul3A_1054 = arith.mulf %logistic3A_1036, %tanh3A_1045 : vector<256x32xf32>
    %add3A_1055 = arith.addf %mul3A_1053, %mul3A_1054 : vector<256x32xf32>
    %tanh3A_1056 = math.tanh %add3A_1055 : vector<256x32xf32>
    %mul3A_1057 = arith.mulf %logistic3A_1052, %tanh3A_1056 : vector<256x32xf32>
    %mul3A_1058 = vector.broadcast %get3A_1017 : vector<256x1xf32> to vector<256x32xf32>
    %mul3A_1059 = arith.mulf %mul3A_1058, %mul3A_1057 : vector<256x32xf32>
    %sub3A_1060 = arith.constant 1.000000e+00 : f32
    %sub3A_1061 = vector.broadcast %sub3A_1060 : f32 to vector<256x1xf32>
    %sub3A_1062 = arith.subf %sub3A_1061, %get3A_1017 : vector<256x1xf32>
    %mul3A_1063 = vector.broadcast %sub3A_1062 : vector<256x1xf32> to vector<256x32xf32>
    %mul3A_1064 = arith.mulf %mul3A_1063, %add3A_1000 : vector<256x32xf32>
    %add3A_1065 = arith.addf %mul3A_1059, %mul3A_1064 : vector<256x32xf32>
    %mul3A_1066 = vector.broadcast %get3A_1017 : vector<256x1xf32> to vector<256x32xf32>
    %mul3A_1067 = arith.mulf %mul3A_1066, %add3A_1055 : vector<256x32xf32>
    %sub3A_1068 = arith.constant 1.000000e+00 : f32
    %sub3A_1069 = vector.broadcast %sub3A_1068 : f32 to vector<256x1xf32>
    %sub3A_1070 = arith.subf %sub3A_1069, %get3A_1017 : vector<256x1xf32>
    %mul3A_1071 = vector.broadcast %sub3A_1070 : vector<256x1xf32> to vector<256x32xf32>
    %mul3A_1072 = arith.mulf %mul3A_1071, %add3A_1008 : vector<256x32xf32>
    %add3A_1073 = arith.addf %mul3A_1067, %mul3A_1072 : vector<256x32xf32>
    %swap3A_1074 = arith.constant 3 : index
    %swap3A_1075 = arith.constant 0 : index
    %swap3A_1076 = arith.constant 0 : index
    %swap3A_1077 = vector.load %arg21[%swap3A_1074, %swap3A_1075, %swap3A_1076] : memref<20x256x32xf32, #tpu.memory_space<vmem>>, vector<1x256x32xf32>
    %swap3A_1078 = vector.shape_cast %swap3A_1077 : vector<1x256x32xf32> to vector<256x32xf32>
    %swap3A_1079 = vector.shape_cast %add3A_1065 : vector<256x32xf32> to vector<1x256x32xf32>
    tpu.vector_store %arg21[%swap3A_1074, %swap3A_1075, %swap3A_1076], %swap3A_1079 {strides = array<i32>} : memref<20x256x32xf32, #tpu.memory_space<vmem>>, vector<1x256x32xf32>,
    %get3A_1080 = arith.constant 0 : index
    %get3A_1081 = arith.constant 4 : index
    %get3A_1082 = vector.load %arg3[%get3A_1080, %get3A_1081] : memref<256x20xf32, #tpu.memory_space<vmem>>, vector<256x1xf32>
    %get3A_1083 = arith.constant 4 : index
    %get3A_1084 = arith.constant 0 : index
    %get3A_1085 = arith.constant 0 : index
    %get3A_1086 = vector.load %arg20[%get3A_1083, %get3A_1084, %get3A_1085] : memref<20x256x64xf32, #tpu.memory_space<vmem>>, vector<1x256x64xf32>
    %get3A_1087 = vector.shape_cast %get3A_1086 : vector<1x256x64xf32> to vector<256x64xf32>
    %dot_general3A_1088 = arith.constant dense<0.000000e+00> : vector<256x128xf32>
    %dot_general3A_1089 = tpu.matmul %get3A_1087, %get3A_814, %dot_general3A_1088 {dimension_numbers = #tpu.dot_dimension_numbers<[1], [0], [0], [1], [0, 0, 1, 1], [], []>, transpose_lhs_hint = false} : vector<256x64xf32>, vector<64x128xf32>, vector<256x128xf32> -> vector<256x128xf32>
    %dot_general3A_1090 = arith.constant dense<0.000000e+00> : vector<256x128xf32>
    %dot_general3A_1091 = tpu.matmul %add3A_1065, %get3A_817, %dot_general3A_1090 {dimension_numbers = #tpu.dot_dimension_numbers<[1], [0], [0], [1], [0, 0, 1, 1], [], []>, transpose_lhs_hint = false} : vector<256x32xf32>, vector<32x128xf32>, vector<256x128xf32> -> vector<256x128xf32>
    %add3A_1092 = arith.addf %dot_general3A_1089, %dot_general3A_1091 : vector<256x128xf32>
    %add3A_1093 = vector.broadcast %get3A_820 : vector<1x128xf32> to vector<256x128xf32>
    %add3A_1094 = arith.addf %add3A_1092, %add3A_1093 : vector<256x128xf32>
    %slice3A_1095 = vector.extract_strided_slice %add3A_1094 {offsets = [0, 0], sizes = [256, 32], strides = [1, 1]} : vector<256x128xf32> to vector<256x32xf32>
    %logistic3A_1096 = arith.negf %slice3A_1095 : vector<256x32xf32>
    %logistic3A_1097 = math.exp %logistic3A_1096 : vector<256x32xf32>
    %logistic3A_1098 = arith.constant 1.000000e+00 : f32
    %logistic3A_1099 = vector.broadcast %logistic3A_1098 : f32 to vector<256x32xf32>
    %logistic3A_1100 = arith.addf %logistic3A_1099, %logistic3A_1097 : vector<256x32xf32>
    %logistic3A_1101 = arith.divf %logistic3A_1099, %logistic3A_1100 : vector<256x32xf32>
    %slice3A_1102 = vector.extract_strided_slice %add3A_1094 {offsets = [0, 32], sizes = [256, 32], strides = [1, 1]} : vector<256x128xf32> to vector<256x32xf32>
    %logistic3A_1103 = arith.negf %slice3A_1102 : vector<256x32xf32>
    %logistic3A_1104 = math.exp %logistic3A_1103 : vector<256x32xf32>
    %logistic3A_1105 = arith.constant 1.000000e+00 : f32
    %logistic3A_1106 = vector.broadcast %logistic3A_1105 : f32 to vector<256x32xf32>
    %logistic3A_1107 = arith.addf %logistic3A_1106, %logistic3A_1104 : vector<256x32xf32>
    %logistic3A_1108 = arith.divf %logistic3A_1106, %logistic3A_1107 : vector<256x32xf32>
    %slice3A_1109 = vector.extract_strided_slice %add3A_1094 {offsets = [0, 64], sizes = [256, 32], strides = [1, 1]} : vector<256x128xf32> to vector<256x32xf32>
    %tanh3A_1110 = math.tanh %slice3A_1109 : vector<256x32xf32>
    %slice3A_1111 = vector.extract_strided_slice %add3A_1094 {offsets = [0, 96], sizes = [256, 32], strides = [1, 1]} : vector<256x128xf32> to vector<256x32xf32>
    %logistic3A_1112 = arith.negf %slice3A_1111 : vector<256x32xf32>
    %logistic3A_1113 = math.exp %logistic3A_1112 : vector<256x32xf32>
    %logistic3A_1114 = arith.constant 1.000000e+00 : f32
    %logistic3A_1115 = vector.broadcast %logistic3A_1114 : f32 to vector<256x32xf32>
    %logistic3A_1116 = arith.addf %logistic3A_1115, %logistic3A_1113 : vector<256x32xf32>
    %logistic3A_1117 = arith.divf %logistic3A_1115, %logistic3A_1116 : vector<256x32xf32>
    %mul3A_1118 = arith.mulf %logistic3A_1108, %add3A_1073 : vector<256x32xf32>
    %mul3A_1119 = arith.mulf %logistic3A_1101, %tanh3A_1110 : vector<256x32xf32>
    %add3A_1120 = arith.addf %mul3A_1118, %mul3A_1119 : vector<256x32xf32>
    %tanh3A_1121 = math.tanh %add3A_1120 : vector<256x32xf32>
    %mul3A_1122 = arith.mulf %logistic3A_1117, %tanh3A_1121 : vector<256x32xf32>
    %mul3A_1123 = vector.broadcast %get3A_1082 : vector<256x1xf32> to vector<256x32xf32>
    %mul3A_1124 = arith.mulf %mul3A_1123, %mul3A_1122 : vector<256x32xf32>
    %sub3A_1125 = arith.constant 1.000000e+00 : f32
    %sub3A_1126 = vector.broadcast %sub3A_1125 : f32 to vector<256x1xf32>
    %sub3A_1127 = arith.subf %sub3A_1126, %get3A_1082 : vector<256x1xf32>
    %mul3A_1128 = vector.broadcast %sub3A_1127 : vector<256x1xf32> to vector<256x32xf32>
    %mul3A_1129 = arith.mulf %mul3A_1128, %add3A_1065 : vector<256x32xf32>
    %add3A_1130 = arith.addf %mul3A_1124, %mul3A_1129 : vector<256x32xf32>
    %mul3A_1131 = vector.broadcast %get3A_1082 : vector<256x1xf32> to vector<256x32xf32>
    %mul3A_1132 = arith.mulf %mul3A_1131, %add3A_1120 : vector<256x32xf32>
    %sub3A_1133 = arith.constant 1.000000e+00 : f32
    %sub3A_1134 = vector.broadcast %sub3A_1133 : f32 to vector<256x1xf32>
    %sub3A_1135 = arith.subf %sub3A_1134, %get3A_1082 : vector<256x1xf32>
    %mul3A_1136 = vector.broadcast %sub3A_1135 : vector<256x1xf32> to vector<256x32xf32>
    %mul3A_1137 = arith.mulf %mul3A_1136, %add3A_1073 : vector<256x32xf32>
    %add3A_1138 = arith.addf %mul3A_1132, %mul3A_1137 : vector<256x32xf32>
    %swap3A_1139 = arith.constant 4 : index
    %swap3A_1140 = arith.constant 0 : index
    %swap3A_1141 = arith.constant 0 : index
    %swap3A_1142 = vector.load %arg21[%swap3A_1139, %swap3A_1140, %swap3A_1141] : memref<20x256x32xf32, #tpu.memory_space<vmem>>, vector<1x256x32xf32>
    %swap3A_1143 = vector.shape_cast %swap3A_1142 : vector<1x256x32xf32> to vector<256x32xf32>
    %swap3A_1144 = vector.shape_cast %add3A_1130 : vector<256x32xf32> to vector<1x256x32xf32>
    tpu.vector_store %arg21[%swap3A_1139, %swap3A_1140, %swap3A_1141], %swap3A_1144 {strides = array<i32>} : memref<20x256x32xf32, #tpu.memory_space<vmem>>, vector<1x256x32xf32>,
    %get3A_1145 = arith.constant 0 : index
    %get3A_1146 = arith.constant 5 : index
    %get3A_1147 = vector.load %arg3[%get3A_1145, %get3A_1146] : memref<256x20xf32, #tpu.memory_space<vmem>>, vector<256x1xf32>
    %get3A_1148 = arith.constant 5 : index
    %get3A_1149 = arith.constant 0 : index
    %get3A_1150 = arith.constant 0 : index
    %get3A_1151 = vector.load %arg20[%get3A_1148, %get3A_1149, %get3A_1150] : memref<20x256x64xf32, #tpu.memory_space<vmem>>, vector<1x256x64xf32>
    %get3A_1152 = vector.shape_cast %get3A_1151 : vector<1x256x64xf32> to vector<256x64xf32>
    %dot_general3A_1153 = arith.constant dense<0.000000e+00> : vector<256x128xf32>
    %dot_general3A_1154 = tpu.matmul %get3A_1152, %get3A_814, %dot_general3A_1153 {dimension_numbers = #tpu.dot_dimension_numbers<[1], [0], [0], [1], [0, 0, 1, 1], [], []>, transpose_lhs_hint = false} : vector<256x64xf32>, vector<64x128xf32>, vector<256x128xf32> -> vector<256x128xf32>
    %dot_general3A_1155 = arith.constant dense<0.000000e+00> : vector<256x128xf32>
    %dot_general3A_1156 = tpu.matmul %add3A_1130, %get3A_817, %dot_general3A_1155 {dimension_numbers = #tpu.dot_dimension_numbers<[1], [0], [0], [1], [0, 0, 1, 1], [], []>, transpose_lhs_hint = false} : vector<256x32xf32>, vector<32x128xf32>, vector<256x128xf32> -> vector<256x128xf32>
    %add3A_1157 = arith.addf %dot_general3A_1154, %dot_general3A_1156 : vector<256x128xf32>
    %add3A_1158 = vector.broadcast %get3A_820 : vector<1x128xf32> to vector<256x128xf32>
    %add3A_1159 = arith.addf %add3A_1157, %add3A_1158 : vector<256x128xf32>
    %slice3A_1160 = vector.extract_strided_slice %add3A_1159 {offsets = [0, 0], sizes = [256, 32], strides = [1, 1]} : vector<256x128xf32> to vector<256x32xf32>
    %logistic3A_1161 = arith.negf %slice3A_1160 : vector<256x32xf32>
    %logistic3A_1162 = math.exp %logistic3A_1161 : vector<256x32xf32>
    %logistic3A_1163 = arith.constant 1.000000e+00 : f32
    %logistic3A_1164 = vector.broadcast %logistic3A_1163 : f32 to vector<256x32xf32>
    %logistic3A_1165 = arith.addf %logistic3A_1164, %logistic3A_1162 : vector<256x32xf32>
    %logistic3A_1166 = arith.divf %logistic3A_1164, %logistic3A_1165 : vector<256x32xf32>
    %slice3A_1167 = vector.extract_strided_slice %add3A_1159 {offsets = [0, 32], sizes = [256, 32], strides = [1, 1]} : vector<256x128xf32> to vector<256x32xf32>
    %logistic3A_1168 = arith.negf %slice3A_1167 : vector<256x32xf32>
    %logistic3A_1169 = math.exp %logistic3A_1168 : vector<256x32xf32>
    %logistic3A_1170 = arith.constant 1.000000e+00 : f32
    %logistic3A_1171 = vector.broadcast %logistic3A_1170 : f32 to vector<256x32xf32>
    %logistic3A_1172 = arith.addf %logistic3A_1171, %logistic3A_1169 : vector<256x32xf32>
    %logistic3A_1173 = arith.divf %logistic3A_1171, %logistic3A_1172 : vector<256x32xf32>
    %slice3A_1174 = vector.extract_strided_slice %add3A_1159 {offsets = [0, 64], sizes = [256, 32], strides = [1, 1]} : vector<256x128xf32> to vector<256x32xf32>
    %tanh3A_1175 = math.tanh %slice3A_1174 : vector<256x32xf32>
    %slice3A_1176 = vector.extract_strided_slice %add3A_1159 {offsets = [0, 96], sizes = [256, 32], strides = [1, 1]} : vector<256x128xf32> to vector<256x32xf32>
    %logistic3A_1177 = arith.negf %slice3A_1176 : vector<256x32xf32>
    %logistic3A_1178 = math.exp %logistic3A_1177 : vector<256x32xf32>
    %logistic3A_1179 = arith.constant 1.000000e+00 : f32
    %logistic3A_1180 = vector.broadcast %logistic3A_1179 : f32 to vector<256x32xf32>
    %logistic3A_1181 = arith.addf %logistic3A_1180, %logistic3A_1178 : vector<256x32xf32>
    %logistic3A_1182 = arith.divf %logistic3A_1180, %logistic3A_1181 : vector<256x32xf32>
    %mul3A_1183 = arith.mulf %logistic3A_1173, %add3A_1138 : vector<256x32xf32>
    %mul3A_1184 = arith.mulf %logistic3A_1166, %tanh3A_1175 : vector<256x32xf32>
    %add3A_1185 = arith.addf %mul3A_1183, %mul3A_1184 : vector<256x32xf32>
    %tanh3A_1186 = math.tanh %add3A_1185 : vector<256x32xf32>
    %mul3A_1187 = arith.mulf %logistic3A_1182, %tanh3A_1186 : vector<256x32xf32>
    %mul3A_1188 = vector.broadcast %get3A_1147 : vector<256x1xf32> to vector<256x32xf32>
    %mul3A_1189 = arith.mulf %mul3A_1188, %mul3A_1187 : vector<256x32xf32>
    %sub3A_1190 = arith.constant 1.000000e+00 : f32
    %sub3A_1191 = vector.broadcast %sub3A_1190 : f32 to vector<256x1xf32>
    %sub3A_1192 = arith.subf %sub3A_1191, %get3A_1147 : vector<256x1xf32>
    %mul3A_1193 = vector.broadcast %sub3A_1192 : vector<256x1xf32> to vector<256x32xf32>
    %mul3A_1194 = arith.mulf %mul3A_1193, %add3A_1130 : vector<256x32xf32>
    %add3A_1195 = arith.addf %mul3A_1189, %mul3A_1194 : vector<256x32xf32>
    %mul3A_1196 = vector.broadcast %get3A_1147 : vector<256x1xf32> to vector<256x32xf32>
    %mul3A_1197 = arith.mulf %mul3A_1196, %add3A_1185 : vector<256x32xf32>
    %sub3A_1198 = arith.constant 1.000000e+00 : f32
    %sub3A_1199 = vector.broadcast %sub3A_1198 : f32 to vector<256x1xf32>
    %sub3A_1200 = arith.subf %sub3A_1199, %get3A_1147 : vector<256x1xf32>
    %mul3A_1201 = vector.broadcast %sub3A_1200 : vector<256x1xf32> to vector<256x32xf32>
    %mul3A_1202 = arith.mulf %mul3A_1201, %add3A_1138 : vector<256x32xf32>
    %add3A_1203 = arith.addf %mul3A_1197, %mul3A_1202 : vector<256x32xf32>
    %swap3A_1204 = arith.constant 5 : index
    %swap3A_1205 = arith.constant 0 : index
    %swap3A_1206 = arith.constant 0 : index
    %swap3A_1207 = vector.load %arg21[%swap3A_1204, %swap3A_1205, %swap3A_1206] : memref<20x256x32xf32, #tpu.memory_space<vmem>>, vector<1x256x32xf32>
    %swap3A_1208 = vector.shape_cast %swap3A_1207 : vector<1x256x32xf32> to vector<256x32xf32>
    %swap3A_1209 = vector.shape_cast %add3A_1195 : vector<256x32xf32> to vector<1x256x32xf32>
    tpu.vector_store %arg21[%swap3A_1204, %swap3A_1205, %swap3A_1206], %swap3A_1209 {strides = array<i32>} : memref<20x256x32xf32, #tpu.memory_space<vmem>>, vector<1x256x32xf32>,
    %get3A_1210 = arith.constant 0 : index
    %get3A_1211 = arith.constant 6 : index
    %get3A_1212 = vector.load %arg3[%get3A_1210, %get3A_1211] : memref<256x20xf32, #tpu.memory_space<vmem>>, vector<256x1xf32>
    %get3A_1213 = arith.constant 6 : index
    %get3A_1214 = arith.constant 0 : index
    %get3A_1215 = arith.constant 0 : index
    %get3A_1216 = vector.load %arg20[%get3A_1213, %get3A_1214, %get3A_1215] : memref<20x256x64xf32, #tpu.memory_space<vmem>>, vector<1x256x64xf32>
    %get3A_1217 = vector.shape_cast %get3A_1216 : vector<1x256x64xf32> to vector<256x64xf32>
    %dot_general3A_1218 = arith.constant dense<0.000000e+00> : vector<256x128xf32>
    %dot_general3A_1219 = tpu.matmul %get3A_1217, %get3A_814, %dot_general3A_1218 {dimension_numbers = #tpu.dot_dimension_numbers<[1], [0], [0], [1], [0, 0, 1, 1], [], []>, transpose_lhs_hint = false} : vector<256x64xf32>, vector<64x128xf32>, vector<256x128xf32> -> vector<256x128xf32>
    %dot_general3A_1220 = arith.constant dense<0.000000e+00> : vector<256x128xf32>
    %dot_general3A_1221 = tpu.matmul %add3A_1195, %get3A_817, %dot_general3A_1220 {dimension_numbers = #tpu.dot_dimension_numbers<[1], [0], [0], [1], [0, 0, 1, 1], [], []>, transpose_lhs_hint = false} : vector<256x32xf32>, vector<32x128xf32>, vector<256x128xf32> -> vector<256x128xf32>
    %add3A_1222 = arith.addf %dot_general3A_1219, %dot_general3A_1221 : vector<256x128xf32>
    %add3A_1223 = vector.broadcast %get3A_820 : vector<1x128xf32> to vector<256x128xf32>
    %add3A_1224 = arith.addf %add3A_1222, %add3A_1223 : vector<256x128xf32>
    %slice3A_1225 = vector.extract_strided_slice %add3A_1224 {offsets = [0, 0], sizes = [256, 32], strides = [1, 1]} : vector<256x128xf32> to vector<256x32xf32>
    %logistic3A_1226 = arith.negf %slice3A_1225 : vector<256x32xf32>
    %logistic3A_1227 = math.exp %logistic3A_1226 : vector<256x32xf32>
    %logistic3A_1228 = arith.constant 1.000000e+00 : f32
    %logistic3A_1229 = vector.broadcast %logistic3A_1228 : f32 to vector<256x32xf32>
    %logistic3A_1230 = arith.addf %logistic3A_1229, %logistic3A_1227 : vector<256x32xf32>
    %logistic3A_1231 = arith.divf %logistic3A_1229, %logistic3A_1230 : vector<256x32xf32>
    %slice3A_1232 = vector.extract_strided_slice %add3A_1224 {offsets = [0, 32], sizes = [256, 32], strides = [1, 1]} : vector<256x128xf32> to vector<256x32xf32>
    %logistic3A_1233 = arith.negf %slice3A_1232 : vector<256x32xf32>
    %logistic3A_1234 = math.exp %logistic3A_1233 : vector<256x32xf32>
    %logistic3A_1235 = arith.constant 1.000000e+00 : f32
    %logistic3A_1236 = vector.broadcast %logistic3A_1235 : f32 to vector<256x32xf32>
    %logistic3A_1237 = arith.addf %logistic3A_1236, %logistic3A_1234 : vector<256x32xf32>
    %logistic3A_1238 = arith.divf %logistic3A_1236, %logistic3A_1237 : vector<256x32xf32>
    %slice3A_1239 = vector.extract_strided_slice %add3A_1224 {offsets = [0, 64], sizes = [256, 32], strides = [1, 1]} : vector<256x128xf32> to vector<256x32xf32>
    %tanh3A_1240 = math.tanh %slice3A_1239 : vector<256x32xf32>
    %slice3A_1241 = vector.extract_strided_slice %add3A_1224 {offsets = [0, 96], sizes = [256, 32], strides = [1, 1]} : vector<256x128xf32> to vector<256x32xf32>
    %logistic3A_1242 = arith.negf %slice3A_1241 : vector<256x32xf32>
    %logistic3A_1243 = math.exp %logistic3A_1242 : vector<256x32xf32>
    %logistic3A_1244 = arith.constant 1.000000e+00 : f32
    %logistic3A_1245 = vector.broadcast %logistic3A_1244 : f32 to vector<256x32xf32>
    %logistic3A_1246 = arith.addf %logistic3A_1245, %logistic3A_1243 : vector<256x32xf32>
    %logistic3A_1247 = arith.divf %logistic3A_1245, %logistic3A_1246 : vector<256x32xf32>
    %mul3A_1248 = arith.mulf %logistic3A_1238, %add3A_1203 : vector<256x32xf32>
    %mul3A_1249 = arith.mulf %logistic3A_1231, %tanh3A_1240 : vector<256x32xf32>
    %add3A_1250 = arith.addf %mul3A_1248, %mul3A_1249 : vector<256x32xf32>
    %tanh3A_1251 = math.tanh %add3A_1250 : vector<256x32xf32>
    %mul3A_1252 = arith.mulf %logistic3A_1247, %tanh3A_1251 : vector<256x32xf32>
    %mul3A_1253 = vector.broadcast %get3A_1212 : vector<256x1xf32> to vector<256x32xf32>
    %mul3A_1254 = arith.mulf %mul3A_1253, %mul3A_1252 : vector<256x32xf32>
    %sub3A_1255 = arith.constant 1.000000e+00 : f32
    %sub3A_1256 = vector.broadcast %sub3A_1255 : f32 to vector<256x1xf32>
    %sub3A_1257 = arith.subf %sub3A_1256, %get3A_1212 : vector<256x1xf32>
    %mul3A_1258 = vector.broadcast %sub3A_1257 : vector<256x1xf32> to vector<256x32xf32>
    %mul3A_1259 = arith.mulf %mul3A_1258, %add3A_1195 : vector<256x32xf32>
    %add3A_1260 = arith.addf %mul3A_1254, %mul3A_1259 : vector<256x32xf32>
    %mul3A_1261 = vector.broadcast %get3A_1212 : vector<256x1xf32> to vector<256x32xf32>
    %mul3A_1262 = arith.mulf %mul3A_1261, %add3A_1250 : vector<256x32xf32>
    %sub3A_1263 = arith.constant 1.000000e+00 : f32
    %sub3A_1264 = vector.broadcast %sub3A_1263 : f32 to vector<256x1xf32>
    %sub3A_1265 = arith.subf %sub3A_1264, %get3A_1212 : vector<256x1xf32>
    %mul3A_1266 = vector.broadcast %sub3A_1265 : vector<256x1xf32> to vector<256x32xf32>
    %mul3A_1267 = arith.mulf %mul3A_1266, %add3A_1203 : vector<256x32xf32>
    %add3A_1268 = arith.addf %mul3A_1262, %mul3A_1267 : vector<256x32xf32>
    %swap3A_1269 = arith.constant 6 : index
    %swap3A_1270 = arith.constant 0 : index
    %swap3A_1271 = arith.constant 0 : index
    %swap3A_1272 = vector.load %arg21[%swap3A_1269, %swap3A_1270, %swap3A_1271] : memref<20x256x32xf32, #tpu.memory_space<vmem>>, vector<1x256x32xf32>
    %swap3A_1273 = vector.shape_cast %swap3A_1272 : vector<1x256x32xf32> to vector<256x32xf32>
    %swap3A_1274 = vector.shape_cast %add3A_1260 : vector<256x32xf32> to vector<1x256x32xf32>
    tpu.vector_store %arg21[%swap3A_1269, %swap3A_1270, %swap3A_1271], %swap3A_1274 {strides = array<i32>} : memref<20x256x32xf32, #tpu.memory_space<vmem>>, vector<1x256x32xf32>,
    %get3A_1275 = arith.constant 0 : index
    %get3A_1276 = arith.constant 7 : index
    %get3A_1277 = vector.load %arg3[%get3A_1275, %get3A_1276] : memref<256x20xf32, #tpu.memory_space<vmem>>, vector<256x1xf32>
    %get3A_1278 = arith.constant 7 : index
    %get3A_1279 = arith.constant 0 : index
    %get3A_1280 = arith.constant 0 : index
    %get3A_1281 = vector.load %arg20[%get3A_1278, %get3A_1279, %get3A_1280] : memref<20x256x64xf32, #tpu.memory_space<vmem>>, vector<1x256x64xf32>
    %get3A_1282 = vector.shape_cast %get3A_1281 : vector<1x256x64xf32> to vector<256x64xf32>
    %dot_general3A_1283 = arith.constant dense<0.000000e+00> : vector<256x128xf32>
    %dot_general3A_1284 = tpu.matmul %get3A_1282, %get3A_814, %dot_general3A_1283 {dimension_numbers = #tpu.dot_dimension_numbers<[1], [0], [0], [1], [0, 0, 1, 1], [], []>, transpose_lhs_hint = false} : vector<256x64xf32>, vector<64x128xf32>, vector<256x128xf32> -> vector<256x128xf32>
    %dot_general3A_1285 = arith.constant dense<0.000000e+00> : vector<256x128xf32>
    %dot_general3A_1286 = tpu.matmul %add3A_1260, %get3A_817, %dot_general3A_1285 {dimension_numbers = #tpu.dot_dimension_numbers<[1], [0], [0], [1], [0, 0, 1, 1], [], []>, transpose_lhs_hint = false} : vector<256x32xf32>, vector<32x128xf32>, vector<256x128xf32> -> vector<256x128xf32>
    %add3A_1287 = arith.addf %dot_general3A_1284, %dot_general3A_1286 : vector<256x128xf32>
    %add3A_1288 = vector.broadcast %get3A_820 : vector<1x128xf32> to vector<256x128xf32>
    %add3A_1289 = arith.addf %add3A_1287, %add3A_1288 : vector<256x128xf32>
    %slice3A_1290 = vector.extract_strided_slice %add3A_1289 {offsets = [0, 0], sizes = [256, 32], strides = [1, 1]} : vector<256x128xf32> to vector<256x32xf32>
    %logistic3A_1291 = arith.negf %slice3A_1290 : vector<256x32xf32>
    %logistic3A_1292 = math.exp %logistic3A_1291 : vector<256x32xf32>
    %logistic3A_1293 = arith.constant 1.000000e+00 : f32
    %logistic3A_1294 = vector.broadcast %logistic3A_1293 : f32 to vector<256x32xf32>
    %logistic3A_1295 = arith.addf %logistic3A_1294, %logistic3A_1292 : vector<256x32xf32>
    %logistic3A_1296 = arith.divf %logistic3A_1294, %logistic3A_1295 : vector<256x32xf32>
    %slice3A_1297 = vector.extract_strided_slice %add3A_1289 {offsets = [0, 32], sizes = [256, 32], strides = [1, 1]} : vector<256x128xf32> to vector<256x32xf32>
    %logistic3A_1298 = arith.negf %slice3A_1297 : vector<256x32xf32>
    %logistic3A_1299 = math.exp %logistic3A_1298 : vector<256x32xf32>
    %logistic3A_1300 = arith.constant 1.000000e+00 : f32
    %logistic3A_1301 = vector.broadcast %logistic3A_1300 : f32 to vector<256x32xf32>
    %logistic3A_1302 = arith.addf %logistic3A_1301, %logistic3A_1299 : vector<256x32xf32>
    %logistic3A_1303 = arith.divf %logistic3A_1301, %logistic3A_1302 : vector<256x32xf32>
    %slice3A_1304 = vector.extract_strided_slice %add3A_1289 {offsets = [0, 64], sizes = [256, 32], strides = [1, 1]} : vector<256x128xf32> to vector<256x32xf32>
    %tanh3A_1305 = math.tanh %slice3A_1304 : vector<256x32xf32>
    %slice3A_1306 = vector.extract_strided_slice %add3A_1289 {offsets = [0, 96], sizes = [256, 32], strides = [1, 1]} : vector<256x128xf32> to vector<256x32xf32>
    %logistic3A_1307 = arith.negf %slice3A_1306 : vector<256x32xf32>
    %logistic3A_1308 = math.exp %logistic3A_1307 : vector<256x32xf32>
    %logistic3A_1309 = arith.constant 1.000000e+00 : f32
    %logistic3A_1310 = vector.broadcast %logistic3A_1309 : f32 to vector<256x32xf32>
    %logistic3A_1311 = arith.addf %logistic3A_1310, %logistic3A_1308 : vector<256x32xf32>
    %logistic3A_1312 = arith.divf %logistic3A_1310, %logistic3A_1311 : vector<256x32xf32>
    %mul3A_1313 = arith.mulf %logistic3A_1303, %add3A_1268 : vector<256x32xf32>
    %mul3A_1314 = arith.mulf %logistic3A_1296, %tanh3A_1305 : vector<256x32xf32>
    %add3A_1315 = arith.addf %mul3A_1313, %mul3A_1314 : vector<256x32xf32>
    %tanh3A_1316 = math.tanh %add3A_1315 : vector<256x32xf32>
    %mul3A_1317 = arith.mulf %logistic3A_1312, %tanh3A_1316 : vector<256x32xf32>
    %mul3A_1318 = vector.broadcast %get3A_1277 : vector<256x1xf32> to vector<256x32xf32>
    %mul3A_1319 = arith.mulf %mul3A_1318, %mul3A_1317 : vector<256x32xf32>
    %sub3A_1320 = arith.constant 1.000000e+00 : f32
    %sub3A_1321 = vector.broadcast %sub3A_1320 : f32 to vector<256x1xf32>
    %sub3A_1322 = arith.subf %sub3A_1321, %get3A_1277 : vector<256x1xf32>
    %mul3A_1323 = vector.broadcast %sub3A_1322 : vector<256x1xf32> to vector<256x32xf32>
    %mul3A_1324 = arith.mulf %mul3A_1323, %add3A_1260 : vector<256x32xf32>
    %add3A_1325 = arith.addf %mul3A_1319, %mul3A_1324 : vector<256x32xf32>
    %mul3A_1326 = vector.broadcast %get3A_1277 : vector<256x1xf32> to vector<256x32xf32>
    %mul3A_1327 = arith.mulf %mul3A_1326, %add3A_1315 : vector<256x32xf32>
    %sub3A_1328 = arith.constant 1.000000e+00 : f32
    %sub3A_1329 = vector.broadcast %sub3A_1328 : f32 to vector<256x1xf32>
    %sub3A_1330 = arith.subf %sub3A_1329, %get3A_1277 : vector<256x1xf32>
    %mul3A_1331 = vector.broadcast %sub3A_1330 : vector<256x1xf32> to vector<256x32xf32>
    %mul3A_1332 = arith.mulf %mul3A_1331, %add3A_1268 : vector<256x32xf32>
    %add3A_1333 = arith.addf %mul3A_1327, %mul3A_1332 : vector<256x32xf32>
    %swap3A_1334 = arith.constant 7 : index
    %swap3A_1335 = arith.constant 0 : index
    %swap3A_1336 = arith.constant 0 : index
    %swap3A_1337 = vector.load %arg21[%swap3A_1334, %swap3A_1335, %swap3A_1336] : memref<20x256x32xf32, #tpu.memory_space<vmem>>, vector<1x256x32xf32>
    %swap3A_1338 = vector.shape_cast %swap3A_1337 : vector<1x256x32xf32> to vector<256x32xf32>
    %swap3A_1339 = vector.shape_cast %add3A_1325 : vector<256x32xf32> to vector<1x256x32xf32>
    tpu.vector_store %arg21[%swap3A_1334, %swap3A_1335, %swap3A_1336], %swap3A_1339 {strides = array<i32>} : memref<20x256x32xf32, #tpu.memory_space<vmem>>, vector<1x256x32xf32>,
    %get3A_1340 = arith.constant 0 : index
    %get3A_1341 = arith.constant 8 : index
    %get3A_1342 = vector.load %arg3[%get3A_1340, %get3A_1341] : memref<256x20xf32, #tpu.memory_space<vmem>>, vector<256x1xf32>
    %get3A_1343 = arith.constant 8 : index
    %get3A_1344 = arith.constant 0 : index
    %get3A_1345 = arith.constant 0 : index
    %get3A_1346 = vector.load %arg20[%get3A_1343, %get3A_1344, %get3A_1345] : memref<20x256x64xf32, #tpu.memory_space<vmem>>, vector<1x256x64xf32>
    %get3A_1347 = vector.shape_cast %get3A_1346 : vector<1x256x64xf32> to vector<256x64xf32>
    %dot_general3A_1348 = arith.constant dense<0.000000e+00> : vector<256x128xf32>
    %dot_general3A_1349 = tpu.matmul %get3A_1347, %get3A_814, %dot_general3A_1348 {dimension_numbers = #tpu.dot_dimension_numbers<[1], [0], [0], [1], [0, 0, 1, 1], [], []>, transpose_lhs_hint = false} : vector<256x64xf32>, vector<64x128xf32>, vector<256x128xf32> -> vector<256x128xf32>
    %dot_general3A_1350 = arith.constant dense<0.000000e+00> : vector<256x128xf32>
    %dot_general3A_1351 = tpu.matmul %add3A_1325, %get3A_817, %dot_general3A_1350 {dimension_numbers = #tpu.dot_dimension_numbers<[1], [0], [0], [1], [0, 0, 1, 1], [], []>, transpose_lhs_hint = false} : vector<256x32xf32>, vector<32x128xf32>, vector<256x128xf32> -> vector<256x128xf32>
    %add3A_1352 = arith.addf %dot_general3A_1349, %dot_general3A_1351 : vector<256x128xf32>
    %add3A_1353 = vector.broadcast %get3A_820 : vector<1x128xf32> to vector<256x128xf32>
    %add3A_1354 = arith.addf %add3A_1352, %add3A_1353 : vector<256x128xf32>
    %slice3A_1355 = vector.extract_strided_slice %add3A_1354 {offsets = [0, 0], sizes = [256, 32], strides = [1, 1]} : vector<256x128xf32> to vector<256x32xf32>
    %logistic3A_1356 = arith.negf %slice3A_1355 : vector<256x32xf32>
    %logistic3A_1357 = math.exp %logistic3A_1356 : vector<256x32xf32>
    %logistic3A_1358 = arith.constant 1.000000e+00 : f32
    %logistic3A_1359 = vector.broadcast %logistic3A_1358 : f32 to vector<256x32xf32>
    %logistic3A_1360 = arith.addf %logistic3A_1359, %logistic3A_1357 : vector<256x32xf32>
    %logistic3A_1361 = arith.divf %logistic3A_1359, %logistic3A_1360 : vector<256x32xf32>
    %slice3A_1362 = vector.extract_strided_slice %add3A_1354 {offsets = [0, 32], sizes = [256, 32], strides = [1, 1]} : vector<256x128xf32> to vector<256x32xf32>
    %logistic3A_1363 = arith.negf %slice3A_1362 : vector<256x32xf32>
    %logistic3A_1364 = math.exp %logistic3A_1363 : vector<256x32xf32>
    %logistic3A_1365 = arith.constant 1.000000e+00 : f32
    %logistic3A_1366 = vector.broadcast %logistic3A_1365 : f32 to vector<256x32xf32>
    %logistic3A_1367 = arith.addf %logistic3A_1366, %logistic3A_1364 : vector<256x32xf32>
    %logistic3A_1368 = arith.divf %logistic3A_1366, %logistic3A_1367 : vector<256x32xf32>
    %slice3A_1369 = vector.extract_strided_slice %add3A_1354 {offsets = [0, 64], sizes = [256, 32], strides = [1, 1]} : vector<256x128xf32> to vector<256x32xf32>
    %tanh3A_1370 = math.tanh %slice3A_1369 : vector<256x32xf32>
    %slice3A_1371 = vector.extract_strided_slice %add3A_1354 {offsets = [0, 96], sizes = [256, 32], strides = [1, 1]} : vector<256x128xf32> to vector<256x32xf32>
    %logistic3A_1372 = arith.negf %slice3A_1371 : vector<256x32xf32>
    %logistic3A_1373 = math.exp %logistic3A_1372 : vector<256x32xf32>
    %logistic3A_1374 = arith.constant 1.000000e+00 : f32
    %logistic3A_1375 = vector.broadcast %logistic3A_1374 : f32 to vector<256x32xf32>
    %logistic3A_1376 = arith.addf %logistic3A_1375, %logistic3A_1373 : vector<256x32xf32>
    %logistic3A_1377 = arith.divf %logistic3A_1375, %logistic3A_1376 : vector<256x32xf32>
    %mul3A_1378 = arith.mulf %logistic3A_1368, %add3A_1333 : vector<256x32xf32>
    %mul3A_1379 = arith.mulf %logistic3A_1361, %tanh3A_1370 : vector<256x32xf32>
    %add3A_1380 = arith.addf %mul3A_1378, %mul3A_1379 : vector<256x32xf32>
    %tanh3A_1381 = math.tanh %add3A_1380 : vector<256x32xf32>
    %mul3A_1382 = arith.mulf %logistic3A_1377, %tanh3A_1381 : vector<256x32xf32>
    %mul3A_1383 = vector.broadcast %get3A_1342 : vector<256x1xf32> to vector<256x32xf32>
    %mul3A_1384 = arith.mulf %mul3A_1383, %mul3A_1382 : vector<256x32xf32>
    %sub3A_1385 = arith.constant 1.000000e+00 : f32
    %sub3A_1386 = vector.broadcast %sub3A_1385 : f32 to vector<256x1xf32>
    %sub3A_1387 = arith.subf %sub3A_1386, %get3A_1342 : vector<256x1xf32>
    %mul3A_1388 = vector.broadcast %sub3A_1387 : vector<256x1xf32> to vector<256x32xf32>
    %mul3A_1389 = arith.mulf %mul3A_1388, %add3A_1325 : vector<256x32xf32>
    %add3A_1390 = arith.addf %mul3A_1384, %mul3A_1389 : vector<256x32xf32>
    %mul3A_1391 = vector.broadcast %get3A_1342 : vector<256x1xf32> to vector<256x32xf32>
    %mul3A_1392 = arith.mulf %mul3A_1391, %add3A_1380 : vector<256x32xf32>
    %sub3A_1393 = arith.constant 1.000000e+00 : f32
    %sub3A_1394 = vector.broadcast %sub3A_1393 : f32 to vector<256x1xf32>
    %sub3A_1395 = arith.subf %sub3A_1394, %get3A_1342 : vector<256x1xf32>
    %mul3A_1396 = vector.broadcast %sub3A_1395 : vector<256x1xf32> to vector<256x32xf32>
    %mul3A_1397 = arith.mulf %mul3A_1396, %add3A_1333 : vector<256x32xf32>
    %add3A_1398 = arith.addf %mul3A_1392, %mul3A_1397 : vector<256x32xf32>
    %swap3A_1399 = arith.constant 8 : index
    %swap3A_1400 = arith.constant 0 : index
    %swap3A_1401 = arith.constant 0 : index
    %swap3A_1402 = vector.load %arg21[%swap3A_1399, %swap3A_1400, %swap3A_1401] : memref<20x256x32xf32, #tpu.memory_space<vmem>>, vector<1x256x32xf32>
    %swap3A_1403 = vector.shape_cast %swap3A_1402 : vector<1x256x32xf32> to vector<256x32xf32>
    %swap3A_1404 = vector.shape_cast %add3A_1390 : vector<256x32xf32> to vector<1x256x32xf32>
    tpu.vector_store %arg21[%swap3A_1399, %swap3A_1400, %swap3A_1401], %swap3A_1404 {strides = array<i32>} : memref<20x256x32xf32, #tpu.memory_space<vmem>>, vector<1x256x32xf32>,
    %get3A_1405 = arith.constant 0 : index
    %get3A_1406 = arith.constant 9 : index
    %get3A_1407 = vector.load %arg3[%get3A_1405, %get3A_1406] : memref<256x20xf32, #tpu.memory_space<vmem>>, vector<256x1xf32>
    %get3A_1408 = arith.constant 9 : index
    %get3A_1409 = arith.constant 0 : index
    %get3A_1410 = arith.constant 0 : index
    %get3A_1411 = vector.load %arg20[%get3A_1408, %get3A_1409, %get3A_1410] : memref<20x256x64xf32, #tpu.memory_space<vmem>>, vector<1x256x64xf32>
    %get3A_1412 = vector.shape_cast %get3A_1411 : vector<1x256x64xf32> to vector<256x64xf32>
    %dot_general3A_1413 = arith.constant dense<0.000000e+00> : vector<256x128xf32>
    %dot_general3A_1414 = tpu.matmul %get3A_1412, %get3A_814, %dot_general3A_1413 {dimension_numbers = #tpu.dot_dimension_numbers<[1], [0], [0], [1], [0, 0, 1, 1], [], []>, transpose_lhs_hint = false} : vector<256x64xf32>, vector<64x128xf32>, vector<256x128xf32> -> vector<256x128xf32>
    %dot_general3A_1415 = arith.constant dense<0.000000e+00> : vector<256x128xf32>
    %dot_general3A_1416 = tpu.matmul %add3A_1390, %get3A_817, %dot_general3A_1415 {dimension_numbers = #tpu.dot_dimension_numbers<[1], [0], [0], [1], [0, 0, 1, 1], [], []>, transpose_lhs_hint = false} : vector<256x32xf32>, vector<32x128xf32>, vector<256x128xf32> -> vector<256x128xf32>
    %add3A_1417 = arith.addf %dot_general3A_1414, %dot_general3A_1416 : vector<256x128xf32>
    %add3A_1418 = vector.broadcast %get3A_820 : vector<1x128xf32> to vector<256x128xf32>
    %add3A_1419 = arith.addf %add3A_1417, %add3A_1418 : vector<256x128xf32>
    %slice3A_1420 = vector.extract_strided_slice %add3A_1419 {offsets = [0, 0], sizes = [256, 32], strides = [1, 1]} : vector<256x128xf32> to vector<256x32xf32>
    %logistic3A_1421 = arith.negf %slice3A_1420 : vector<256x32xf32>
    %logistic3A_1422 = math.exp %logistic3A_1421 : vector<256x32xf32>
    %logistic3A_1423 = arith.constant 1.000000e+00 : f32
    %logistic3A_1424 = vector.broadcast %logistic3A_1423 : f32 to vector<256x32xf32>
    %logistic3A_1425 = arith.addf %logistic3A_1424, %logistic3A_1422 : vector<256x32xf32>
    %logistic3A_1426 = arith.divf %logistic3A_1424, %logistic3A_1425 : vector<256x32xf32>
    %slice3A_1427 = vector.extract_strided_slice %add3A_1419 {offsets = [0, 32], sizes = [256, 32], strides = [1, 1]} : vector<256x128xf32> to vector<256x32xf32>
    %logistic3A_1428 = arith.negf %slice3A_1427 : vector<256x32xf32>
    %logistic3A_1429 = math.exp %logistic3A_1428 : vector<256x32xf32>
    %logistic3A_1430 = arith.constant 1.000000e+00 : f32
    %logistic3A_1431 = vector.broadcast %logistic3A_1430 : f32 to vector<256x32xf32>
    %logistic3A_1432 = arith.addf %logistic3A_1431, %logistic3A_1429 : vector<256x32xf32>
    %logistic3A_1433 = arith.divf %logistic3A_1431, %logistic3A_1432 : vector<256x32xf32>
    %slice3A_1434 = vector.extract_strided_slice %add3A_1419 {offsets = [0, 64], sizes = [256, 32], strides = [1, 1]} : vector<256x128xf32> to vector<256x32xf32>
    %tanh3A_1435 = math.tanh %slice3A_1434 : vector<256x32xf32>
    %slice3A_1436 = vector.extract_strided_slice %add3A_1419 {offsets = [0, 96], sizes = [256, 32], strides = [1, 1]} : vector<256x128xf32> to vector<256x32xf32>
    %logistic3A_1437 = arith.negf %slice3A_1436 : vector<256x32xf32>
    %logistic3A_1438 = math.exp %logistic3A_1437 : vector<256x32xf32>
    %logistic3A_1439 = arith.constant 1.000000e+00 : f32
    %logistic3A_1440 = vector.broadcast %logistic3A_1439 : f32 to vector<256x32xf32>
    %logistic3A_1441 = arith.addf %logistic3A_1440, %logistic3A_1438 : vector<256x32xf32>
    %logistic3A_1442 = arith.divf %logistic3A_1440, %logistic3A_1441 : vector<256x32xf32>
    %mul3A_1443 = arith.mulf %logistic3A_1433, %add3A_1398 : vector<256x32xf32>
    %mul3A_1444 = arith.mulf %logistic3A_1426, %tanh3A_1435 : vector<256x32xf32>
    %add3A_1445 = arith.addf %mul3A_1443, %mul3A_1444 : vector<256x32xf32>
    %tanh3A_1446 = math.tanh %add3A_1445 : vector<256x32xf32>
    %mul3A_1447 = arith.mulf %logistic3A_1442, %tanh3A_1446 : vector<256x32xf32>
    %mul3A_1448 = vector.broadcast %get3A_1407 : vector<256x1xf32> to vector<256x32xf32>
    %mul3A_1449 = arith.mulf %mul3A_1448, %mul3A_1447 : vector<256x32xf32>
    %sub3A_1450 = arith.constant 1.000000e+00 : f32
    %sub3A_1451 = vector.broadcast %sub3A_1450 : f32 to vector<256x1xf32>
    %sub3A_1452 = arith.subf %sub3A_1451, %get3A_1407 : vector<256x1xf32>
    %mul3A_1453 = vector.broadcast %sub3A_1452 : vector<256x1xf32> to vector<256x32xf32>
    %mul3A_1454 = arith.mulf %mul3A_1453, %add3A_1390 : vector<256x32xf32>
    %add3A_1455 = arith.addf %mul3A_1449, %mul3A_1454 : vector<256x32xf32>
    %mul3A_1456 = vector.broadcast %get3A_1407 : vector<256x1xf32> to vector<256x32xf32>
    %mul3A_1457 = arith.mulf %mul3A_1456, %add3A_1445 : vector<256x32xf32>
    %sub3A_1458 = arith.constant 1.000000e+00 : f32
    %sub3A_1459 = vector.broadcast %sub3A_1458 : f32 to vector<256x1xf32>
    %sub3A_1460 = arith.subf %sub3A_1459, %get3A_1407 : vector<256x1xf32>
    %mul3A_1461 = vector.broadcast %sub3A_1460 : vector<256x1xf32> to vector<256x32xf32>
    %mul3A_1462 = arith.mulf %mul3A_1461, %add3A_1398 : vector<256x32xf32>
    %add3A_1463 = arith.addf %mul3A_1457, %mul3A_1462 : vector<256x32xf32>
    %swap3A_1464 = arith.constant 9 : index
    %swap3A_1465 = arith.constant 0 : index
    %swap3A_1466 = arith.constant 0 : index
    %swap3A_1467 = vector.load %arg21[%swap3A_1464, %swap3A_1465, %swap3A_1466] : memref<20x256x32xf32, #tpu.memory_space<vmem>>, vector<1x256x32xf32>
    %swap3A_1468 = vector.shape_cast %swap3A_1467 : vector<1x256x32xf32> to vector<256x32xf32>
    %swap3A_1469 = vector.shape_cast %add3A_1455 : vector<256x32xf32> to vector<1x256x32xf32>
    tpu.vector_store %arg21[%swap3A_1464, %swap3A_1465, %swap3A_1466], %swap3A_1469 {strides = array<i32>} : memref<20x256x32xf32, #tpu.memory_space<vmem>>, vector<1x256x32xf32>,
    %get3A_1470 = arith.constant 0 : index
    %get3A_1471 = arith.constant 10 : index
    %get3A_1472 = vector.load %arg3[%get3A_1470, %get3A_1471] : memref<256x20xf32, #tpu.memory_space<vmem>>, vector<256x1xf32>
    %get3A_1473 = arith.constant 10 : index
    %get3A_1474 = arith.constant 0 : index
    %get3A_1475 = arith.constant 0 : index
    %get3A_1476 = vector.load %arg20[%get3A_1473, %get3A_1474, %get3A_1475] : memref<20x256x64xf32, #tpu.memory_space<vmem>>, vector<1x256x64xf32>
    %get3A_1477 = vector.shape_cast %get3A_1476 : vector<1x256x64xf32> to vector<256x64xf32>
    %dot_general3A_1478 = arith.constant dense<0.000000e+00> : vector<256x128xf32>
    %dot_general3A_1479 = tpu.matmul %get3A_1477, %get3A_814, %dot_general3A_1478 {dimension_numbers = #tpu.dot_dimension_numbers<[1], [0], [0], [1], [0, 0, 1, 1], [], []>, transpose_lhs_hint = false} : vector<256x64xf32>, vector<64x128xf32>, vector<256x128xf32> -> vector<256x128xf32>
    %dot_general3A_1480 = arith.constant dense<0.000000e+00> : vector<256x128xf32>
    %dot_general3A_1481 = tpu.matmul %add3A_1455, %get3A_817, %dot_general3A_1480 {dimension_numbers = #tpu.dot_dimension_numbers<[1], [0], [0], [1], [0, 0, 1, 1], [], []>, transpose_lhs_hint = false} : vector<256x32xf32>, vector<32x128xf32>, vector<256x128xf32> -> vector<256x128xf32>
    %add3A_1482 = arith.addf %dot_general3A_1479, %dot_general3A_1481 : vector<256x128xf32>
    %add3A_1483 = vector.broadcast %get3A_820 : vector<1x128xf32> to vector<256x128xf32>
    %add3A_1484 = arith.addf %add3A_1482, %add3A_1483 : vector<256x128xf32>
    %slice3A_1485 = vector.extract_strided_slice %add3A_1484 {offsets = [0, 0], sizes = [256, 32], strides = [1, 1]} : vector<256x128xf32> to vector<256x32xf32>
    %logistic3A_1486 = arith.negf %slice3A_1485 : vector<256x32xf32>
    %logistic3A_1487 = math.exp %logistic3A_1486 : vector<256x32xf32>
    %logistic3A_1488 = arith.constant 1.000000e+00 : f32
    %logistic3A_1489 = vector.broadcast %logistic3A_1488 : f32 to vector<256x32xf32>
    %logistic3A_1490 = arith.addf %logistic3A_1489, %logistic3A_1487 : vector<256x32xf32>
    %logistic3A_1491 = arith.divf %logistic3A_1489, %logistic3A_1490 : vector<256x32xf32>
    %slice3A_1492 = vector.extract_strided_slice %add3A_1484 {offsets = [0, 32], sizes = [256, 32], strides = [1, 1]} : vector<256x128xf32> to vector<256x32xf32>
    %logistic3A_1493 = arith.negf %slice3A_1492 : vector<256x32xf32>
    %logistic3A_1494 = math.exp %logistic3A_1493 : vector<256x32xf32>
    %logistic3A_1495 = arith.constant 1.000000e+00 : f32
    %logistic3A_1496 = vector.broadcast %logistic3A_1495 : f32 to vector<256x32xf32>
    %logistic3A_1497 = arith.addf %logistic3A_1496, %logistic3A_1494 : vector<256x32xf32>
    %logistic3A_1498 = arith.divf %logistic3A_1496, %logistic3A_1497 : vector<256x32xf32>
    %slice3A_1499 = vector.extract_strided_slice %add3A_1484 {offsets = [0, 64], sizes = [256, 32], strides = [1, 1]} : vector<256x128xf32> to vector<256x32xf32>
    %tanh3A_1500 = math.tanh %slice3A_1499 : vector<256x32xf32>
    %slice3A_1501 = vector.extract_strided_slice %add3A_1484 {offsets = [0, 96], sizes = [256, 32], strides = [1, 1]} : vector<256x128xf32> to vector<256x32xf32>
    %logistic3A_1502 = arith.negf %slice3A_1501 : vector<256x32xf32>
    %logistic3A_1503 = math.exp %logistic3A_1502 : vector<256x32xf32>
    %logistic3A_1504 = arith.constant 1.000000e+00 : f32
    %logistic3A_1505 = vector.broadcast %logistic3A_1504 : f32 to vector<256x32xf32>
    %logistic3A_1506 = arith.addf %logistic3A_1505, %logistic3A_1503 : vector<256x32xf32>
    %logistic3A_1507 = arith.divf %logistic3A_1505, %logistic3A_1506 : vector<256x32xf32>
    %mul3A_1508 = arith.mulf %logistic3A_1498, %add3A_1463 : vector<256x32xf32>
    %mul3A_1509 = arith.mulf %logistic3A_1491, %tanh3A_1500 : vector<256x32xf32>
    %add3A_1510 = arith.addf %mul3A_1508, %mul3A_1509 : vector<256x32xf32>
    %tanh3A_1511 = math.tanh %add3A_1510 : vector<256x32xf32>
    %mul3A_1512 = arith.mulf %logistic3A_1507, %tanh3A_1511 : vector<256x32xf32>
    %mul3A_1513 = vector.broadcast %get3A_1472 : vector<256x1xf32> to vector<256x32xf32>
    %mul3A_1514 = arith.mulf %mul3A_1513, %mul3A_1512 : vector<256x32xf32>
    %sub3A_1515 = arith.constant 1.000000e+00 : f32
    %sub3A_1516 = vector.broadcast %sub3A_1515 : f32 to vector<256x1xf32>
    %sub3A_1517 = arith.subf %sub3A_1516, %get3A_1472 : vector<256x1xf32>
    %mul3A_1518 = vector.broadcast %sub3A_1517 : vector<256x1xf32> to vector<256x32xf32>
    %mul3A_1519 = arith.mulf %mul3A_1518, %add3A_1455 : vector<256x32xf32>
    %add3A_1520 = arith.addf %mul3A_1514, %mul3A_1519 : vector<256x32xf32>
    %mul3A_1521 = vector.broadcast %get3A_1472 : vector<256x1xf32> to vector<256x32xf32>
    %mul3A_1522 = arith.mulf %mul3A_1521, %add3A_1510 : vector<256x32xf32>
    %sub3A_1523 = arith.constant 1.000000e+00 : f32
    %sub3A_1524 = vector.broadcast %sub3A_1523 : f32 to vector<256x1xf32>
    %sub3A_1525 = arith.subf %sub3A_1524, %get3A_1472 : vector<256x1xf32>
    %mul3A_1526 = vector.broadcast %sub3A_1525 : vector<256x1xf32> to vector<256x32xf32>
    %mul3A_1527 = arith.mulf %mul3A_1526, %add3A_1463 : vector<256x32xf32>
    %add3A_1528 = arith.addf %mul3A_1522, %mul3A_1527 : vector<256x32xf32>
    %swap3A_1529 = arith.constant 10 : index
    %swap3A_1530 = arith.constant 0 : index
    %swap3A_1531 = arith.constant 0 : index
    %swap3A_1532 = vector.load %arg21[%swap3A_1529, %swap3A_1530, %swap3A_1531] : memref<20x256x32xf32, #tpu.memory_space<vmem>>, vector<1x256x32xf32>
    %swap3A_1533 = vector.shape_cast %swap3A_1532 : vector<1x256x32xf32> to vector<256x32xf32>
    %swap3A_1534 = vector.shape_cast %add3A_1520 : vector<256x32xf32> to vector<1x256x32xf32>
    tpu.vector_store %arg21[%swap3A_1529, %swap3A_1530, %swap3A_1531], %swap3A_1534 {strides = array<i32>} : memref<20x256x32xf32, #tpu.memory_space<vmem>>, vector<1x256x32xf32>,
    %get3A_1535 = arith.constant 0 : index
    %get3A_1536 = arith.constant 11 : index
    %get3A_1537 = vector.load %arg3[%get3A_1535, %get3A_1536] : memref<256x20xf32, #tpu.memory_space<vmem>>, vector<256x1xf32>
    %get3A_1538 = arith.constant 11 : index
    %get3A_1539 = arith.constant 0 : index
    %get3A_1540 = arith.constant 0 : index
    %get3A_1541 = vector.load %arg20[%get3A_1538, %get3A_1539, %get3A_1540] : memref<20x256x64xf32, #tpu.memory_space<vmem>>, vector<1x256x64xf32>
    %get3A_1542 = vector.shape_cast %get3A_1541 : vector<1x256x64xf32> to vector<256x64xf32>
    %dot_general3A_1543 = arith.constant dense<0.000000e+00> : vector<256x128xf32>
    %dot_general3A_1544 = tpu.matmul %get3A_1542, %get3A_814, %dot_general3A_1543 {dimension_numbers = #tpu.dot_dimension_numbers<[1], [0], [0], [1], [0, 0, 1, 1], [], []>, transpose_lhs_hint = false} : vector<256x64xf32>, vector<64x128xf32>, vector<256x128xf32> -> vector<256x128xf32>
    %dot_general3A_1545 = arith.constant dense<0.000000e+00> : vector<256x128xf32>
    %dot_general3A_1546 = tpu.matmul %add3A_1520, %get3A_817, %dot_general3A_1545 {dimension_numbers = #tpu.dot_dimension_numbers<[1], [0], [0], [1], [0, 0, 1, 1], [], []>, transpose_lhs_hint = false} : vector<256x32xf32>, vector<32x128xf32>, vector<256x128xf32> -> vector<256x128xf32>
    %add3A_1547 = arith.addf %dot_general3A_1544, %dot_general3A_1546 : vector<256x128xf32>
    %add3A_1548 = vector.broadcast %get3A_820 : vector<1x128xf32> to vector<256x128xf32>
    %add3A_1549 = arith.addf %add3A_1547, %add3A_1548 : vector<256x128xf32>
    %slice3A_1550 = vector.extract_strided_slice %add3A_1549 {offsets = [0, 0], sizes = [256, 32], strides = [1, 1]} : vector<256x128xf32> to vector<256x32xf32>
    %logistic3A_1551 = arith.negf %slice3A_1550 : vector<256x32xf32>
    %logistic3A_1552 = math.exp %logistic3A_1551 : vector<256x32xf32>
    %logistic3A_1553 = arith.constant 1.000000e+00 : f32
    %logistic3A_1554 = vector.broadcast %logistic3A_1553 : f32 to vector<256x32xf32>
    %logistic3A_1555 = arith.addf %logistic3A_1554, %logistic3A_1552 : vector<256x32xf32>
    %logistic3A_1556 = arith.divf %logistic3A_1554, %logistic3A_1555 : vector<256x32xf32>
    %slice3A_1557 = vector.extract_strided_slice %add3A_1549 {offsets = [0, 32], sizes = [256, 32], strides = [1, 1]} : vector<256x128xf32> to vector<256x32xf32>
    %logistic3A_1558 = arith.negf %slice3A_1557 : vector<256x32xf32>
    %logistic3A_1559 = math.exp %logistic3A_1558 : vector<256x32xf32>
    %logistic3A_1560 = arith.constant 1.000000e+00 : f32
    %logistic3A_1561 = vector.broadcast %logistic3A_1560 : f32 to vector<256x32xf32>
    %logistic3A_1562 = arith.addf %logistic3A_1561, %logistic3A_1559 : vector<256x32xf32>
    %logistic3A_1563 = arith.divf %logistic3A_1561, %logistic3A_1562 : vector<256x32xf32>
    %slice3A_1564 = vector.extract_strided_slice %add3A_1549 {offsets = [0, 64], sizes = [256, 32], strides = [1, 1]} : vector<256x128xf32> to vector<256x32xf32>
    %tanh3A_1565 = math.tanh %slice3A_1564 : vector<256x32xf32>
    %slice3A_1566 = vector.extract_strided_slice %add3A_1549 {offsets = [0, 96], sizes = [256, 32], strides = [1, 1]} : vector<256x128xf32> to vector<256x32xf32>
    %logistic3A_1567 = arith.negf %slice3A_1566 : vector<256x32xf32>
    %logistic3A_1568 = math.exp %logistic3A_1567 : vector<256x32xf32>
    %logistic3A_1569 = arith.constant 1.000000e+00 : f32
    %logistic3A_1570 = vector.broadcast %logistic3A_1569 : f32 to vector<256x32xf32>
    %logistic3A_1571 = arith.addf %logistic3A_1570, %logistic3A_1568 : vector<256x32xf32>
    %logistic3A_1572 = arith.divf %logistic3A_1570, %logistic3A_1571 : vector<256x32xf32>
    %mul3A_1573 = arith.mulf %logistic3A_1563, %add3A_1528 : vector<256x32xf32>
    %mul3A_1574 = arith.mulf %logistic3A_1556, %tanh3A_1565 : vector<256x32xf32>
    %add3A_1575 = arith.addf %mul3A_1573, %mul3A_1574 : vector<256x32xf32>
    %tanh3A_1576 = math.tanh %add3A_1575 : vector<256x32xf32>
    %mul3A_1577 = arith.mulf %logistic3A_1572, %tanh3A_1576 : vector<256x32xf32>
    %mul3A_1578 = vector.broadcast %get3A_1537 : vector<256x1xf32> to vector<256x32xf32>
    %mul3A_1579 = arith.mulf %mul3A_1578, %mul3A_1577 : vector<256x32xf32>
    %sub3A_1580 = arith.constant 1.000000e+00 : f32
    %sub3A_1581 = vector.broadcast %sub3A_1580 : f32 to vector<256x1xf32>
    %sub3A_1582 = arith.subf %sub3A_1581, %get3A_1537 : vector<256x1xf32>
    %mul3A_1583 = vector.broadcast %sub3A_1582 : vector<256x1xf32> to vector<256x32xf32>
    %mul3A_1584 = arith.mulf %mul3A_1583, %add3A_1520 : vector<256x32xf32>
    %add3A_1585 = arith.addf %mul3A_1579, %mul3A_1584 : vector<256x32xf32>
    %mul3A_1586 = vector.broadcast %get3A_1537 : vector<256x1xf32> to vector<256x32xf32>
    %mul3A_1587 = arith.mulf %mul3A_1586, %add3A_1575 : vector<256x32xf32>
    %sub3A_1588 = arith.constant 1.000000e+00 : f32
    %sub3A_1589 = vector.broadcast %sub3A_1588 : f32 to vector<256x1xf32>
    %sub3A_1590 = arith.subf %sub3A_1589, %get3A_1537 : vector<256x1xf32>
    %mul3A_1591 = vector.broadcast %sub3A_1590 : vector<256x1xf32> to vector<256x32xf32>
    %mul3A_1592 = arith.mulf %mul3A_1591, %add3A_1528 : vector<256x32xf32>
    %add3A_1593 = arith.addf %mul3A_1587, %mul3A_1592 : vector<256x32xf32>
    %swap3A_1594 = arith.constant 11 : index
    %swap3A_1595 = arith.constant 0 : index
    %swap3A_1596 = arith.constant 0 : index
    %swap3A_1597 = vector.load %arg21[%swap3A_1594, %swap3A_1595, %swap3A_1596] : memref<20x256x32xf32, #tpu.memory_space<vmem>>, vector<1x256x32xf32>
    %swap3A_1598 = vector.shape_cast %swap3A_1597 : vector<1x256x32xf32> to vector<256x32xf32>
    %swap3A_1599 = vector.shape_cast %add3A_1585 : vector<256x32xf32> to vector<1x256x32xf32>
    tpu.vector_store %arg21[%swap3A_1594, %swap3A_1595, %swap3A_1596], %swap3A_1599 {strides = array<i32>} : memref<20x256x32xf32, #tpu.memory_space<vmem>>, vector<1x256x32xf32>,
    %get3A_1600 = arith.constant 0 : index
    %get3A_1601 = arith.constant 12 : index
    %get3A_1602 = vector.load %arg3[%get3A_1600, %get3A_1601] : memref<256x20xf32, #tpu.memory_space<vmem>>, vector<256x1xf32>
    %get3A_1603 = arith.constant 12 : index
    %get3A_1604 = arith.constant 0 : index
    %get3A_1605 = arith.constant 0 : index
    %get3A_1606 = vector.load %arg20[%get3A_1603, %get3A_1604, %get3A_1605] : memref<20x256x64xf32, #tpu.memory_space<vmem>>, vector<1x256x64xf32>
    %get3A_1607 = vector.shape_cast %get3A_1606 : vector<1x256x64xf32> to vector<256x64xf32>
    %dot_general3A_1608 = arith.constant dense<0.000000e+00> : vector<256x128xf32>
    %dot_general3A_1609 = tpu.matmul %get3A_1607, %get3A_814, %dot_general3A_1608 {dimension_numbers = #tpu.dot_dimension_numbers<[1], [0], [0], [1], [0, 0, 1, 1], [], []>, transpose_lhs_hint = false} : vector<256x64xf32>, vector<64x128xf32>, vector<256x128xf32> -> vector<256x128xf32>
    %dot_general3A_1610 = arith.constant dense<0.000000e+00> : vector<256x128xf32>
    %dot_general3A_1611 = tpu.matmul %add3A_1585, %get3A_817, %dot_general3A_1610 {dimension_numbers = #tpu.dot_dimension_numbers<[1], [0], [0], [1], [0, 0, 1, 1], [], []>, transpose_lhs_hint = false} : vector<256x32xf32>, vector<32x128xf32>, vector<256x128xf32> -> vector<256x128xf32>
    %add3A_1612 = arith.addf %dot_general3A_1609, %dot_general3A_1611 : vector<256x128xf32>
    %add3A_1613 = vector.broadcast %get3A_820 : vector<1x128xf32> to vector<256x128xf32>
    %add3A_1614 = arith.addf %add3A_1612, %add3A_1613 : vector<256x128xf32>
    %slice3A_1615 = vector.extract_strided_slice %add3A_1614 {offsets = [0, 0], sizes = [256, 32], strides = [1, 1]} : vector<256x128xf32> to vector<256x32xf32>
    %logistic3A_1616 = arith.negf %slice3A_1615 : vector<256x32xf32>
    %logistic3A_1617 = math.exp %logistic3A_1616 : vector<256x32xf32>
    %logistic3A_1618 = arith.constant 1.000000e+00 : f32
    %logistic3A_1619 = vector.broadcast %logistic3A_1618 : f32 to vector<256x32xf32>
    %logistic3A_1620 = arith.addf %logistic3A_1619, %logistic3A_1617 : vector<256x32xf32>
    %logistic3A_1621 = arith.divf %logistic3A_1619, %logistic3A_1620 : vector<256x32xf32>
    %slice3A_1622 = vector.extract_strided_slice %add3A_1614 {offsets = [0, 32], sizes = [256, 32], strides = [1, 1]} : vector<256x128xf32> to vector<256x32xf32>
    %logistic3A_1623 = arith.negf %slice3A_1622 : vector<256x32xf32>
    %logistic3A_1624 = math.exp %logistic3A_1623 : vector<256x32xf32>
    %logistic3A_1625 = arith.constant 1.000000e+00 : f32
    %logistic3A_1626 = vector.broadcast %logistic3A_1625 : f32 to vector<256x32xf32>
    %logistic3A_1627 = arith.addf %logistic3A_1626, %logistic3A_1624 : vector<256x32xf32>
    %logistic3A_1628 = arith.divf %logistic3A_1626, %logistic3A_1627 : vector<256x32xf32>
    %slice3A_1629 = vector.extract_strided_slice %add3A_1614 {offsets = [0, 64], sizes = [256, 32], strides = [1, 1]} : vector<256x128xf32> to vector<256x32xf32>
    %tanh3A_1630 = math.tanh %slice3A_1629 : vector<256x32xf32>
    %slice3A_1631 = vector.extract_strided_slice %add3A_1614 {offsets = [0, 96], sizes = [256, 32], strides = [1, 1]} : vector<256x128xf32> to vector<256x32xf32>
    %logistic3A_1632 = arith.negf %slice3A_1631 : vector<256x32xf32>
    %logistic3A_1633 = math.exp %logistic3A_1632 : vector<256x32xf32>
    %logistic3A_1634 = arith.constant 1.000000e+00 : f32
    %logistic3A_1635 = vector.broadcast %logistic3A_1634 : f32 to vector<256x32xf32>
    %logistic3A_1636 = arith.addf %logistic3A_1635, %logistic3A_1633 : vector<256x32xf32>
    %logistic3A_1637 = arith.divf %logistic3A_1635, %logistic3A_1636 : vector<256x32xf32>
    %mul3A_1638 = arith.mulf %logistic3A_1628, %add3A_1593 : vector<256x32xf32>
    %mul3A_1639 = arith.mulf %logistic3A_1621, %tanh3A_1630 : vector<256x32xf32>
    %add3A_1640 = arith.addf %mul3A_1638, %mul3A_1639 : vector<256x32xf32>
    %tanh3A_1641 = math.tanh %add3A_1640 : vector<256x32xf32>
    %mul3A_1642 = arith.mulf %logistic3A_1637, %tanh3A_1641 : vector<256x32xf32>
    %mul3A_1643 = vector.broadcast %get3A_1602 : vector<256x1xf32> to vector<256x32xf32>
    %mul3A_1644 = arith.mulf %mul3A_1643, %mul3A_1642 : vector<256x32xf32>
    %sub3A_1645 = arith.constant 1.000000e+00 : f32
    %sub3A_1646 = vector.broadcast %sub3A_1645 : f32 to vector<256x1xf32>
    %sub3A_1647 = arith.subf %sub3A_1646, %get3A_1602 : vector<256x1xf32>
    %mul3A_1648 = vector.broadcast %sub3A_1647 : vector<256x1xf32> to vector<256x32xf32>
    %mul3A_1649 = arith.mulf %mul3A_1648, %add3A_1585 : vector<256x32xf32>
    %add3A_1650 = arith.addf %mul3A_1644, %mul3A_1649 : vector<256x32xf32>
    %mul3A_1651 = vector.broadcast %get3A_1602 : vector<256x1xf32> to vector<256x32xf32>
    %mul3A_1652 = arith.mulf %mul3A_1651, %add3A_1640 : vector<256x32xf32>
    %sub3A_1653 = arith.constant 1.000000e+00 : f32
    %sub3A_1654 = vector.broadcast %sub3A_1653 : f32 to vector<256x1xf32>
    %sub3A_1655 = arith.subf %sub3A_1654, %get3A_1602 : vector<256x1xf32>
    %mul3A_1656 = vector.broadcast %sub3A_1655 : vector<256x1xf32> to vector<256x32xf32>
    %mul3A_1657 = arith.mulf %mul3A_1656, %add3A_1593 : vector<256x32xf32>
    %add3A_1658 = arith.addf %mul3A_1652, %mul3A_1657 : vector<256x32xf32>
    %swap3A_1659 = arith.constant 12 : index
    %swap3A_1660 = arith.constant 0 : index
    %swap3A_1661 = arith.constant 0 : index
    %swap3A_1662 = vector.load %arg21[%swap3A_1659, %swap3A_1660, %swap3A_1661] : memref<20x256x32xf32, #tpu.memory_space<vmem>>, vector<1x256x32xf32>
    %swap3A_1663 = vector.shape_cast %swap3A_1662 : vector<1x256x32xf32> to vector<256x32xf32>
    %swap3A_1664 = vector.shape_cast %add3A_1650 : vector<256x32xf32> to vector<1x256x32xf32>
    tpu.vector_store %arg21[%swap3A_1659, %swap3A_1660, %swap3A_1661], %swap3A_1664 {strides = array<i32>} : memref<20x256x32xf32, #tpu.memory_space<vmem>>, vector<1x256x32xf32>,
    %get3A_1665 = arith.constant 0 : index
    %get3A_1666 = arith.constant 13 : index
    %get3A_1667 = vector.load %arg3[%get3A_1665, %get3A_1666] : memref<256x20xf32, #tpu.memory_space<vmem>>, vector<256x1xf32>
    %get3A_1668 = arith.constant 13 : index
    %get3A_1669 = arith.constant 0 : index
    %get3A_1670 = arith.constant 0 : index
    %get3A_1671 = vector.load %arg20[%get3A_1668, %get3A_1669, %get3A_1670] : memref<20x256x64xf32, #tpu.memory_space<vmem>>, vector<1x256x64xf32>
    %get3A_1672 = vector.shape_cast %get3A_1671 : vector<1x256x64xf32> to vector<256x64xf32>
    %dot_general3A_1673 = arith.constant dense<0.000000e+00> : vector<256x128xf32>
    %dot_general3A_1674 = tpu.matmul %get3A_1672, %get3A_814, %dot_general3A_1673 {dimension_numbers = #tpu.dot_dimension_numbers<[1], [0], [0], [1], [0, 0, 1, 1], [], []>, transpose_lhs_hint = false} : vector<256x64xf32>, vector<64x128xf32>, vector<256x128xf32> -> vector<256x128xf32>
    %dot_general3A_1675 = arith.constant dense<0.000000e+00> : vector<256x128xf32>
    %dot_general3A_1676 = tpu.matmul %add3A_1650, %get3A_817, %dot_general3A_1675 {dimension_numbers = #tpu.dot_dimension_numbers<[1], [0], [0], [1], [0, 0, 1, 1], [], []>, transpose_lhs_hint = false} : vector<256x32xf32>, vector<32x128xf32>, vector<256x128xf32> -> vector<256x128xf32>
    %add3A_1677 = arith.addf %dot_general3A_1674, %dot_general3A_1676 : vector<256x128xf32>
    %add3A_1678 = vector.broadcast %get3A_820 : vector<1x128xf32> to vector<256x128xf32>
    %add3A_1679 = arith.addf %add3A_1677, %add3A_1678 : vector<256x128xf32>
    %slice3A_1680 = vector.extract_strided_slice %add3A_1679 {offsets = [0, 0], sizes = [256, 32], strides = [1, 1]} : vector<256x128xf32> to vector<256x32xf32>
    %logistic3A_1681 = arith.negf %slice3A_1680 : vector<256x32xf32>
    %logistic3A_1682 = math.exp %logistic3A_1681 : vector<256x32xf32>
    %logistic3A_1683 = arith.constant 1.000000e+00 : f32
    %logistic3A_1684 = vector.broadcast %logistic3A_1683 : f32 to vector<256x32xf32>
    %logistic3A_1685 = arith.addf %logistic3A_1684, %logistic3A_1682 : vector<256x32xf32>
    %logistic3A_1686 = arith.divf %logistic3A_1684, %logistic3A_1685 : vector<256x32xf32>
    %slice3A_1687 = vector.extract_strided_slice %add3A_1679 {offsets = [0, 32], sizes = [256, 32], strides = [1, 1]} : vector<256x128xf32> to vector<256x32xf32>
    %logistic3A_1688 = arith.negf %slice3A_1687 : vector<256x32xf32>
    %logistic3A_1689 = math.exp %logistic3A_1688 : vector<256x32xf32>
    %logistic3A_1690 = arith.constant 1.000000e+00 : f32
    %logistic3A_1691 = vector.broadcast %logistic3A_1690 : f32 to vector<256x32xf32>
    %logistic3A_1692 = arith.addf %logistic3A_1691, %logistic3A_1689 : vector<256x32xf32>
    %logistic3A_1693 = arith.divf %logistic3A_1691, %logistic3A_1692 : vector<256x32xf32>
    %slice3A_1694 = vector.extract_strided_slice %add3A_1679 {offsets = [0, 64], sizes = [256, 32], strides = [1, 1]} : vector<256x128xf32> to vector<256x32xf32>
    %tanh3A_1695 = math.tanh %slice3A_1694 : vector<256x32xf32>
    %slice3A_1696 = vector.extract_strided_slice %add3A_1679 {offsets = [0, 96], sizes = [256, 32], strides = [1, 1]} : vector<256x128xf32> to vector<256x32xf32>
    %logistic3A_1697 = arith.negf %slice3A_1696 : vector<256x32xf32>
    %logistic3A_1698 = math.exp %logistic3A_1697 : vector<256x32xf32>
    %logistic3A_1699 = arith.constant 1.000000e+00 : f32
    %logistic3A_1700 = vector.broadcast %logistic3A_1699 : f32 to vector<256x32xf32>
    %logistic3A_1701 = arith.addf %logistic3A_1700, %logistic3A_1698 : vector<256x32xf32>
    %logistic3A_1702 = arith.divf %logistic3A_1700, %logistic3A_1701 : vector<256x32xf32>
    %mul3A_1703 = arith.mulf %logistic3A_1693, %add3A_1658 : vector<256x32xf32>
    %mul3A_1704 = arith.mulf %logistic3A_1686, %tanh3A_1695 : vector<256x32xf32>
    %add3A_1705 = arith.addf %mul3A_1703, %mul3A_1704 : vector<256x32xf32>
    %tanh3A_1706 = math.tanh %add3A_1705 : vector<256x32xf32>
    %mul3A_1707 = arith.mulf %logistic3A_1702, %tanh3A_1706 : vector<256x32xf32>
    %mul3A_1708 = vector.broadcast %get3A_1667 : vector<256x1xf32> to vector<256x32xf32>
    %mul3A_1709 = arith.mulf %mul3A_1708, %mul3A_1707 : vector<256x32xf32>
    %sub3A_1710 = arith.constant 1.000000e+00 : f32
    %sub3A_1711 = vector.broadcast %sub3A_1710 : f32 to vector<256x1xf32>
    %sub3A_1712 = arith.subf %sub3A_1711, %get3A_1667 : vector<256x1xf32>
    %mul3A_1713 = vector.broadcast %sub3A_1712 : vector<256x1xf32> to vector<256x32xf32>
    %mul3A_1714 = arith.mulf %mul3A_1713, %add3A_1650 : vector<256x32xf32>
    %add3A_1715 = arith.addf %mul3A_1709, %mul3A_1714 : vector<256x32xf32>
    %mul3A_1716 = vector.broadcast %get3A_1667 : vector<256x1xf32> to vector<256x32xf32>
    %mul3A_1717 = arith.mulf %mul3A_1716, %add3A_1705 : vector<256x32xf32>
    %sub3A_1718 = arith.constant 1.000000e+00 : f32
    %sub3A_1719 = vector.broadcast %sub3A_1718 : f32 to vector<256x1xf32>
    %sub3A_1720 = arith.subf %sub3A_1719, %get3A_1667 : vector<256x1xf32>
    %mul3A_1721 = vector.broadcast %sub3A_1720 : vector<256x1xf32> to vector<256x32xf32>
    %mul3A_1722 = arith.mulf %mul3A_1721, %add3A_1658 : vector<256x32xf32>
    %add3A_1723 = arith.addf %mul3A_1717, %mul3A_1722 : vector<256x32xf32>
    %swap3A_1724 = arith.constant 13 : index
    %swap3A_1725 = arith.constant 0 : index
    %swap3A_1726 = arith.constant 0 : index
    %swap3A_1727 = vector.load %arg21[%swap3A_1724, %swap3A_1725, %swap3A_1726] : memref<20x256x32xf32, #tpu.memory_space<vmem>>, vector<1x256x32xf32>
    %swap3A_1728 = vector.shape_cast %swap3A_1727 : vector<1x256x32xf32> to vector<256x32xf32>
    %swap3A_1729 = vector.shape_cast %add3A_1715 : vector<256x32xf32> to vector<1x256x32xf32>
    tpu.vector_store %arg21[%swap3A_1724, %swap3A_1725, %swap3A_1726], %swap3A_1729 {strides = array<i32>} : memref<20x256x32xf32, #tpu.memory_space<vmem>>, vector<1x256x32xf32>,
    %get3A_1730 = arith.constant 0 : index
    %get3A_1731 = arith.constant 14 : index
    %get3A_1732 = vector.load %arg3[%get3A_1730, %get3A_1731] : memref<256x20xf32, #tpu.memory_space<vmem>>, vector<256x1xf32>
    %get3A_1733 = arith.constant 14 : index
    %get3A_1734 = arith.constant 0 : index
    %get3A_1735 = arith.constant 0 : index
    %get3A_1736 = vector.load %arg20[%get3A_1733, %get3A_1734, %get3A_1735] : memref<20x256x64xf32, #tpu.memory_space<vmem>>, vector<1x256x64xf32>
    %get3A_1737 = vector.shape_cast %get3A_1736 : vector<1x256x64xf32> to vector<256x64xf32>
    %dot_general3A_1738 = arith.constant dense<0.000000e+00> : vector<256x128xf32>
    %dot_general3A_1739 = tpu.matmul %get3A_1737, %get3A_814, %dot_general3A_1738 {dimension_numbers = #tpu.dot_dimension_numbers<[1], [0], [0], [1], [0, 0, 1, 1], [], []>, transpose_lhs_hint = false} : vector<256x64xf32>, vector<64x128xf32>, vector<256x128xf32> -> vector<256x128xf32>
    %dot_general3A_1740 = arith.constant dense<0.000000e+00> : vector<256x128xf32>
    %dot_general3A_1741 = tpu.matmul %add3A_1715, %get3A_817, %dot_general3A_1740 {dimension_numbers = #tpu.dot_dimension_numbers<[1], [0], [0], [1], [0, 0, 1, 1], [], []>, transpose_lhs_hint = false} : vector<256x32xf32>, vector<32x128xf32>, vector<256x128xf32> -> vector<256x128xf32>
    %add3A_1742 = arith.addf %dot_general3A_1739, %dot_general3A_1741 : vector<256x128xf32>
    %add3A_1743 = vector.broadcast %get3A_820 : vector<1x128xf32> to vector<256x128xf32>
    %add3A_1744 = arith.addf %add3A_1742, %add3A_1743 : vector<256x128xf32>
    %slice3A_1745 = vector.extract_strided_slice %add3A_1744 {offsets = [0, 0], sizes = [256, 32], strides = [1, 1]} : vector<256x128xf32> to vector<256x32xf32>
    %logistic3A_1746 = arith.negf %slice3A_1745 : vector<256x32xf32>
    %logistic3A_1747 = math.exp %logistic3A_1746 : vector<256x32xf32>
    %logistic3A_1748 = arith.constant 1.000000e+00 : f32
    %logistic3A_1749 = vector.broadcast %logistic3A_1748 : f32 to vector<256x32xf32>
    %logistic3A_1750 = arith.addf %logistic3A_1749, %logistic3A_1747 : vector<256x32xf32>
    %logistic3A_1751 = arith.divf %logistic3A_1749, %logistic3A_1750 : vector<256x32xf32>
    %slice3A_1752 = vector.extract_strided_slice %add3A_1744 {offsets = [0, 32], sizes = [256, 32], strides = [1, 1]} : vector<256x128xf32> to vector<256x32xf32>
    %logistic3A_1753 = arith.negf %slice3A_1752 : vector<256x32xf32>
    %logistic3A_1754 = math.exp %logistic3A_1753 : vector<256x32xf32>
    %logistic3A_1755 = arith.constant 1.000000e+00 : f32
    %logistic3A_1756 = vector.broadcast %logistic3A_1755 : f32 to vector<256x32xf32>
    %logistic3A_1757 = arith.addf %logistic3A_1756, %logistic3A_1754 : vector<256x32xf32>
    %logistic3A_1758 = arith.divf %logistic3A_1756, %logistic3A_1757 : vector<256x32xf32>
    %slice3A_1759 = vector.extract_strided_slice %add3A_1744 {offsets = [0, 64], sizes = [256, 32], strides = [1, 1]} : vector<256x128xf32> to vector<256x32xf32>
    %tanh3A_1760 = math.tanh %slice3A_1759 : vector<256x32xf32>
    %slice3A_1761 = vector.extract_strided_slice %add3A_1744 {offsets = [0, 96], sizes = [256, 32], strides = [1, 1]} : vector<256x128xf32> to vector<256x32xf32>
    %logistic3A_1762 = arith.negf %slice3A_1761 : vector<256x32xf32>
    %logistic3A_1763 = math.exp %logistic3A_1762 : vector<256x32xf32>
    %logistic3A_1764 = arith.constant 1.000000e+00 : f32
    %logistic3A_1765 = vector.broadcast %logistic3A_1764 : f32 to vector<256x32xf32>
    %logistic3A_1766 = arith.addf %logistic3A_1765, %logistic3A_1763 : vector<256x32xf32>
    %logistic3A_1767 = arith.divf %logistic3A_1765, %logistic3A_1766 : vector<256x32xf32>
    %mul3A_1768 = arith.mulf %logistic3A_1758, %add3A_1723 : vector<256x32xf32>
    %mul3A_1769 = arith.mulf %logistic3A_1751, %tanh3A_1760 : vector<256x32xf32>
    %add3A_1770 = arith.addf %mul3A_1768, %mul3A_1769 : vector<256x32xf32>
    %tanh3A_1771 = math.tanh %add3A_1770 : vector<256x32xf32>
    %mul3A_1772 = arith.mulf %logistic3A_1767, %tanh3A_1771 : vector<256x32xf32>
    %mul3A_1773 = vector.broadcast %get3A_1732 : vector<256x1xf32> to vector<256x32xf32>
    %mul3A_1774 = arith.mulf %mul3A_1773, %mul3A_1772 : vector<256x32xf32>
    %sub3A_1775 = arith.constant 1.000000e+00 : f32
    %sub3A_1776 = vector.broadcast %sub3A_1775 : f32 to vector<256x1xf32>
    %sub3A_1777 = arith.subf %sub3A_1776, %get3A_1732 : vector<256x1xf32>
    %mul3A_1778 = vector.broadcast %sub3A_1777 : vector<256x1xf32> to vector<256x32xf32>
    %mul3A_1779 = arith.mulf %mul3A_1778, %add3A_1715 : vector<256x32xf32>
    %add3A_1780 = arith.addf %mul3A_1774, %mul3A_1779 : vector<256x32xf32>
    %mul3A_1781 = vector.broadcast %get3A_1732 : vector<256x1xf32> to vector<256x32xf32>
    %mul3A_1782 = arith.mulf %mul3A_1781, %add3A_1770 : vector<256x32xf32>
    %sub3A_1783 = arith.constant 1.000000e+00 : f32
    %sub3A_1784 = vector.broadcast %sub3A_1783 : f32 to vector<256x1xf32>
    %sub3A_1785 = arith.subf %sub3A_1784, %get3A_1732 : vector<256x1xf32>
    %mul3A_1786 = vector.broadcast %sub3A_1785 : vector<256x1xf32> to vector<256x32xf32>
    %mul3A_1787 = arith.mulf %mul3A_1786, %add3A_1723 : vector<256x32xf32>
    %add3A_1788 = arith.addf %mul3A_1782, %mul3A_1787 : vector<256x32xf32>
    %swap3A_1789 = arith.constant 14 : index
    %swap3A_1790 = arith.constant 0 : index
    %swap3A_1791 = arith.constant 0 : index
    %swap3A_1792 = vector.load %arg21[%swap3A_1789, %swap3A_1790, %swap3A_1791] : memref<20x256x32xf32, #tpu.memory_space<vmem>>, vector<1x256x32xf32>
    %swap3A_1793 = vector.shape_cast %swap3A_1792 : vector<1x256x32xf32> to vector<256x32xf32>
    %swap3A_1794 = vector.shape_cast %add3A_1780 : vector<256x32xf32> to vector<1x256x32xf32>
    tpu.vector_store %arg21[%swap3A_1789, %swap3A_1790, %swap3A_1791], %swap3A_1794 {strides = array<i32>} : memref<20x256x32xf32, #tpu.memory_space<vmem>>, vector<1x256x32xf32>,
    %get3A_1795 = arith.constant 0 : index
    %get3A_1796 = arith.constant 15 : index
    %get3A_1797 = vector.load %arg3[%get3A_1795, %get3A_1796] : memref<256x20xf32, #tpu.memory_space<vmem>>, vector<256x1xf32>
    %get3A_1798 = arith.constant 15 : index
    %get3A_1799 = arith.constant 0 : index
    %get3A_1800 = arith.constant 0 : index
    %get3A_1801 = vector.load %arg20[%get3A_1798, %get3A_1799, %get3A_1800] : memref<20x256x64xf32, #tpu.memory_space<vmem>>, vector<1x256x64xf32>
    %get3A_1802 = vector.shape_cast %get3A_1801 : vector<1x256x64xf32> to vector<256x64xf32>
    %dot_general3A_1803 = arith.constant dense<0.000000e+00> : vector<256x128xf32>
    %dot_general3A_1804 = tpu.matmul %get3A_1802, %get3A_814, %dot_general3A_1803 {dimension_numbers = #tpu.dot_dimension_numbers<[1], [0], [0], [1], [0, 0, 1, 1], [], []>, transpose_lhs_hint = false} : vector<256x64xf32>, vector<64x128xf32>, vector<256x128xf32> -> vector<256x128xf32>
    %dot_general3A_1805 = arith.constant dense<0.000000e+00> : vector<256x128xf32>
    %dot_general3A_1806 = tpu.matmul %add3A_1780, %get3A_817, %dot_general3A_1805 {dimension_numbers = #tpu.dot_dimension_numbers<[1], [0], [0], [1], [0, 0, 1, 1], [], []>, transpose_lhs_hint = false} : vector<256x32xf32>, vector<32x128xf32>, vector<256x128xf32> -> vector<256x128xf32>
    %add3A_1807 = arith.addf %dot_general3A_1804, %dot_general3A_1806 : vector<256x128xf32>
    %add3A_1808 = vector.broadcast %get3A_820 : vector<1x128xf32> to vector<256x128xf32>
    %add3A_1809 = arith.addf %add3A_1807, %add3A_1808 : vector<256x128xf32>
    %slice3A_1810 = vector.extract_strided_slice %add3A_1809 {offsets = [0, 0], sizes = [256, 32], strides = [1, 1]} : vector<256x128xf32> to vector<256x32xf32>
    %logistic3A_1811 = arith.negf %slice3A_1810 : vector<256x32xf32>
    %logistic3A_1812 = math.exp %logistic3A_1811 : vector<256x32xf32>
    %logistic3A_1813 = arith.constant 1.000000e+00 : f32
    %logistic3A_1814 = vector.broadcast %logistic3A_1813 : f32 to vector<256x32xf32>
    %logistic3A_1815 = arith.addf %logistic3A_1814, %logistic3A_1812 : vector<256x32xf32>
    %logistic3A_1816 = arith.divf %logistic3A_1814, %logistic3A_1815 : vector<256x32xf32>
    %slice3A_1817 = vector.extract_strided_slice %add3A_1809 {offsets = [0, 32], sizes = [256, 32], strides = [1, 1]} : vector<256x128xf32> to vector<256x32xf32>
    %logistic3A_1818 = arith.negf %slice3A_1817 : vector<256x32xf32>
    %logistic3A_1819 = math.exp %logistic3A_1818 : vector<256x32xf32>
    %logistic3A_1820 = arith.constant 1.000000e+00 : f32
    %logistic3A_1821 = vector.broadcast %logistic3A_1820 : f32 to vector<256x32xf32>
    %logistic3A_1822 = arith.addf %logistic3A_1821, %logistic3A_1819 : vector<256x32xf32>
    %logistic3A_1823 = arith.divf %logistic3A_1821, %logistic3A_1822 : vector<256x32xf32>
    %slice3A_1824 = vector.extract_strided_slice %add3A_1809 {offsets = [0, 64], sizes = [256, 32], strides = [1, 1]} : vector<256x128xf32> to vector<256x32xf32>
    %tanh3A_1825 = math.tanh %slice3A_1824 : vector<256x32xf32>
    %slice3A_1826 = vector.extract_strided_slice %add3A_1809 {offsets = [0, 96], sizes = [256, 32], strides = [1, 1]} : vector<256x128xf32> to vector<256x32xf32>
    %logistic3A_1827 = arith.negf %slice3A_1826 : vector<256x32xf32>
    %logistic3A_1828 = math.exp %logistic3A_1827 : vector<256x32xf32>
    %logistic3A_1829 = arith.constant 1.000000e+00 : f32
    %logistic3A_1830 = vector.broadcast %logistic3A_1829 : f32 to vector<256x32xf32>
    %logistic3A_1831 = arith.addf %logistic3A_1830, %logistic3A_1828 : vector<256x32xf32>
    %logistic3A_1832 = arith.divf %logistic3A_1830, %logistic3A_1831 : vector<256x32xf32>
    %mul3A_1833 = arith.mulf %logistic3A_1823, %add3A_1788 : vector<256x32xf32>
    %mul3A_1834 = arith.mulf %logistic3A_1816, %tanh3A_1825 : vector<256x32xf32>
    %add3A_1835 = arith.addf %mul3A_1833, %mul3A_1834 : vector<256x32xf32>
    %tanh3A_1836 = math.tanh %add3A_1835 : vector<256x32xf32>
    %mul3A_1837 = arith.mulf %logistic3A_1832, %tanh3A_1836 : vector<256x32xf32>
    %mul3A_1838 = vector.broadcast %get3A_1797 : vector<256x1xf32> to vector<256x32xf32>
    %mul3A_1839 = arith.mulf %mul3A_1838, %mul3A_1837 : vector<256x32xf32>
    %sub3A_1840 = arith.constant 1.000000e+00 : f32
    %sub3A_1841 = vector.broadcast %sub3A_1840 : f32 to vector<256x1xf32>
    %sub3A_1842 = arith.subf %sub3A_1841, %get3A_1797 : vector<256x1xf32>
    %mul3A_1843 = vector.broadcast %sub3A_1842 : vector<256x1xf32> to vector<256x32xf32>
    %mul3A_1844 = arith.mulf %mul3A_1843, %add3A_1780 : vector<256x32xf32>
    %add3A_1845 = arith.addf %mul3A_1839, %mul3A_1844 : vector<256x32xf32>
    %mul3A_1846 = vector.broadcast %get3A_1797 : vector<256x1xf32> to vector<256x32xf32>
    %mul3A_1847 = arith.mulf %mul3A_1846, %add3A_1835 : vector<256x32xf32>
    %sub3A_1848 = arith.constant 1.000000e+00 : f32
    %sub3A_1849 = vector.broadcast %sub3A_1848 : f32 to vector<256x1xf32>
    %sub3A_1850 = arith.subf %sub3A_1849, %get3A_1797 : vector<256x1xf32>
    %mul3A_1851 = vector.broadcast %sub3A_1850 : vector<256x1xf32> to vector<256x32xf32>
    %mul3A_1852 = arith.mulf %mul3A_1851, %add3A_1788 : vector<256x32xf32>
    %add3A_1853 = arith.addf %mul3A_1847, %mul3A_1852 : vector<256x32xf32>
    %swap3A_1854 = arith.constant 15 : index
    %swap3A_1855 = arith.constant 0 : index
    %swap3A_1856 = arith.constant 0 : index
    %swap3A_1857 = vector.load %arg21[%swap3A_1854, %swap3A_1855, %swap3A_1856] : memref<20x256x32xf32, #tpu.memory_space<vmem>>, vector<1x256x32xf32>
    %swap3A_1858 = vector.shape_cast %swap3A_1857 : vector<1x256x32xf32> to vector<256x32xf32>
    %swap3A_1859 = vector.shape_cast %add3A_1845 : vector<256x32xf32> to vector<1x256x32xf32>
    tpu.vector_store %arg21[%swap3A_1854, %swap3A_1855, %swap3A_1856], %swap3A_1859 {strides = array<i32>} : memref<20x256x32xf32, #tpu.memory_space<vmem>>, vector<1x256x32xf32>,
    %get3A_1860 = arith.constant 0 : index
    %get3A_1861 = arith.constant 16 : index
    %get3A_1862 = vector.load %arg3[%get3A_1860, %get3A_1861] : memref<256x20xf32, #tpu.memory_space<vmem>>, vector<256x1xf32>
    %get3A_1863 = arith.constant 16 : index
    %get3A_1864 = arith.constant 0 : index
    %get3A_1865 = arith.constant 0 : index
    %get3A_1866 = vector.load %arg20[%get3A_1863, %get3A_1864, %get3A_1865] : memref<20x256x64xf32, #tpu.memory_space<vmem>>, vector<1x256x64xf32>
    %get3A_1867 = vector.shape_cast %get3A_1866 : vector<1x256x64xf32> to vector<256x64xf32>
    %dot_general3A_1868 = arith.constant dense<0.000000e+00> : vector<256x128xf32>
    %dot_general3A_1869 = tpu.matmul %get3A_1867, %get3A_814, %dot_general3A_1868 {dimension_numbers = #tpu.dot_dimension_numbers<[1], [0], [0], [1], [0, 0, 1, 1], [], []>, transpose_lhs_hint = false} : vector<256x64xf32>, vector<64x128xf32>, vector<256x128xf32> -> vector<256x128xf32>
    %dot_general3A_1870 = arith.constant dense<0.000000e+00> : vector<256x128xf32>
    %dot_general3A_1871 = tpu.matmul %add3A_1845, %get3A_817, %dot_general3A_1870 {dimension_numbers = #tpu.dot_dimension_numbers<[1], [0], [0], [1], [0, 0, 1, 1], [], []>, transpose_lhs_hint = false} : vector<256x32xf32>, vector<32x128xf32>, vector<256x128xf32> -> vector<256x128xf32>
    %add3A_1872 = arith.addf %dot_general3A_1869, %dot_general3A_1871 : vector<256x128xf32>
    %add3A_1873 = vector.broadcast %get3A_820 : vector<1x128xf32> to vector<256x128xf32>
    %add3A_1874 = arith.addf %add3A_1872, %add3A_1873 : vector<256x128xf32>
    %slice3A_1875 = vector.extract_strided_slice %add3A_1874 {offsets = [0, 0], sizes = [256, 32], strides = [1, 1]} : vector<256x128xf32> to vector<256x32xf32>
    %logistic3A_1876 = arith.negf %slice3A_1875 : vector<256x32xf32>
    %logistic3A_1877 = math.exp %logistic3A_1876 : vector<256x32xf32>
    %logistic3A_1878 = arith.constant 1.000000e+00 : f32
    %logistic3A_1879 = vector.broadcast %logistic3A_1878 : f32 to vector<256x32xf32>
    %logistic3A_1880 = arith.addf %logistic3A_1879, %logistic3A_1877 : vector<256x32xf32>
    %logistic3A_1881 = arith.divf %logistic3A_1879, %logistic3A_1880 : vector<256x32xf32>
    %slice3A_1882 = vector.extract_strided_slice %add3A_1874 {offsets = [0, 32], sizes = [256, 32], strides = [1, 1]} : vector<256x128xf32> to vector<256x32xf32>
    %logistic3A_1883 = arith.negf %slice3A_1882 : vector<256x32xf32>
    %logistic3A_1884 = math.exp %logistic3A_1883 : vector<256x32xf32>
    %logistic3A_1885 = arith.constant 1.000000e+00 : f32
    %logistic3A_1886 = vector.broadcast %logistic3A_1885 : f32 to vector<256x32xf32>
    %logistic3A_1887 = arith.addf %logistic3A_1886, %logistic3A_1884 : vector<256x32xf32>
    %logistic3A_1888 = arith.divf %logistic3A_1886, %logistic3A_1887 : vector<256x32xf32>
    %slice3A_1889 = vector.extract_strided_slice %add3A_1874 {offsets = [0, 64], sizes = [256, 32], strides = [1, 1]} : vector<256x128xf32> to vector<256x32xf32>
    %tanh3A_1890 = math.tanh %slice3A_1889 : vector<256x32xf32>
    %slice3A_1891 = vector.extract_strided_slice %add3A_1874 {offsets = [0, 96], sizes = [256, 32], strides = [1, 1]} : vector<256x128xf32> to vector<256x32xf32>
    %logistic3A_1892 = arith.negf %slice3A_1891 : vector<256x32xf32>
    %logistic3A_1893 = math.exp %logistic3A_1892 : vector<256x32xf32>
    %logistic3A_1894 = arith.constant 1.000000e+00 : f32
    %logistic3A_1895 = vector.broadcast %logistic3A_1894 : f32 to vector<256x32xf32>
    %logistic3A_1896 = arith.addf %logistic3A_1895, %logistic3A_1893 : vector<256x32xf32>
    %logistic3A_1897 = arith.divf %logistic3A_1895, %logistic3A_1896 : vector<256x32xf32>
    %mul3A_1898 = arith.mulf %logistic3A_1888, %add3A_1853 : vector<256x32xf32>
    %mul3A_1899 = arith.mulf %logistic3A_1881, %tanh3A_1890 : vector<256x32xf32>
    %add3A_1900 = arith.addf %mul3A_1898, %mul3A_1899 : vector<256x32xf32>
    %tanh3A_1901 = math.tanh %add3A_1900 : vector<256x32xf32>
    %mul3A_1902 = arith.mulf %logistic3A_1897, %tanh3A_1901 : vector<256x32xf32>
    %mul3A_1903 = vector.broadcast %get3A_1862 : vector<256x1xf32> to vector<256x32xf32>
    %mul3A_1904 = arith.mulf %mul3A_1903, %mul3A_1902 : vector<256x32xf32>
    %sub3A_1905 = arith.constant 1.000000e+00 : f32
    %sub3A_1906 = vector.broadcast %sub3A_1905 : f32 to vector<256x1xf32>
    %sub3A_1907 = arith.subf %sub3A_1906, %get3A_1862 : vector<256x1xf32>
    %mul3A_1908 = vector.broadcast %sub3A_1907 : vector<256x1xf32> to vector<256x32xf32>
    %mul3A_1909 = arith.mulf %mul3A_1908, %add3A_1845 : vector<256x32xf32>
    %add3A_1910 = arith.addf %mul3A_1904, %mul3A_1909 : vector<256x32xf32>
    %mul3A_1911 = vector.broadcast %get3A_1862 : vector<256x1xf32> to vector<256x32xf32>
    %mul3A_1912 = arith.mulf %mul3A_1911, %add3A_1900 : vector<256x32xf32>
    %sub3A_1913 = arith.constant 1.000000e+00 : f32
    %sub3A_1914 = vector.broadcast %sub3A_1913 : f32 to vector<256x1xf32>
    %sub3A_1915 = arith.subf %sub3A_1914, %get3A_1862 : vector<256x1xf32>
    %mul3A_1916 = vector.broadcast %sub3A_1915 : vector<256x1xf32> to vector<256x32xf32>
    %mul3A_1917 = arith.mulf %mul3A_1916, %add3A_1853 : vector<256x32xf32>
    %add3A_1918 = arith.addf %mul3A_1912, %mul3A_1917 : vector<256x32xf32>
    %swap3A_1919 = arith.constant 16 : index
    %swap3A_1920 = arith.constant 0 : index
    %swap3A_1921 = arith.constant 0 : index
    %swap3A_1922 = vector.load %arg21[%swap3A_1919, %swap3A_1920, %swap3A_1921] : memref<20x256x32xf32, #tpu.memory_space<vmem>>, vector<1x256x32xf32>
    %swap3A_1923 = vector.shape_cast %swap3A_1922 : vector<1x256x32xf32> to vector<256x32xf32>
    %swap3A_1924 = vector.shape_cast %add3A_1910 : vector<256x32xf32> to vector<1x256x32xf32>
    tpu.vector_store %arg21[%swap3A_1919, %swap3A_1920, %swap3A_1921], %swap3A_1924 {strides = array<i32>} : memref<20x256x32xf32, #tpu.memory_space<vmem>>, vector<1x256x32xf32>,
    %get3A_1925 = arith.constant 0 : index
    %get3A_1926 = arith.constant 17 : index
    %get3A_1927 = vector.load %arg3[%get3A_1925, %get3A_1926] : memref<256x20xf32, #tpu.memory_space<vmem>>, vector<256x1xf32>
    %get3A_1928 = arith.constant 17 : index
    %get3A_1929 = arith.constant 0 : index
    %get3A_1930 = arith.constant 0 : index
    %get3A_1931 = vector.load %arg20[%get3A_1928, %get3A_1929, %get3A_1930] : memref<20x256x64xf32, #tpu.memory_space<vmem>>, vector<1x256x64xf32>
    %get3A_1932 = vector.shape_cast %get3A_1931 : vector<1x256x64xf32> to vector<256x64xf32>
    %dot_general3A_1933 = arith.constant dense<0.000000e+00> : vector<256x128xf32>
    %dot_general3A_1934 = tpu.matmul %get3A_1932, %get3A_814, %dot_general3A_1933 {dimension_numbers = #tpu.dot_dimension_numbers<[1], [0], [0], [1], [0, 0, 1, 1], [], []>, transpose_lhs_hint = false} : vector<256x64xf32>, vector<64x128xf32>, vector<256x128xf32> -> vector<256x128xf32>
    %dot_general3A_1935 = arith.constant dense<0.000000e+00> : vector<256x128xf32>
    %dot_general3A_1936 = tpu.matmul %add3A_1910, %get3A_817, %dot_general3A_1935 {dimension_numbers = #tpu.dot_dimension_numbers<[1], [0], [0], [1], [0, 0, 1, 1], [], []>, transpose_lhs_hint = false} : vector<256x32xf32>, vector<32x128xf32>, vector<256x128xf32> -> vector<256x128xf32>
    %add3A_1937 = arith.addf %dot_general3A_1934, %dot_general3A_1936 : vector<256x128xf32>
    %add3A_1938 = vector.broadcast %get3A_820 : vector<1x128xf32> to vector<256x128xf32>
    %add3A_1939 = arith.addf %add3A_1937, %add3A_1938 : vector<256x128xf32>
    %slice3A_1940 = vector.extract_strided_slice %add3A_1939 {offsets = [0, 0], sizes = [256, 32], strides = [1, 1]} : vector<256x128xf32> to vector<256x32xf32>
    %logistic3A_1941 = arith.negf %slice3A_1940 : vector<256x32xf32>
    %logistic3A_1942 = math.exp %logistic3A_1941 : vector<256x32xf32>
    %logistic3A_1943 = arith.constant 1.000000e+00 : f32
    %logistic3A_1944 = vector.broadcast %logistic3A_1943 : f32 to vector<256x32xf32>
    %logistic3A_1945 = arith.addf %logistic3A_1944, %logistic3A_1942 : vector<256x32xf32>
    %logistic3A_1946 = arith.divf %logistic3A_1944, %logistic3A_1945 : vector<256x32xf32>
    %slice3A_1947 = vector.extract_strided_slice %add3A_1939 {offsets = [0, 32], sizes = [256, 32], strides = [1, 1]} : vector<256x128xf32> to vector<256x32xf32>
    %logistic3A_1948 = arith.negf %slice3A_1947 : vector<256x32xf32>
    %logistic3A_1949 = math.exp %logistic3A_1948 : vector<256x32xf32>
    %logistic3A_1950 = arith.constant 1.000000e+00 : f32
    %logistic3A_1951 = vector.broadcast %logistic3A_1950 : f32 to vector<256x32xf32>
    %logistic3A_1952 = arith.addf %logistic3A_1951, %logistic3A_1949 : vector<256x32xf32>
    %logistic3A_1953 = arith.divf %logistic3A_1951, %logistic3A_1952 : vector<256x32xf32>
    %slice3A_1954 = vector.extract_strided_slice %add3A_1939 {offsets = [0, 64], sizes = [256, 32], strides = [1, 1]} : vector<256x128xf32> to vector<256x32xf32>
    %tanh3A_1955 = math.tanh %slice3A_1954 : vector<256x32xf32>
    %slice3A_1956 = vector.extract_strided_slice %add3A_1939 {offsets = [0, 96], sizes = [256, 32], strides = [1, 1]} : vector<256x128xf32> to vector<256x32xf32>
    %logistic3A_1957 = arith.negf %slice3A_1956 : vector<256x32xf32>
    %logistic3A_1958 = math.exp %logistic3A_1957 : vector<256x32xf32>
    %logistic3A_1959 = arith.constant 1.000000e+00 : f32
    %logistic3A_1960 = vector.broadcast %logistic3A_1959 : f32 to vector<256x32xf32>
    %logistic3A_1961 = arith.addf %logistic3A_1960, %logistic3A_1958 : vector<256x32xf32>
    %logistic3A_1962 = arith.divf %logistic3A_1960, %logistic3A_1961 : vector<256x32xf32>
    %mul3A_1963 = arith.mulf %logistic3A_1953, %add3A_1918 : vector<256x32xf32>
    %mul3A_1964 = arith.mulf %logistic3A_1946, %tanh3A_1955 : vector<256x32xf32>
    %add3A_1965 = arith.addf %mul3A_1963, %mul3A_1964 : vector<256x32xf32>
    %tanh3A_1966 = math.tanh %add3A_1965 : vector<256x32xf32>
    %mul3A_1967 = arith.mulf %logistic3A_1962, %tanh3A_1966 : vector<256x32xf32>
    %mul3A_1968 = vector.broadcast %get3A_1927 : vector<256x1xf32> to vector<256x32xf32>
    %mul3A_1969 = arith.mulf %mul3A_1968, %mul3A_1967 : vector<256x32xf32>
    %sub3A_1970 = arith.constant 1.000000e+00 : f32
    %sub3A_1971 = vector.broadcast %sub3A_1970 : f32 to vector<256x1xf32>
    %sub3A_1972 = arith.subf %sub3A_1971, %get3A_1927 : vector<256x1xf32>
    %mul3A_1973 = vector.broadcast %sub3A_1972 : vector<256x1xf32> to vector<256x32xf32>
    %mul3A_1974 = arith.mulf %mul3A_1973, %add3A_1910 : vector<256x32xf32>
    %add3A_1975 = arith.addf %mul3A_1969, %mul3A_1974 : vector<256x32xf32>
    %mul3A_1976 = vector.broadcast %get3A_1927 : vector<256x1xf32> to vector<256x32xf32>
    %mul3A_1977 = arith.mulf %mul3A_1976, %add3A_1965 : vector<256x32xf32>
    %sub3A_1978 = arith.constant 1.000000e+00 : f32
    %sub3A_1979 = vector.broadcast %sub3A_1978 : f32 to vector<256x1xf32>
    %sub3A_1980 = arith.subf %sub3A_1979, %get3A_1927 : vector<256x1xf32>
    %mul3A_1981 = vector.broadcast %sub3A_1980 : vector<256x1xf32> to vector<256x32xf32>
    %mul3A_1982 = arith.mulf %mul3A_1981, %add3A_1918 : vector<256x32xf32>
    %add3A_1983 = arith.addf %mul3A_1977, %mul3A_1982 : vector<256x32xf32>
    %swap3A_1984 = arith.constant 17 : index
    %swap3A_1985 = arith.constant 0 : index
    %swap3A_1986 = arith.constant 0 : index
    %swap3A_1987 = vector.load %arg21[%swap3A_1984, %swap3A_1985, %swap3A_1986] : memref<20x256x32xf32, #tpu.memory_space<vmem>>, vector<1x256x32xf32>
    %swap3A_1988 = vector.shape_cast %swap3A_1987 : vector<1x256x32xf32> to vector<256x32xf32>
    %swap3A_1989 = vector.shape_cast %add3A_1975 : vector<256x32xf32> to vector<1x256x32xf32>
    tpu.vector_store %arg21[%swap3A_1984, %swap3A_1985, %swap3A_1986], %swap3A_1989 {strides = array<i32>} : memref<20x256x32xf32, #tpu.memory_space<vmem>>, vector<1x256x32xf32>,
    %get3A_1990 = arith.constant 0 : index
    %get3A_1991 = arith.constant 18 : index
    %get3A_1992 = vector.load %arg3[%get3A_1990, %get3A_1991] : memref<256x20xf32, #tpu.memory_space<vmem>>, vector<256x1xf32>
    %get3A_1993 = arith.constant 18 : index
    %get3A_1994 = arith.constant 0 : index
    %get3A_1995 = arith.constant 0 : index
    %get3A_1996 = vector.load %arg20[%get3A_1993, %get3A_1994, %get3A_1995] : memref<20x256x64xf32, #tpu.memory_space<vmem>>, vector<1x256x64xf32>
    %get3A_1997 = vector.shape_cast %get3A_1996 : vector<1x256x64xf32> to vector<256x64xf32>
    %dot_general3A_1998 = arith.constant dense<0.000000e+00> : vector<256x128xf32>
    %dot_general3A_1999 = tpu.matmul %get3A_1997, %get3A_814, %dot_general3A_1998 {dimension_numbers = #tpu.dot_dimension_numbers<[1], [0], [0], [1], [0, 0, 1, 1], [], []>, transpose_lhs_hint = false} : vector<256x64xf32>, vector<64x128xf32>, vector<256x128xf32> -> vector<256x128xf32>
    %dot_general3A_2000 = arith.constant dense<0.000000e+00> : vector<256x128xf32>
    %dot_general3A_2001 = tpu.matmul %add3A_1975, %get3A_817, %dot_general3A_2000 {dimension_numbers = #tpu.dot_dimension_numbers<[1], [0], [0], [1], [0, 0, 1, 1], [], []>, transpose_lhs_hint = false} : vector<256x32xf32>, vector<32x128xf32>, vector<256x128xf32> -> vector<256x128xf32>
    %add3A_2002 = arith.addf %dot_general3A_1999, %dot_general3A_2001 : vector<256x128xf32>
    %add3A_2003 = vector.broadcast %get3A_820 : vector<1x128xf32> to vector<256x128xf32>
    %add3A_2004 = arith.addf %add3A_2002, %add3A_2003 : vector<256x128xf32>
    %slice3A_2005 = vector.extract_strided_slice %add3A_2004 {offsets = [0, 0], sizes = [256, 32], strides = [1, 1]} : vector<256x128xf32> to vector<256x32xf32>
    %logistic3A_2006 = arith.negf %slice3A_2005 : vector<256x32xf32>
    %logistic3A_2007 = math.exp %logistic3A_2006 : vector<256x32xf32>
    %logistic3A_2008 = arith.constant 1.000000e+00 : f32
    %logistic3A_2009 = vector.broadcast %logistic3A_2008 : f32 to vector<256x32xf32>
    %logistic3A_2010 = arith.addf %logistic3A_2009, %logistic3A_2007 : vector<256x32xf32>
    %logistic3A_2011 = arith.divf %logistic3A_2009, %logistic3A_2010 : vector<256x32xf32>
    %slice3A_2012 = vector.extract_strided_slice %add3A_2004 {offsets = [0, 32], sizes = [256, 32], strides = [1, 1]} : vector<256x128xf32> to vector<256x32xf32>
    %logistic3A_2013 = arith.negf %slice3A_2012 : vector<256x32xf32>
    %logistic3A_2014 = math.exp %logistic3A_2013 : vector<256x32xf32>
    %logistic3A_2015 = arith.constant 1.000000e+00 : f32
    %logistic3A_2016 = vector.broadcast %logistic3A_2015 : f32 to vector<256x32xf32>
    %logistic3A_2017 = arith.addf %logistic3A_2016, %logistic3A_2014 : vector<256x32xf32>
    %logistic3A_2018 = arith.divf %logistic3A_2016, %logistic3A_2017 : vector<256x32xf32>
    %slice3A_2019 = vector.extract_strided_slice %add3A_2004 {offsets = [0, 64], sizes = [256, 32], strides = [1, 1]} : vector<256x128xf32> to vector<256x32xf32>
    %tanh3A_2020 = math.tanh %slice3A_2019 : vector<256x32xf32>
    %slice3A_2021 = vector.extract_strided_slice %add3A_2004 {offsets = [0, 96], sizes = [256, 32], strides = [1, 1]} : vector<256x128xf32> to vector<256x32xf32>
    %logistic3A_2022 = arith.negf %slice3A_2021 : vector<256x32xf32>
    %logistic3A_2023 = math.exp %logistic3A_2022 : vector<256x32xf32>
    %logistic3A_2024 = arith.constant 1.000000e+00 : f32
    %logistic3A_2025 = vector.broadcast %logistic3A_2024 : f32 to vector<256x32xf32>
    %logistic3A_2026 = arith.addf %logistic3A_2025, %logistic3A_2023 : vector<256x32xf32>
    %logistic3A_2027 = arith.divf %logistic3A_2025, %logistic3A_2026 : vector<256x32xf32>
    %mul3A_2028 = arith.mulf %logistic3A_2018, %add3A_1983 : vector<256x32xf32>
    %mul3A_2029 = arith.mulf %logistic3A_2011, %tanh3A_2020 : vector<256x32xf32>
    %add3A_2030 = arith.addf %mul3A_2028, %mul3A_2029 : vector<256x32xf32>
    %tanh3A_2031 = math.tanh %add3A_2030 : vector<256x32xf32>
    %mul3A_2032 = arith.mulf %logistic3A_2027, %tanh3A_2031 : vector<256x32xf32>
    %mul3A_2033 = vector.broadcast %get3A_1992 : vector<256x1xf32> to vector<256x32xf32>
    %mul3A_2034 = arith.mulf %mul3A_2033, %mul3A_2032 : vector<256x32xf32>
    %sub3A_2035 = arith.constant 1.000000e+00 : f32
    %sub3A_2036 = vector.broadcast %sub3A_2035 : f32 to vector<256x1xf32>
    %sub3A_2037 = arith.subf %sub3A_2036, %get3A_1992 : vector<256x1xf32>
    %mul3A_2038 = vector.broadcast %sub3A_2037 : vector<256x1xf32> to vector<256x32xf32>
    %mul3A_2039 = arith.mulf %mul3A_2038, %add3A_1975 : vector<256x32xf32>
    %add3A_2040 = arith.addf %mul3A_2034, %mul3A_2039 : vector<256x32xf32>
    %mul3A_2041 = vector.broadcast %get3A_1992 : vector<256x1xf32> to vector<256x32xf32>
    %mul3A_2042 = arith.mulf %mul3A_2041, %add3A_2030 : vector<256x32xf32>
    %sub3A_2043 = arith.constant 1.000000e+00 : f32
    %sub3A_2044 = vector.broadcast %sub3A_2043 : f32 to vector<256x1xf32>
    %sub3A_2045 = arith.subf %sub3A_2044, %get3A_1992 : vector<256x1xf32>
    %mul3A_2046 = vector.broadcast %sub3A_2045 : vector<256x1xf32> to vector<256x32xf32>
    %mul3A_2047 = arith.mulf %mul3A_2046, %add3A_1983 : vector<256x32xf32>
    %add3A_2048 = arith.addf %mul3A_2042, %mul3A_2047 : vector<256x32xf32>
    %swap3A_2049 = arith.constant 18 : index
    %swap3A_2050 = arith.constant 0 : index
    %swap3A_2051 = arith.constant 0 : index
    %swap3A_2052 = vector.load %arg21[%swap3A_2049, %swap3A_2050, %swap3A_2051] : memref<20x256x32xf32, #tpu.memory_space<vmem>>, vector<1x256x32xf32>
    %swap3A_2053 = vector.shape_cast %swap3A_2052 : vector<1x256x32xf32> to vector<256x32xf32>
    %swap3A_2054 = vector.shape_cast %add3A_2040 : vector<256x32xf32> to vector<1x256x32xf32>
    tpu.vector_store %arg21[%swap3A_2049, %swap3A_2050, %swap3A_2051], %swap3A_2054 {strides = array<i32>} : memref<20x256x32xf32, #tpu.memory_space<vmem>>, vector<1x256x32xf32>,
    %get3A_2055 = arith.constant 0 : index
    %get3A_2056 = arith.constant 19 : index
    %get3A_2057 = vector.load %arg3[%get3A_2055, %get3A_2056] : memref<256x20xf32, #tpu.memory_space<vmem>>, vector<256x1xf32>
    %get3A_2058 = arith.constant 19 : index
    %get3A_2059 = arith.constant 0 : index
    %get3A_2060 = arith.constant 0 : index
    %get3A_2061 = vector.load %arg20[%get3A_2058, %get3A_2059, %get3A_2060] : memref<20x256x64xf32, #tpu.memory_space<vmem>>, vector<1x256x64xf32>
    %get3A_2062 = vector.shape_cast %get3A_2061 : vector<1x256x64xf32> to vector<256x64xf32>
    %dot_general3A_2063 = arith.constant dense<0.000000e+00> : vector<256x128xf32>
    %dot_general3A_2064 = tpu.matmul %get3A_2062, %get3A_814, %dot_general3A_2063 {dimension_numbers = #tpu.dot_dimension_numbers<[1], [0], [0], [1], [0, 0, 1, 1], [], []>, transpose_lhs_hint = false} : vector<256x64xf32>, vector<64x128xf32>, vector<256x128xf32> -> vector<256x128xf32>
    %dot_general3A_2065 = arith.constant dense<0.000000e+00> : vector<256x128xf32>
    %dot_general3A_2066 = tpu.matmul %add3A_2040, %get3A_817, %dot_general3A_2065 {dimension_numbers = #tpu.dot_dimension_numbers<[1], [0], [0], [1], [0, 0, 1, 1], [], []>, transpose_lhs_hint = false} : vector<256x32xf32>, vector<32x128xf32>, vector<256x128xf32> -> vector<256x128xf32>
    %add3A_2067 = arith.addf %dot_general3A_2064, %dot_general3A_2066 : vector<256x128xf32>
    %add3A_2068 = vector.broadcast %get3A_820 : vector<1x128xf32> to vector<256x128xf32>
    %add3A_2069 = arith.addf %add3A_2067, %add3A_2068 : vector<256x128xf32>
    %slice3A_2070 = vector.extract_strided_slice %add3A_2069 {offsets = [0, 0], sizes = [256, 32], strides = [1, 1]} : vector<256x128xf32> to vector<256x32xf32>
    %logistic3A_2071 = arith.negf %slice3A_2070 : vector<256x32xf32>
    %logistic3A_2072 = math.exp %logistic3A_2071 : vector<256x32xf32>
    %logistic3A_2073 = arith.constant 1.000000e+00 : f32
    %logistic3A_2074 = vector.broadcast %logistic3A_2073 : f32 to vector<256x32xf32>
    %logistic3A_2075 = arith.addf %logistic3A_2074, %logistic3A_2072 : vector<256x32xf32>
    %logistic3A_2076 = arith.divf %logistic3A_2074, %logistic3A_2075 : vector<256x32xf32>
    %slice3A_2077 = vector.extract_strided_slice %add3A_2069 {offsets = [0, 32], sizes = [256, 32], strides = [1, 1]} : vector<256x128xf32> to vector<256x32xf32>
    %logistic3A_2078 = arith.negf %slice3A_2077 : vector<256x32xf32>
    %logistic3A_2079 = math.exp %logistic3A_2078 : vector<256x32xf32>
    %logistic3A_2080 = arith.constant 1.000000e+00 : f32
    %logistic3A_2081 = vector.broadcast %logistic3A_2080 : f32 to vector<256x32xf32>
    %logistic3A_2082 = arith.addf %logistic3A_2081, %logistic3A_2079 : vector<256x32xf32>
    %logistic3A_2083 = arith.divf %logistic3A_2081, %logistic3A_2082 : vector<256x32xf32>
    %slice3A_2084 = vector.extract_strided_slice %add3A_2069 {offsets = [0, 64], sizes = [256, 32], strides = [1, 1]} : vector<256x128xf32> to vector<256x32xf32>
    %tanh3A_2085 = math.tanh %slice3A_2084 : vector<256x32xf32>
    %slice3A_2086 = vector.extract_strided_slice %add3A_2069 {offsets = [0, 96], sizes = [256, 32], strides = [1, 1]} : vector<256x128xf32> to vector<256x32xf32>
    %logistic3A_2087 = arith.negf %slice3A_2086 : vector<256x32xf32>
    %logistic3A_2088 = math.exp %logistic3A_2087 : vector<256x32xf32>
    %logistic3A_2089 = arith.constant 1.000000e+00 : f32
    %logistic3A_2090 = vector.broadcast %logistic3A_2089 : f32 to vector<256x32xf32>
    %logistic3A_2091 = arith.addf %logistic3A_2090, %logistic3A_2088 : vector<256x32xf32>
    %logistic3A_2092 = arith.divf %logistic3A_2090, %logistic3A_2091 : vector<256x32xf32>
    %mul3A_2093 = arith.mulf %logistic3A_2083, %add3A_2048 : vector<256x32xf32>
    %mul3A_2094 = arith.mulf %logistic3A_2076, %tanh3A_2085 : vector<256x32xf32>
    %add3A_2095 = arith.addf %mul3A_2093, %mul3A_2094 : vector<256x32xf32>
    %tanh3A_2096 = math.tanh %add3A_2095 : vector<256x32xf32>
    %mul3A_2097 = arith.mulf %logistic3A_2092, %tanh3A_2096 : vector<256x32xf32>
    %mul3A_2098 = vector.broadcast %get3A_2057 : vector<256x1xf32> to vector<256x32xf32>
    %mul3A_2099 = arith.mulf %mul3A_2098, %mul3A_2097 : vector<256x32xf32>
    %sub3A_2100 = arith.constant 1.000000e+00 : f32
    %sub3A_2101 = vector.broadcast %sub3A_2100 : f32 to vector<256x1xf32>
    %sub3A_2102 = arith.subf %sub3A_2101, %get3A_2057 : vector<256x1xf32>
    %mul3A_2103 = vector.broadcast %sub3A_2102 : vector<256x1xf32> to vector<256x32xf32>
    %mul3A_2104 = arith.mulf %mul3A_2103, %add3A_2040 : vector<256x32xf32>
    %add3A_2105 = arith.addf %mul3A_2099, %mul3A_2104 : vector<256x32xf32>
    %swap3A_2106 = arith.constant 19 : index
    %swap3A_2107 = arith.constant 0 : index
    %swap3A_2108 = arith.constant 0 : index
    %swap3A_2109 = vector.load %arg21[%swap3A_2106, %swap3A_2107, %swap3A_2108] : memref<20x256x32xf32, #tpu.memory_space<vmem>>, vector<1x256x32xf32>
    %swap3A_2110 = vector.shape_cast %swap3A_2109 : vector<1x256x32xf32> to vector<256x32xf32>
    %swap3A_2111 = vector.shape_cast %add3A_2105 : vector<256x32xf32> to vector<1x256x32xf32>
    tpu.vector_store %arg21[%swap3A_2106, %swap3A_2107, %swap3A_2108], %swap3A_2111 {strides = array<i32>} : memref<20x256x32xf32, #tpu.memory_space<vmem>>, vector<1x256x32xf32>,
    %get3A_2112 = arith.constant 0 : index
    %get3A_2113 = arith.constant 0 : index
    %get3A_2114 = vector.load %arg13[%get3A_2112, %get3A_2113] : memref<64x128xf32, #tpu.memory_space<vmem>>, vector<64x128xf32>
    %get3A_2115 = arith.constant 0 : index
    %get3A_2116 = arith.constant 0 : index
    %get3A_2117 = vector.load %arg14[%get3A_2115, %get3A_2116] : memref<32x128xf32, #tpu.memory_space<vmem>>, vector<32x128xf32>
    %get3A_2118 = arith.constant 0 : index
    %get3A_2119 = arith.constant 0 : index
    %get3A_2120 = vector.load %arg15[%get3A_2118, %get3A_2119] : memref<1x128xf32, #tpu.memory_space<vmem>>, vector<1x128xf32>
    %broadcast_in_dim3A_2121 = arith.constant 0.000000e+00 : f32
    %broadcast_in_dim3A_2122 = vector.broadcast %broadcast_in_dim3A_2121 : f32 to vector<256x32xf32>
    %broadcast_in_dim3A_2123 = arith.constant 0.000000e+00 : f32
    %broadcast_in_dim3A_2124 = vector.broadcast %broadcast_in_dim3A_2123 : f32 to vector<256x32xf32>
    %get3A_2125 = arith.constant 0 : index
    %get3A_2126 = arith.constant 19 : index
    %get3A_2127 = vector.load %arg3[%get3A_2125, %get3A_2126] : memref<256x20xf32, #tpu.memory_space<vmem>>, vector<256x1xf32>
    %get3A_2128 = arith.constant 19 : index
    %get3A_2129 = arith.constant 0 : index
    %get3A_2130 = arith.constant 0 : index
    %get3A_2131 = vector.load %arg20[%get3A_2128, %get3A_2129, %get3A_2130] : memref<20x256x64xf32, #tpu.memory_space<vmem>>, vector<1x256x64xf32>
    %get3A_2132 = vector.shape_cast %get3A_2131 : vector<1x256x64xf32> to vector<256x64xf32>
    %dot_general3A_2133 = arith.constant dense<0.000000e+00> : vector<256x128xf32>
    %dot_general3A_2134 = tpu.matmul %get3A_2132, %get3A_2114, %dot_general3A_2133 {dimension_numbers = #tpu.dot_dimension_numbers<[1], [0], [0], [1], [0, 0, 1, 1], [], []>, transpose_lhs_hint = false} : vector<256x64xf32>, vector<64x128xf32>, vector<256x128xf32> -> vector<256x128xf32>
    %dot_general3A_2135 = arith.constant dense<0.000000e+00> : vector<256x128xf32>
    %dot_general3A_2136 = tpu.matmul %broadcast_in_dim3A_2122, %get3A_2117, %dot_general3A_2135 {dimension_numbers = #tpu.dot_dimension_numbers<[1], [0], [0], [1], [0, 0, 1, 1], [], []>, transpose_lhs_hint = false} : vector<256x32xf32>, vector<32x128xf32>, vector<256x128xf32> -> vector<256x128xf32>
    %add3A_2137 = arith.addf %dot_general3A_2134, %dot_general3A_2136 : vector<256x128xf32>
    %add3A_2138 = vector.broadcast %get3A_2120 : vector<1x128xf32> to vector<256x128xf32>
    %add3A_2139 = arith.addf %add3A_2137, %add3A_2138 : vector<256x128xf32>
    %slice3A_2140 = vector.extract_strided_slice %add3A_2139 {offsets = [0, 0], sizes = [256, 32], strides = [1, 1]} : vector<256x128xf32> to vector<256x32xf32>
    %logistic3A_2141 = arith.negf %slice3A_2140 : vector<256x32xf32>
    %logistic3A_2142 = math.exp %logistic3A_2141 : vector<256x32xf32>
    %logistic3A_2143 = arith.constant 1.000000e+00 : f32
    %logistic3A_2144 = vector.broadcast %logistic3A_2143 : f32 to vector<256x32xf32>
    %logistic3A_2145 = arith.addf %logistic3A_2144, %logistic3A_2142 : vector<256x32xf32>
    %logistic3A_2146 = arith.divf %logistic3A_2144, %logistic3A_2145 : vector<256x32xf32>
    %slice3A_2147 = vector.extract_strided_slice %add3A_2139 {offsets = [0, 32], sizes = [256, 32], strides = [1, 1]} : vector<256x128xf32> to vector<256x32xf32>
    %logistic3A_2148 = arith.negf %slice3A_2147 : vector<256x32xf32>
    %logistic3A_2149 = math.exp %logistic3A_2148 : vector<256x32xf32>
    %logistic3A_2150 = arith.constant 1.000000e+00 : f32
    %logistic3A_2151 = vector.broadcast %logistic3A_2150 : f32 to vector<256x32xf32>
    %logistic3A_2152 = arith.addf %logistic3A_2151, %logistic3A_2149 : vector<256x32xf32>
    %logistic3A_2153 = arith.divf %logistic3A_2151, %logistic3A_2152 : vector<256x32xf32>
    %slice3A_2154 = vector.extract_strided_slice %add3A_2139 {offsets = [0, 64], sizes = [256, 32], strides = [1, 1]} : vector<256x128xf32> to vector<256x32xf32>
    %tanh3A_2155 = math.tanh %slice3A_2154 : vector<256x32xf32>
    %slice3A_2156 = vector.extract_strided_slice %add3A_2139 {offsets = [0, 96], sizes = [256, 32], strides = [1, 1]} : vector<256x128xf32> to vector<256x32xf32>
    %logistic3A_2157 = arith.negf %slice3A_2156 : vector<256x32xf32>
    %logistic3A_2158 = math.exp %logistic3A_2157 : vector<256x32xf32>
    %logistic3A_2159 = arith.constant 1.000000e+00 : f32
    %logistic3A_2160 = vector.broadcast %logistic3A_2159 : f32 to vector<256x32xf32>
    %logistic3A_2161 = arith.addf %logistic3A_2160, %logistic3A_2158 : vector<256x32xf32>
    %logistic3A_2162 = arith.divf %logistic3A_2160, %logistic3A_2161 : vector<256x32xf32>
    %mul3A_2163 = arith.mulf %logistic3A_2153, %broadcast_in_dim3A_2124 : vector<256x32xf32>
    %mul3A_2164 = arith.mulf %logistic3A_2146, %tanh3A_2155 : vector<256x32xf32>
    %add3A_2165 = arith.addf %mul3A_2163, %mul3A_2164 : vector<256x32xf32>
    %tanh3A_2166 = math.tanh %add3A_2165 : vector<256x32xf32>
    %mul3A_2167 = arith.mulf %logistic3A_2162, %tanh3A_2166 : vector<256x32xf32>
    %mul3A_2168 = vector.broadcast %get3A_2127 : vector<256x1xf32> to vector<256x32xf32>
    %mul3A_2169 = arith.mulf %mul3A_2168, %mul3A_2167 : vector<256x32xf32>
    %sub3A_2170 = arith.constant 1.000000e+00 : f32
    %sub3A_2171 = vector.broadcast %sub3A_2170 : f32 to vector<256x1xf32>
    %sub3A_2172 = arith.subf %sub3A_2171, %get3A_2127 : vector<256x1xf32>
    %mul3A_2173 = vector.broadcast %sub3A_2172 : vector<256x1xf32> to vector<256x32xf32>
    %mul3A_2174 = arith.mulf %mul3A_2173, %broadcast_in_dim3A_2122 : vector<256x32xf32>
    %add3A_2175 = arith.addf %mul3A_2169, %mul3A_2174 : vector<256x32xf32>
    %mul3A_2176 = vector.broadcast %get3A_2127 : vector<256x1xf32> to vector<256x32xf32>
    %mul3A_2177 = arith.mulf %mul3A_2176, %add3A_2165 : vector<256x32xf32>
    %sub3A_2178 = arith.constant 1.000000e+00 : f32
    %sub3A_2179 = vector.broadcast %sub3A_2178 : f32 to vector<256x1xf32>
    %sub3A_2180 = arith.subf %sub3A_2179, %get3A_2127 : vector<256x1xf32>
    %mul3A_2181 = vector.broadcast %sub3A_2180 : vector<256x1xf32> to vector<256x32xf32>
    %mul3A_2182 = arith.mulf %mul3A_2181, %broadcast_in_dim3A_2124 : vector<256x32xf32>
    %add3A_2183 = arith.addf %mul3A_2177, %mul3A_2182 : vector<256x32xf32>
    %swap3A_2184 = arith.constant 19 : index
    %swap3A_2185 = arith.constant 0 : index
    %swap3A_2186 = arith.constant 0 : index
    %swap3A_2187 = vector.load %arg22[%swap3A_2184, %swap3A_2185, %swap3A_2186] : memref<20x256x32xf32, #tpu.memory_space<vmem>>, vector<1x256x32xf32>
    %swap3A_2188 = vector.shape_cast %swap3A_2187 : vector<1x256x32xf32> to vector<256x32xf32>
    %swap3A_2189 = vector.shape_cast %add3A_2175 : vector<256x32xf32> to vector<1x256x32xf32>
    tpu.vector_store %arg22[%swap3A_2184, %swap3A_2185, %swap3A_2186], %swap3A_2189 {strides = array<i32>} : memref<20x256x32xf32, #tpu.memory_space<vmem>>, vector<1x256x32xf32>,
    %get3A_2190 = arith.constant 0 : index
    %get3A_2191 = arith.constant 18 : index
    %get3A_2192 = vector.load %arg3[%get3A_2190, %get3A_2191] : memref<256x20xf32, #tpu.memory_space<vmem>>, vector<256x1xf32>
    %get3A_2193 = arith.constant 18 : index
    %get3A_2194 = arith.constant 0 : index
    %get3A_2195 = arith.constant 0 : index
    %get3A_2196 = vector.load %arg20[%get3A_2193, %get3A_2194, %get3A_2195] : memref<20x256x64xf32, #tpu.memory_space<vmem>>, vector<1x256x64xf32>
    %get3A_2197 = vector.shape_cast %get3A_2196 : vector<1x256x64xf32> to vector<256x64xf32>
    %dot_general3A_2198 = arith.constant dense<0.000000e+00> : vector<256x128xf32>
    %dot_general3A_2199 = tpu.matmul %get3A_2197, %get3A_2114, %dot_general3A_2198 {dimension_numbers = #tpu.dot_dimension_numbers<[1], [0], [0], [1], [0, 0, 1, 1], [], []>, transpose_lhs_hint = false} : vector<256x64xf32>, vector<64x128xf32>, vector<256x128xf32> -> vector<256x128xf32>
    %dot_general3A_2200 = arith.constant dense<0.000000e+00> : vector<256x128xf32>
    %dot_general3A_2201 = tpu.matmul %add3A_2175, %get3A_2117, %dot_general3A_2200 {dimension_numbers = #tpu.dot_dimension_numbers<[1], [0], [0], [1], [0, 0, 1, 1], [], []>, transpose_lhs_hint = false} : vector<256x32xf32>, vector<32x128xf32>, vector<256x128xf32> -> vector<256x128xf32>
    %add3A_2202 = arith.addf %dot_general3A_2199, %dot_general3A_2201 : vector<256x128xf32>
    %add3A_2203 = vector.broadcast %get3A_2120 : vector<1x128xf32> to vector<256x128xf32>
    %add3A_2204 = arith.addf %add3A_2202, %add3A_2203 : vector<256x128xf32>
    %slice3A_2205 = vector.extract_strided_slice %add3A_2204 {offsets = [0, 0], sizes = [256, 32], strides = [1, 1]} : vector<256x128xf32> to vector<256x32xf32>
    %logistic3A_2206 = arith.negf %slice3A_2205 : vector<256x32xf32>
    %logistic3A_2207 = math.exp %logistic3A_2206 : vector<256x32xf32>
    %logistic3A_2208 = arith.constant 1.000000e+00 : f32
    %logistic3A_2209 = vector.broadcast %logistic3A_2208 : f32 to vector<256x32xf32>
    %logistic3A_2210 = arith.addf %logistic3A_2209, %logistic3A_2207 : vector<256x32xf32>
    %logistic3A_2211 = arith.divf %logistic3A_2209, %logistic3A_2210 : vector<256x32xf32>
    %slice3A_2212 = vector.extract_strided_slice %add3A_2204 {offsets = [0, 32], sizes = [256, 32], strides = [1, 1]} : vector<256x128xf32> to vector<256x32xf32>
    %logistic3A_2213 = arith.negf %slice3A_2212 : vector<256x32xf32>
    %logistic3A_2214 = math.exp %logistic3A_2213 : vector<256x32xf32>
    %logistic3A_2215 = arith.constant 1.000000e+00 : f32
    %logistic3A_2216 = vector.broadcast %logistic3A_2215 : f32 to vector<256x32xf32>
    %logistic3A_2217 = arith.addf %logistic3A_2216, %logistic3A_2214 : vector<256x32xf32>
    %logistic3A_2218 = arith.divf %logistic3A_2216, %logistic3A_2217 : vector<256x32xf32>
    %slice3A_2219 = vector.extract_strided_slice %add3A_2204 {offsets = [0, 64], sizes = [256, 32], strides = [1, 1]} : vector<256x128xf32> to vector<256x32xf32>
    %tanh3A_2220 = math.tanh %slice3A_2219 : vector<256x32xf32>
    %slice3A_2221 = vector.extract_strided_slice %add3A_2204 {offsets = [0, 96], sizes = [256, 32], strides = [1, 1]} : vector<256x128xf32> to vector<256x32xf32>
    %logistic3A_2222 = arith.negf %slice3A_2221 : vector<256x32xf32>
    %logistic3A_2223 = math.exp %logistic3A_2222 : vector<256x32xf32>
    %logistic3A_2224 = arith.constant 1.000000e+00 : f32
    %logistic3A_2225 = vector.broadcast %logistic3A_2224 : f32 to vector<256x32xf32>
    %logistic3A_2226 = arith.addf %logistic3A_2225, %logistic3A_2223 : vector<256x32xf32>
    %logistic3A_2227 = arith.divf %logistic3A_2225, %logistic3A_2226 : vector<256x32xf32>
    %mul3A_2228 = arith.mulf %logistic3A_2218, %add3A_2183 : vector<256x32xf32>
    %mul3A_2229 = arith.mulf %logistic3A_2211, %tanh3A_2220 : vector<256x32xf32>
    %add3A_2230 = arith.addf %mul3A_2228, %mul3A_2229 : vector<256x32xf32>
    %tanh3A_2231 = math.tanh %add3A_2230 : vector<256x32xf32>
    %mul3A_2232 = arith.mulf %logistic3A_2227, %tanh3A_2231 : vector<256x32xf32>
    %mul3A_2233 = vector.broadcast %get3A_2192 : vector<256x1xf32> to vector<256x32xf32>
    %mul3A_2234 = arith.mulf %mul3A_2233, %mul3A_2232 : vector<256x32xf32>
    %sub3A_2235 = arith.constant 1.000000e+00 : f32
    %sub3A_2236 = vector.broadcast %sub3A_2235 : f32 to vector<256x1xf32>
    %sub3A_2237 = arith.subf %sub3A_2236, %get3A_2192 : vector<256x1xf32>
    %mul3A_2238 = vector.broadcast %sub3A_2237 : vector<256x1xf32> to vector<256x32xf32>
    %mul3A_2239 = arith.mulf %mul3A_2238, %add3A_2175 : vector<256x32xf32>
    %add3A_2240 = arith.addf %mul3A_2234, %mul3A_2239 : vector<256x32xf32>
    %mul3A_2241 = vector.broadcast %get3A_2192 : vector<256x1xf32> to vector<256x32xf32>
    %mul3A_2242 = arith.mulf %mul3A_2241, %add3A_2230 : vector<256x32xf32>
    %sub3A_2243 = arith.constant 1.000000e+00 : f32
    %sub3A_2244 = vector.broadcast %sub3A_2243 : f32 to vector<256x1xf32>
    %sub3A_2245 = arith.subf %sub3A_2244, %get3A_2192 : vector<256x1xf32>
    %mul3A_2246 = vector.broadcast %sub3A_2245 : vector<256x1xf32> to vector<256x32xf32>
    %mul3A_2247 = arith.mulf %mul3A_2246, %add3A_2183 : vector<256x32xf32>
    %add3A_2248 = arith.addf %mul3A_2242, %mul3A_2247 : vector<256x32xf32>
    %swap3A_2249 = arith.constant 18 : index
    %swap3A_2250 = arith.constant 0 : index
    %swap3A_2251 = arith.constant 0 : index
    %swap3A_2252 = vector.load %arg22[%swap3A_2249, %swap3A_2250, %swap3A_2251] : memref<20x256x32xf32, #tpu.memory_space<vmem>>, vector<1x256x32xf32>
    %swap3A_2253 = vector.shape_cast %swap3A_2252 : vector<1x256x32xf32> to vector<256x32xf32>
    %swap3A_2254 = vector.shape_cast %add3A_2240 : vector<256x32xf32> to vector<1x256x32xf32>
    tpu.vector_store %arg22[%swap3A_2249, %swap3A_2250, %swap3A_2251], %swap3A_2254 {strides = array<i32>} : memref<20x256x32xf32, #tpu.memory_space<vmem>>, vector<1x256x32xf32>,
    %get3A_2255 = arith.constant 0 : index
    %get3A_2256 = arith.constant 17 : index
    %get3A_2257 = vector.load %arg3[%get3A_2255, %get3A_2256] : memref<256x20xf32, #tpu.memory_space<vmem>>, vector<256x1xf32>
    %get3A_2258 = arith.constant 17 : index
    %get3A_2259 = arith.constant 0 : index
    %get3A_2260 = arith.constant 0 : index
    %get3A_2261 = vector.load %arg20[%get3A_2258, %get3A_2259, %get3A_2260] : memref<20x256x64xf32, #tpu.memory_space<vmem>>, vector<1x256x64xf32>
    %get3A_2262 = vector.shape_cast %get3A_2261 : vector<1x256x64xf32> to vector<256x64xf32>
    %dot_general3A_2263 = arith.constant dense<0.000000e+00> : vector<256x128xf32>
    %dot_general3A_2264 = tpu.matmul %get3A_2262, %get3A_2114, %dot_general3A_2263 {dimension_numbers = #tpu.dot_dimension_numbers<[1], [0], [0], [1], [0, 0, 1, 1], [], []>, transpose_lhs_hint = false} : vector<256x64xf32>, vector<64x128xf32>, vector<256x128xf32> -> vector<256x128xf32>
    %dot_general3A_2265 = arith.constant dense<0.000000e+00> : vector<256x128xf32>
    %dot_general3A_2266 = tpu.matmul %add3A_2240, %get3A_2117, %dot_general3A_2265 {dimension_numbers = #tpu.dot_dimension_numbers<[1], [0], [0], [1], [0, 0, 1, 1], [], []>, transpose_lhs_hint = false} : vector<256x32xf32>, vector<32x128xf32>, vector<256x128xf32> -> vector<256x128xf32>
    %add3A_2267 = arith.addf %dot_general3A_2264, %dot_general3A_2266 : vector<256x128xf32>
    %add3A_2268 = vector.broadcast %get3A_2120 : vector<1x128xf32> to vector<256x128xf32>
    %add3A_2269 = arith.addf %add3A_2267, %add3A_2268 : vector<256x128xf32>
    %slice3A_2270 = vector.extract_strided_slice %add3A_2269 {offsets = [0, 0], sizes = [256, 32], strides = [1, 1]} : vector<256x128xf32> to vector<256x32xf32>
    %logistic3A_2271 = arith.negf %slice3A_2270 : vector<256x32xf32>
    %logistic3A_2272 = math.exp %logistic3A_2271 : vector<256x32xf32>
    %logistic3A_2273 = arith.constant 1.000000e+00 : f32
    %logistic3A_2274 = vector.broadcast %logistic3A_2273 : f32 to vector<256x32xf32>
    %logistic3A_2275 = arith.addf %logistic3A_2274, %logistic3A_2272 : vector<256x32xf32>
    %logistic3A_2276 = arith.divf %logistic3A_2274, %logistic3A_2275 : vector<256x32xf32>
    %slice3A_2277 = vector.extract_strided_slice %add3A_2269 {offsets = [0, 32], sizes = [256, 32], strides = [1, 1]} : vector<256x128xf32> to vector<256x32xf32>
    %logistic3A_2278 = arith.negf %slice3A_2277 : vector<256x32xf32>
    %logistic3A_2279 = math.exp %logistic3A_2278 : vector<256x32xf32>
    %logistic3A_2280 = arith.constant 1.000000e+00 : f32
    %logistic3A_2281 = vector.broadcast %logistic3A_2280 : f32 to vector<256x32xf32>
    %logistic3A_2282 = arith.addf %logistic3A_2281, %logistic3A_2279 : vector<256x32xf32>
    %logistic3A_2283 = arith.divf %logistic3A_2281, %logistic3A_2282 : vector<256x32xf32>
    %slice3A_2284 = vector.extract_strided_slice %add3A_2269 {offsets = [0, 64], sizes = [256, 32], strides = [1, 1]} : vector<256x128xf32> to vector<256x32xf32>
    %tanh3A_2285 = math.tanh %slice3A_2284 : vector<256x32xf32>
    %slice3A_2286 = vector.extract_strided_slice %add3A_2269 {offsets = [0, 96], sizes = [256, 32], strides = [1, 1]} : vector<256x128xf32> to vector<256x32xf32>
    %logistic3A_2287 = arith.negf %slice3A_2286 : vector<256x32xf32>
    %logistic3A_2288 = math.exp %logistic3A_2287 : vector<256x32xf32>
    %logistic3A_2289 = arith.constant 1.000000e+00 : f32
    %logistic3A_2290 = vector.broadcast %logistic3A_2289 : f32 to vector<256x32xf32>
    %logistic3A_2291 = arith.addf %logistic3A_2290, %logistic3A_2288 : vector<256x32xf32>
    %logistic3A_2292 = arith.divf %logistic3A_2290, %logistic3A_2291 : vector<256x32xf32>
    %mul3A_2293 = arith.mulf %logistic3A_2283, %add3A_2248 : vector<256x32xf32>
    %mul3A_2294 = arith.mulf %logistic3A_2276, %tanh3A_2285 : vector<256x32xf32>
    %add3A_2295 = arith.addf %mul3A_2293, %mul3A_2294 : vector<256x32xf32>
    %tanh3A_2296 = math.tanh %add3A_2295 : vector<256x32xf32>
    %mul3A_2297 = arith.mulf %logistic3A_2292, %tanh3A_2296 : vector<256x32xf32>
    %mul3A_2298 = vector.broadcast %get3A_2257 : vector<256x1xf32> to vector<256x32xf32>
    %mul3A_2299 = arith.mulf %mul3A_2298, %mul3A_2297 : vector<256x32xf32>
    %sub3A_2300 = arith.constant 1.000000e+00 : f32
    %sub3A_2301 = vector.broadcast %sub3A_2300 : f32 to vector<256x1xf32>
    %sub3A_2302 = arith.subf %sub3A_2301, %get3A_2257 : vector<256x1xf32>
    %mul3A_2303 = vector.broadcast %sub3A_2302 : vector<256x1xf32> to vector<256x32xf32>
    %mul3A_2304 = arith.mulf %mul3A_2303, %add3A_2240 : vector<256x32xf32>
    %add3A_2305 = arith.addf %mul3A_2299, %mul3A_2304 : vector<256x32xf32>
    %mul3A_2306 = vector.broadcast %get3A_2257 : vector<256x1xf32> to vector<256x32xf32>
    %mul3A_2307 = arith.mulf %mul3A_2306, %add3A_2295 : vector<256x32xf32>
    %sub3A_2308 = arith.constant 1.000000e+00 : f32
    %sub3A_2309 = vector.broadcast %sub3A_2308 : f32 to vector<256x1xf32>
    %sub3A_2310 = arith.subf %sub3A_2309, %get3A_2257 : vector<256x1xf32>
    %mul3A_2311 = vector.broadcast %sub3A_2310 : vector<256x1xf32> to vector<256x32xf32>
    %mul3A_2312 = arith.mulf %mul3A_2311, %add3A_2248 : vector<256x32xf32>
    %add3A_2313 = arith.addf %mul3A_2307, %mul3A_2312 : vector<256x32xf32>
    %swap3A_2314 = arith.constant 17 : index
    %swap3A_2315 = arith.constant 0 : index
    %swap3A_2316 = arith.constant 0 : index
    %swap3A_2317 = vector.load %arg22[%swap3A_2314, %swap3A_2315, %swap3A_2316] : memref<20x256x32xf32, #tpu.memory_space<vmem>>, vector<1x256x32xf32>
    %swap3A_2318 = vector.shape_cast %swap3A_2317 : vector<1x256x32xf32> to vector<256x32xf32>
    %swap3A_2319 = vector.shape_cast %add3A_2305 : vector<256x32xf32> to vector<1x256x32xf32>
    tpu.vector_store %arg22[%swap3A_2314, %swap3A_2315, %swap3A_2316], %swap3A_2319 {strides = array<i32>} : memref<20x256x32xf32, #tpu.memory_space<vmem>>, vector<1x256x32xf32>,
    %get3A_2320 = arith.constant 0 : index
    %get3A_2321 = arith.constant 16 : index
    %get3A_2322 = vector.load %arg3[%get3A_2320, %get3A_2321] : memref<256x20xf32, #tpu.memory_space<vmem>>, vector<256x1xf32>
    %get3A_2323 = arith.constant 16 : index
    %get3A_2324 = arith.constant 0 : index
    %get3A_2325 = arith.constant 0 : index
    %get3A_2326 = vector.load %arg20[%get3A_2323, %get3A_2324, %get3A_2325] : memref<20x256x64xf32, #tpu.memory_space<vmem>>, vector<1x256x64xf32>
    %get3A_2327 = vector.shape_cast %get3A_2326 : vector<1x256x64xf32> to vector<256x64xf32>
    %dot_general3A_2328 = arith.constant dense<0.000000e+00> : vector<256x128xf32>
    %dot_general3A_2329 = tpu.matmul %get3A_2327, %get3A_2114, %dot_general3A_2328 {dimension_numbers = #tpu.dot_dimension_numbers<[1], [0], [0], [1], [0, 0, 1, 1], [], []>, transpose_lhs_hint = false} : vector<256x64xf32>, vector<64x128xf32>, vector<256x128xf32> -> vector<256x128xf32>
    %dot_general3A_2330 = arith.constant dense<0.000000e+00> : vector<256x128xf32>
    %dot_general3A_2331 = tpu.matmul %add3A_2305, %get3A_2117, %dot_general3A_2330 {dimension_numbers = #tpu.dot_dimension_numbers<[1], [0], [0], [1], [0, 0, 1, 1], [], []>, transpose_lhs_hint = false} : vector<256x32xf32>, vector<32x128xf32>, vector<256x128xf32> -> vector<256x128xf32>
    %add3A_2332 = arith.addf %dot_general3A_2329, %dot_general3A_2331 : vector<256x128xf32>
    %add3A_2333 = vector.broadcast %get3A_2120 : vector<1x128xf32> to vector<256x128xf32>
    %add3A_2334 = arith.addf %add3A_2332, %add3A_2333 : vector<256x128xf32>
    %slice3A_2335 = vector.extract_strided_slice %add3A_2334 {offsets = [0, 0], sizes = [256, 32], strides = [1, 1]} : vector<256x128xf32> to vector<256x32xf32>
    %logistic3A_2336 = arith.negf %slice3A_2335 : vector<256x32xf32>
    %logistic3A_2337 = math.exp %logistic3A_2336 : vector<256x32xf32>
    %logistic3A_2338 = arith.constant 1.000000e+00 : f32
    %logistic3A_2339 = vector.broadcast %logistic3A_2338 : f32 to vector<256x32xf32>
    %logistic3A_2340 = arith.addf %logistic3A_2339, %logistic3A_2337 : vector<256x32xf32>
    %logistic3A_2341 = arith.divf %logistic3A_2339, %logistic3A_2340 : vector<256x32xf32>
    %slice3A_2342 = vector.extract_strided_slice %add3A_2334 {offsets = [0, 32], sizes = [256, 32], strides = [1, 1]} : vector<256x128xf32> to vector<256x32xf32>
    %logistic3A_2343 = arith.negf %slice3A_2342 : vector<256x32xf32>
    %logistic3A_2344 = math.exp %logistic3A_2343 : vector<256x32xf32>
    %logistic3A_2345 = arith.constant 1.000000e+00 : f32
    %logistic3A_2346 = vector.broadcast %logistic3A_2345 : f32 to vector<256x32xf32>
    %logistic3A_2347 = arith.addf %logistic3A_2346, %logistic3A_2344 : vector<256x32xf32>
    %logistic3A_2348 = arith.divf %logistic3A_2346, %logistic3A_2347 : vector<256x32xf32>
    %slice3A_2349 = vector.extract_strided_slice %add3A_2334 {offsets = [0, 64], sizes = [256, 32], strides = [1, 1]} : vector<256x128xf32> to vector<256x32xf32>
    %tanh3A_2350 = math.tanh %slice3A_2349 : vector<256x32xf32>
    %slice3A_2351 = vector.extract_strided_slice %add3A_2334 {offsets = [0, 96], sizes = [256, 32], strides = [1, 1]} : vector<256x128xf32> to vector<256x32xf32>
    %logistic3A_2352 = arith.negf %slice3A_2351 : vector<256x32xf32>
    %logistic3A_2353 = math.exp %logistic3A_2352 : vector<256x32xf32>
    %logistic3A_2354 = arith.constant 1.000000e+00 : f32
    %logistic3A_2355 = vector.broadcast %logistic3A_2354 : f32 to vector<256x32xf32>
    %logistic3A_2356 = arith.addf %logistic3A_2355, %logistic3A_2353 : vector<256x32xf32>
    %logistic3A_2357 = arith.divf %logistic3A_2355, %logistic3A_2356 : vector<256x32xf32>
    %mul3A_2358 = arith.mulf %logistic3A_2348, %add3A_2313 : vector<256x32xf32>
    %mul3A_2359 = arith.mulf %logistic3A_2341, %tanh3A_2350 : vector<256x32xf32>
    %add3A_2360 = arith.addf %mul3A_2358, %mul3A_2359 : vector<256x32xf32>
    %tanh3A_2361 = math.tanh %add3A_2360 : vector<256x32xf32>
    %mul3A_2362 = arith.mulf %logistic3A_2357, %tanh3A_2361 : vector<256x32xf32>
    %mul3A_2363 = vector.broadcast %get3A_2322 : vector<256x1xf32> to vector<256x32xf32>
    %mul3A_2364 = arith.mulf %mul3A_2363, %mul3A_2362 : vector<256x32xf32>
    %sub3A_2365 = arith.constant 1.000000e+00 : f32
    %sub3A_2366 = vector.broadcast %sub3A_2365 : f32 to vector<256x1xf32>
    %sub3A_2367 = arith.subf %sub3A_2366, %get3A_2322 : vector<256x1xf32>
    %mul3A_2368 = vector.broadcast %sub3A_2367 : vector<256x1xf32> to vector<256x32xf32>
    %mul3A_2369 = arith.mulf %mul3A_2368, %add3A_2305 : vector<256x32xf32>
    %add3A_2370 = arith.addf %mul3A_2364, %mul3A_2369 : vector<256x32xf32>
    %mul3A_2371 = vector.broadcast %get3A_2322 : vector<256x1xf32> to vector<256x32xf32>
    %mul3A_2372 = arith.mulf %mul3A_2371, %add3A_2360 : vector<256x32xf32>
    %sub3A_2373 = arith.constant 1.000000e+00 : f32
    %sub3A_2374 = vector.broadcast %sub3A_2373 : f32 to vector<256x1xf32>
    %sub3A_2375 = arith.subf %sub3A_2374, %get3A_2322 : vector<256x1xf32>
    %mul3A_2376 = vector.broadcast %sub3A_2375 : vector<256x1xf32> to vector<256x32xf32>
    %mul3A_2377 = arith.mulf %mul3A_2376, %add3A_2313 : vector<256x32xf32>
    %add3A_2378 = arith.addf %mul3A_2372, %mul3A_2377 : vector<256x32xf32>
    %swap3A_2379 = arith.constant 16 : index
    %swap3A_2380 = arith.constant 0 : index
    %swap3A_2381 = arith.constant 0 : index
    %swap3A_2382 = vector.load %arg22[%swap3A_2379, %swap3A_2380, %swap3A_2381] : memref<20x256x32xf32, #tpu.memory_space<vmem>>, vector<1x256x32xf32>
    %swap3A_2383 = vector.shape_cast %swap3A_2382 : vector<1x256x32xf32> to vector<256x32xf32>
    %swap3A_2384 = vector.shape_cast %add3A_2370 : vector<256x32xf32> to vector<1x256x32xf32>
    tpu.vector_store %arg22[%swap3A_2379, %swap3A_2380, %swap3A_2381], %swap3A_2384 {strides = array<i32>} : memref<20x256x32xf32, #tpu.memory_space<vmem>>, vector<1x256x32xf32>,
    %get3A_2385 = arith.constant 0 : index
    %get3A_2386 = arith.constant 15 : index
    %get3A_2387 = vector.load %arg3[%get3A_2385, %get3A_2386] : memref<256x20xf32, #tpu.memory_space<vmem>>, vector<256x1xf32>
    %get3A_2388 = arith.constant 15 : index
    %get3A_2389 = arith.constant 0 : index
    %get3A_2390 = arith.constant 0 : index
    %get3A_2391 = vector.load %arg20[%get3A_2388, %get3A_2389, %get3A_2390] : memref<20x256x64xf32, #tpu.memory_space<vmem>>, vector<1x256x64xf32>
    %get3A_2392 = vector.shape_cast %get3A_2391 : vector<1x256x64xf32> to vector<256x64xf32>
    %dot_general3A_2393 = arith.constant dense<0.000000e+00> : vector<256x128xf32>
    %dot_general3A_2394 = tpu.matmul %get3A_2392, %get3A_2114, %dot_general3A_2393 {dimension_numbers = #tpu.dot_dimension_numbers<[1], [0], [0], [1], [0, 0, 1, 1], [], []>, transpose_lhs_hint = false} : vector<256x64xf32>, vector<64x128xf32>, vector<256x128xf32> -> vector<256x128xf32>
    %dot_general3A_2395 = arith.constant dense<0.000000e+00> : vector<256x128xf32>
    %dot_general3A_2396 = tpu.matmul %add3A_2370, %get3A_2117, %dot_general3A_2395 {dimension_numbers = #tpu.dot_dimension_numbers<[1], [0], [0], [1], [0, 0, 1, 1], [], []>, transpose_lhs_hint = false} : vector<256x32xf32>, vector<32x128xf32>, vector<256x128xf32> -> vector<256x128xf32>
    %add3A_2397 = arith.addf %dot_general3A_2394, %dot_general3A_2396 : vector<256x128xf32>
    %add3A_2398 = vector.broadcast %get3A_2120 : vector<1x128xf32> to vector<256x128xf32>
    %add3A_2399 = arith.addf %add3A_2397, %add3A_2398 : vector<256x128xf32>
    %slice3A_2400 = vector.extract_strided_slice %add3A_2399 {offsets = [0, 0], sizes = [256, 32], strides = [1, 1]} : vector<256x128xf32> to vector<256x32xf32>
    %logistic3A_2401 = arith.negf %slice3A_2400 : vector<256x32xf32>
    %logistic3A_2402 = math.exp %logistic3A_2401 : vector<256x32xf32>
    %logistic3A_2403 = arith.constant 1.000000e+00 : f32
    %logistic3A_2404 = vector.broadcast %logistic3A_2403 : f32 to vector<256x32xf32>
    %logistic3A_2405 = arith.addf %logistic3A_2404, %logistic3A_2402 : vector<256x32xf32>
    %logistic3A_2406 = arith.divf %logistic3A_2404, %logistic3A_2405 : vector<256x32xf32>
    %slice3A_2407 = vector.extract_strided_slice %add3A_2399 {offsets = [0, 32], sizes = [256, 32], strides = [1, 1]} : vector<256x128xf32> to vector<256x32xf32>
    %logistic3A_2408 = arith.negf %slice3A_2407 : vector<256x32xf32>
    %logistic3A_2409 = math.exp %logistic3A_2408 : vector<256x32xf32>
    %logistic3A_2410 = arith.constant 1.000000e+00 : f32
    %logistic3A_2411 = vector.broadcast %logistic3A_2410 : f32 to vector<256x32xf32>
    %logistic3A_2412 = arith.addf %logistic3A_2411, %logistic3A_2409 : vector<256x32xf32>
    %logistic3A_2413 = arith.divf %logistic3A_2411, %logistic3A_2412 : vector<256x32xf32>
    %slice3A_2414 = vector.extract_strided_slice %add3A_2399 {offsets = [0, 64], sizes = [256, 32], strides = [1, 1]} : vector<256x128xf32> to vector<256x32xf32>
    %tanh3A_2415 = math.tanh %slice3A_2414 : vector<256x32xf32>
    %slice3A_2416 = vector.extract_strided_slice %add3A_2399 {offsets = [0, 96], sizes = [256, 32], strides = [1, 1]} : vector<256x128xf32> to vector<256x32xf32>
    %logistic3A_2417 = arith.negf %slice3A_2416 : vector<256x32xf32>
    %logistic3A_2418 = math.exp %logistic3A_2417 : vector<256x32xf32>
    %logistic3A_2419 = arith.constant 1.000000e+00 : f32
    %logistic3A_2420 = vector.broadcast %logistic3A_2419 : f32 to vector<256x32xf32>
    %logistic3A_2421 = arith.addf %logistic3A_2420, %logistic3A_2418 : vector<256x32xf32>
    %logistic3A_2422 = arith.divf %logistic3A_2420, %logistic3A_2421 : vector<256x32xf32>
    %mul3A_2423 = arith.mulf %logistic3A_2413, %add3A_2378 : vector<256x32xf32>
    %mul3A_2424 = arith.mulf %logistic3A_2406, %tanh3A_2415 : vector<256x32xf32>
    %add3A_2425 = arith.addf %mul3A_2423, %mul3A_2424 : vector<256x32xf32>
    %tanh3A_2426 = math.tanh %add3A_2425 : vector<256x32xf32>
    %mul3A_2427 = arith.mulf %logistic3A_2422, %tanh3A_2426 : vector<256x32xf32>
    %mul3A_2428 = vector.broadcast %get3A_2387 : vector<256x1xf32> to vector<256x32xf32>
    %mul3A_2429 = arith.mulf %mul3A_2428, %mul3A_2427 : vector<256x32xf32>
    %sub3A_2430 = arith.constant 1.000000e+00 : f32
    %sub3A_2431 = vector.broadcast %sub3A_2430 : f32 to vector<256x1xf32>
    %sub3A_2432 = arith.subf %sub3A_2431, %get3A_2387 : vector<256x1xf32>
    %mul3A_2433 = vector.broadcast %sub3A_2432 : vector<256x1xf32> to vector<256x32xf32>
    %mul3A_2434 = arith.mulf %mul3A_2433, %add3A_2370 : vector<256x32xf32>
    %add3A_2435 = arith.addf %mul3A_2429, %mul3A_2434 : vector<256x32xf32>
    %mul3A_2436 = vector.broadcast %get3A_2387 : vector<256x1xf32> to vector<256x32xf32>
    %mul3A_2437 = arith.mulf %mul3A_2436, %add3A_2425 : vector<256x32xf32>
    %sub3A_2438 = arith.constant 1.000000e+00 : f32
    %sub3A_2439 = vector.broadcast %sub3A_2438 : f32 to vector<256x1xf32>
    %sub3A_2440 = arith.subf %sub3A_2439, %get3A_2387 : vector<256x1xf32>
    %mul3A_2441 = vector.broadcast %sub3A_2440 : vector<256x1xf32> to vector<256x32xf32>
    %mul3A_2442 = arith.mulf %mul3A_2441, %add3A_2378 : vector<256x32xf32>
    %add3A_2443 = arith.addf %mul3A_2437, %mul3A_2442 : vector<256x32xf32>
    %swap3A_2444 = arith.constant 15 : index
    %swap3A_2445 = arith.constant 0 : index
    %swap3A_2446 = arith.constant 0 : index
    %swap3A_2447 = vector.load %arg22[%swap3A_2444, %swap3A_2445, %swap3A_2446] : memref<20x256x32xf32, #tpu.memory_space<vmem>>, vector<1x256x32xf32>
    %swap3A_2448 = vector.shape_cast %swap3A_2447 : vector<1x256x32xf32> to vector<256x32xf32>
    %swap3A_2449 = vector.shape_cast %add3A_2435 : vector<256x32xf32> to vector<1x256x32xf32>
    tpu.vector_store %arg22[%swap3A_2444, %swap3A_2445, %swap3A_2446], %swap3A_2449 {strides = array<i32>} : memref<20x256x32xf32, #tpu.memory_space<vmem>>, vector<1x256x32xf32>,
    %get3A_2450 = arith.constant 0 : index
    %get3A_2451 = arith.constant 14 : index
    %get3A_2452 = vector.load %arg3[%get3A_2450, %get3A_2451] : memref<256x20xf32, #tpu.memory_space<vmem>>, vector<256x1xf32>
    %get3A_2453 = arith.constant 14 : index
    %get3A_2454 = arith.constant 0 : index
    %get3A_2455 = arith.constant 0 : index
    %get3A_2456 = vector.load %arg20[%get3A_2453, %get3A_2454, %get3A_2455] : memref<20x256x64xf32, #tpu.memory_space<vmem>>, vector<1x256x64xf32>
    %get3A_2457 = vector.shape_cast %get3A_2456 : vector<1x256x64xf32> to vector<256x64xf32>
    %dot_general3A_2458 = arith.constant dense<0.000000e+00> : vector<256x128xf32>
    %dot_general3A_2459 = tpu.matmul %get3A_2457, %get3A_2114, %dot_general3A_2458 {dimension_numbers = #tpu.dot_dimension_numbers<[1], [0], [0], [1], [0, 0, 1, 1], [], []>, transpose_lhs_hint = false} : vector<256x64xf32>, vector<64x128xf32>, vector<256x128xf32> -> vector<256x128xf32>
    %dot_general3A_2460 = arith.constant dense<0.000000e+00> : vector<256x128xf32>
    %dot_general3A_2461 = tpu.matmul %add3A_2435, %get3A_2117, %dot_general3A_2460 {dimension_numbers = #tpu.dot_dimension_numbers<[1], [0], [0], [1], [0, 0, 1, 1], [], []>, transpose_lhs_hint = false} : vector<256x32xf32>, vector<32x128xf32>, vector<256x128xf32> -> vector<256x128xf32>
    %add3A_2462 = arith.addf %dot_general3A_2459, %dot_general3A_2461 : vector<256x128xf32>
    %add3A_2463 = vector.broadcast %get3A_2120 : vector<1x128xf32> to vector<256x128xf32>
    %add3A_2464 = arith.addf %add3A_2462, %add3A_2463 : vector<256x128xf32>
    %slice3A_2465 = vector.extract_strided_slice %add3A_2464 {offsets = [0, 0], sizes = [256, 32], strides = [1, 1]} : vector<256x128xf32> to vector<256x32xf32>
    %logistic3A_2466 = arith.negf %slice3A_2465 : vector<256x32xf32>
    %logistic3A_2467 = math.exp %logistic3A_2466 : vector<256x32xf32>
    %logistic3A_2468 = arith.constant 1.000000e+00 : f32
    %logistic3A_2469 = vector.broadcast %logistic3A_2468 : f32 to vector<256x32xf32>
    %logistic3A_2470 = arith.addf %logistic3A_2469, %logistic3A_2467 : vector<256x32xf32>
    %logistic3A_2471 = arith.divf %logistic3A_2469, %logistic3A_2470 : vector<256x32xf32>
    %slice3A_2472 = vector.extract_strided_slice %add3A_2464 {offsets = [0, 32], sizes = [256, 32], strides = [1, 1]} : vector<256x128xf32> to vector<256x32xf32>
    %logistic3A_2473 = arith.negf %slice3A_2472 : vector<256x32xf32>
    %logistic3A_2474 = math.exp %logistic3A_2473 : vector<256x32xf32>
    %logistic3A_2475 = arith.constant 1.000000e+00 : f32
    %logistic3A_2476 = vector.broadcast %logistic3A_2475 : f32 to vector<256x32xf32>
    %logistic3A_2477 = arith.addf %logistic3A_2476, %logistic3A_2474 : vector<256x32xf32>
    %logistic3A_2478 = arith.divf %logistic3A_2476, %logistic3A_2477 : vector<256x32xf32>
    %slice3A_2479 = vector.extract_strided_slice %add3A_2464 {offsets = [0, 64], sizes = [256, 32], strides = [1, 1]} : vector<256x128xf32> to vector<256x32xf32>
    %tanh3A_2480 = math.tanh %slice3A_2479 : vector<256x32xf32>
    %slice3A_2481 = vector.extract_strided_slice %add3A_2464 {offsets = [0, 96], sizes = [256, 32], strides = [1, 1]} : vector<256x128xf32> to vector<256x32xf32>
    %logistic3A_2482 = arith.negf %slice3A_2481 : vector<256x32xf32>
    %logistic3A_2483 = math.exp %logistic3A_2482 : vector<256x32xf32>
    %logistic3A_2484 = arith.constant 1.000000e+00 : f32
    %logistic3A_2485 = vector.broadcast %logistic3A_2484 : f32 to vector<256x32xf32>
    %logistic3A_2486 = arith.addf %logistic3A_2485, %logistic3A_2483 : vector<256x32xf32>
    %logistic3A_2487 = arith.divf %logistic3A_2485, %logistic3A_2486 : vector<256x32xf32>
    %mul3A_2488 = arith.mulf %logistic3A_2478, %add3A_2443 : vector<256x32xf32>
    %mul3A_2489 = arith.mulf %logistic3A_2471, %tanh3A_2480 : vector<256x32xf32>
    %add3A_2490 = arith.addf %mul3A_2488, %mul3A_2489 : vector<256x32xf32>
    %tanh3A_2491 = math.tanh %add3A_2490 : vector<256x32xf32>
    %mul3A_2492 = arith.mulf %logistic3A_2487, %tanh3A_2491 : vector<256x32xf32>
    %mul3A_2493 = vector.broadcast %get3A_2452 : vector<256x1xf32> to vector<256x32xf32>
    %mul3A_2494 = arith.mulf %mul3A_2493, %mul3A_2492 : vector<256x32xf32>
    %sub3A_2495 = arith.constant 1.000000e+00 : f32
    %sub3A_2496 = vector.broadcast %sub3A_2495 : f32 to vector<256x1xf32>
    %sub3A_2497 = arith.subf %sub3A_2496, %get3A_2452 : vector<256x1xf32>
    %mul3A_2498 = vector.broadcast %sub3A_2497 : vector<256x1xf32> to vector<256x32xf32>
    %mul3A_2499 = arith.mulf %mul3A_2498, %add3A_2435 : vector<256x32xf32>
    %add3A_2500 = arith.addf %mul3A_2494, %mul3A_2499 : vector<256x32xf32>
    %mul3A_2501 = vector.broadcast %get3A_2452 : vector<256x1xf32> to vector<256x32xf32>
    %mul3A_2502 = arith.mulf %mul3A_2501, %add3A_2490 : vector<256x32xf32>
    %sub3A_2503 = arith.constant 1.000000e+00 : f32
    %sub3A_2504 = vector.broadcast %sub3A_2503 : f32 to vector<256x1xf32>
    %sub3A_2505 = arith.subf %sub3A_2504, %get3A_2452 : vector<256x1xf32>
    %mul3A_2506 = vector.broadcast %sub3A_2505 : vector<256x1xf32> to vector<256x32xf32>
    %mul3A_2507 = arith.mulf %mul3A_2506, %add3A_2443 : vector<256x32xf32>
    %add3A_2508 = arith.addf %mul3A_2502, %mul3A_2507 : vector<256x32xf32>
    %swap3A_2509 = arith.constant 14 : index
    %swap3A_2510 = arith.constant 0 : index
    %swap3A_2511 = arith.constant 0 : index
    %swap3A_2512 = vector.load %arg22[%swap3A_2509, %swap3A_2510, %swap3A_2511] : memref<20x256x32xf32, #tpu.memory_space<vmem>>, vector<1x256x32xf32>
    %swap3A_2513 = vector.shape_cast %swap3A_2512 : vector<1x256x32xf32> to vector<256x32xf32>
    %swap3A_2514 = vector.shape_cast %add3A_2500 : vector<256x32xf32> to vector<1x256x32xf32>
    tpu.vector_store %arg22[%swap3A_2509, %swap3A_2510, %swap3A_2511], %swap3A_2514 {strides = array<i32>} : memref<20x256x32xf32, #tpu.memory_space<vmem>>, vector<1x256x32xf32>,
    %get3A_2515 = arith.constant 0 : index
    %get3A_2516 = arith.constant 13 : index
    %get3A_2517 = vector.load %arg3[%get3A_2515, %get3A_2516] : memref<256x20xf32, #tpu.memory_space<vmem>>, vector<256x1xf32>
    %get3A_2518 = arith.constant 13 : index
    %get3A_2519 = arith.constant 0 : index
    %get3A_2520 = arith.constant 0 : index
    %get3A_2521 = vector.load %arg20[%get3A_2518, %get3A_2519, %get3A_2520] : memref<20x256x64xf32, #tpu.memory_space<vmem>>, vector<1x256x64xf32>
    %get3A_2522 = vector.shape_cast %get3A_2521 : vector<1x256x64xf32> to vector<256x64xf32>
    %dot_general3A_2523 = arith.constant dense<0.000000e+00> : vector<256x128xf32>
    %dot_general3A_2524 = tpu.matmul %get3A_2522, %get3A_2114, %dot_general3A_2523 {dimension_numbers = #tpu.dot_dimension_numbers<[1], [0], [0], [1], [0, 0, 1, 1], [], []>, transpose_lhs_hint = false} : vector<256x64xf32>, vector<64x128xf32>, vector<256x128xf32> -> vector<256x128xf32>
    %dot_general3A_2525 = arith.constant dense<0.000000e+00> : vector<256x128xf32>
    %dot_general3A_2526 = tpu.matmul %add3A_2500, %get3A_2117, %dot_general3A_2525 {dimension_numbers = #tpu.dot_dimension_numbers<[1], [0], [0], [1], [0, 0, 1, 1], [], []>, transpose_lhs_hint = false} : vector<256x32xf32>, vector<32x128xf32>, vector<256x128xf32> -> vector<256x128xf32>
    %add3A_2527 = arith.addf %dot_general3A_2524, %dot_general3A_2526 : vector<256x128xf32>
    %add3A_2528 = vector.broadcast %get3A_2120 : vector<1x128xf32> to vector<256x128xf32>
    %add3A_2529 = arith.addf %add3A_2527, %add3A_2528 : vector<256x128xf32>
    %slice3A_2530 = vector.extract_strided_slice %add3A_2529 {offsets = [0, 0], sizes = [256, 32], strides = [1, 1]} : vector<256x128xf32> to vector<256x32xf32>
    %logistic3A_2531 = arith.negf %slice3A_2530 : vector<256x32xf32>
    %logistic3A_2532 = math.exp %logistic3A_2531 : vector<256x32xf32>
    %logistic3A_2533 = arith.constant 1.000000e+00 : f32
    %logistic3A_2534 = vector.broadcast %logistic3A_2533 : f32 to vector<256x32xf32>
    %logistic3A_2535 = arith.addf %logistic3A_2534, %logistic3A_2532 : vector<256x32xf32>
    %logistic3A_2536 = arith.divf %logistic3A_2534, %logistic3A_2535 : vector<256x32xf32>
    %slice3A_2537 = vector.extract_strided_slice %add3A_2529 {offsets = [0, 32], sizes = [256, 32], strides = [1, 1]} : vector<256x128xf32> to vector<256x32xf32>
    %logistic3A_2538 = arith.negf %slice3A_2537 : vector<256x32xf32>
    %logistic3A_2539 = math.exp %logistic3A_2538 : vector<256x32xf32>
    %logistic3A_2540 = arith.constant 1.000000e+00 : f32
    %logistic3A_2541 = vector.broadcast %logistic3A_2540 : f32 to vector<256x32xf32>
    %logistic3A_2542 = arith.addf %logistic3A_2541, %logistic3A_2539 : vector<256x32xf32>
    %logistic3A_2543 = arith.divf %logistic3A_2541, %logistic3A_2542 : vector<256x32xf32>
    %slice3A_2544 = vector.extract_strided_slice %add3A_2529 {offsets = [0, 64], sizes = [256, 32], strides = [1, 1]} : vector<256x128xf32> to vector<256x32xf32>
    %tanh3A_2545 = math.tanh %slice3A_2544 : vector<256x32xf32>
    %slice3A_2546 = vector.extract_strided_slice %add3A_2529 {offsets = [0, 96], sizes = [256, 32], strides = [1, 1]} : vector<256x128xf32> to vector<256x32xf32>
    %logistic3A_2547 = arith.negf %slice3A_2546 : vector<256x32xf32>
    %logistic3A_2548 = math.exp %logistic3A_2547 : vector<256x32xf32>
    %logistic3A_2549 = arith.constant 1.000000e+00 : f32
    %logistic3A_2550 = vector.broadcast %logistic3A_2549 : f32 to vector<256x32xf32>
    %logistic3A_2551 = arith.addf %logistic3A_2550, %logistic3A_2548 : vector<256x32xf32>
    %logistic3A_2552 = arith.divf %logistic3A_2550, %logistic3A_2551 : vector<256x32xf32>
    %mul3A_2553 = arith.mulf %logistic3A_2543, %add3A_2508 : vector<256x32xf32>
    %mul3A_2554 = arith.mulf %logistic3A_2536, %tanh3A_2545 : vector<256x32xf32>
    %add3A_2555 = arith.addf %mul3A_2553, %mul3A_2554 : vector<256x32xf32>
    %tanh3A_2556 = math.tanh %add3A_2555 : vector<256x32xf32>
    %mul3A_2557 = arith.mulf %logistic3A_2552, %tanh3A_2556 : vector<256x32xf32>
    %mul3A_2558 = vector.broadcast %get3A_2517 : vector<256x1xf32> to vector<256x32xf32>
    %mul3A_2559 = arith.mulf %mul3A_2558, %mul3A_2557 : vector<256x32xf32>
    %sub3A_2560 = arith.constant 1.000000e+00 : f32
    %sub3A_2561 = vector.broadcast %sub3A_2560 : f32 to vector<256x1xf32>
    %sub3A_2562 = arith.subf %sub3A_2561, %get3A_2517 : vector<256x1xf32>
    %mul3A_2563 = vector.broadcast %sub3A_2562 : vector<256x1xf32> to vector<256x32xf32>
    %mul3A_2564 = arith.mulf %mul3A_2563, %add3A_2500 : vector<256x32xf32>
    %add3A_2565 = arith.addf %mul3A_2559, %mul3A_2564 : vector<256x32xf32>
    %mul3A_2566 = vector.broadcast %get3A_2517 : vector<256x1xf32> to vector<256x32xf32>
    %mul3A_2567 = arith.mulf %mul3A_2566, %add3A_2555 : vector<256x32xf32>
    %sub3A_2568 = arith.constant 1.000000e+00 : f32
    %sub3A_2569 = vector.broadcast %sub3A_2568 : f32 to vector<256x1xf32>
    %sub3A_2570 = arith.subf %sub3A_2569, %get3A_2517 : vector<256x1xf32>
    %mul3A_2571 = vector.broadcast %sub3A_2570 : vector<256x1xf32> to vector<256x32xf32>
    %mul3A_2572 = arith.mulf %mul3A_2571, %add3A_2508 : vector<256x32xf32>
    %add3A_2573 = arith.addf %mul3A_2567, %mul3A_2572 : vector<256x32xf32>
    %swap3A_2574 = arith.constant 13 : index
    %swap3A_2575 = arith.constant 0 : index
    %swap3A_2576 = arith.constant 0 : index
    %swap3A_2577 = vector.load %arg22[%swap3A_2574, %swap3A_2575, %swap3A_2576] : memref<20x256x32xf32, #tpu.memory_space<vmem>>, vector<1x256x32xf32>
    %swap3A_2578 = vector.shape_cast %swap3A_2577 : vector<1x256x32xf32> to vector<256x32xf32>
    %swap3A_2579 = vector.shape_cast %add3A_2565 : vector<256x32xf32> to vector<1x256x32xf32>
    tpu.vector_store %arg22[%swap3A_2574, %swap3A_2575, %swap3A_2576], %swap3A_2579 {strides = array<i32>} : memref<20x256x32xf32, #tpu.memory_space<vmem>>, vector<1x256x32xf32>,
    %get3A_2580 = arith.constant 0 : index
    %get3A_2581 = arith.constant 12 : index
    %get3A_2582 = vector.load %arg3[%get3A_2580, %get3A_2581] : memref<256x20xf32, #tpu.memory_space<vmem>>, vector<256x1xf32>
    %get3A_2583 = arith.constant 12 : index
    %get3A_2584 = arith.constant 0 : index
    %get3A_2585 = arith.constant 0 : index
    %get3A_2586 = vector.load %arg20[%get3A_2583, %get3A_2584, %get3A_2585] : memref<20x256x64xf32, #tpu.memory_space<vmem>>, vector<1x256x64xf32>
    %get3A_2587 = vector.shape_cast %get3A_2586 : vector<1x256x64xf32> to vector<256x64xf32>
    %dot_general3A_2588 = arith.constant dense<0.000000e+00> : vector<256x128xf32>
    %dot_general3A_2589 = tpu.matmul %get3A_2587, %get3A_2114, %dot_general3A_2588 {dimension_numbers = #tpu.dot_dimension_numbers<[1], [0], [0], [1], [0, 0, 1, 1], [], []>, transpose_lhs_hint = false} : vector<256x64xf32>, vector<64x128xf32>, vector<256x128xf32> -> vector<256x128xf32>
    %dot_general3A_2590 = arith.constant dense<0.000000e+00> : vector<256x128xf32>
    %dot_general3A_2591 = tpu.matmul %add3A_2565, %get3A_2117, %dot_general3A_2590 {dimension_numbers = #tpu.dot_dimension_numbers<[1], [0], [0], [1], [0, 0, 1, 1], [], []>, transpose_lhs_hint = false} : vector<256x32xf32>, vector<32x128xf32>, vector<256x128xf32> -> vector<256x128xf32>
    %add3A_2592 = arith.addf %dot_general3A_2589, %dot_general3A_2591 : vector<256x128xf32>
    %add3A_2593 = vector.broadcast %get3A_2120 : vector<1x128xf32> to vector<256x128xf32>
    %add3A_2594 = arith.addf %add3A_2592, %add3A_2593 : vector<256x128xf32>
    %slice3A_2595 = vector.extract_strided_slice %add3A_2594 {offsets = [0, 0], sizes = [256, 32], strides = [1, 1]} : vector<256x128xf32> to vector<256x32xf32>
    %logistic3A_2596 = arith.negf %slice3A_2595 : vector<256x32xf32>
    %logistic3A_2597 = math.exp %logistic3A_2596 : vector<256x32xf32>
    %logistic3A_2598 = arith.constant 1.000000e+00 : f32
    %logistic3A_2599 = vector.broadcast %logistic3A_2598 : f32 to vector<256x32xf32>
    %logistic3A_2600 = arith.addf %logistic3A_2599, %logistic3A_2597 : vector<256x32xf32>
    %logistic3A_2601 = arith.divf %logistic3A_2599, %logistic3A_2600 : vector<256x32xf32>
    %slice3A_2602 = vector.extract_strided_slice %add3A_2594 {offsets = [0, 32], sizes = [256, 32], strides = [1, 1]} : vector<256x128xf32> to vector<256x32xf32>
    %logistic3A_2603 = arith.negf %slice3A_2602 : vector<256x32xf32>
    %logistic3A_2604 = math.exp %logistic3A_2603 : vector<256x32xf32>
    %logistic3A_2605 = arith.constant 1.000000e+00 : f32
    %logistic3A_2606 = vector.broadcast %logistic3A_2605 : f32 to vector<256x32xf32>
    %logistic3A_2607 = arith.addf %logistic3A_2606, %logistic3A_2604 : vector<256x32xf32>
    %logistic3A_2608 = arith.divf %logistic3A_2606, %logistic3A_2607 : vector<256x32xf32>
    %slice3A_2609 = vector.extract_strided_slice %add3A_2594 {offsets = [0, 64], sizes = [256, 32], strides = [1, 1]} : vector<256x128xf32> to vector<256x32xf32>
    %tanh3A_2610 = math.tanh %slice3A_2609 : vector<256x32xf32>
    %slice3A_2611 = vector.extract_strided_slice %add3A_2594 {offsets = [0, 96], sizes = [256, 32], strides = [1, 1]} : vector<256x128xf32> to vector<256x32xf32>
    %logistic3A_2612 = arith.negf %slice3A_2611 : vector<256x32xf32>
    %logistic3A_2613 = math.exp %logistic3A_2612 : vector<256x32xf32>
    %logistic3A_2614 = arith.constant 1.000000e+00 : f32
    %logistic3A_2615 = vector.broadcast %logistic3A_2614 : f32 to vector<256x32xf32>
    %logistic3A_2616 = arith.addf %logistic3A_2615, %logistic3A_2613 : vector<256x32xf32>
    %logistic3A_2617 = arith.divf %logistic3A_2615, %logistic3A_2616 : vector<256x32xf32>
    %mul3A_2618 = arith.mulf %logistic3A_2608, %add3A_2573 : vector<256x32xf32>
    %mul3A_2619 = arith.mulf %logistic3A_2601, %tanh3A_2610 : vector<256x32xf32>
    %add3A_2620 = arith.addf %mul3A_2618, %mul3A_2619 : vector<256x32xf32>
    %tanh3A_2621 = math.tanh %add3A_2620 : vector<256x32xf32>
    %mul3A_2622 = arith.mulf %logistic3A_2617, %tanh3A_2621 : vector<256x32xf32>
    %mul3A_2623 = vector.broadcast %get3A_2582 : vector<256x1xf32> to vector<256x32xf32>
    %mul3A_2624 = arith.mulf %mul3A_2623, %mul3A_2622 : vector<256x32xf32>
    %sub3A_2625 = arith.constant 1.000000e+00 : f32
    %sub3A_2626 = vector.broadcast %sub3A_2625 : f32 to vector<256x1xf32>
    %sub3A_2627 = arith.subf %sub3A_2626, %get3A_2582 : vector<256x1xf32>
    %mul3A_2628 = vector.broadcast %sub3A_2627 : vector<256x1xf32> to vector<256x32xf32>
    %mul3A_2629 = arith.mulf %mul3A_2628, %add3A_2565 : vector<256x32xf32>
    %add3A_2630 = arith.addf %mul3A_2624, %mul3A_2629 : vector<256x32xf32>
    %mul3A_2631 = vector.broadcast %get3A_2582 : vector<256x1xf32> to vector<256x32xf32>
    %mul3A_2632 = arith.mulf %mul3A_2631, %add3A_2620 : vector<256x32xf32>
    %sub3A_2633 = arith.constant 1.000000e+00 : f32
    %sub3A_2634 = vector.broadcast %sub3A_2633 : f32 to vector<256x1xf32>
    %sub3A_2635 = arith.subf %sub3A_2634, %get3A_2582 : vector<256x1xf32>
    %mul3A_2636 = vector.broadcast %sub3A_2635 : vector<256x1xf32> to vector<256x32xf32>
    %mul3A_2637 = arith.mulf %mul3A_2636, %add3A_2573 : vector<256x32xf32>
    %add3A_2638 = arith.addf %mul3A_2632, %mul3A_2637 : vector<256x32xf32>
    %swap3A_2639 = arith.constant 12 : index
    %swap3A_2640 = arith.constant 0 : index
    %swap3A_2641 = arith.constant 0 : index
    %swap3A_2642 = vector.load %arg22[%swap3A_2639, %swap3A_2640, %swap3A_2641] : memref<20x256x32xf32, #tpu.memory_space<vmem>>, vector<1x256x32xf32>
    %swap3A_2643 = vector.shape_cast %swap3A_2642 : vector<1x256x32xf32> to vector<256x32xf32>
    %swap3A_2644 = vector.shape_cast %add3A_2630 : vector<256x32xf32> to vector<1x256x32xf32>
    tpu.vector_store %arg22[%swap3A_2639, %swap3A_2640, %swap3A_2641], %swap3A_2644 {strides = array<i32>} : memref<20x256x32xf32, #tpu.memory_space<vmem>>, vector<1x256x32xf32>,
    %get3A_2645 = arith.constant 0 : index
    %get3A_2646 = arith.constant 11 : index
    %get3A_2647 = vector.load %arg3[%get3A_2645, %get3A_2646] : memref<256x20xf32, #tpu.memory_space<vmem>>, vector<256x1xf32>
    %get3A_2648 = arith.constant 11 : index
    %get3A_2649 = arith.constant 0 : index
    %get3A_2650 = arith.constant 0 : index
    %get3A_2651 = vector.load %arg20[%get3A_2648, %get3A_2649, %get3A_2650] : memref<20x256x64xf32, #tpu.memory_space<vmem>>, vector<1x256x64xf32>
    %get3A_2652 = vector.shape_cast %get3A_2651 : vector<1x256x64xf32> to vector<256x64xf32>
    %dot_general3A_2653 = arith.constant dense<0.000000e+00> : vector<256x128xf32>
    %dot_general3A_2654 = tpu.matmul %get3A_2652, %get3A_2114, %dot_general3A_2653 {dimension_numbers = #tpu.dot_dimension_numbers<[1], [0], [0], [1], [0, 0, 1, 1], [], []>, transpose_lhs_hint = false} : vector<256x64xf32>, vector<64x128xf32>, vector<256x128xf32> -> vector<256x128xf32>
    %dot_general3A_2655 = arith.constant dense<0.000000e+00> : vector<256x128xf32>
    %dot_general3A_2656 = tpu.matmul %add3A_2630, %get3A_2117, %dot_general3A_2655 {dimension_numbers = #tpu.dot_dimension_numbers<[1], [0], [0], [1], [0, 0, 1, 1], [], []>, transpose_lhs_hint = false} : vector<256x32xf32>, vector<32x128xf32>, vector<256x128xf32> -> vector<256x128xf32>
    %add3A_2657 = arith.addf %dot_general3A_2654, %dot_general3A_2656 : vector<256x128xf32>
    %add3A_2658 = vector.broadcast %get3A_2120 : vector<1x128xf32> to vector<256x128xf32>
    %add3A_2659 = arith.addf %add3A_2657, %add3A_2658 : vector<256x128xf32>
    %slice3A_2660 = vector.extract_strided_slice %add3A_2659 {offsets = [0, 0], sizes = [256, 32], strides = [1, 1]} : vector<256x128xf32> to vector<256x32xf32>
    %logistic3A_2661 = arith.negf %slice3A_2660 : vector<256x32xf32>
    %logistic3A_2662 = math.exp %logistic3A_2661 : vector<256x32xf32>
    %logistic3A_2663 = arith.constant 1.000000e+00 : f32
    %logistic3A_2664 = vector.broadcast %logistic3A_2663 : f32 to vector<256x32xf32>
    %logistic3A_2665 = arith.addf %logistic3A_2664, %logistic3A_2662 : vector<256x32xf32>
    %logistic3A_2666 = arith.divf %logistic3A_2664, %logistic3A_2665 : vector<256x32xf32>
    %slice3A_2667 = vector.extract_strided_slice %add3A_2659 {offsets = [0, 32], sizes = [256, 32], strides = [1, 1]} : vector<256x128xf32> to vector<256x32xf32>
    %logistic3A_2668 = arith.negf %slice3A_2667 : vector<256x32xf32>
    %logistic3A_2669 = math.exp %logistic3A_2668 : vector<256x32xf32>
    %logistic3A_2670 = arith.constant 1.000000e+00 : f32
    %logistic3A_2671 = vector.broadcast %logistic3A_2670 : f32 to vector<256x32xf32>
    %logistic3A_2672 = arith.addf %logistic3A_2671, %logistic3A_2669 : vector<256x32xf32>
    %logistic3A_2673 = arith.divf %logistic3A_2671, %logistic3A_2672 : vector<256x32xf32>
    %slice3A_2674 = vector.extract_strided_slice %add3A_2659 {offsets = [0, 64], sizes = [256, 32], strides = [1, 1]} : vector<256x128xf32> to vector<256x32xf32>
    %tanh3A_2675 = math.tanh %slice3A_2674 : vector<256x32xf32>
    %slice3A_2676 = vector.extract_strided_slice %add3A_2659 {offsets = [0, 96], sizes = [256, 32], strides = [1, 1]} : vector<256x128xf32> to vector<256x32xf32>
    %logistic3A_2677 = arith.negf %slice3A_2676 : vector<256x32xf32>
    %logistic3A_2678 = math.exp %logistic3A_2677 : vector<256x32xf32>
    %logistic3A_2679 = arith.constant 1.000000e+00 : f32
    %logistic3A_2680 = vector.broadcast %logistic3A_2679 : f32 to vector<256x32xf32>
    %logistic3A_2681 = arith.addf %logistic3A_2680, %logistic3A_2678 : vector<256x32xf32>
    %logistic3A_2682 = arith.divf %logistic3A_2680, %logistic3A_2681 : vector<256x32xf32>
    %mul3A_2683 = arith.mulf %logistic3A_2673, %add3A_2638 : vector<256x32xf32>
    %mul3A_2684 = arith.mulf %logistic3A_2666, %tanh3A_2675 : vector<256x32xf32>
    %add3A_2685 = arith.addf %mul3A_2683, %mul3A_2684 : vector<256x32xf32>
    %tanh3A_2686 = math.tanh %add3A_2685 : vector<256x32xf32>
    %mul3A_2687 = arith.mulf %logistic3A_2682, %tanh3A_2686 : vector<256x32xf32>
    %mul3A_2688 = vector.broadcast %get3A_2647 : vector<256x1xf32> to vector<256x32xf32>
    %mul3A_2689 = arith.mulf %mul3A_2688, %mul3A_2687 : vector<256x32xf32>
    %sub3A_2690 = arith.constant 1.000000e+00 : f32
    %sub3A_2691 = vector.broadcast %sub3A_2690 : f32 to vector<256x1xf32>
    %sub3A_2692 = arith.subf %sub3A_2691, %get3A_2647 : vector<256x1xf32>
    %mul3A_2693 = vector.broadcast %sub3A_2692 : vector<256x1xf32> to vector<256x32xf32>
    %mul3A_2694 = arith.mulf %mul3A_2693, %add3A_2630 : vector<256x32xf32>
    %add3A_2695 = arith.addf %mul3A_2689, %mul3A_2694 : vector<256x32xf32>
    %mul3A_2696 = vector.broadcast %get3A_2647 : vector<256x1xf32> to vector<256x32xf32>
    %mul3A_2697 = arith.mulf %mul3A_2696, %add3A_2685 : vector<256x32xf32>
    %sub3A_2698 = arith.constant 1.000000e+00 : f32
    %sub3A_2699 = vector.broadcast %sub3A_2698 : f32 to vector<256x1xf32>
    %sub3A_2700 = arith.subf %sub3A_2699, %get3A_2647 : vector<256x1xf32>
    %mul3A_2701 = vector.broadcast %sub3A_2700 : vector<256x1xf32> to vector<256x32xf32>
    %mul3A_2702 = arith.mulf %mul3A_2701, %add3A_2638 : vector<256x32xf32>
    %add3A_2703 = arith.addf %mul3A_2697, %mul3A_2702 : vector<256x32xf32>
    %swap3A_2704 = arith.constant 11 : index
    %swap3A_2705 = arith.constant 0 : index
    %swap3A_2706 = arith.constant 0 : index
    %swap3A_2707 = vector.load %arg22[%swap3A_2704, %swap3A_2705, %swap3A_2706] : memref<20x256x32xf32, #tpu.memory_space<vmem>>, vector<1x256x32xf32>
    %swap3A_2708 = vector.shape_cast %swap3A_2707 : vector<1x256x32xf32> to vector<256x32xf32>
    %swap3A_2709 = vector.shape_cast %add3A_2695 : vector<256x32xf32> to vector<1x256x32xf32>
    tpu.vector_store %arg22[%swap3A_2704, %swap3A_2705, %swap3A_2706], %swap3A_2709 {strides = array<i32>} : memref<20x256x32xf32, #tpu.memory_space<vmem>>, vector<1x256x32xf32>,
    %get3A_2710 = arith.constant 0 : index
    %get3A_2711 = arith.constant 10 : index
    %get3A_2712 = vector.load %arg3[%get3A_2710, %get3A_2711] : memref<256x20xf32, #tpu.memory_space<vmem>>, vector<256x1xf32>
    %get3A_2713 = arith.constant 10 : index
    %get3A_2714 = arith.constant 0 : index
    %get3A_2715 = arith.constant 0 : index
    %get3A_2716 = vector.load %arg20[%get3A_2713, %get3A_2714, %get3A_2715] : memref<20x256x64xf32, #tpu.memory_space<vmem>>, vector<1x256x64xf32>
    %get3A_2717 = vector.shape_cast %get3A_2716 : vector<1x256x64xf32> to vector<256x64xf32>
    %dot_general3A_2718 = arith.constant dense<0.000000e+00> : vector<256x128xf32>
    %dot_general3A_2719 = tpu.matmul %get3A_2717, %get3A_2114, %dot_general3A_2718 {dimension_numbers = #tpu.dot_dimension_numbers<[1], [0], [0], [1], [0, 0, 1, 1], [], []>, transpose_lhs_hint = false} : vector<256x64xf32>, vector<64x128xf32>, vector<256x128xf32> -> vector<256x128xf32>
    %dot_general3A_2720 = arith.constant dense<0.000000e+00> : vector<256x128xf32>
    %dot_general3A_2721 = tpu.matmul %add3A_2695, %get3A_2117, %dot_general3A_2720 {dimension_numbers = #tpu.dot_dimension_numbers<[1], [0], [0], [1], [0, 0, 1, 1], [], []>, transpose_lhs_hint = false} : vector<256x32xf32>, vector<32x128xf32>, vector<256x128xf32> -> vector<256x128xf32>
    %add3A_2722 = arith.addf %dot_general3A_2719, %dot_general3A_2721 : vector<256x128xf32>
    %add3A_2723 = vector.broadcast %get3A_2120 : vector<1x128xf32> to vector<256x128xf32>
    %add3A_2724 = arith.addf %add3A_2722, %add3A_2723 : vector<256x128xf32>
    %slice3A_2725 = vector.extract_strided_slice %add3A_2724 {offsets = [0, 0], sizes = [256, 32], strides = [1, 1]} : vector<256x128xf32> to vector<256x32xf32>
    %logistic3A_2726 = arith.negf %slice3A_2725 : vector<256x32xf32>
    %logistic3A_2727 = math.exp %logistic3A_2726 : vector<256x32xf32>
    %logistic3A_2728 = arith.constant 1.000000e+00 : f32
    %logistic3A_2729 = vector.broadcast %logistic3A_2728 : f32 to vector<256x32xf32>
    %logistic3A_2730 = arith.addf %logistic3A_2729, %logistic3A_2727 : vector<256x32xf32>
    %logistic3A_2731 = arith.divf %logistic3A_2729, %logistic3A_2730 : vector<256x32xf32>
    %slice3A_2732 = vector.extract_strided_slice %add3A_2724 {offsets = [0, 32], sizes = [256, 32], strides = [1, 1]} : vector<256x128xf32> to vector<256x32xf32>
    %logistic3A_2733 = arith.negf %slice3A_2732 : vector<256x32xf32>
    %logistic3A_2734 = math.exp %logistic3A_2733 : vector<256x32xf32>
    %logistic3A_2735 = arith.constant 1.000000e+00 : f32
    %logistic3A_2736 = vector.broadcast %logistic3A_2735 : f32 to vector<256x32xf32>
    %logistic3A_2737 = arith.addf %logistic3A_2736, %logistic3A_2734 : vector<256x32xf32>
    %logistic3A_2738 = arith.divf %logistic3A_2736, %logistic3A_2737 : vector<256x32xf32>
    %slice3A_2739 = vector.extract_strided_slice %add3A_2724 {offsets = [0, 64], sizes = [256, 32], strides = [1, 1]} : vector<256x128xf32> to vector<256x32xf32>
    %tanh3A_2740 = math.tanh %slice3A_2739 : vector<256x32xf32>
    %slice3A_2741 = vector.extract_strided_slice %add3A_2724 {offsets = [0, 96], sizes = [256, 32], strides = [1, 1]} : vector<256x128xf32> to vector<256x32xf32>
    %logistic3A_2742 = arith.negf %slice3A_2741 : vector<256x32xf32>
    %logistic3A_2743 = math.exp %logistic3A_2742 : vector<256x32xf32>
    %logistic3A_2744 = arith.constant 1.000000e+00 : f32
    %logistic3A_2745 = vector.broadcast %logistic3A_2744 : f32 to vector<256x32xf32>
    %logistic3A_2746 = arith.addf %logistic3A_2745, %logistic3A_2743 : vector<256x32xf32>
    %logistic3A_2747 = arith.divf %logistic3A_2745, %logistic3A_2746 : vector<256x32xf32>
    %mul3A_2748 = arith.mulf %logistic3A_2738, %add3A_2703 : vector<256x32xf32>
    %mul3A_2749 = arith.mulf %logistic3A_2731, %tanh3A_2740 : vector<256x32xf32>
    %add3A_2750 = arith.addf %mul3A_2748, %mul3A_2749 : vector<256x32xf32>
    %tanh3A_2751 = math.tanh %add3A_2750 : vector<256x32xf32>
    %mul3A_2752 = arith.mulf %logistic3A_2747, %tanh3A_2751 : vector<256x32xf32>
    %mul3A_2753 = vector.broadcast %get3A_2712 : vector<256x1xf32> to vector<256x32xf32>
    %mul3A_2754 = arith.mulf %mul3A_2753, %mul3A_2752 : vector<256x32xf32>
    %sub3A_2755 = arith.constant 1.000000e+00 : f32
    %sub3A_2756 = vector.broadcast %sub3A_2755 : f32 to vector<256x1xf32>
    %sub3A_2757 = arith.subf %sub3A_2756, %get3A_2712 : vector<256x1xf32>
    %mul3A_2758 = vector.broadcast %sub3A_2757 : vector<256x1xf32> to vector<256x32xf32>
    %mul3A_2759 = arith.mulf %mul3A_2758, %add3A_2695 : vector<256x32xf32>
    %add3A_2760 = arith.addf %mul3A_2754, %mul3A_2759 : vector<256x32xf32>
    %mul3A_2761 = vector.broadcast %get3A_2712 : vector<256x1xf32> to vector<256x32xf32>
    %mul3A_2762 = arith.mulf %mul3A_2761, %add3A_2750 : vector<256x32xf32>
    %sub3A_2763 = arith.constant 1.000000e+00 : f32
    %sub3A_2764 = vector.broadcast %sub3A_2763 : f32 to vector<256x1xf32>
    %sub3A_2765 = arith.subf %sub3A_2764, %get3A_2712 : vector<256x1xf32>
    %mul3A_2766 = vector.broadcast %sub3A_2765 : vector<256x1xf32> to vector<256x32xf32>
    %mul3A_2767 = arith.mulf %mul3A_2766, %add3A_2703 : vector<256x32xf32>
    %add3A_2768 = arith.addf %mul3A_2762, %mul3A_2767 : vector<256x32xf32>
    %swap3A_2769 = arith.constant 10 : index
    %swap3A_2770 = arith.constant 0 : index
    %swap3A_2771 = arith.constant 0 : index
    %swap3A_2772 = vector.load %arg22[%swap3A_2769, %swap3A_2770, %swap3A_2771] : memref<20x256x32xf32, #tpu.memory_space<vmem>>, vector<1x256x32xf32>
    %swap3A_2773 = vector.shape_cast %swap3A_2772 : vector<1x256x32xf32> to vector<256x32xf32>
    %swap3A_2774 = vector.shape_cast %add3A_2760 : vector<256x32xf32> to vector<1x256x32xf32>
    tpu.vector_store %arg22[%swap3A_2769, %swap3A_2770, %swap3A_2771], %swap3A_2774 {strides = array<i32>} : memref<20x256x32xf32, #tpu.memory_space<vmem>>, vector<1x256x32xf32>,
    %get3A_2775 = arith.constant 0 : index
    %get3A_2776 = arith.constant 9 : index
    %get3A_2777 = vector.load %arg3[%get3A_2775, %get3A_2776] : memref<256x20xf32, #tpu.memory_space<vmem>>, vector<256x1xf32>
    %get3A_2778 = arith.constant 9 : index
    %get3A_2779 = arith.constant 0 : index
    %get3A_2780 = arith.constant 0 : index
    %get3A_2781 = vector.load %arg20[%get3A_2778, %get3A_2779, %get3A_2780] : memref<20x256x64xf32, #tpu.memory_space<vmem>>, vector<1x256x64xf32>
    %get3A_2782 = vector.shape_cast %get3A_2781 : vector<1x256x64xf32> to vector<256x64xf32>
    %dot_general3A_2783 = arith.constant dense<0.000000e+00> : vector<256x128xf32>
    %dot_general3A_2784 = tpu.matmul %get3A_2782, %get3A_2114, %dot_general3A_2783 {dimension_numbers = #tpu.dot_dimension_numbers<[1], [0], [0], [1], [0, 0, 1, 1], [], []>, transpose_lhs_hint = false} : vector<256x64xf32>, vector<64x128xf32>, vector<256x128xf32> -> vector<256x128xf32>
    %dot_general3A_2785 = arith.constant dense<0.000000e+00> : vector<256x128xf32>
    %dot_general3A_2786 = tpu.matmul %add3A_2760, %get3A_2117, %dot_general3A_2785 {dimension_numbers = #tpu.dot_dimension_numbers<[1], [0], [0], [1], [0, 0, 1, 1], [], []>, transpose_lhs_hint = false} : vector<256x32xf32>, vector<32x128xf32>, vector<256x128xf32> -> vector<256x128xf32>
    %add3A_2787 = arith.addf %dot_general3A_2784, %dot_general3A_2786 : vector<256x128xf32>
    %add3A_2788 = vector.broadcast %get3A_2120 : vector<1x128xf32> to vector<256x128xf32>
    %add3A_2789 = arith.addf %add3A_2787, %add3A_2788 : vector<256x128xf32>
    %slice3A_2790 = vector.extract_strided_slice %add3A_2789 {offsets = [0, 0], sizes = [256, 32], strides = [1, 1]} : vector<256x128xf32> to vector<256x32xf32>
    %logistic3A_2791 = arith.negf %slice3A_2790 : vector<256x32xf32>
    %logistic3A_2792 = math.exp %logistic3A_2791 : vector<256x32xf32>
    %logistic3A_2793 = arith.constant 1.000000e+00 : f32
    %logistic3A_2794 = vector.broadcast %logistic3A_2793 : f32 to vector<256x32xf32>
    %logistic3A_2795 = arith.addf %logistic3A_2794, %logistic3A_2792 : vector<256x32xf32>
    %logistic3A_2796 = arith.divf %logistic3A_2794, %logistic3A_2795 : vector<256x32xf32>
    %slice3A_2797 = vector.extract_strided_slice %add3A_2789 {offsets = [0, 32], sizes = [256, 32], strides = [1, 1]} : vector<256x128xf32> to vector<256x32xf32>
    %logistic3A_2798 = arith.negf %slice3A_2797 : vector<256x32xf32>
    %logistic3A_2799 = math.exp %logistic3A_2798 : vector<256x32xf32>
    %logistic3A_2800 = arith.constant 1.000000e+00 : f32
    %logistic3A_2801 = vector.broadcast %logistic3A_2800 : f32 to vector<256x32xf32>
    %logistic3A_2802 = arith.addf %logistic3A_2801, %logistic3A_2799 : vector<256x32xf32>
    %logistic3A_2803 = arith.divf %logistic3A_2801, %logistic3A_2802 : vector<256x32xf32>
    %slice3A_2804 = vector.extract_strided_slice %add3A_2789 {offsets = [0, 64], sizes = [256, 32], strides = [1, 1]} : vector<256x128xf32> to vector<256x32xf32>
    %tanh3A_2805 = math.tanh %slice3A_2804 : vector<256x32xf32>
    %slice3A_2806 = vector.extract_strided_slice %add3A_2789 {offsets = [0, 96], sizes = [256, 32], strides = [1, 1]} : vector<256x128xf32> to vector<256x32xf32>
    %logistic3A_2807 = arith.negf %slice3A_2806 : vector<256x32xf32>
    %logistic3A_2808 = math.exp %logistic3A_2807 : vector<256x32xf32>
    %logistic3A_2809 = arith.constant 1.000000e+00 : f32
    %logistic3A_2810 = vector.broadcast %logistic3A_2809 : f32 to vector<256x32xf32>
    %logistic3A_2811 = arith.addf %logistic3A_2810, %logistic3A_2808 : vector<256x32xf32>
    %logistic3A_2812 = arith.divf %logistic3A_2810, %logistic3A_2811 : vector<256x32xf32>
    %mul3A_2813 = arith.mulf %logistic3A_2803, %add3A_2768 : vector<256x32xf32>
    %mul3A_2814 = arith.mulf %logistic3A_2796, %tanh3A_2805 : vector<256x32xf32>
    %add3A_2815 = arith.addf %mul3A_2813, %mul3A_2814 : vector<256x32xf32>
    %tanh3A_2816 = math.tanh %add3A_2815 : vector<256x32xf32>
    %mul3A_2817 = arith.mulf %logistic3A_2812, %tanh3A_2816 : vector<256x32xf32>
    %mul3A_2818 = vector.broadcast %get3A_2777 : vector<256x1xf32> to vector<256x32xf32>
    %mul3A_2819 = arith.mulf %mul3A_2818, %mul3A_2817 : vector<256x32xf32>
    %sub3A_2820 = arith.constant 1.000000e+00 : f32
    %sub3A_2821 = vector.broadcast %sub3A_2820 : f32 to vector<256x1xf32>
    %sub3A_2822 = arith.subf %sub3A_2821, %get3A_2777 : vector<256x1xf32>
    %mul3A_2823 = vector.broadcast %sub3A_2822 : vector<256x1xf32> to vector<256x32xf32>
    %mul3A_2824 = arith.mulf %mul3A_2823, %add3A_2760 : vector<256x32xf32>
    %add3A_2825 = arith.addf %mul3A_2819, %mul3A_2824 : vector<256x32xf32>
    %mul3A_2826 = vector.broadcast %get3A_2777 : vector<256x1xf32> to vector<256x32xf32>
    %mul3A_2827 = arith.mulf %mul3A_2826, %add3A_2815 : vector<256x32xf32>
    %sub3A_2828 = arith.constant 1.000000e+00 : f32
    %sub3A_2829 = vector.broadcast %sub3A_2828 : f32 to vector<256x1xf32>
    %sub3A_2830 = arith.subf %sub3A_2829, %get3A_2777 : vector<256x1xf32>
    %mul3A_2831 = vector.broadcast %sub3A_2830 : vector<256x1xf32> to vector<256x32xf32>
    %mul3A_2832 = arith.mulf %mul3A_2831, %add3A_2768 : vector<256x32xf32>
    %add3A_2833 = arith.addf %mul3A_2827, %mul3A_2832 : vector<256x32xf32>
    %swap3A_2834 = arith.constant 9 : index
    %swap3A_2835 = arith.constant 0 : index
    %swap3A_2836 = arith.constant 0 : index
    %swap3A_2837 = vector.load %arg22[%swap3A_2834, %swap3A_2835, %swap3A_2836] : memref<20x256x32xf32, #tpu.memory_space<vmem>>, vector<1x256x32xf32>
    %swap3A_2838 = vector.shape_cast %swap3A_2837 : vector<1x256x32xf32> to vector<256x32xf32>
    %swap3A_2839 = vector.shape_cast %add3A_2825 : vector<256x32xf32> to vector<1x256x32xf32>
    tpu.vector_store %arg22[%swap3A_2834, %swap3A_2835, %swap3A_2836], %swap3A_2839 {strides = array<i32>} : memref<20x256x32xf32, #tpu.memory_space<vmem>>, vector<1x256x32xf32>,
    %get3A_2840 = arith.constant 0 : index
    %get3A_2841 = arith.constant 8 : index
    %get3A_2842 = vector.load %arg3[%get3A_2840, %get3A_2841] : memref<256x20xf32, #tpu.memory_space<vmem>>, vector<256x1xf32>
    %get3A_2843 = arith.constant 8 : index
    %get3A_2844 = arith.constant 0 : index
    %get3A_2845 = arith.constant 0 : index
    %get3A_2846 = vector.load %arg20[%get3A_2843, %get3A_2844, %get3A_2845] : memref<20x256x64xf32, #tpu.memory_space<vmem>>, vector<1x256x64xf32>
    %get3A_2847 = vector.shape_cast %get3A_2846 : vector<1x256x64xf32> to vector<256x64xf32>
    %dot_general3A_2848 = arith.constant dense<0.000000e+00> : vector<256x128xf32>
    %dot_general3A_2849 = tpu.matmul %get3A_2847, %get3A_2114, %dot_general3A_2848 {dimension_numbers = #tpu.dot_dimension_numbers<[1], [0], [0], [1], [0, 0, 1, 1], [], []>, transpose_lhs_hint = false} : vector<256x64xf32>, vector<64x128xf32>, vector<256x128xf32> -> vector<256x128xf32>
    %dot_general3A_2850 = arith.constant dense<0.000000e+00> : vector<256x128xf32>
    %dot_general3A_2851 = tpu.matmul %add3A_2825, %get3A_2117, %dot_general3A_2850 {dimension_numbers = #tpu.dot_dimension_numbers<[1], [0], [0], [1], [0, 0, 1, 1], [], []>, transpose_lhs_hint = false} : vector<256x32xf32>, vector<32x128xf32>, vector<256x128xf32> -> vector<256x128xf32>
    %add3A_2852 = arith.addf %dot_general3A_2849, %dot_general3A_2851 : vector<256x128xf32>
    %add3A_2853 = vector.broadcast %get3A_2120 : vector<1x128xf32> to vector<256x128xf32>
    %add3A_2854 = arith.addf %add3A_2852, %add3A_2853 : vector<256x128xf32>
    %slice3A_2855 = vector.extract_strided_slice %add3A_2854 {offsets = [0, 0], sizes = [256, 32], strides = [1, 1]} : vector<256x128xf32> to vector<256x32xf32>
    %logistic3A_2856 = arith.negf %slice3A_2855 : vector<256x32xf32>
    %logistic3A_2857 = math.exp %logistic3A_2856 : vector<256x32xf32>
    %logistic3A_2858 = arith.constant 1.000000e+00 : f32
    %logistic3A_2859 = vector.broadcast %logistic3A_2858 : f32 to vector<256x32xf32>
    %logistic3A_2860 = arith.addf %logistic3A_2859, %logistic3A_2857 : vector<256x32xf32>
    %logistic3A_2861 = arith.divf %logistic3A_2859, %logistic3A_2860 : vector<256x32xf32>
    %slice3A_2862 = vector.extract_strided_slice %add3A_2854 {offsets = [0, 32], sizes = [256, 32], strides = [1, 1]} : vector<256x128xf32> to vector<256x32xf32>
    %logistic3A_2863 = arith.negf %slice3A_2862 : vector<256x32xf32>
    %logistic3A_2864 = math.exp %logistic3A_2863 : vector<256x32xf32>
    %logistic3A_2865 = arith.constant 1.000000e+00 : f32
    %logistic3A_2866 = vector.broadcast %logistic3A_2865 : f32 to vector<256x32xf32>
    %logistic3A_2867 = arith.addf %logistic3A_2866, %logistic3A_2864 : vector<256x32xf32>
    %logistic3A_2868 = arith.divf %logistic3A_2866, %logistic3A_2867 : vector<256x32xf32>
    %slice3A_2869 = vector.extract_strided_slice %add3A_2854 {offsets = [0, 64], sizes = [256, 32], strides = [1, 1]} : vector<256x128xf32> to vector<256x32xf32>
    %tanh3A_2870 = math.tanh %slice3A_2869 : vector<256x32xf32>
    %slice3A_2871 = vector.extract_strided_slice %add3A_2854 {offsets = [0, 96], sizes = [256, 32], strides = [1, 1]} : vector<256x128xf32> to vector<256x32xf32>
    %logistic3A_2872 = arith.negf %slice3A_2871 : vector<256x32xf32>
    %logistic3A_2873 = math.exp %logistic3A_2872 : vector<256x32xf32>
    %logistic3A_2874 = arith.constant 1.000000e+00 : f32
    %logistic3A_2875 = vector.broadcast %logistic3A_2874 : f32 to vector<256x32xf32>
    %logistic3A_2876 = arith.addf %logistic3A_2875, %logistic3A_2873 : vector<256x32xf32>
    %logistic3A_2877 = arith.divf %logistic3A_2875, %logistic3A_2876 : vector<256x32xf32>
    %mul3A_2878 = arith.mulf %logistic3A_2868, %add3A_2833 : vector<256x32xf32>
    %mul3A_2879 = arith.mulf %logistic3A_2861, %tanh3A_2870 : vector<256x32xf32>
    %add3A_2880 = arith.addf %mul3A_2878, %mul3A_2879 : vector<256x32xf32>
    %tanh3A_2881 = math.tanh %add3A_2880 : vector<256x32xf32>
    %mul3A_2882 = arith.mulf %logistic3A_2877, %tanh3A_2881 : vector<256x32xf32>
    %mul3A_2883 = vector.broadcast %get3A_2842 : vector<256x1xf32> to vector<256x32xf32>
    %mul3A_2884 = arith.mulf %mul3A_2883, %mul3A_2882 : vector<256x32xf32>
    %sub3A_2885 = arith.constant 1.000000e+00 : f32
    %sub3A_2886 = vector.broadcast %sub3A_2885 : f32 to vector<256x1xf32>
    %sub3A_2887 = arith.subf %sub3A_2886, %get3A_2842 : vector<256x1xf32>
    %mul3A_2888 = vector.broadcast %sub3A_2887 : vector<256x1xf32> to vector<256x32xf32>
    %mul3A_2889 = arith.mulf %mul3A_2888, %add3A_2825 : vector<256x32xf32>
    %add3A_2890 = arith.addf %mul3A_2884, %mul3A_2889 : vector<256x32xf32>
    %mul3A_2891 = vector.broadcast %get3A_2842 : vector<256x1xf32> to vector<256x32xf32>
    %mul3A_2892 = arith.mulf %mul3A_2891, %add3A_2880 : vector<256x32xf32>
    %sub3A_2893 = arith.constant 1.000000e+00 : f32
    %sub3A_2894 = vector.broadcast %sub3A_2893 : f32 to vector<256x1xf32>
    %sub3A_2895 = arith.subf %sub3A_2894, %get3A_2842 : vector<256x1xf32>
    %mul3A_2896 = vector.broadcast %sub3A_2895 : vector<256x1xf32> to vector<256x32xf32>
    %mul3A_2897 = arith.mulf %mul3A_2896, %add3A_2833 : vector<256x32xf32>
    %add3A_2898 = arith.addf %mul3A_2892, %mul3A_2897 : vector<256x32xf32>
    %swap3A_2899 = arith.constant 8 : index
    %swap3A_2900 = arith.constant 0 : index
    %swap3A_2901 = arith.constant 0 : index
    %swap3A_2902 = vector.load %arg22[%swap3A_2899, %swap3A_2900, %swap3A_2901] : memref<20x256x32xf32, #tpu.memory_space<vmem>>, vector<1x256x32xf32>
    %swap3A_2903 = vector.shape_cast %swap3A_2902 : vector<1x256x32xf32> to vector<256x32xf32>
    %swap3A_2904 = vector.shape_cast %add3A_2890 : vector<256x32xf32> to vector<1x256x32xf32>
    tpu.vector_store %arg22[%swap3A_2899, %swap3A_2900, %swap3A_2901], %swap3A_2904 {strides = array<i32>} : memref<20x256x32xf32, #tpu.memory_space<vmem>>, vector<1x256x32xf32>,
    %get3A_2905 = arith.constant 0 : index
    %get3A_2906 = arith.constant 7 : index
    %get3A_2907 = vector.load %arg3[%get3A_2905, %get3A_2906] : memref<256x20xf32, #tpu.memory_space<vmem>>, vector<256x1xf32>
    %get3A_2908 = arith.constant 7 : index
    %get3A_2909 = arith.constant 0 : index
    %get3A_2910 = arith.constant 0 : index
    %get3A_2911 = vector.load %arg20[%get3A_2908, %get3A_2909, %get3A_2910] : memref<20x256x64xf32, #tpu.memory_space<vmem>>, vector<1x256x64xf32>
    %get3A_2912 = vector.shape_cast %get3A_2911 : vector<1x256x64xf32> to vector<256x64xf32>
    %dot_general3A_2913 = arith.constant dense<0.000000e+00> : vector<256x128xf32>
    %dot_general3A_2914 = tpu.matmul %get3A_2912, %get3A_2114, %dot_general3A_2913 {dimension_numbers = #tpu.dot_dimension_numbers<[1], [0], [0], [1], [0, 0, 1, 1], [], []>, transpose_lhs_hint = false} : vector<256x64xf32>, vector<64x128xf32>, vector<256x128xf32> -> vector<256x128xf32>
    %dot_general3A_2915 = arith.constant dense<0.000000e+00> : vector<256x128xf32>
    %dot_general3A_2916 = tpu.matmul %add3A_2890, %get3A_2117, %dot_general3A_2915 {dimension_numbers = #tpu.dot_dimension_numbers<[1], [0], [0], [1], [0, 0, 1, 1], [], []>, transpose_lhs_hint = false} : vector<256x32xf32>, vector<32x128xf32>, vector<256x128xf32> -> vector<256x128xf32>
    %add3A_2917 = arith.addf %dot_general3A_2914, %dot_general3A_2916 : vector<256x128xf32>
    %add3A_2918 = vector.broadcast %get3A_2120 : vector<1x128xf32> to vector<256x128xf32>
    %add3A_2919 = arith.addf %add3A_2917, %add3A_2918 : vector<256x128xf32>
    %slice3A_2920 = vector.extract_strided_slice %add3A_2919 {offsets = [0, 0], sizes = [256, 32], strides = [1, 1]} : vector<256x128xf32> to vector<256x32xf32>
    %logistic3A_2921 = arith.negf %slice3A_2920 : vector<256x32xf32>
    %logistic3A_2922 = math.exp %logistic3A_2921 : vector<256x32xf32>
    %logistic3A_2923 = arith.constant 1.000000e+00 : f32
    %logistic3A_2924 = vector.broadcast %logistic3A_2923 : f32 to vector<256x32xf32>
    %logistic3A_2925 = arith.addf %logistic3A_2924, %logistic3A_2922 : vector<256x32xf32>
    %logistic3A_2926 = arith.divf %logistic3A_2924, %logistic3A_2925 : vector<256x32xf32>
    %slice3A_2927 = vector.extract_strided_slice %add3A_2919 {offsets = [0, 32], sizes = [256, 32], strides = [1, 1]} : vector<256x128xf32> to vector<256x32xf32>
    %logistic3A_2928 = arith.negf %slice3A_2927 : vector<256x32xf32>
    %logistic3A_2929 = math.exp %logistic3A_2928 : vector<256x32xf32>
    %logistic3A_2930 = arith.constant 1.000000e+00 : f32
    %logistic3A_2931 = vector.broadcast %logistic3A_2930 : f32 to vector<256x32xf32>
    %logistic3A_2932 = arith.addf %logistic3A_2931, %logistic3A_2929 : vector<256x32xf32>
    %logistic3A_2933 = arith.divf %logistic3A_2931, %logistic3A_2932 : vector<256x32xf32>
    %slice3A_2934 = vector.extract_strided_slice %add3A_2919 {offsets = [0, 64], sizes = [256, 32], strides = [1, 1]} : vector<256x128xf32> to vector<256x32xf32>
    %tanh3A_2935 = math.tanh %slice3A_2934 : vector<256x32xf32>
    %slice3A_2936 = vector.extract_strided_slice %add3A_2919 {offsets = [0, 96], sizes = [256, 32], strides = [1, 1]} : vector<256x128xf32> to vector<256x32xf32>
    %logistic3A_2937 = arith.negf %slice3A_2936 : vector<256x32xf32>
    %logistic3A_2938 = math.exp %logistic3A_2937 : vector<256x32xf32>
    %logistic3A_2939 = arith.constant 1.000000e+00 : f32
    %logistic3A_2940 = vector.broadcast %logistic3A_2939 : f32 to vector<256x32xf32>
    %logistic3A_2941 = arith.addf %logistic3A_2940, %logistic3A_2938 : vector<256x32xf32>
    %logistic3A_2942 = arith.divf %logistic3A_2940, %logistic3A_2941 : vector<256x32xf32>
    %mul3A_2943 = arith.mulf %logistic3A_2933, %add3A_2898 : vector<256x32xf32>
    %mul3A_2944 = arith.mulf %logistic3A_2926, %tanh3A_2935 : vector<256x32xf32>
    %add3A_2945 = arith.addf %mul3A_2943, %mul3A_2944 : vector<256x32xf32>
    %tanh3A_2946 = math.tanh %add3A_2945 : vector<256x32xf32>
    %mul3A_2947 = arith.mulf %logistic3A_2942, %tanh3A_2946 : vector<256x32xf32>
    %mul3A_2948 = vector.broadcast %get3A_2907 : vector<256x1xf32> to vector<256x32xf32>
    %mul3A_2949 = arith.mulf %mul3A_2948, %mul3A_2947 : vector<256x32xf32>
    %sub3A_2950 = arith.constant 1.000000e+00 : f32
    %sub3A_2951 = vector.broadcast %sub3A_2950 : f32 to vector<256x1xf32>
    %sub3A_2952 = arith.subf %sub3A_2951, %get3A_2907 : vector<256x1xf32>
    %mul3A_2953 = vector.broadcast %sub3A_2952 : vector<256x1xf32> to vector<256x32xf32>
    %mul3A_2954 = arith.mulf %mul3A_2953, %add3A_2890 : vector<256x32xf32>
    %add3A_2955 = arith.addf %mul3A_2949, %mul3A_2954 : vector<256x32xf32>
    %mul3A_2956 = vector.broadcast %get3A_2907 : vector<256x1xf32> to vector<256x32xf32>
    %mul3A_2957 = arith.mulf %mul3A_2956, %add3A_2945 : vector<256x32xf32>
    %sub3A_2958 = arith.constant 1.000000e+00 : f32
    %sub3A_2959 = vector.broadcast %sub3A_2958 : f32 to vector<256x1xf32>
    %sub3A_2960 = arith.subf %sub3A_2959, %get3A_2907 : vector<256x1xf32>
    %mul3A_2961 = vector.broadcast %sub3A_2960 : vector<256x1xf32> to vector<256x32xf32>
    %mul3A_2962 = arith.mulf %mul3A_2961, %add3A_2898 : vector<256x32xf32>
    %add3A_2963 = arith.addf %mul3A_2957, %mul3A_2962 : vector<256x32xf32>
    %swap3A_2964 = arith.constant 7 : index
    %swap3A_2965 = arith.constant 0 : index
    %swap3A_2966 = arith.constant 0 : index
    %swap3A_2967 = vector.load %arg22[%swap3A_2964, %swap3A_2965, %swap3A_2966] : memref<20x256x32xf32, #tpu.memory_space<vmem>>, vector<1x256x32xf32>
    %swap3A_2968 = vector.shape_cast %swap3A_2967 : vector<1x256x32xf32> to vector<256x32xf32>
    %swap3A_2969 = vector.shape_cast %add3A_2955 : vector<256x32xf32> to vector<1x256x32xf32>
    tpu.vector_store %arg22[%swap3A_2964, %swap3A_2965, %swap3A_2966], %swap3A_2969 {strides = array<i32>} : memref<20x256x32xf32, #tpu.memory_space<vmem>>, vector<1x256x32xf32>,
    %get3A_2970 = arith.constant 0 : index
    %get3A_2971 = arith.constant 6 : index
    %get3A_2972 = vector.load %arg3[%get3A_2970, %get3A_2971] : memref<256x20xf32, #tpu.memory_space<vmem>>, vector<256x1xf32>
    %get3A_2973 = arith.constant 6 : index
    %get3A_2974 = arith.constant 0 : index
    %get3A_2975 = arith.constant 0 : index
    %get3A_2976 = vector.load %arg20[%get3A_2973, %get3A_2974, %get3A_2975] : memref<20x256x64xf32, #tpu.memory_space<vmem>>, vector<1x256x64xf32>
    %get3A_2977 = vector.shape_cast %get3A_2976 : vector<1x256x64xf32> to vector<256x64xf32>
    %dot_general3A_2978 = arith.constant dense<0.000000e+00> : vector<256x128xf32>
    %dot_general3A_2979 = tpu.matmul %get3A_2977, %get3A_2114, %dot_general3A_2978 {dimension_numbers = #tpu.dot_dimension_numbers<[1], [0], [0], [1], [0, 0, 1, 1], [], []>, transpose_lhs_hint = false} : vector<256x64xf32>, vector<64x128xf32>, vector<256x128xf32> -> vector<256x128xf32>
    %dot_general3A_2980 = arith.constant dense<0.000000e+00> : vector<256x128xf32>
    %dot_general3A_2981 = tpu.matmul %add3A_2955, %get3A_2117, %dot_general3A_2980 {dimension_numbers = #tpu.dot_dimension_numbers<[1], [0], [0], [1], [0, 0, 1, 1], [], []>, transpose_lhs_hint = false} : vector<256x32xf32>, vector<32x128xf32>, vector<256x128xf32> -> vector<256x128xf32>
    %add3A_2982 = arith.addf %dot_general3A_2979, %dot_general3A_2981 : vector<256x128xf32>
    %add3A_2983 = vector.broadcast %get3A_2120 : vector<1x128xf32> to vector<256x128xf32>
    %add3A_2984 = arith.addf %add3A_2982, %add3A_2983 : vector<256x128xf32>
    %slice3A_2985 = vector.extract_strided_slice %add3A_2984 {offsets = [0, 0], sizes = [256, 32], strides = [1, 1]} : vector<256x128xf32> to vector<256x32xf32>
    %logistic3A_2986 = arith.negf %slice3A_2985 : vector<256x32xf32>
    %logistic3A_2987 = math.exp %logistic3A_2986 : vector<256x32xf32>
    %logistic3A_2988 = arith.constant 1.000000e+00 : f32
    %logistic3A_2989 = vector.broadcast %logistic3A_2988 : f32 to vector<256x32xf32>
    %logistic3A_2990 = arith.addf %logistic3A_2989, %logistic3A_2987 : vector<256x32xf32>
    %logistic3A_2991 = arith.divf %logistic3A_2989, %logistic3A_2990 : vector<256x32xf32>
    %slice3A_2992 = vector.extract_strided_slice %add3A_2984 {offsets = [0, 32], sizes = [256, 32], strides = [1, 1]} : vector<256x128xf32> to vector<256x32xf32>
    %logistic3A_2993 = arith.negf %slice3A_2992 : vector<256x32xf32>
    %logistic3A_2994 = math.exp %logistic3A_2993 : vector<256x32xf32>
    %logistic3A_2995 = arith.constant 1.000000e+00 : f32
    %logistic3A_2996 = vector.broadcast %logistic3A_2995 : f32 to vector<256x32xf32>
    %logistic3A_2997 = arith.addf %logistic3A_2996, %logistic3A_2994 : vector<256x32xf32>
    %logistic3A_2998 = arith.divf %logistic3A_2996, %logistic3A_2997 : vector<256x32xf32>
    %slice3A_2999 = vector.extract_strided_slice %add3A_2984 {offsets = [0, 64], sizes = [256, 32], strides = [1, 1]} : vector<256x128xf32> to vector<256x32xf32>
    %tanh3A_3000 = math.tanh %slice3A_2999 : vector<256x32xf32>
    %slice3A_3001 = vector.extract_strided_slice %add3A_2984 {offsets = [0, 96], sizes = [256, 32], strides = [1, 1]} : vector<256x128xf32> to vector<256x32xf32>
    %logistic3A_3002 = arith.negf %slice3A_3001 : vector<256x32xf32>
    %logistic3A_3003 = math.exp %logistic3A_3002 : vector<256x32xf32>
    %logistic3A_3004 = arith.constant 1.000000e+00 : f32
    %logistic3A_3005 = vector.broadcast %logistic3A_3004 : f32 to vector<256x32xf32>
    %logistic3A_3006 = arith.addf %logistic3A_3005, %logistic3A_3003 : vector<256x32xf32>
    %logistic3A_3007 = arith.divf %logistic3A_3005, %logistic3A_3006 : vector<256x32xf32>
    %mul3A_3008 = arith.mulf %logistic3A_2998, %add3A_2963 : vector<256x32xf32>
    %mul3A_3009 = arith.mulf %logistic3A_2991, %tanh3A_3000 : vector<256x32xf32>
    %add3A_3010 = arith.addf %mul3A_3008, %mul3A_3009 : vector<256x32xf32>
    %tanh3A_3011 = math.tanh %add3A_3010 : vector<256x32xf32>
    %mul3A_3012 = arith.mulf %logistic3A_3007, %tanh3A_3011 : vector<256x32xf32>
    %mul3A_3013 = vector.broadcast %get3A_2972 : vector<256x1xf32> to vector<256x32xf32>
    %mul3A_3014 = arith.mulf %mul3A_3013, %mul3A_3012 : vector<256x32xf32>
    %sub3A_3015 = arith.constant 1.000000e+00 : f32
    %sub3A_3016 = vector.broadcast %sub3A_3015 : f32 to vector<256x1xf32>
    %sub3A_3017 = arith.subf %sub3A_3016, %get3A_2972 : vector<256x1xf32>
    %mul3A_3018 = vector.broadcast %sub3A_3017 : vector<256x1xf32> to vector<256x32xf32>
    %mul3A_3019 = arith.mulf %mul3A_3018, %add3A_2955 : vector<256x32xf32>
    %add3A_3020 = arith.addf %mul3A_3014, %mul3A_3019 : vector<256x32xf32>
    %mul3A_3021 = vector.broadcast %get3A_2972 : vector<256x1xf32> to vector<256x32xf32>
    %mul3A_3022 = arith.mulf %mul3A_3021, %add3A_3010 : vector<256x32xf32>
    %sub3A_3023 = arith.constant 1.000000e+00 : f32
    %sub3A_3024 = vector.broadcast %sub3A_3023 : f32 to vector<256x1xf32>
    %sub3A_3025 = arith.subf %sub3A_3024, %get3A_2972 : vector<256x1xf32>
    %mul3A_3026 = vector.broadcast %sub3A_3025 : vector<256x1xf32> to vector<256x32xf32>
    %mul3A_3027 = arith.mulf %mul3A_3026, %add3A_2963 : vector<256x32xf32>
    %add3A_3028 = arith.addf %mul3A_3022, %mul3A_3027 : vector<256x32xf32>
    %swap3A_3029 = arith.constant 6 : index
    %swap3A_3030 = arith.constant 0 : index
    %swap3A_3031 = arith.constant 0 : index
    %swap3A_3032 = vector.load %arg22[%swap3A_3029, %swap3A_3030, %swap3A_3031] : memref<20x256x32xf32, #tpu.memory_space<vmem>>, vector<1x256x32xf32>
    %swap3A_3033 = vector.shape_cast %swap3A_3032 : vector<1x256x32xf32> to vector<256x32xf32>
    %swap3A_3034 = vector.shape_cast %add3A_3020 : vector<256x32xf32> to vector<1x256x32xf32>
    tpu.vector_store %arg22[%swap3A_3029, %swap3A_3030, %swap3A_3031], %swap3A_3034 {strides = array<i32>} : memref<20x256x32xf32, #tpu.memory_space<vmem>>, vector<1x256x32xf32>,
    %get3A_3035 = arith.constant 0 : index
    %get3A_3036 = arith.constant 5 : index
    %get3A_3037 = vector.load %arg3[%get3A_3035, %get3A_3036] : memref<256x20xf32, #tpu.memory_space<vmem>>, vector<256x1xf32>
    %get3A_3038 = arith.constant 5 : index
    %get3A_3039 = arith.constant 0 : index
    %get3A_3040 = arith.constant 0 : index
    %get3A_3041 = vector.load %arg20[%get3A_3038, %get3A_3039, %get3A_3040] : memref<20x256x64xf32, #tpu.memory_space<vmem>>, vector<1x256x64xf32>
    %get3A_3042 = vector.shape_cast %get3A_3041 : vector<1x256x64xf32> to vector<256x64xf32>
    %dot_general3A_3043 = arith.constant dense<0.000000e+00> : vector<256x128xf32>
    %dot_general3A_3044 = tpu.matmul %get3A_3042, %get3A_2114, %dot_general3A_3043 {dimension_numbers = #tpu.dot_dimension_numbers<[1], [0], [0], [1], [0, 0, 1, 1], [], []>, transpose_lhs_hint = false} : vector<256x64xf32>, vector<64x128xf32>, vector<256x128xf32> -> vector<256x128xf32>
    %dot_general3A_3045 = arith.constant dense<0.000000e+00> : vector<256x128xf32>
    %dot_general3A_3046 = tpu.matmul %add3A_3020, %get3A_2117, %dot_general3A_3045 {dimension_numbers = #tpu.dot_dimension_numbers<[1], [0], [0], [1], [0, 0, 1, 1], [], []>, transpose_lhs_hint = false} : vector<256x32xf32>, vector<32x128xf32>, vector<256x128xf32> -> vector<256x128xf32>
    %add3A_3047 = arith.addf %dot_general3A_3044, %dot_general3A_3046 : vector<256x128xf32>
    %add3A_3048 = vector.broadcast %get3A_2120 : vector<1x128xf32> to vector<256x128xf32>
    %add3A_3049 = arith.addf %add3A_3047, %add3A_3048 : vector<256x128xf32>
    %slice3A_3050 = vector.extract_strided_slice %add3A_3049 {offsets = [0, 0], sizes = [256, 32], strides = [1, 1]} : vector<256x128xf32> to vector<256x32xf32>
    %logistic3A_3051 = arith.negf %slice3A_3050 : vector<256x32xf32>
    %logistic3A_3052 = math.exp %logistic3A_3051 : vector<256x32xf32>
    %logistic3A_3053 = arith.constant 1.000000e+00 : f32
    %logistic3A_3054 = vector.broadcast %logistic3A_3053 : f32 to vector<256x32xf32>
    %logistic3A_3055 = arith.addf %logistic3A_3054, %logistic3A_3052 : vector<256x32xf32>
    %logistic3A_3056 = arith.divf %logistic3A_3054, %logistic3A_3055 : vector<256x32xf32>
    %slice3A_3057 = vector.extract_strided_slice %add3A_3049 {offsets = [0, 32], sizes = [256, 32], strides = [1, 1]} : vector<256x128xf32> to vector<256x32xf32>
    %logistic3A_3058 = arith.negf %slice3A_3057 : vector<256x32xf32>
    %logistic3A_3059 = math.exp %logistic3A_3058 : vector<256x32xf32>
    %logistic3A_3060 = arith.constant 1.000000e+00 : f32
    %logistic3A_3061 = vector.broadcast %logistic3A_3060 : f32 to vector<256x32xf32>
    %logistic3A_3062 = arith.addf %logistic3A_3061, %logistic3A_3059 : vector<256x32xf32>
    %logistic3A_3063 = arith.divf %logistic3A_3061, %logistic3A_3062 : vector<256x32xf32>
    %slice3A_3064 = vector.extract_strided_slice %add3A_3049 {offsets = [0, 64], sizes = [256, 32], strides = [1, 1]} : vector<256x128xf32> to vector<256x32xf32>
    %tanh3A_3065 = math.tanh %slice3A_3064 : vector<256x32xf32>
    %slice3A_3066 = vector.extract_strided_slice %add3A_3049 {offsets = [0, 96], sizes = [256, 32], strides = [1, 1]} : vector<256x128xf32> to vector<256x32xf32>
    %logistic3A_3067 = arith.negf %slice3A_3066 : vector<256x32xf32>
    %logistic3A_3068 = math.exp %logistic3A_3067 : vector<256x32xf32>
    %logistic3A_3069 = arith.constant 1.000000e+00 : f32
    %logistic3A_3070 = vector.broadcast %logistic3A_3069 : f32 to vector<256x32xf32>
    %logistic3A_3071 = arith.addf %logistic3A_3070, %logistic3A_3068 : vector<256x32xf32>
    %logistic3A_3072 = arith.divf %logistic3A_3070, %logistic3A_3071 : vector<256x32xf32>
    %mul3A_3073 = arith.mulf %logistic3A_3063, %add3A_3028 : vector<256x32xf32>
    %mul3A_3074 = arith.mulf %logistic3A_3056, %tanh3A_3065 : vector<256x32xf32>
    %add3A_3075 = arith.addf %mul3A_3073, %mul3A_3074 : vector<256x32xf32>
    %tanh3A_3076 = math.tanh %add3A_3075 : vector<256x32xf32>
    %mul3A_3077 = arith.mulf %logistic3A_3072, %tanh3A_3076 : vector<256x32xf32>
    %mul3A_3078 = vector.broadcast %get3A_3037 : vector<256x1xf32> to vector<256x32xf32>
    %mul3A_3079 = arith.mulf %mul3A_3078, %mul3A_3077 : vector<256x32xf32>
    %sub3A_3080 = arith.constant 1.000000e+00 : f32
    %sub3A_3081 = vector.broadcast %sub3A_3080 : f32 to vector<256x1xf32>
    %sub3A_3082 = arith.subf %sub3A_3081, %get3A_3037 : vector<256x1xf32>
    %mul3A_3083 = vector.broadcast %sub3A_3082 : vector<256x1xf32> to vector<256x32xf32>
    %mul3A_3084 = arith.mulf %mul3A_3083, %add3A_3020 : vector<256x32xf32>
    %add3A_3085 = arith.addf %mul3A_3079, %mul3A_3084 : vector<256x32xf32>
    %mul3A_3086 = vector.broadcast %get3A_3037 : vector<256x1xf32> to vector<256x32xf32>
    %mul3A_3087 = arith.mulf %mul3A_3086, %add3A_3075 : vector<256x32xf32>
    %sub3A_3088 = arith.constant 1.000000e+00 : f32
    %sub3A_3089 = vector.broadcast %sub3A_3088 : f32 to vector<256x1xf32>
    %sub3A_3090 = arith.subf %sub3A_3089, %get3A_3037 : vector<256x1xf32>
    %mul3A_3091 = vector.broadcast %sub3A_3090 : vector<256x1xf32> to vector<256x32xf32>
    %mul3A_3092 = arith.mulf %mul3A_3091, %add3A_3028 : vector<256x32xf32>
    %add3A_3093 = arith.addf %mul3A_3087, %mul3A_3092 : vector<256x32xf32>
    %swap3A_3094 = arith.constant 5 : index
    %swap3A_3095 = arith.constant 0 : index
    %swap3A_3096 = arith.constant 0 : index
    %swap3A_3097 = vector.load %arg22[%swap3A_3094, %swap3A_3095, %swap3A_3096] : memref<20x256x32xf32, #tpu.memory_space<vmem>>, vector<1x256x32xf32>
    %swap3A_3098 = vector.shape_cast %swap3A_3097 : vector<1x256x32xf32> to vector<256x32xf32>
    %swap3A_3099 = vector.shape_cast %add3A_3085 : vector<256x32xf32> to vector<1x256x32xf32>
    tpu.vector_store %arg22[%swap3A_3094, %swap3A_3095, %swap3A_3096], %swap3A_3099 {strides = array<i32>} : memref<20x256x32xf32, #tpu.memory_space<vmem>>, vector<1x256x32xf32>,
    %get3A_3100 = arith.constant 0 : index
    %get3A_3101 = arith.constant 4 : index
    %get3A_3102 = vector.load %arg3[%get3A_3100, %get3A_3101] : memref<256x20xf32, #tpu.memory_space<vmem>>, vector<256x1xf32>
    %get3A_3103 = arith.constant 4 : index
    %get3A_3104 = arith.constant 0 : index
    %get3A_3105 = arith.constant 0 : index
    %get3A_3106 = vector.load %arg20[%get3A_3103, %get3A_3104, %get3A_3105] : memref<20x256x64xf32, #tpu.memory_space<vmem>>, vector<1x256x64xf32>
    %get3A_3107 = vector.shape_cast %get3A_3106 : vector<1x256x64xf32> to vector<256x64xf32>
    %dot_general3A_3108 = arith.constant dense<0.000000e+00> : vector<256x128xf32>
    %dot_general3A_3109 = tpu.matmul %get3A_3107, %get3A_2114, %dot_general3A_3108 {dimension_numbers = #tpu.dot_dimension_numbers<[1], [0], [0], [1], [0, 0, 1, 1], [], []>, transpose_lhs_hint = false} : vector<256x64xf32>, vector<64x128xf32>, vector<256x128xf32> -> vector<256x128xf32>
    %dot_general3A_3110 = arith.constant dense<0.000000e+00> : vector<256x128xf32>
    %dot_general3A_3111 = tpu.matmul %add3A_3085, %get3A_2117, %dot_general3A_3110 {dimension_numbers = #tpu.dot_dimension_numbers<[1], [0], [0], [1], [0, 0, 1, 1], [], []>, transpose_lhs_hint = false} : vector<256x32xf32>, vector<32x128xf32>, vector<256x128xf32> -> vector<256x128xf32>
    %add3A_3112 = arith.addf %dot_general3A_3109, %dot_general3A_3111 : vector<256x128xf32>
    %add3A_3113 = vector.broadcast %get3A_2120 : vector<1x128xf32> to vector<256x128xf32>
    %add3A_3114 = arith.addf %add3A_3112, %add3A_3113 : vector<256x128xf32>
    %slice3A_3115 = vector.extract_strided_slice %add3A_3114 {offsets = [0, 0], sizes = [256, 32], strides = [1, 1]} : vector<256x128xf32> to vector<256x32xf32>
    %logistic3A_3116 = arith.negf %slice3A_3115 : vector<256x32xf32>
    %logistic3A_3117 = math.exp %logistic3A_3116 : vector<256x32xf32>
    %logistic3A_3118 = arith.constant 1.000000e+00 : f32
    %logistic3A_3119 = vector.broadcast %logistic3A_3118 : f32 to vector<256x32xf32>
    %logistic3A_3120 = arith.addf %logistic3A_3119, %logistic3A_3117 : vector<256x32xf32>
    %logistic3A_3121 = arith.divf %logistic3A_3119, %logistic3A_3120 : vector<256x32xf32>
    %slice3A_3122 = vector.extract_strided_slice %add3A_3114 {offsets = [0, 32], sizes = [256, 32], strides = [1, 1]} : vector<256x128xf32> to vector<256x32xf32>
    %logistic3A_3123 = arith.negf %slice3A_3122 : vector<256x32xf32>
    %logistic3A_3124 = math.exp %logistic3A_3123 : vector<256x32xf32>
    %logistic3A_3125 = arith.constant 1.000000e+00 : f32
    %logistic3A_3126 = vector.broadcast %logistic3A_3125 : f32 to vector<256x32xf32>
    %logistic3A_3127 = arith.addf %logistic3A_3126, %logistic3A_3124 : vector<256x32xf32>
    %logistic3A_3128 = arith.divf %logistic3A_3126, %logistic3A_3127 : vector<256x32xf32>
    %slice3A_3129 = vector.extract_strided_slice %add3A_3114 {offsets = [0, 64], sizes = [256, 32], strides = [1, 1]} : vector<256x128xf32> to vector<256x32xf32>
    %tanh3A_3130 = math.tanh %slice3A_3129 : vector<256x32xf32>
    %slice3A_3131 = vector.extract_strided_slice %add3A_3114 {offsets = [0, 96], sizes = [256, 32], strides = [1, 1]} : vector<256x128xf32> to vector<256x32xf32>
    %logistic3A_3132 = arith.negf %slice3A_3131 : vector<256x32xf32>
    %logistic3A_3133 = math.exp %logistic3A_3132 : vector<256x32xf32>
    %logistic3A_3134 = arith.constant 1.000000e+00 : f32
    %logistic3A_3135 = vector.broadcast %logistic3A_3134 : f32 to vector<256x32xf32>
    %logistic3A_3136 = arith.addf %logistic3A_3135, %logistic3A_3133 : vector<256x32xf32>
    %logistic3A_3137 = arith.divf %logistic3A_3135, %logistic3A_3136 : vector<256x32xf32>
    %mul3A_3138 = arith.mulf %logistic3A_3128, %add3A_3093 : vector<256x32xf32>
    %mul3A_3139 = arith.mulf %logistic3A_3121, %tanh3A_3130 : vector<256x32xf32>
    %add3A_3140 = arith.addf %mul3A_3138, %mul3A_3139 : vector<256x32xf32>
    %tanh3A_3141 = math.tanh %add3A_3140 : vector<256x32xf32>
    %mul3A_3142 = arith.mulf %logistic3A_3137, %tanh3A_3141 : vector<256x32xf32>
    %mul3A_3143 = vector.broadcast %get3A_3102 : vector<256x1xf32> to vector<256x32xf32>
    %mul3A_3144 = arith.mulf %mul3A_3143, %mul3A_3142 : vector<256x32xf32>
    %sub3A_3145 = arith.constant 1.000000e+00 : f32
    %sub3A_3146 = vector.broadcast %sub3A_3145 : f32 to vector<256x1xf32>
    %sub3A_3147 = arith.subf %sub3A_3146, %get3A_3102 : vector<256x1xf32>
    %mul3A_3148 = vector.broadcast %sub3A_3147 : vector<256x1xf32> to vector<256x32xf32>
    %mul3A_3149 = arith.mulf %mul3A_3148, %add3A_3085 : vector<256x32xf32>
    %add3A_3150 = arith.addf %mul3A_3144, %mul3A_3149 : vector<256x32xf32>
    %mul3A_3151 = vector.broadcast %get3A_3102 : vector<256x1xf32> to vector<256x32xf32>
    %mul3A_3152 = arith.mulf %mul3A_3151, %add3A_3140 : vector<256x32xf32>
    %sub3A_3153 = arith.constant 1.000000e+00 : f32
    %sub3A_3154 = vector.broadcast %sub3A_3153 : f32 to vector<256x1xf32>
    %sub3A_3155 = arith.subf %sub3A_3154, %get3A_3102 : vector<256x1xf32>
    %mul3A_3156 = vector.broadcast %sub3A_3155 : vector<256x1xf32> to vector<256x32xf32>
    %mul3A_3157 = arith.mulf %mul3A_3156, %add3A_3093 : vector<256x32xf32>
    %add3A_3158 = arith.addf %mul3A_3152, %mul3A_3157 : vector<256x32xf32>
    %swap3A_3159 = arith.constant 4 : index
    %swap3A_3160 = arith.constant 0 : index
    %swap3A_3161 = arith.constant 0 : index
    %swap3A_3162 = vector.load %arg22[%swap3A_3159, %swap3A_3160, %swap3A_3161] : memref<20x256x32xf32, #tpu.memory_space<vmem>>, vector<1x256x32xf32>
    %swap3A_3163 = vector.shape_cast %swap3A_3162 : vector<1x256x32xf32> to vector<256x32xf32>
    %swap3A_3164 = vector.shape_cast %add3A_3150 : vector<256x32xf32> to vector<1x256x32xf32>
    tpu.vector_store %arg22[%swap3A_3159, %swap3A_3160, %swap3A_3161], %swap3A_3164 {strides = array<i32>} : memref<20x256x32xf32, #tpu.memory_space<vmem>>, vector<1x256x32xf32>,
    %get3A_3165 = arith.constant 0 : index
    %get3A_3166 = arith.constant 3 : index
    %get3A_3167 = vector.load %arg3[%get3A_3165, %get3A_3166] : memref<256x20xf32, #tpu.memory_space<vmem>>, vector<256x1xf32>
    %get3A_3168 = arith.constant 3 : index
    %get3A_3169 = arith.constant 0 : index
    %get3A_3170 = arith.constant 0 : index
    %get3A_3171 = vector.load %arg20[%get3A_3168, %get3A_3169, %get3A_3170] : memref<20x256x64xf32, #tpu.memory_space<vmem>>, vector<1x256x64xf32>
    %get3A_3172 = vector.shape_cast %get3A_3171 : vector<1x256x64xf32> to vector<256x64xf32>
    %dot_general3A_3173 = arith.constant dense<0.000000e+00> : vector<256x128xf32>
    %dot_general3A_3174 = tpu.matmul %get3A_3172, %get3A_2114, %dot_general3A_3173 {dimension_numbers = #tpu.dot_dimension_numbers<[1], [0], [0], [1], [0, 0, 1, 1], [], []>, transpose_lhs_hint = false} : vector<256x64xf32>, vector<64x128xf32>, vector<256x128xf32> -> vector<256x128xf32>
    %dot_general3A_3175 = arith.constant dense<0.000000e+00> : vector<256x128xf32>
    %dot_general3A_3176 = tpu.matmul %add3A_3150, %get3A_2117, %dot_general3A_3175 {dimension_numbers = #tpu.dot_dimension_numbers<[1], [0], [0], [1], [0, 0, 1, 1], [], []>, transpose_lhs_hint = false} : vector<256x32xf32>, vector<32x128xf32>, vector<256x128xf32> -> vector<256x128xf32>
    %add3A_3177 = arith.addf %dot_general3A_3174, %dot_general3A_3176 : vector<256x128xf32>
    %add3A_3178 = vector.broadcast %get3A_2120 : vector<1x128xf32> to vector<256x128xf32>
    %add3A_3179 = arith.addf %add3A_3177, %add3A_3178 : vector<256x128xf32>
    %slice3A_3180 = vector.extract_strided_slice %add3A_3179 {offsets = [0, 0], sizes = [256, 32], strides = [1, 1]} : vector<256x128xf32> to vector<256x32xf32>
    %logistic3A_3181 = arith.negf %slice3A_3180 : vector<256x32xf32>
    %logistic3A_3182 = math.exp %logistic3A_3181 : vector<256x32xf32>
    %logistic3A_3183 = arith.constant 1.000000e+00 : f32
    %logistic3A_3184 = vector.broadcast %logistic3A_3183 : f32 to vector<256x32xf32>
    %logistic3A_3185 = arith.addf %logistic3A_3184, %logistic3A_3182 : vector<256x32xf32>
    %logistic3A_3186 = arith.divf %logistic3A_3184, %logistic3A_3185 : vector<256x32xf32>
    %slice3A_3187 = vector.extract_strided_slice %add3A_3179 {offsets = [0, 32], sizes = [256, 32], strides = [1, 1]} : vector<256x128xf32> to vector<256x32xf32>
    %logistic3A_3188 = arith.negf %slice3A_3187 : vector<256x32xf32>
    %logistic3A_3189 = math.exp %logistic3A_3188 : vector<256x32xf32>
    %logistic3A_3190 = arith.constant 1.000000e+00 : f32
    %logistic3A_3191 = vector.broadcast %logistic3A_3190 : f32 to vector<256x32xf32>
    %logistic3A_3192 = arith.addf %logistic3A_3191, %logistic3A_3189 : vector<256x32xf32>
    %logistic3A_3193 = arith.divf %logistic3A_3191, %logistic3A_3192 : vector<256x32xf32>
    %slice3A_3194 = vector.extract_strided_slice %add3A_3179 {offsets = [0, 64], sizes = [256, 32], strides = [1, 1]} : vector<256x128xf32> to vector<256x32xf32>
    %tanh3A_3195 = math.tanh %slice3A_3194 : vector<256x32xf32>
    %slice3A_3196 = vector.extract_strided_slice %add3A_3179 {offsets = [0, 96], sizes = [256, 32], strides = [1, 1]} : vector<256x128xf32> to vector<256x32xf32>
    %logistic3A_3197 = arith.negf %slice3A_3196 : vector<256x32xf32>
    %logistic3A_3198 = math.exp %logistic3A_3197 : vector<256x32xf32>
    %logistic3A_3199 = arith.constant 1.000000e+00 : f32
    %logistic3A_3200 = vector.broadcast %logistic3A_3199 : f32 to vector<256x32xf32>
    %logistic3A_3201 = arith.addf %logistic3A_3200, %logistic3A_3198 : vector<256x32xf32>
    %logistic3A_3202 = arith.divf %logistic3A_3200, %logistic3A_3201 : vector<256x32xf32>
    %mul3A_3203 = arith.mulf %logistic3A_3193, %add3A_3158 : vector<256x32xf32>
    %mul3A_3204 = arith.mulf %logistic3A_3186, %tanh3A_3195 : vector<256x32xf32>
    %add3A_3205 = arith.addf %mul3A_3203, %mul3A_3204 : vector<256x32xf32>
    %tanh3A_3206 = math.tanh %add3A_3205 : vector<256x32xf32>
    %mul3A_3207 = arith.mulf %logistic3A_3202, %tanh3A_3206 : vector<256x32xf32>
    %mul3A_3208 = vector.broadcast %get3A_3167 : vector<256x1xf32> to vector<256x32xf32>
    %mul3A_3209 = arith.mulf %mul3A_3208, %mul3A_3207 : vector<256x32xf32>
    %sub3A_3210 = arith.constant 1.000000e+00 : f32
    %sub3A_3211 = vector.broadcast %sub3A_3210 : f32 to vector<256x1xf32>
    %sub3A_3212 = arith.subf %sub3A_3211, %get3A_3167 : vector<256x1xf32>
    %mul3A_3213 = vector.broadcast %sub3A_3212 : vector<256x1xf32> to vector<256x32xf32>
    %mul3A_3214 = arith.mulf %mul3A_3213, %add3A_3150 : vector<256x32xf32>
    %add3A_3215 = arith.addf %mul3A_3209, %mul3A_3214 : vector<256x32xf32>
    %mul3A_3216 = vector.broadcast %get3A_3167 : vector<256x1xf32> to vector<256x32xf32>
    %mul3A_3217 = arith.mulf %mul3A_3216, %add3A_3205 : vector<256x32xf32>
    %sub3A_3218 = arith.constant 1.000000e+00 : f32
    %sub3A_3219 = vector.broadcast %sub3A_3218 : f32 to vector<256x1xf32>
    %sub3A_3220 = arith.subf %sub3A_3219, %get3A_3167 : vector<256x1xf32>
    %mul3A_3221 = vector.broadcast %sub3A_3220 : vector<256x1xf32> to vector<256x32xf32>
    %mul3A_3222 = arith.mulf %mul3A_3221, %add3A_3158 : vector<256x32xf32>
    %add3A_3223 = arith.addf %mul3A_3217, %mul3A_3222 : vector<256x32xf32>
    %swap3A_3224 = arith.constant 3 : index
    %swap3A_3225 = arith.constant 0 : index
    %swap3A_3226 = arith.constant 0 : index
    %swap3A_3227 = vector.load %arg22[%swap3A_3224, %swap3A_3225, %swap3A_3226] : memref<20x256x32xf32, #tpu.memory_space<vmem>>, vector<1x256x32xf32>
    %swap3A_3228 = vector.shape_cast %swap3A_3227 : vector<1x256x32xf32> to vector<256x32xf32>
    %swap3A_3229 = vector.shape_cast %add3A_3215 : vector<256x32xf32> to vector<1x256x32xf32>
    tpu.vector_store %arg22[%swap3A_3224, %swap3A_3225, %swap3A_3226], %swap3A_3229 {strides = array<i32>} : memref<20x256x32xf32, #tpu.memory_space<vmem>>, vector<1x256x32xf32>,
    %get3A_3230 = arith.constant 0 : index
    %get3A_3231 = arith.constant 2 : index
    %get3A_3232 = vector.load %arg3[%get3A_3230, %get3A_3231] : memref<256x20xf32, #tpu.memory_space<vmem>>, vector<256x1xf32>
    %get3A_3233 = arith.constant 2 : index
    %get3A_3234 = arith.constant 0 : index
    %get3A_3235 = arith.constant 0 : index
    %get3A_3236 = vector.load %arg20[%get3A_3233, %get3A_3234, %get3A_3235] : memref<20x256x64xf32, #tpu.memory_space<vmem>>, vector<1x256x64xf32>
    %get3A_3237 = vector.shape_cast %get3A_3236 : vector<1x256x64xf32> to vector<256x64xf32>
    %dot_general3A_3238 = arith.constant dense<0.000000e+00> : vector<256x128xf32>
    %dot_general3A_3239 = tpu.matmul %get3A_3237, %get3A_2114, %dot_general3A_3238 {dimension_numbers = #tpu.dot_dimension_numbers<[1], [0], [0], [1], [0, 0, 1, 1], [], []>, transpose_lhs_hint = false} : vector<256x64xf32>, vector<64x128xf32>, vector<256x128xf32> -> vector<256x128xf32>
    %dot_general3A_3240 = arith.constant dense<0.000000e+00> : vector<256x128xf32>
    %dot_general3A_3241 = tpu.matmul %add3A_3215, %get3A_2117, %dot_general3A_3240 {dimension_numbers = #tpu.dot_dimension_numbers<[1], [0], [0], [1], [0, 0, 1, 1], [], []>, transpose_lhs_hint = false} : vector<256x32xf32>, vector<32x128xf32>, vector<256x128xf32> -> vector<256x128xf32>
    %add3A_3242 = arith.addf %dot_general3A_3239, %dot_general3A_3241 : vector<256x128xf32>
    %add3A_3243 = vector.broadcast %get3A_2120 : vector<1x128xf32> to vector<256x128xf32>
    %add3A_3244 = arith.addf %add3A_3242, %add3A_3243 : vector<256x128xf32>
    %slice3A_3245 = vector.extract_strided_slice %add3A_3244 {offsets = [0, 0], sizes = [256, 32], strides = [1, 1]} : vector<256x128xf32> to vector<256x32xf32>
    %logistic3A_3246 = arith.negf %slice3A_3245 : vector<256x32xf32>
    %logistic3A_3247 = math.exp %logistic3A_3246 : vector<256x32xf32>
    %logistic3A_3248 = arith.constant 1.000000e+00 : f32
    %logistic3A_3249 = vector.broadcast %logistic3A_3248 : f32 to vector<256x32xf32>
    %logistic3A_3250 = arith.addf %logistic3A_3249, %logistic3A_3247 : vector<256x32xf32>
    %logistic3A_3251 = arith.divf %logistic3A_3249, %logistic3A_3250 : vector<256x32xf32>
    %slice3A_3252 = vector.extract_strided_slice %add3A_3244 {offsets = [0, 32], sizes = [256, 32], strides = [1, 1]} : vector<256x128xf32> to vector<256x32xf32>
    %logistic3A_3253 = arith.negf %slice3A_3252 : vector<256x32xf32>
    %logistic3A_3254 = math.exp %logistic3A_3253 : vector<256x32xf32>
    %logistic3A_3255 = arith.constant 1.000000e+00 : f32
    %logistic3A_3256 = vector.broadcast %logistic3A_3255 : f32 to vector<256x32xf32>
    %logistic3A_3257 = arith.addf %logistic3A_3256, %logistic3A_3254 : vector<256x32xf32>
    %logistic3A_3258 = arith.divf %logistic3A_3256, %logistic3A_3257 : vector<256x32xf32>
    %slice3A_3259 = vector.extract_strided_slice %add3A_3244 {offsets = [0, 64], sizes = [256, 32], strides = [1, 1]} : vector<256x128xf32> to vector<256x32xf32>
    %tanh3A_3260 = math.tanh %slice3A_3259 : vector<256x32xf32>
    %slice3A_3261 = vector.extract_strided_slice %add3A_3244 {offsets = [0, 96], sizes = [256, 32], strides = [1, 1]} : vector<256x128xf32> to vector<256x32xf32>
    %logistic3A_3262 = arith.negf %slice3A_3261 : vector<256x32xf32>
    %logistic3A_3263 = math.exp %logistic3A_3262 : vector<256x32xf32>
    %logistic3A_3264 = arith.constant 1.000000e+00 : f32
    %logistic3A_3265 = vector.broadcast %logistic3A_3264 : f32 to vector<256x32xf32>
    %logistic3A_3266 = arith.addf %logistic3A_3265, %logistic3A_3263 : vector<256x32xf32>
    %logistic3A_3267 = arith.divf %logistic3A_3265, %logistic3A_3266 : vector<256x32xf32>
    %mul3A_3268 = arith.mulf %logistic3A_3258, %add3A_3223 : vector<256x32xf32>
    %mul3A_3269 = arith.mulf %logistic3A_3251, %tanh3A_3260 : vector<256x32xf32>
    %add3A_3270 = arith.addf %mul3A_3268, %mul3A_3269 : vector<256x32xf32>
    %tanh3A_3271 = math.tanh %add3A_3270 : vector<256x32xf32>
    %mul3A_3272 = arith.mulf %logistic3A_3267, %tanh3A_3271 : vector<256x32xf32>
    %mul3A_3273 = vector.broadcast %get3A_3232 : vector<256x1xf32> to vector<256x32xf32>
    %mul3A_3274 = arith.mulf %mul3A_3273, %mul3A_3272 : vector<256x32xf32>
    %sub3A_3275 = arith.constant 1.000000e+00 : f32
    %sub3A_3276 = vector.broadcast %sub3A_3275 : f32 to vector<256x1xf32>
    %sub3A_3277 = arith.subf %sub3A_3276, %get3A_3232 : vector<256x1xf32>
    %mul3A_3278 = vector.broadcast %sub3A_3277 : vector<256x1xf32> to vector<256x32xf32>
    %mul3A_3279 = arith.mulf %mul3A_3278, %add3A_3215 : vector<256x32xf32>
    %add3A_3280 = arith.addf %mul3A_3274, %mul3A_3279 : vector<256x32xf32>
    %mul3A_3281 = vector.broadcast %get3A_3232 : vector<256x1xf32> to vector<256x32xf32>
    %mul3A_3282 = arith.mulf %mul3A_3281, %add3A_3270 : vector<256x32xf32>
    %sub3A_3283 = arith.constant 1.000000e+00 : f32
    %sub3A_3284 = vector.broadcast %sub3A_3283 : f32 to vector<256x1xf32>
    %sub3A_3285 = arith.subf %sub3A_3284, %get3A_3232 : vector<256x1xf32>
    %mul3A_3286 = vector.broadcast %sub3A_3285 : vector<256x1xf32> to vector<256x32xf32>
    %mul3A_3287 = arith.mulf %mul3A_3286, %add3A_3223 : vector<256x32xf32>
    %add3A_3288 = arith.addf %mul3A_3282, %mul3A_3287 : vector<256x32xf32>
    %swap3A_3289 = arith.constant 2 : index
    %swap3A_3290 = arith.constant 0 : index
    %swap3A_3291 = arith.constant 0 : index
    %swap3A_3292 = vector.load %arg22[%swap3A_3289, %swap3A_3290, %swap3A_3291] : memref<20x256x32xf32, #tpu.memory_space<vmem>>, vector<1x256x32xf32>
    %swap3A_3293 = vector.shape_cast %swap3A_3292 : vector<1x256x32xf32> to vector<256x32xf32>
    %swap3A_3294 = vector.shape_cast %add3A_3280 : vector<256x32xf32> to vector<1x256x32xf32>
    tpu.vector_store %arg22[%swap3A_3289, %swap3A_3290, %swap3A_3291], %swap3A_3294 {strides = array<i32>} : memref<20x256x32xf32, #tpu.memory_space<vmem>>, vector<1x256x32xf32>,
    %get3A_3295 = arith.constant 0 : index
    %get3A_3296 = arith.constant 1 : index
    %get3A_3297 = vector.load %arg3[%get3A_3295, %get3A_3296] : memref<256x20xf32, #tpu.memory_space<vmem>>, vector<256x1xf32>
    %get3A_3298 = arith.constant 1 : index
    %get3A_3299 = arith.constant 0 : index
    %get3A_3300 = arith.constant 0 : index
    %get3A_3301 = vector.load %arg20[%get3A_3298, %get3A_3299, %get3A_3300] : memref<20x256x64xf32, #tpu.memory_space<vmem>>, vector<1x256x64xf32>
    %get3A_3302 = vector.shape_cast %get3A_3301 : vector<1x256x64xf32> to vector<256x64xf32>
    %dot_general3A_3303 = arith.constant dense<0.000000e+00> : vector<256x128xf32>
    %dot_general3A_3304 = tpu.matmul %get3A_3302, %get3A_2114, %dot_general3A_3303 {dimension_numbers = #tpu.dot_dimension_numbers<[1], [0], [0], [1], [0, 0, 1, 1], [], []>, transpose_lhs_hint = false} : vector<256x64xf32>, vector<64x128xf32>, vector<256x128xf32> -> vector<256x128xf32>
    %dot_general3A_3305 = arith.constant dense<0.000000e+00> : vector<256x128xf32>
    %dot_general3A_3306 = tpu.matmul %add3A_3280, %get3A_2117, %dot_general3A_3305 {dimension_numbers = #tpu.dot_dimension_numbers<[1], [0], [0], [1], [0, 0, 1, 1], [], []>, transpose_lhs_hint = false} : vector<256x32xf32>, vector<32x128xf32>, vector<256x128xf32> -> vector<256x128xf32>
    %add3A_3307 = arith.addf %dot_general3A_3304, %dot_general3A_3306 : vector<256x128xf32>
    %add3A_3308 = vector.broadcast %get3A_2120 : vector<1x128xf32> to vector<256x128xf32>
    %add3A_3309 = arith.addf %add3A_3307, %add3A_3308 : vector<256x128xf32>
    %slice3A_3310 = vector.extract_strided_slice %add3A_3309 {offsets = [0, 0], sizes = [256, 32], strides = [1, 1]} : vector<256x128xf32> to vector<256x32xf32>
    %logistic3A_3311 = arith.negf %slice3A_3310 : vector<256x32xf32>
    %logistic3A_3312 = math.exp %logistic3A_3311 : vector<256x32xf32>
    %logistic3A_3313 = arith.constant 1.000000e+00 : f32
    %logistic3A_3314 = vector.broadcast %logistic3A_3313 : f32 to vector<256x32xf32>
    %logistic3A_3315 = arith.addf %logistic3A_3314, %logistic3A_3312 : vector<256x32xf32>
    %logistic3A_3316 = arith.divf %logistic3A_3314, %logistic3A_3315 : vector<256x32xf32>
    %slice3A_3317 = vector.extract_strided_slice %add3A_3309 {offsets = [0, 32], sizes = [256, 32], strides = [1, 1]} : vector<256x128xf32> to vector<256x32xf32>
    %logistic3A_3318 = arith.negf %slice3A_3317 : vector<256x32xf32>
    %logistic3A_3319 = math.exp %logistic3A_3318 : vector<256x32xf32>
    %logistic3A_3320 = arith.constant 1.000000e+00 : f32
    %logistic3A_3321 = vector.broadcast %logistic3A_3320 : f32 to vector<256x32xf32>
    %logistic3A_3322 = arith.addf %logistic3A_3321, %logistic3A_3319 : vector<256x32xf32>
    %logistic3A_3323 = arith.divf %logistic3A_3321, %logistic3A_3322 : vector<256x32xf32>
    %slice3A_3324 = vector.extract_strided_slice %add3A_3309 {offsets = [0, 64], sizes = [256, 32], strides = [1, 1]} : vector<256x128xf32> to vector<256x32xf32>
    %tanh3A_3325 = math.tanh %slice3A_3324 : vector<256x32xf32>
    %slice3A_3326 = vector.extract_strided_slice %add3A_3309 {offsets = [0, 96], sizes = [256, 32], strides = [1, 1]} : vector<256x128xf32> to vector<256x32xf32>
    %logistic3A_3327 = arith.negf %slice3A_3326 : vector<256x32xf32>
    %logistic3A_3328 = math.exp %logistic3A_3327 : vector<256x32xf32>
    %logistic3A_3329 = arith.constant 1.000000e+00 : f32
    %logistic3A_3330 = vector.broadcast %logistic3A_3329 : f32 to vector<256x32xf32>
    %logistic3A_3331 = arith.addf %logistic3A_3330, %logistic3A_3328 : vector<256x32xf32>
    %logistic3A_3332 = arith.divf %logistic3A_3330, %logistic3A_3331 : vector<256x32xf32>
    %mul3A_3333 = arith.mulf %logistic3A_3323, %add3A_3288 : vector<256x32xf32>
    %mul3A_3334 = arith.mulf %logistic3A_3316, %tanh3A_3325 : vector<256x32xf32>
    %add3A_3335 = arith.addf %mul3A_3333, %mul3A_3334 : vector<256x32xf32>
    %tanh3A_3336 = math.tanh %add3A_3335 : vector<256x32xf32>
    %mul3A_3337 = arith.mulf %logistic3A_3332, %tanh3A_3336 : vector<256x32xf32>
    %mul3A_3338 = vector.broadcast %get3A_3297 : vector<256x1xf32> to vector<256x32xf32>
    %mul3A_3339 = arith.mulf %mul3A_3338, %mul3A_3337 : vector<256x32xf32>
    %sub3A_3340 = arith.constant 1.000000e+00 : f32
    %sub3A_3341 = vector.broadcast %sub3A_3340 : f32 to vector<256x1xf32>
    %sub3A_3342 = arith.subf %sub3A_3341, %get3A_3297 : vector<256x1xf32>
    %mul3A_3343 = vector.broadcast %sub3A_3342 : vector<256x1xf32> to vector<256x32xf32>
    %mul3A_3344 = arith.mulf %mul3A_3343, %add3A_3280 : vector<256x32xf32>
    %add3A_3345 = arith.addf %mul3A_3339, %mul3A_3344 : vector<256x32xf32>
    %mul3A_3346 = vector.broadcast %get3A_3297 : vector<256x1xf32> to vector<256x32xf32>
    %mul3A_3347 = arith.mulf %mul3A_3346, %add3A_3335 : vector<256x32xf32>
    %sub3A_3348 = arith.constant 1.000000e+00 : f32
    %sub3A_3349 = vector.broadcast %sub3A_3348 : f32 to vector<256x1xf32>
    %sub3A_3350 = arith.subf %sub3A_3349, %get3A_3297 : vector<256x1xf32>
    %mul3A_3351 = vector.broadcast %sub3A_3350 : vector<256x1xf32> to vector<256x32xf32>
    %mul3A_3352 = arith.mulf %mul3A_3351, %add3A_3288 : vector<256x32xf32>
    %add3A_3353 = arith.addf %mul3A_3347, %mul3A_3352 : vector<256x32xf32>
    %swap3A_3354 = arith.constant 1 : index
    %swap3A_3355 = arith.constant 0 : index
    %swap3A_3356 = arith.constant 0 : index
    %swap3A_3357 = vector.load %arg22[%swap3A_3354, %swap3A_3355, %swap3A_3356] : memref<20x256x32xf32, #tpu.memory_space<vmem>>, vector<1x256x32xf32>
    %swap3A_3358 = vector.shape_cast %swap3A_3357 : vector<1x256x32xf32> to vector<256x32xf32>
    %swap3A_3359 = vector.shape_cast %add3A_3345 : vector<256x32xf32> to vector<1x256x32xf32>
    tpu.vector_store %arg22[%swap3A_3354, %swap3A_3355, %swap3A_3356], %swap3A_3359 {strides = array<i32>} : memref<20x256x32xf32, #tpu.memory_space<vmem>>, vector<1x256x32xf32>,
    %get3A_3360 = arith.constant 0 : index
    %get3A_3361 = arith.constant 0 : index
    %get3A_3362 = vector.load %arg3[%get3A_3360, %get3A_3361] : memref<256x20xf32, #tpu.memory_space<vmem>>, vector<256x1xf32>
    %get3A_3363 = arith.constant 0 : index
    %get3A_3364 = arith.constant 0 : index
    %get3A_3365 = arith.constant 0 : index
    %get3A_3366 = vector.load %arg20[%get3A_3363, %get3A_3364, %get3A_3365] : memref<20x256x64xf32, #tpu.memory_space<vmem>>, vector<1x256x64xf32>
    %get3A_3367 = vector.shape_cast %get3A_3366 : vector<1x256x64xf32> to vector<256x64xf32>
    %dot_general3A_3368 = arith.constant dense<0.000000e+00> : vector<256x128xf32>
    %dot_general3A_3369 = tpu.matmul %get3A_3367, %get3A_2114, %dot_general3A_3368 {dimension_numbers = #tpu.dot_dimension_numbers<[1], [0], [0], [1], [0, 0, 1, 1], [], []>, transpose_lhs_hint = false} : vector<256x64xf32>, vector<64x128xf32>, vector<256x128xf32> -> vector<256x128xf32>
    %dot_general3A_3370 = arith.constant dense<0.000000e+00> : vector<256x128xf32>
    %dot_general3A_3371 = tpu.matmul %add3A_3345, %get3A_2117, %dot_general3A_3370 {dimension_numbers = #tpu.dot_dimension_numbers<[1], [0], [0], [1], [0, 0, 1, 1], [], []>, transpose_lhs_hint = false} : vector<256x32xf32>, vector<32x128xf32>, vector<256x128xf32> -> vector<256x128xf32>
    %add3A_3372 = arith.addf %dot_general3A_3369, %dot_general3A_3371 : vector<256x128xf32>
    %add3A_3373 = vector.broadcast %get3A_2120 : vector<1x128xf32> to vector<256x128xf32>
    %add3A_3374 = arith.addf %add3A_3372, %add3A_3373 : vector<256x128xf32>
    %slice3A_3375 = vector.extract_strided_slice %add3A_3374 {offsets = [0, 0], sizes = [256, 32], strides = [1, 1]} : vector<256x128xf32> to vector<256x32xf32>
    %logistic3A_3376 = arith.negf %slice3A_3375 : vector<256x32xf32>
    %logistic3A_3377 = math.exp %logistic3A_3376 : vector<256x32xf32>
    %logistic3A_3378 = arith.constant 1.000000e+00 : f32
    %logistic3A_3379 = vector.broadcast %logistic3A_3378 : f32 to vector<256x32xf32>
    %logistic3A_3380 = arith.addf %logistic3A_3379, %logistic3A_3377 : vector<256x32xf32>
    %logistic3A_3381 = arith.divf %logistic3A_3379, %logistic3A_3380 : vector<256x32xf32>
    %slice3A_3382 = vector.extract_strided_slice %add3A_3374 {offsets = [0, 32], sizes = [256, 32], strides = [1, 1]} : vector<256x128xf32> to vector<256x32xf32>
    %logistic3A_3383 = arith.negf %slice3A_3382 : vector<256x32xf32>
    %logistic3A_3384 = math.exp %logistic3A_3383 : vector<256x32xf32>
    %logistic3A_3385 = arith.constant 1.000000e+00 : f32
    %logistic3A_3386 = vector.broadcast %logistic3A_3385 : f32 to vector<256x32xf32>
    %logistic3A_3387 = arith.addf %logistic3A_3386, %logistic3A_3384 : vector<256x32xf32>
    %logistic3A_3388 = arith.divf %logistic3A_3386, %logistic3A_3387 : vector<256x32xf32>
    %slice3A_3389 = vector.extract_strided_slice %add3A_3374 {offsets = [0, 64], sizes = [256, 32], strides = [1, 1]} : vector<256x128xf32> to vector<256x32xf32>
    %tanh3A_3390 = math.tanh %slice3A_3389 : vector<256x32xf32>
    %slice3A_3391 = vector.extract_strided_slice %add3A_3374 {offsets = [0, 96], sizes = [256, 32], strides = [1, 1]} : vector<256x128xf32> to vector<256x32xf32>
    %logistic3A_3392 = arith.negf %slice3A_3391 : vector<256x32xf32>
    %logistic3A_3393 = math.exp %logistic3A_3392 : vector<256x32xf32>
    %logistic3A_3394 = arith.constant 1.000000e+00 : f32
    %logistic3A_3395 = vector.broadcast %logistic3A_3394 : f32 to vector<256x32xf32>
    %logistic3A_3396 = arith.addf %logistic3A_3395, %logistic3A_3393 : vector<256x32xf32>
    %logistic3A_3397 = arith.divf %logistic3A_3395, %logistic3A_3396 : vector<256x32xf32>
    %mul3A_3398 = arith.mulf %logistic3A_3388, %add3A_3353 : vector<256x32xf32>
    %mul3A_3399 = arith.mulf %logistic3A_3381, %tanh3A_3390 : vector<256x32xf32>
    %add3A_3400 = arith.addf %mul3A_3398, %mul3A_3399 : vector<256x32xf32>
    %tanh3A_3401 = math.tanh %add3A_3400 : vector<256x32xf32>
    %mul3A_3402 = arith.mulf %logistic3A_3397, %tanh3A_3401 : vector<256x32xf32>
    %mul3A_3403 = vector.broadcast %get3A_3362 : vector<256x1xf32> to vector<256x32xf32>
    %mul3A_3404 = arith.mulf %mul3A_3403, %mul3A_3402 : vector<256x32xf32>
    %sub3A_3405 = arith.constant 1.000000e+00 : f32
    %sub3A_3406 = vector.broadcast %sub3A_3405 : f32 to vector<256x1xf32>
    %sub3A_3407 = arith.subf %sub3A_3406, %get3A_3362 : vector<256x1xf32>
    %mul3A_3408 = vector.broadcast %sub3A_3407 : vector<256x1xf32> to vector<256x32xf32>
    %mul3A_3409 = arith.mulf %mul3A_3408, %add3A_3345 : vector<256x32xf32>
    %add3A_3410 = arith.addf %mul3A_3404, %mul3A_3409 : vector<256x32xf32>
    %swap3A_3411 = arith.constant 0 : index
    %swap3A_3412 = arith.constant 0 : index
    %swap3A_3413 = arith.constant 0 : index
    %swap3A_3414 = vector.load %arg22[%swap3A_3411, %swap3A_3412, %swap3A_3413] : memref<20x256x32xf32, #tpu.memory_space<vmem>>, vector<1x256x32xf32>
    %swap3A_3415 = vector.shape_cast %swap3A_3414 : vector<1x256x32xf32> to vector<256x32xf32>
    %swap3A_3416 = vector.shape_cast %add3A_3410 : vector<256x32xf32> to vector<1x256x32xf32>
    tpu.vector_store %arg22[%swap3A_3411, %swap3A_3412, %swap3A_3413], %swap3A_3416 {strides = array<i32>} : memref<20x256x32xf32, #tpu.memory_space<vmem>>, vector<1x256x32xf32>,
    %get3A_3417 = arith.constant 0 : index
    %get3A_3418 = arith.constant 0 : index
    %get3A_3419 = vector.load %arg16[%get3A_3417, %get3A_3418] : memref<32x64xf32, #tpu.memory_space<vmem>>, vector<32x64xf32>
    %get3A_3420 = arith.constant 0 : index
    %get3A_3421 = arith.constant 0 : index
    %get3A_3422 = vector.load %arg17[%get3A_3420, %get3A_3421] : memref<32x64xf32, #tpu.memory_space<vmem>>, vector<32x64xf32>
    %get3A_3423 = arith.constant 0 : index
    %get3A_3424 = arith.constant 0 : index
    %get3A_3425 = vector.load %arg18[%get3A_3423, %get3A_3424] : memref<1x64xf32, #tpu.memory_space<vmem>>, vector<1x64xf32>
    %get3A_3426 = arith.constant 0 : index
    %get3A_3427 = arith.constant 0 : index
    %get3A_3428 = arith.constant 0 : index
    %get3A_3429 = vector.load %arg21[%get3A_3426, %get3A_3427, %get3A_3428] : memref<20x256x32xf32, #tpu.memory_space<vmem>>, vector<1x256x32xf32>
    %get3A_3430 = vector.shape_cast %get3A_3429 : vector<1x256x32xf32> to vector<256x32xf32>
    %dot_general3A_3431 = arith.constant dense<0.000000e+00> : vector<256x64xf32>
    %dot_general3A_3432 = tpu.matmul %get3A_3430, %get3A_3419, %dot_general3A_3431 {dimension_numbers = #tpu.dot_dimension_numbers<[1], [0], [0], [1], [0, 0, 1, 1], [], []>, transpose_lhs_hint = false} : vector<256x32xf32>, vector<32x64xf32>, vector<256x64xf32> -> vector<256x64xf32>
    %get3A_3433 = arith.constant 0 : index
    %get3A_3434 = arith.constant 0 : index
    %get3A_3435 = arith.constant 0 : index
    %get3A_3436 = vector.load %arg22[%get3A_3433, %get3A_3434, %get3A_3435] : memref<20x256x32xf32, #tpu.memory_space<vmem>>, vector<1x256x32xf32>
    %get3A_3437 = vector.shape_cast %get3A_3436 : vector<1x256x32xf32> to vector<256x32xf32>
    %dot_general3A_3438 = arith.constant dense<0.000000e+00> : vector<256x64xf32>
    %dot_general3A_3439 = tpu.matmul %get3A_3437, %get3A_3422, %dot_general3A_3438 {dimension_numbers = #tpu.dot_dimension_numbers<[1], [0], [0], [1], [0, 0, 1, 1], [], []>, transpose_lhs_hint = false} : vector<256x32xf32>, vector<32x64xf32>, vector<256x64xf32> -> vector<256x64xf32>
    %add3A_3440 = arith.addf %dot_general3A_3432, %dot_general3A_3439 : vector<256x64xf32>
    %tanh3A_3441 = math.tanh %add3A_3440 : vector<256x64xf32>
    %mul3A_3442 = vector.broadcast %get3A_3425 : vector<1x64xf32> to vector<256x64xf32>
    %mul3A_3443 = arith.mulf %tanh3A_3441, %mul3A_3442 : vector<256x64xf32>
    %reduce_sum3A = arith.constant dense<0.000000e+00> : vector<256xf32>
    %reduce_sum3A_3444 = vector.multi_reduction <add>, %mul3A_3443, %reduce_sum3A [1] : vector<256x64xf32> to vector<256xf32>
    %broadcast_in_dim3A_3445 = vector.shape_cast %reduce_sum3A_3444 : vector<256xf32> to vector<256x1xf32>
    %get3A_3446 = arith.constant 1 : index
    %get3A_3447 = arith.constant 0 : index
    %get3A_3448 = arith.constant 0 : index
    %get3A_3449 = vector.load %arg21[%get3A_3446, %get3A_3447, %get3A_3448] : memref<20x256x32xf32, #tpu.memory_space<vmem>>, vector<1x256x32xf32>
    %get3A_3450 = vector.shape_cast %get3A_3449 : vector<1x256x32xf32> to vector<256x32xf32>
    %dot_general3A_3451 = arith.constant dense<0.000000e+00> : vector<256x64xf32>
    %dot_general3A_3452 = tpu.matmul %get3A_3450, %get3A_3419, %dot_general3A_3451 {dimension_numbers = #tpu.dot_dimension_numbers<[1], [0], [0], [1], [0, 0, 1, 1], [], []>, transpose_lhs_hint = false} : vector<256x32xf32>, vector<32x64xf32>, vector<256x64xf32> -> vector<256x64xf32>
    %get3A_3453 = arith.constant 1 : index
    %get3A_3454 = arith.constant 0 : index
    %get3A_3455 = arith.constant 0 : index
    %get3A_3456 = vector.load %arg22[%get3A_3453, %get3A_3454, %get3A_3455] : memref<20x256x32xf32, #tpu.memory_space<vmem>>, vector<1x256x32xf32>
    %get3A_3457 = vector.shape_cast %get3A_3456 : vector<1x256x32xf32> to vector<256x32xf32>
    %dot_general3A_3458 = arith.constant dense<0.000000e+00> : vector<256x64xf32>
    %dot_general3A_3459 = tpu.matmul %get3A_3457, %get3A_3422, %dot_general3A_3458 {dimension_numbers = #tpu.dot_dimension_numbers<[1], [0], [0], [1], [0, 0, 1, 1], [], []>, transpose_lhs_hint = false} : vector<256x32xf32>, vector<32x64xf32>, vector<256x64xf32> -> vector<256x64xf32>
    %add3A_3460 = arith.addf %dot_general3A_3452, %dot_general3A_3459 : vector<256x64xf32>
    %tanh3A_3461 = math.tanh %add3A_3460 : vector<256x64xf32>
    %mul3A_3462 = vector.broadcast %get3A_3425 : vector<1x64xf32> to vector<256x64xf32>
    %mul3A_3463 = arith.mulf %tanh3A_3461, %mul3A_3462 : vector<256x64xf32>
    %reduce_sum3A_3464 = arith.constant dense<0.000000e+00> : vector<256xf32>
    %reduce_sum3A_3465 = vector.multi_reduction <add>, %mul3A_3463, %reduce_sum3A_3464 [1] : vector<256x64xf32> to vector<256xf32>
    %broadcast_in_dim3A_3466 = vector.shape_cast %reduce_sum3A_3465 : vector<256xf32> to vector<256x1xf32>
    %get3A_3467 = arith.constant 2 : index
    %get3A_3468 = arith.constant 0 : index
    %get3A_3469 = arith.constant 0 : index
    %get3A_3470 = vector.load %arg21[%get3A_3467, %get3A_3468, %get3A_3469] : memref<20x256x32xf32, #tpu.memory_space<vmem>>, vector<1x256x32xf32>
    %get3A_3471 = vector.shape_cast %get3A_3470 : vector<1x256x32xf32> to vector<256x32xf32>
    %dot_general3A_3472 = arith.constant dense<0.000000e+00> : vector<256x64xf32>
    %dot_general3A_3473 = tpu.matmul %get3A_3471, %get3A_3419, %dot_general3A_3472 {dimension_numbers = #tpu.dot_dimension_numbers<[1], [0], [0], [1], [0, 0, 1, 1], [], []>, transpose_lhs_hint = false} : vector<256x32xf32>, vector<32x64xf32>, vector<256x64xf32> -> vector<256x64xf32>
    %get3A_3474 = arith.constant 2 : index
    %get3A_3475 = arith.constant 0 : index
    %get3A_3476 = arith.constant 0 : index
    %get3A_3477 = vector.load %arg22[%get3A_3474, %get3A_3475, %get3A_3476] : memref<20x256x32xf32, #tpu.memory_space<vmem>>, vector<1x256x32xf32>
    %get3A_3478 = vector.shape_cast %get3A_3477 : vector<1x256x32xf32> to vector<256x32xf32>
    %dot_general3A_3479 = arith.constant dense<0.000000e+00> : vector<256x64xf32>
    %dot_general3A_3480 = tpu.matmul %get3A_3478, %get3A_3422, %dot_general3A_3479 {dimension_numbers = #tpu.dot_dimension_numbers<[1], [0], [0], [1], [0, 0, 1, 1], [], []>, transpose_lhs_hint = false} : vector<256x32xf32>, vector<32x64xf32>, vector<256x64xf32> -> vector<256x64xf32>
    %add3A_3481 = arith.addf %dot_general3A_3473, %dot_general3A_3480 : vector<256x64xf32>
    %tanh3A_3482 = math.tanh %add3A_3481 : vector<256x64xf32>
    %mul3A_3483 = vector.broadcast %get3A_3425 : vector<1x64xf32> to vector<256x64xf32>
    %mul3A_3484 = arith.mulf %tanh3A_3482, %mul3A_3483 : vector<256x64xf32>
    %reduce_sum3A_3485 = arith.constant dense<0.000000e+00> : vector<256xf32>
    %reduce_sum3A_3486 = vector.multi_reduction <add>, %mul3A_3484, %reduce_sum3A_3485 [1] : vector<256x64xf32> to vector<256xf32>
    %broadcast_in_dim3A_3487 = vector.shape_cast %reduce_sum3A_3486 : vector<256xf32> to vector<256x1xf32>
    %get3A_3488 = arith.constant 3 : index
    %get3A_3489 = arith.constant 0 : index
    %get3A_3490 = arith.constant 0 : index
    %get3A_3491 = vector.load %arg21[%get3A_3488, %get3A_3489, %get3A_3490] : memref<20x256x32xf32, #tpu.memory_space<vmem>>, vector<1x256x32xf32>
    %get3A_3492 = vector.shape_cast %get3A_3491 : vector<1x256x32xf32> to vector<256x32xf32>
    %dot_general3A_3493 = arith.constant dense<0.000000e+00> : vector<256x64xf32>
    %dot_general3A_3494 = tpu.matmul %get3A_3492, %get3A_3419, %dot_general3A_3493 {dimension_numbers = #tpu.dot_dimension_numbers<[1], [0], [0], [1], [0, 0, 1, 1], [], []>, transpose_lhs_hint = false} : vector<256x32xf32>, vector<32x64xf32>, vector<256x64xf32> -> vector<256x64xf32>
    %get3A_3495 = arith.constant 3 : index
    %get3A_3496 = arith.constant 0 : index
    %get3A_3497 = arith.constant 0 : index
    %get3A_3498 = vector.load %arg22[%get3A_3495, %get3A_3496, %get3A_3497] : memref<20x256x32xf32, #tpu.memory_space<vmem>>, vector<1x256x32xf32>
    %get3A_3499 = vector.shape_cast %get3A_3498 : vector<1x256x32xf32> to vector<256x32xf32>
    %dot_general3A_3500 = arith.constant dense<0.000000e+00> : vector<256x64xf32>
    %dot_general3A_3501 = tpu.matmul %get3A_3499, %get3A_3422, %dot_general3A_3500 {dimension_numbers = #tpu.dot_dimension_numbers<[1], [0], [0], [1], [0, 0, 1, 1], [], []>, transpose_lhs_hint = false} : vector<256x32xf32>, vector<32x64xf32>, vector<256x64xf32> -> vector<256x64xf32>
    %add3A_3502 = arith.addf %dot_general3A_3494, %dot_general3A_3501 : vector<256x64xf32>
    %tanh3A_3503 = math.tanh %add3A_3502 : vector<256x64xf32>
    %mul3A_3504 = vector.broadcast %get3A_3425 : vector<1x64xf32> to vector<256x64xf32>
    %mul3A_3505 = arith.mulf %tanh3A_3503, %mul3A_3504 : vector<256x64xf32>
    %reduce_sum3A_3506 = arith.constant dense<0.000000e+00> : vector<256xf32>
    %reduce_sum3A_3507 = vector.multi_reduction <add>, %mul3A_3505, %reduce_sum3A_3506 [1] : vector<256x64xf32> to vector<256xf32>
    %broadcast_in_dim3A_3508 = vector.shape_cast %reduce_sum3A_3507 : vector<256xf32> to vector<256x1xf32>
    %get3A_3509 = arith.constant 4 : index
    %get3A_3510 = arith.constant 0 : index
    %get3A_3511 = arith.constant 0 : index
    %get3A_3512 = vector.load %arg21[%get3A_3509, %get3A_3510, %get3A_3511] : memref<20x256x32xf32, #tpu.memory_space<vmem>>, vector<1x256x32xf32>
    %get3A_3513 = vector.shape_cast %get3A_3512 : vector<1x256x32xf32> to vector<256x32xf32>
    %dot_general3A_3514 = arith.constant dense<0.000000e+00> : vector<256x64xf32>
    %dot_general3A_3515 = tpu.matmul %get3A_3513, %get3A_3419, %dot_general3A_3514 {dimension_numbers = #tpu.dot_dimension_numbers<[1], [0], [0], [1], [0, 0, 1, 1], [], []>, transpose_lhs_hint = false} : vector<256x32xf32>, vector<32x64xf32>, vector<256x64xf32> -> vector<256x64xf32>
    %get3A_3516 = arith.constant 4 : index
    %get3A_3517 = arith.constant 0 : index
    %get3A_3518 = arith.constant 0 : index
    %get3A_3519 = vector.load %arg22[%get3A_3516, %get3A_3517, %get3A_3518] : memref<20x256x32xf32, #tpu.memory_space<vmem>>, vector<1x256x32xf32>
    %get3A_3520 = vector.shape_cast %get3A_3519 : vector<1x256x32xf32> to vector<256x32xf32>
    %dot_general3A_3521 = arith.constant dense<0.000000e+00> : vector<256x64xf32>
    %dot_general3A_3522 = tpu.matmul %get3A_3520, %get3A_3422, %dot_general3A_3521 {dimension_numbers = #tpu.dot_dimension_numbers<[1], [0], [0], [1], [0, 0, 1, 1], [], []>, transpose_lhs_hint = false} : vector<256x32xf32>, vector<32x64xf32>, vector<256x64xf32> -> vector<256x64xf32>
    %add3A_3523 = arith.addf %dot_general3A_3515, %dot_general3A_3522 : vector<256x64xf32>
    %tanh3A_3524 = math.tanh %add3A_3523 : vector<256x64xf32>
    %mul3A_3525 = vector.broadcast %get3A_3425 : vector<1x64xf32> to vector<256x64xf32>
    %mul3A_3526 = arith.mulf %tanh3A_3524, %mul3A_3525 : vector<256x64xf32>
    %reduce_sum3A_3527 = arith.constant dense<0.000000e+00> : vector<256xf32>
    %reduce_sum3A_3528 = vector.multi_reduction <add>, %mul3A_3526, %reduce_sum3A_3527 [1] : vector<256x64xf32> to vector<256xf32>
    %broadcast_in_dim3A_3529 = vector.shape_cast %reduce_sum3A_3528 : vector<256xf32> to vector<256x1xf32>
    %get3A_3530 = arith.constant 5 : index
    %get3A_3531 = arith.constant 0 : index
    %get3A_3532 = arith.constant 0 : index
    %get3A_3533 = vector.load %arg21[%get3A_3530, %get3A_3531, %get3A_3532] : memref<20x256x32xf32, #tpu.memory_space<vmem>>, vector<1x256x32xf32>
    %get3A_3534 = vector.shape_cast %get3A_3533 : vector<1x256x32xf32> to vector<256x32xf32>
    %dot_general3A_3535 = arith.constant dense<0.000000e+00> : vector<256x64xf32>
    %dot_general3A_3536 = tpu.matmul %get3A_3534, %get3A_3419, %dot_general3A_3535 {dimension_numbers = #tpu.dot_dimension_numbers<[1], [0], [0], [1], [0, 0, 1, 1], [], []>, transpose_lhs_hint = false} : vector<256x32xf32>, vector<32x64xf32>, vector<256x64xf32> -> vector<256x64xf32>
    %get3A_3537 = arith.constant 5 : index
    %get3A_3538 = arith.constant 0 : index
    %get3A_3539 = arith.constant 0 : index
    %get3A_3540 = vector.load %arg22[%get3A_3537, %get3A_3538, %get3A_3539] : memref<20x256x32xf32, #tpu.memory_space<vmem>>, vector<1x256x32xf32>
    %get3A_3541 = vector.shape_cast %get3A_3540 : vector<1x256x32xf32> to vector<256x32xf32>
    %dot_general3A_3542 = arith.constant dense<0.000000e+00> : vector<256x64xf32>
    %dot_general3A_3543 = tpu.matmul %get3A_3541, %get3A_3422, %dot_general3A_3542 {dimension_numbers = #tpu.dot_dimension_numbers<[1], [0], [0], [1], [0, 0, 1, 1], [], []>, transpose_lhs_hint = false} : vector<256x32xf32>, vector<32x64xf32>, vector<256x64xf32> -> vector<256x64xf32>
    %add3A_3544 = arith.addf %dot_general3A_3536, %dot_general3A_3543 : vector<256x64xf32>
    %tanh3A_3545 = math.tanh %add3A_3544 : vector<256x64xf32>
    %mul3A_3546 = vector.broadcast %get3A_3425 : vector<1x64xf32> to vector<256x64xf32>
    %mul3A_3547 = arith.mulf %tanh3A_3545, %mul3A_3546 : vector<256x64xf32>
    %reduce_sum3A_3548 = arith.constant dense<0.000000e+00> : vector<256xf32>
    %reduce_sum3A_3549 = vector.multi_reduction <add>, %mul3A_3547, %reduce_sum3A_3548 [1] : vector<256x64xf32> to vector<256xf32>
    %broadcast_in_dim3A_3550 = vector.shape_cast %reduce_sum3A_3549 : vector<256xf32> to vector<256x1xf32>
    %get3A_3551 = arith.constant 6 : index
    %get3A_3552 = arith.constant 0 : index
    %get3A_3553 = arith.constant 0 : index
    %get3A_3554 = vector.load %arg21[%get3A_3551, %get3A_3552, %get3A_3553] : memref<20x256x32xf32, #tpu.memory_space<vmem>>, vector<1x256x32xf32>
    %get3A_3555 = vector.shape_cast %get3A_3554 : vector<1x256x32xf32> to vector<256x32xf32>
    %dot_general3A_3556 = arith.constant dense<0.000000e+00> : vector<256x64xf32>
    %dot_general3A_3557 = tpu.matmul %get3A_3555, %get3A_3419, %dot_general3A_3556 {dimension_numbers = #tpu.dot_dimension_numbers<[1], [0], [0], [1], [0, 0, 1, 1], [], []>, transpose_lhs_hint = false} : vector<256x32xf32>, vector<32x64xf32>, vector<256x64xf32> -> vector<256x64xf32>
    %get3A_3558 = arith.constant 6 : index
    %get3A_3559 = arith.constant 0 : index
    %get3A_3560 = arith.constant 0 : index
    %get3A_3561 = vector.load %arg22[%get3A_3558, %get3A_3559, %get3A_3560] : memref<20x256x32xf32, #tpu.memory_space<vmem>>, vector<1x256x32xf32>
    %get3A_3562 = vector.shape_cast %get3A_3561 : vector<1x256x32xf32> to vector<256x32xf32>
    %dot_general3A_3563 = arith.constant dense<0.000000e+00> : vector<256x64xf32>
    %dot_general3A_3564 = tpu.matmul %get3A_3562, %get3A_3422, %dot_general3A_3563 {dimension_numbers = #tpu.dot_dimension_numbers<[1], [0], [0], [1], [0, 0, 1, 1], [], []>, transpose_lhs_hint = false} : vector<256x32xf32>, vector<32x64xf32>, vector<256x64xf32> -> vector<256x64xf32>
    %add3A_3565 = arith.addf %dot_general3A_3557, %dot_general3A_3564 : vector<256x64xf32>
    %tanh3A_3566 = math.tanh %add3A_3565 : vector<256x64xf32>
    %mul3A_3567 = vector.broadcast %get3A_3425 : vector<1x64xf32> to vector<256x64xf32>
    %mul3A_3568 = arith.mulf %tanh3A_3566, %mul3A_3567 : vector<256x64xf32>
    %reduce_sum3A_3569 = arith.constant dense<0.000000e+00> : vector<256xf32>
    %reduce_sum3A_3570 = vector.multi_reduction <add>, %mul3A_3568, %reduce_sum3A_3569 [1] : vector<256x64xf32> to vector<256xf32>
    %broadcast_in_dim3A_3571 = vector.shape_cast %reduce_sum3A_3570 : vector<256xf32> to vector<256x1xf32>
    %get3A_3572 = arith.constant 7 : index
    %get3A_3573 = arith.constant 0 : index
    %get3A_3574 = arith.constant 0 : index
    %get3A_3575 = vector.load %arg21[%get3A_3572, %get3A_3573, %get3A_3574] : memref<20x256x32xf32, #tpu.memory_space<vmem>>, vector<1x256x32xf32>
    %get3A_3576 = vector.shape_cast %get3A_3575 : vector<1x256x32xf32> to vector<256x32xf32>
    %dot_general3A_3577 = arith.constant dense<0.000000e+00> : vector<256x64xf32>
    %dot_general3A_3578 = tpu.matmul %get3A_3576, %get3A_3419, %dot_general3A_3577 {dimension_numbers = #tpu.dot_dimension_numbers<[1], [0], [0], [1], [0, 0, 1, 1], [], []>, transpose_lhs_hint = false} : vector<256x32xf32>, vector<32x64xf32>, vector<256x64xf32> -> vector<256x64xf32>
    %get3A_3579 = arith.constant 7 : index
    %get3A_3580 = arith.constant 0 : index
    %get3A_3581 = arith.constant 0 : index
    %get3A_3582 = vector.load %arg22[%get3A_3579, %get3A_3580, %get3A_3581] : memref<20x256x32xf32, #tpu.memory_space<vmem>>, vector<1x256x32xf32>
    %get3A_3583 = vector.shape_cast %get3A_3582 : vector<1x256x32xf32> to vector<256x32xf32>
    %dot_general3A_3584 = arith.constant dense<0.000000e+00> : vector<256x64xf32>
    %dot_general3A_3585 = tpu.matmul %get3A_3583, %get3A_3422, %dot_general3A_3584 {dimension_numbers = #tpu.dot_dimension_numbers<[1], [0], [0], [1], [0, 0, 1, 1], [], []>, transpose_lhs_hint = false} : vector<256x32xf32>, vector<32x64xf32>, vector<256x64xf32> -> vector<256x64xf32>
    %add3A_3586 = arith.addf %dot_general3A_3578, %dot_general3A_3585 : vector<256x64xf32>
    %tanh3A_3587 = math.tanh %add3A_3586 : vector<256x64xf32>
    %mul3A_3588 = vector.broadcast %get3A_3425 : vector<1x64xf32> to vector<256x64xf32>
    %mul3A_3589 = arith.mulf %tanh3A_3587, %mul3A_3588 : vector<256x64xf32>
    %reduce_sum3A_3590 = arith.constant dense<0.000000e+00> : vector<256xf32>
    %reduce_sum3A_3591 = vector.multi_reduction <add>, %mul3A_3589, %reduce_sum3A_3590 [1] : vector<256x64xf32> to vector<256xf32>
    %broadcast_in_dim3A_3592 = vector.shape_cast %reduce_sum3A_3591 : vector<256xf32> to vector<256x1xf32>
    %get3A_3593 = arith.constant 8 : index
    %get3A_3594 = arith.constant 0 : index
    %get3A_3595 = arith.constant 0 : index
    %get3A_3596 = vector.load %arg21[%get3A_3593, %get3A_3594, %get3A_3595] : memref<20x256x32xf32, #tpu.memory_space<vmem>>, vector<1x256x32xf32>
    %get3A_3597 = vector.shape_cast %get3A_3596 : vector<1x256x32xf32> to vector<256x32xf32>
    %dot_general3A_3598 = arith.constant dense<0.000000e+00> : vector<256x64xf32>
    %dot_general3A_3599 = tpu.matmul %get3A_3597, %get3A_3419, %dot_general3A_3598 {dimension_numbers = #tpu.dot_dimension_numbers<[1], [0], [0], [1], [0, 0, 1, 1], [], []>, transpose_lhs_hint = false} : vector<256x32xf32>, vector<32x64xf32>, vector<256x64xf32> -> vector<256x64xf32>
    %get3A_3600 = arith.constant 8 : index
    %get3A_3601 = arith.constant 0 : index
    %get3A_3602 = arith.constant 0 : index
    %get3A_3603 = vector.load %arg22[%get3A_3600, %get3A_3601, %get3A_3602] : memref<20x256x32xf32, #tpu.memory_space<vmem>>, vector<1x256x32xf32>
    %get3A_3604 = vector.shape_cast %get3A_3603 : vector<1x256x32xf32> to vector<256x32xf32>
    %dot_general3A_3605 = arith.constant dense<0.000000e+00> : vector<256x64xf32>
    %dot_general3A_3606 = tpu.matmul %get3A_3604, %get3A_3422, %dot_general3A_3605 {dimension_numbers = #tpu.dot_dimension_numbers<[1], [0], [0], [1], [0, 0, 1, 1], [], []>, transpose_lhs_hint = false} : vector<256x32xf32>, vector<32x64xf32>, vector<256x64xf32> -> vector<256x64xf32>
    %add3A_3607 = arith.addf %dot_general3A_3599, %dot_general3A_3606 : vector<256x64xf32>
    %tanh3A_3608 = math.tanh %add3A_3607 : vector<256x64xf32>
    %mul3A_3609 = vector.broadcast %get3A_3425 : vector<1x64xf32> to vector<256x64xf32>
    %mul3A_3610 = arith.mulf %tanh3A_3608, %mul3A_3609 : vector<256x64xf32>
    %reduce_sum3A_3611 = arith.constant dense<0.000000e+00> : vector<256xf32>
    %reduce_sum3A_3612 = vector.multi_reduction <add>, %mul3A_3610, %reduce_sum3A_3611 [1] : vector<256x64xf32> to vector<256xf32>
    %broadcast_in_dim3A_3613 = vector.shape_cast %reduce_sum3A_3612 : vector<256xf32> to vector<256x1xf32>
    %get3A_3614 = arith.constant 9 : index
    %get3A_3615 = arith.constant 0 : index
    %get3A_3616 = arith.constant 0 : index
    %get3A_3617 = vector.load %arg21[%get3A_3614, %get3A_3615, %get3A_3616] : memref<20x256x32xf32, #tpu.memory_space<vmem>>, vector<1x256x32xf32>
    %get3A_3618 = vector.shape_cast %get3A_3617 : vector<1x256x32xf32> to vector<256x32xf32>
    %dot_general3A_3619 = arith.constant dense<0.000000e+00> : vector<256x64xf32>
    %dot_general3A_3620 = tpu.matmul %get3A_3618, %get3A_3419, %dot_general3A_3619 {dimension_numbers = #tpu.dot_dimension_numbers<[1], [0], [0], [1], [0, 0, 1, 1], [], []>, transpose_lhs_hint = false} : vector<256x32xf32>, vector<32x64xf32>, vector<256x64xf32> -> vector<256x64xf32>
    %get3A_3621 = arith.constant 9 : index
    %get3A_3622 = arith.constant 0 : index
    %get3A_3623 = arith.constant 0 : index
    %get3A_3624 = vector.load %arg22[%get3A_3621, %get3A_3622, %get3A_3623] : memref<20x256x32xf32, #tpu.memory_space<vmem>>, vector<1x256x32xf32>
    %get3A_3625 = vector.shape_cast %get3A_3624 : vector<1x256x32xf32> to vector<256x32xf32>
    %dot_general3A_3626 = arith.constant dense<0.000000e+00> : vector<256x64xf32>
    %dot_general3A_3627 = tpu.matmul %get3A_3625, %get3A_3422, %dot_general3A_3626 {dimension_numbers = #tpu.dot_dimension_numbers<[1], [0], [0], [1], [0, 0, 1, 1], [], []>, transpose_lhs_hint = false} : vector<256x32xf32>, vector<32x64xf32>, vector<256x64xf32> -> vector<256x64xf32>
    %add3A_3628 = arith.addf %dot_general3A_3620, %dot_general3A_3627 : vector<256x64xf32>
    %tanh3A_3629 = math.tanh %add3A_3628 : vector<256x64xf32>
    %mul3A_3630 = vector.broadcast %get3A_3425 : vector<1x64xf32> to vector<256x64xf32>
    %mul3A_3631 = arith.mulf %tanh3A_3629, %mul3A_3630 : vector<256x64xf32>
    %reduce_sum3A_3632 = arith.constant dense<0.000000e+00> : vector<256xf32>
    %reduce_sum3A_3633 = vector.multi_reduction <add>, %mul3A_3631, %reduce_sum3A_3632 [1] : vector<256x64xf32> to vector<256xf32>
    %broadcast_in_dim3A_3634 = vector.shape_cast %reduce_sum3A_3633 : vector<256xf32> to vector<256x1xf32>
    %get3A_3635 = arith.constant 10 : index
    %get3A_3636 = arith.constant 0 : index
    %get3A_3637 = arith.constant 0 : index
    %get3A_3638 = vector.load %arg21[%get3A_3635, %get3A_3636, %get3A_3637] : memref<20x256x32xf32, #tpu.memory_space<vmem>>, vector<1x256x32xf32>
    %get3A_3639 = vector.shape_cast %get3A_3638 : vector<1x256x32xf32> to vector<256x32xf32>
    %dot_general3A_3640 = arith.constant dense<0.000000e+00> : vector<256x64xf32>
    %dot_general3A_3641 = tpu.matmul %get3A_3639, %get3A_3419, %dot_general3A_3640 {dimension_numbers = #tpu.dot_dimension_numbers<[1], [0], [0], [1], [0, 0, 1, 1], [], []>, transpose_lhs_hint = false} : vector<256x32xf32>, vector<32x64xf32>, vector<256x64xf32> -> vector<256x64xf32>
    %get3A_3642 = arith.constant 10 : index
    %get3A_3643 = arith.constant 0 : index
    %get3A_3644 = arith.constant 0 : index
    %get3A_3645 = vector.load %arg22[%get3A_3642, %get3A_3643, %get3A_3644] : memref<20x256x32xf32, #tpu.memory_space<vmem>>, vector<1x256x32xf32>
    %get3A_3646 = vector.shape_cast %get3A_3645 : vector<1x256x32xf32> to vector<256x32xf32>
    %dot_general3A_3647 = arith.constant dense<0.000000e+00> : vector<256x64xf32>
    %dot_general3A_3648 = tpu.matmul %get3A_3646, %get3A_3422, %dot_general3A_3647 {dimension_numbers = #tpu.dot_dimension_numbers<[1], [0], [0], [1], [0, 0, 1, 1], [], []>, transpose_lhs_hint = false} : vector<256x32xf32>, vector<32x64xf32>, vector<256x64xf32> -> vector<256x64xf32>
    %add3A_3649 = arith.addf %dot_general3A_3641, %dot_general3A_3648 : vector<256x64xf32>
    %tanh3A_3650 = math.tanh %add3A_3649 : vector<256x64xf32>
    %mul3A_3651 = vector.broadcast %get3A_3425 : vector<1x64xf32> to vector<256x64xf32>
    %mul3A_3652 = arith.mulf %tanh3A_3650, %mul3A_3651 : vector<256x64xf32>
    %reduce_sum3A_3653 = arith.constant dense<0.000000e+00> : vector<256xf32>
    %reduce_sum3A_3654 = vector.multi_reduction <add>, %mul3A_3652, %reduce_sum3A_3653 [1] : vector<256x64xf32> to vector<256xf32>
    %broadcast_in_dim3A_3655 = vector.shape_cast %reduce_sum3A_3654 : vector<256xf32> to vector<256x1xf32>
    %get3A_3656 = arith.constant 11 : index
    %get3A_3657 = arith.constant 0 : index
    %get3A_3658 = arith.constant 0 : index
    %get3A_3659 = vector.load %arg21[%get3A_3656, %get3A_3657, %get3A_3658] : memref<20x256x32xf32, #tpu.memory_space<vmem>>, vector<1x256x32xf32>
    %get3A_3660 = vector.shape_cast %get3A_3659 : vector<1x256x32xf32> to vector<256x32xf32>
    %dot_general3A_3661 = arith.constant dense<0.000000e+00> : vector<256x64xf32>
    %dot_general3A_3662 = tpu.matmul %get3A_3660, %get3A_3419, %dot_general3A_3661 {dimension_numbers = #tpu.dot_dimension_numbers<[1], [0], [0], [1], [0, 0, 1, 1], [], []>, transpose_lhs_hint = false} : vector<256x32xf32>, vector<32x64xf32>, vector<256x64xf32> -> vector<256x64xf32>
    %get3A_3663 = arith.constant 11 : index
    %get3A_3664 = arith.constant 0 : index
    %get3A_3665 = arith.constant 0 : index
    %get3A_3666 = vector.load %arg22[%get3A_3663, %get3A_3664, %get3A_3665] : memref<20x256x32xf32, #tpu.memory_space<vmem>>, vector<1x256x32xf32>
    %get3A_3667 = vector.shape_cast %get3A_3666 : vector<1x256x32xf32> to vector<256x32xf32>
    %dot_general3A_3668 = arith.constant dense<0.000000e+00> : vector<256x64xf32>
    %dot_general3A_3669 = tpu.matmul %get3A_3667, %get3A_3422, %dot_general3A_3668 {dimension_numbers = #tpu.dot_dimension_numbers<[1], [0], [0], [1], [0, 0, 1, 1], [], []>, transpose_lhs_hint = false} : vector<256x32xf32>, vector<32x64xf32>, vector<256x64xf32> -> vector<256x64xf32>
    %add3A_3670 = arith.addf %dot_general3A_3662, %dot_general3A_3669 : vector<256x64xf32>
    %tanh3A_3671 = math.tanh %add3A_3670 : vector<256x64xf32>
    %mul3A_3672 = vector.broadcast %get3A_3425 : vector<1x64xf32> to vector<256x64xf32>
    %mul3A_3673 = arith.mulf %tanh3A_3671, %mul3A_3672 : vector<256x64xf32>
    %reduce_sum3A_3674 = arith.constant dense<0.000000e+00> : vector<256xf32>
    %reduce_sum3A_3675 = vector.multi_reduction <add>, %mul3A_3673, %reduce_sum3A_3674 [1] : vector<256x64xf32> to vector<256xf32>
    %broadcast_in_dim3A_3676 = vector.shape_cast %reduce_sum3A_3675 : vector<256xf32> to vector<256x1xf32>
    %get3A_3677 = arith.constant 12 : index
    %get3A_3678 = arith.constant 0 : index
    %get3A_3679 = arith.constant 0 : index
    %get3A_3680 = vector.load %arg21[%get3A_3677, %get3A_3678, %get3A_3679] : memref<20x256x32xf32, #tpu.memory_space<vmem>>, vector<1x256x32xf32>
    %get3A_3681 = vector.shape_cast %get3A_3680 : vector<1x256x32xf32> to vector<256x32xf32>
    %dot_general3A_3682 = arith.constant dense<0.000000e+00> : vector<256x64xf32>
    %dot_general3A_3683 = tpu.matmul %get3A_3681, %get3A_3419, %dot_general3A_3682 {dimension_numbers = #tpu.dot_dimension_numbers<[1], [0], [0], [1], [0, 0, 1, 1], [], []>, transpose_lhs_hint = false} : vector<256x32xf32>, vector<32x64xf32>, vector<256x64xf32> -> vector<256x64xf32>
    %get3A_3684 = arith.constant 12 : index
    %get3A_3685 = arith.constant 0 : index
    %get3A_3686 = arith.constant 0 : index
    %get3A_3687 = vector.load %arg22[%get3A_3684, %get3A_3685, %get3A_3686] : memref<20x256x32xf32, #tpu.memory_space<vmem>>, vector<1x256x32xf32>
    %get3A_3688 = vector.shape_cast %get3A_3687 : vector<1x256x32xf32> to vector<256x32xf32>
    %dot_general3A_3689 = arith.constant dense<0.000000e+00> : vector<256x64xf32>
    %dot_general3A_3690 = tpu.matmul %get3A_3688, %get3A_3422, %dot_general3A_3689 {dimension_numbers = #tpu.dot_dimension_numbers<[1], [0], [0], [1], [0, 0, 1, 1], [], []>, transpose_lhs_hint = false} : vector<256x32xf32>, vector<32x64xf32>, vector<256x64xf32> -> vector<256x64xf32>
    %add3A_3691 = arith.addf %dot_general3A_3683, %dot_general3A_3690 : vector<256x64xf32>
    %tanh3A_3692 = math.tanh %add3A_3691 : vector<256x64xf32>
    %mul3A_3693 = vector.broadcast %get3A_3425 : vector<1x64xf32> to vector<256x64xf32>
    %mul3A_3694 = arith.mulf %tanh3A_3692, %mul3A_3693 : vector<256x64xf32>
    %reduce_sum3A_3695 = arith.constant dense<0.000000e+00> : vector<256xf32>
    %reduce_sum3A_3696 = vector.multi_reduction <add>, %mul3A_3694, %reduce_sum3A_3695 [1] : vector<256x64xf32> to vector<256xf32>
    %broadcast_in_dim3A_3697 = vector.shape_cast %reduce_sum3A_3696 : vector<256xf32> to vector<256x1xf32>
    %get3A_3698 = arith.constant 13 : index
    %get3A_3699 = arith.constant 0 : index
    %get3A_3700 = arith.constant 0 : index
    %get3A_3701 = vector.load %arg21[%get3A_3698, %get3A_3699, %get3A_3700] : memref<20x256x32xf32, #tpu.memory_space<vmem>>, vector<1x256x32xf32>
    %get3A_3702 = vector.shape_cast %get3A_3701 : vector<1x256x32xf32> to vector<256x32xf32>
    %dot_general3A_3703 = arith.constant dense<0.000000e+00> : vector<256x64xf32>
    %dot_general3A_3704 = tpu.matmul %get3A_3702, %get3A_3419, %dot_general3A_3703 {dimension_numbers = #tpu.dot_dimension_numbers<[1], [0], [0], [1], [0, 0, 1, 1], [], []>, transpose_lhs_hint = false} : vector<256x32xf32>, vector<32x64xf32>, vector<256x64xf32> -> vector<256x64xf32>
    %get3A_3705 = arith.constant 13 : index
    %get3A_3706 = arith.constant 0 : index
    %get3A_3707 = arith.constant 0 : index
    %get3A_3708 = vector.load %arg22[%get3A_3705, %get3A_3706, %get3A_3707] : memref<20x256x32xf32, #tpu.memory_space<vmem>>, vector<1x256x32xf32>
    %get3A_3709 = vector.shape_cast %get3A_3708 : vector<1x256x32xf32> to vector<256x32xf32>
    %dot_general3A_3710 = arith.constant dense<0.000000e+00> : vector<256x64xf32>
    %dot_general3A_3711 = tpu.matmul %get3A_3709, %get3A_3422, %dot_general3A_3710 {dimension_numbers = #tpu.dot_dimension_numbers<[1], [0], [0], [1], [0, 0, 1, 1], [], []>, transpose_lhs_hint = false} : vector<256x32xf32>, vector<32x64xf32>, vector<256x64xf32> -> vector<256x64xf32>
    %add3A_3712 = arith.addf %dot_general3A_3704, %dot_general3A_3711 : vector<256x64xf32>
    %tanh3A_3713 = math.tanh %add3A_3712 : vector<256x64xf32>
    %mul3A_3714 = vector.broadcast %get3A_3425 : vector<1x64xf32> to vector<256x64xf32>
    %mul3A_3715 = arith.mulf %tanh3A_3713, %mul3A_3714 : vector<256x64xf32>
    %reduce_sum3A_3716 = arith.constant dense<0.000000e+00> : vector<256xf32>
    %reduce_sum3A_3717 = vector.multi_reduction <add>, %mul3A_3715, %reduce_sum3A_3716 [1] : vector<256x64xf32> to vector<256xf32>
    %broadcast_in_dim3A_3718 = vector.shape_cast %reduce_sum3A_3717 : vector<256xf32> to vector<256x1xf32>
    %get3A_3719 = arith.constant 14 : index
    %get3A_3720 = arith.constant 0 : index
    %get3A_3721 = arith.constant 0 : index
    %get3A_3722 = vector.load %arg21[%get3A_3719, %get3A_3720, %get3A_3721] : memref<20x256x32xf32, #tpu.memory_space<vmem>>, vector<1x256x32xf32>
    %get3A_3723 = vector.shape_cast %get3A_3722 : vector<1x256x32xf32> to vector<256x32xf32>
    %dot_general3A_3724 = arith.constant dense<0.000000e+00> : vector<256x64xf32>
    %dot_general3A_3725 = tpu.matmul %get3A_3723, %get3A_3419, %dot_general3A_3724 {dimension_numbers = #tpu.dot_dimension_numbers<[1], [0], [0], [1], [0, 0, 1, 1], [], []>, transpose_lhs_hint = false} : vector<256x32xf32>, vector<32x64xf32>, vector<256x64xf32> -> vector<256x64xf32>
    %get3A_3726 = arith.constant 14 : index
    %get3A_3727 = arith.constant 0 : index
    %get3A_3728 = arith.constant 0 : index
    %get3A_3729 = vector.load %arg22[%get3A_3726, %get3A_3727, %get3A_3728] : memref<20x256x32xf32, #tpu.memory_space<vmem>>, vector<1x256x32xf32>
    %get3A_3730 = vector.shape_cast %get3A_3729 : vector<1x256x32xf32> to vector<256x32xf32>
    %dot_general3A_3731 = arith.constant dense<0.000000e+00> : vector<256x64xf32>
    %dot_general3A_3732 = tpu.matmul %get3A_3730, %get3A_3422, %dot_general3A_3731 {dimension_numbers = #tpu.dot_dimension_numbers<[1], [0], [0], [1], [0, 0, 1, 1], [], []>, transpose_lhs_hint = false} : vector<256x32xf32>, vector<32x64xf32>, vector<256x64xf32> -> vector<256x64xf32>
    %add3A_3733 = arith.addf %dot_general3A_3725, %dot_general3A_3732 : vector<256x64xf32>
    %tanh3A_3734 = math.tanh %add3A_3733 : vector<256x64xf32>
    %mul3A_3735 = vector.broadcast %get3A_3425 : vector<1x64xf32> to vector<256x64xf32>
    %mul3A_3736 = arith.mulf %tanh3A_3734, %mul3A_3735 : vector<256x64xf32>
    %reduce_sum3A_3737 = arith.constant dense<0.000000e+00> : vector<256xf32>
    %reduce_sum3A_3738 = vector.multi_reduction <add>, %mul3A_3736, %reduce_sum3A_3737 [1] : vector<256x64xf32> to vector<256xf32>
    %broadcast_in_dim3A_3739 = vector.shape_cast %reduce_sum3A_3738 : vector<256xf32> to vector<256x1xf32>
    %get3A_3740 = arith.constant 15 : index
    %get3A_3741 = arith.constant 0 : index
    %get3A_3742 = arith.constant 0 : index
    %get3A_3743 = vector.load %arg21[%get3A_3740, %get3A_3741, %get3A_3742] : memref<20x256x32xf32, #tpu.memory_space<vmem>>, vector<1x256x32xf32>
    %get3A_3744 = vector.shape_cast %get3A_3743 : vector<1x256x32xf32> to vector<256x32xf32>
    %dot_general3A_3745 = arith.constant dense<0.000000e+00> : vector<256x64xf32>
    %dot_general3A_3746 = tpu.matmul %get3A_3744, %get3A_3419, %dot_general3A_3745 {dimension_numbers = #tpu.dot_dimension_numbers<[1], [0], [0], [1], [0, 0, 1, 1], [], []>, transpose_lhs_hint = false} : vector<256x32xf32>, vector<32x64xf32>, vector<256x64xf32> -> vector<256x64xf32>
    %get3A_3747 = arith.constant 15 : index
    %get3A_3748 = arith.constant 0 : index
    %get3A_3749 = arith.constant 0 : index
    %get3A_3750 = vector.load %arg22[%get3A_3747, %get3A_3748, %get3A_3749] : memref<20x256x32xf32, #tpu.memory_space<vmem>>, vector<1x256x32xf32>
    %get3A_3751 = vector.shape_cast %get3A_3750 : vector<1x256x32xf32> to vector<256x32xf32>
    %dot_general3A_3752 = arith.constant dense<0.000000e+00> : vector<256x64xf32>
    %dot_general3A_3753 = tpu.matmul %get3A_3751, %get3A_3422, %dot_general3A_3752 {dimension_numbers = #tpu.dot_dimension_numbers<[1], [0], [0], [1], [0, 0, 1, 1], [], []>, transpose_lhs_hint = false} : vector<256x32xf32>, vector<32x64xf32>, vector<256x64xf32> -> vector<256x64xf32>
    %add3A_3754 = arith.addf %dot_general3A_3746, %dot_general3A_3753 : vector<256x64xf32>
    %tanh3A_3755 = math.tanh %add3A_3754 : vector<256x64xf32>
    %mul3A_3756 = vector.broadcast %get3A_3425 : vector<1x64xf32> to vector<256x64xf32>
    %mul3A_3757 = arith.mulf %tanh3A_3755, %mul3A_3756 : vector<256x64xf32>
    %reduce_sum3A_3758 = arith.constant dense<0.000000e+00> : vector<256xf32>
    %reduce_sum3A_3759 = vector.multi_reduction <add>, %mul3A_3757, %reduce_sum3A_3758 [1] : vector<256x64xf32> to vector<256xf32>
    %broadcast_in_dim3A_3760 = vector.shape_cast %reduce_sum3A_3759 : vector<256xf32> to vector<256x1xf32>
    %get3A_3761 = arith.constant 16 : index
    %get3A_3762 = arith.constant 0 : index
    %get3A_3763 = arith.constant 0 : index
    %get3A_3764 = vector.load %arg21[%get3A_3761, %get3A_3762, %get3A_3763] : memref<20x256x32xf32, #tpu.memory_space<vmem>>, vector<1x256x32xf32>
    %get3A_3765 = vector.shape_cast %get3A_3764 : vector<1x256x32xf32> to vector<256x32xf32>
    %dot_general3A_3766 = arith.constant dense<0.000000e+00> : vector<256x64xf32>
    %dot_general3A_3767 = tpu.matmul %get3A_3765, %get3A_3419, %dot_general3A_3766 {dimension_numbers = #tpu.dot_dimension_numbers<[1], [0], [0], [1], [0, 0, 1, 1], [], []>, transpose_lhs_hint = false} : vector<256x32xf32>, vector<32x64xf32>, vector<256x64xf32> -> vector<256x64xf32>
    %get3A_3768 = arith.constant 16 : index
    %get3A_3769 = arith.constant 0 : index
    %get3A_3770 = arith.constant 0 : index
    %get3A_3771 = vector.load %arg22[%get3A_3768, %get3A_3769, %get3A_3770] : memref<20x256x32xf32, #tpu.memory_space<vmem>>, vector<1x256x32xf32>
    %get3A_3772 = vector.shape_cast %get3A_3771 : vector<1x256x32xf32> to vector<256x32xf32>
    %dot_general3A_3773 = arith.constant dense<0.000000e+00> : vector<256x64xf32>
    %dot_general3A_3774 = tpu.matmul %get3A_3772, %get3A_3422, %dot_general3A_3773 {dimension_numbers = #tpu.dot_dimension_numbers<[1], [0], [0], [1], [0, 0, 1, 1], [], []>, transpose_lhs_hint = false} : vector<256x32xf32>, vector<32x64xf32>, vector<256x64xf32> -> vector<256x64xf32>
    %add3A_3775 = arith.addf %dot_general3A_3767, %dot_general3A_3774 : vector<256x64xf32>
    %tanh3A_3776 = math.tanh %add3A_3775 : vector<256x64xf32>
    %mul3A_3777 = vector.broadcast %get3A_3425 : vector<1x64xf32> to vector<256x64xf32>
    %mul3A_3778 = arith.mulf %tanh3A_3776, %mul3A_3777 : vector<256x64xf32>
    %reduce_sum3A_3779 = arith.constant dense<0.000000e+00> : vector<256xf32>
    %reduce_sum3A_3780 = vector.multi_reduction <add>, %mul3A_3778, %reduce_sum3A_3779 [1] : vector<256x64xf32> to vector<256xf32>
    %broadcast_in_dim3A_3781 = vector.shape_cast %reduce_sum3A_3780 : vector<256xf32> to vector<256x1xf32>
    %get3A_3782 = arith.constant 17 : index
    %get3A_3783 = arith.constant 0 : index
    %get3A_3784 = arith.constant 0 : index
    %get3A_3785 = vector.load %arg21[%get3A_3782, %get3A_3783, %get3A_3784] : memref<20x256x32xf32, #tpu.memory_space<vmem>>, vector<1x256x32xf32>
    %get3A_3786 = vector.shape_cast %get3A_3785 : vector<1x256x32xf32> to vector<256x32xf32>
    %dot_general3A_3787 = arith.constant dense<0.000000e+00> : vector<256x64xf32>
    %dot_general3A_3788 = tpu.matmul %get3A_3786, %get3A_3419, %dot_general3A_3787 {dimension_numbers = #tpu.dot_dimension_numbers<[1], [0], [0], [1], [0, 0, 1, 1], [], []>, transpose_lhs_hint = false} : vector<256x32xf32>, vector<32x64xf32>, vector<256x64xf32> -> vector<256x64xf32>
    %get3A_3789 = arith.constant 17 : index
    %get3A_3790 = arith.constant 0 : index
    %get3A_3791 = arith.constant 0 : index
    %get3A_3792 = vector.load %arg22[%get3A_3789, %get3A_3790, %get3A_3791] : memref<20x256x32xf32, #tpu.memory_space<vmem>>, vector<1x256x32xf32>
    %get3A_3793 = vector.shape_cast %get3A_3792 : vector<1x256x32xf32> to vector<256x32xf32>
    %dot_general3A_3794 = arith.constant dense<0.000000e+00> : vector<256x64xf32>
    %dot_general3A_3795 = tpu.matmul %get3A_3793, %get3A_3422, %dot_general3A_3794 {dimension_numbers = #tpu.dot_dimension_numbers<[1], [0], [0], [1], [0, 0, 1, 1], [], []>, transpose_lhs_hint = false} : vector<256x32xf32>, vector<32x64xf32>, vector<256x64xf32> -> vector<256x64xf32>
    %add3A_3796 = arith.addf %dot_general3A_3788, %dot_general3A_3795 : vector<256x64xf32>
    %tanh3A_3797 = math.tanh %add3A_3796 : vector<256x64xf32>
    %mul3A_3798 = vector.broadcast %get3A_3425 : vector<1x64xf32> to vector<256x64xf32>
    %mul3A_3799 = arith.mulf %tanh3A_3797, %mul3A_3798 : vector<256x64xf32>
    %reduce_sum3A_3800 = arith.constant dense<0.000000e+00> : vector<256xf32>
    %reduce_sum3A_3801 = vector.multi_reduction <add>, %mul3A_3799, %reduce_sum3A_3800 [1] : vector<256x64xf32> to vector<256xf32>
    %broadcast_in_dim3A_3802 = vector.shape_cast %reduce_sum3A_3801 : vector<256xf32> to vector<256x1xf32>
    %get3A_3803 = arith.constant 18 : index
    %get3A_3804 = arith.constant 0 : index
    %get3A_3805 = arith.constant 0 : index
    %get3A_3806 = vector.load %arg21[%get3A_3803, %get3A_3804, %get3A_3805] : memref<20x256x32xf32, #tpu.memory_space<vmem>>, vector<1x256x32xf32>
    %get3A_3807 = vector.shape_cast %get3A_3806 : vector<1x256x32xf32> to vector<256x32xf32>
    %dot_general3A_3808 = arith.constant dense<0.000000e+00> : vector<256x64xf32>
    %dot_general3A_3809 = tpu.matmul %get3A_3807, %get3A_3419, %dot_general3A_3808 {dimension_numbers = #tpu.dot_dimension_numbers<[1], [0], [0], [1], [0, 0, 1, 1], [], []>, transpose_lhs_hint = false} : vector<256x32xf32>, vector<32x64xf32>, vector<256x64xf32> -> vector<256x64xf32>
    %get3A_3810 = arith.constant 18 : index
    %get3A_3811 = arith.constant 0 : index
    %get3A_3812 = arith.constant 0 : index
    %get3A_3813 = vector.load %arg22[%get3A_3810, %get3A_3811, %get3A_3812] : memref<20x256x32xf32, #tpu.memory_space<vmem>>, vector<1x256x32xf32>
    %get3A_3814 = vector.shape_cast %get3A_3813 : vector<1x256x32xf32> to vector<256x32xf32>
    %dot_general3A_3815 = arith.constant dense<0.000000e+00> : vector<256x64xf32>
    %dot_general3A_3816 = tpu.matmul %get3A_3814, %get3A_3422, %dot_general3A_3815 {dimension_numbers = #tpu.dot_dimension_numbers<[1], [0], [0], [1], [0, 0, 1, 1], [], []>, transpose_lhs_hint = false} : vector<256x32xf32>, vector<32x64xf32>, vector<256x64xf32> -> vector<256x64xf32>
    %add3A_3817 = arith.addf %dot_general3A_3809, %dot_general3A_3816 : vector<256x64xf32>
    %tanh3A_3818 = math.tanh %add3A_3817 : vector<256x64xf32>
    %mul3A_3819 = vector.broadcast %get3A_3425 : vector<1x64xf32> to vector<256x64xf32>
    %mul3A_3820 = arith.mulf %tanh3A_3818, %mul3A_3819 : vector<256x64xf32>
    %reduce_sum3A_3821 = arith.constant dense<0.000000e+00> : vector<256xf32>
    %reduce_sum3A_3822 = vector.multi_reduction <add>, %mul3A_3820, %reduce_sum3A_3821 [1] : vector<256x64xf32> to vector<256xf32>
    %broadcast_in_dim3A_3823 = vector.shape_cast %reduce_sum3A_3822 : vector<256xf32> to vector<256x1xf32>
    %get3A_3824 = arith.constant 19 : index
    %get3A_3825 = arith.constant 0 : index
    %get3A_3826 = arith.constant 0 : index
    %get3A_3827 = vector.load %arg21[%get3A_3824, %get3A_3825, %get3A_3826] : memref<20x256x32xf32, #tpu.memory_space<vmem>>, vector<1x256x32xf32>
    %get3A_3828 = vector.shape_cast %get3A_3827 : vector<1x256x32xf32> to vector<256x32xf32>
    %dot_general3A_3829 = arith.constant dense<0.000000e+00> : vector<256x64xf32>
    %dot_general3A_3830 = tpu.matmul %get3A_3828, %get3A_3419, %dot_general3A_3829 {dimension_numbers = #tpu.dot_dimension_numbers<[1], [0], [0], [1], [0, 0, 1, 1], [], []>, transpose_lhs_hint = false} : vector<256x32xf32>, vector<32x64xf32>, vector<256x64xf32> -> vector<256x64xf32>
    %get3A_3831 = arith.constant 19 : index
    %get3A_3832 = arith.constant 0 : index
    %get3A_3833 = arith.constant 0 : index
    %get3A_3834 = vector.load %arg22[%get3A_3831, %get3A_3832, %get3A_3833] : memref<20x256x32xf32, #tpu.memory_space<vmem>>, vector<1x256x32xf32>
    %get3A_3835 = vector.shape_cast %get3A_3834 : vector<1x256x32xf32> to vector<256x32xf32>
    %dot_general3A_3836 = arith.constant dense<0.000000e+00> : vector<256x64xf32>
    %dot_general3A_3837 = tpu.matmul %get3A_3835, %get3A_3422, %dot_general3A_3836 {dimension_numbers = #tpu.dot_dimension_numbers<[1], [0], [0], [1], [0, 0, 1, 1], [], []>, transpose_lhs_hint = false} : vector<256x32xf32>, vector<32x64xf32>, vector<256x64xf32> -> vector<256x64xf32>
    %add3A_3838 = arith.addf %dot_general3A_3830, %dot_general3A_3837 : vector<256x64xf32>
    %tanh3A_3839 = math.tanh %add3A_3838 : vector<256x64xf32>
    %mul3A_3840 = vector.broadcast %get3A_3425 : vector<1x64xf32> to vector<256x64xf32>
    %mul3A_3841 = arith.mulf %tanh3A_3839, %mul3A_3840 : vector<256x64xf32>
    %reduce_sum3A_3842 = arith.constant dense<0.000000e+00> : vector<256xf32>
    %reduce_sum3A_3843 = vector.multi_reduction <add>, %mul3A_3841, %reduce_sum3A_3842 [1] : vector<256x64xf32> to vector<256xf32>
    %broadcast_in_dim3A_3844 = vector.shape_cast %reduce_sum3A_3843 : vector<256xf32> to vector<256x1xf32>
    %concatenate3A = tpu.concatenate %broadcast_in_dim3A_3445, %broadcast_in_dim3A_3466, %broadcast_in_dim3A_3487, %broadcast_in_dim3A_3508, %broadcast_in_dim3A_3529, %broadcast_in_dim3A_3550, %broadcast_in_dim3A_3571, %broadcast_in_dim3A_3592, %broadcast_in_dim3A_3613, %broadcast_in_dim3A_3634, %broadcast_in_dim3A_3655, %broadcast_in_dim3A_3676, %broadcast_in_dim3A_3697, %broadcast_in_dim3A_3718, %broadcast_in_dim3A_3739, %broadcast_in_dim3A_3760, %broadcast_in_dim3A_3781, %broadcast_in_dim3A_3802, %broadcast_in_dim3A_3823, %broadcast_in_dim3A_3844 in 1 : vector<256x1xf32>, vector<256x1xf32>, vector<256x1xf32>, vector<256x1xf32>, vector<256x1xf32>, vector<256x1xf32>, vector<256x1xf32>, vector<256x1xf32>, vector<256x1xf32>, vector<256x1xf32>, vector<256x1xf32>, vector<256x1xf32>, vector<256x1xf32>, vector<256x1xf32>, vector<256x1xf32>, vector<256x1xf32>, vector<256x1xf32>, vector<256x1xf32>, vector<256x1xf32>, vector<256x1xf32> -> vector<256x20xf32>
    %get3A_3845 = arith.constant 0 : index
    %get3A_3846 = arith.constant 0 : index
    %get3A_3847 = vector.load %arg3[%get3A_3845, %get3A_3846] : memref<256x20xf32, #tpu.memory_space<vmem>>, vector<256x20xf32>
    %gt3A = arith.constant 5.000000e-01 : f32
    %gt3A_3848 = vector.broadcast %gt3A : f32 to vector<256x20xf32>
    %gt3A_3849 = arith.cmpf ogt, %get3A_3847, %gt3A_3848 : vector<256x20xf32>
    %jit3A = arith.constant -1.000000e+09 : f32
    %broadcast_in_dim3A_3850 = vector.broadcast %jit3A : f32 to vector<256x20xf32>
    %select_n3A = arith.select %gt3A_3849, %concatenate3A, %broadcast_in_dim3A_3850 : vector<256x20xi1>, vector<256x20xf32>
    %reduce_max3A = arith.constant dense<0xFF800000> : vector<256xf32>
    %reduce_max3A_3851 = vector.multi_reduction <maximumf>, %select_n3A, %reduce_max3A [1] : vector<256x20xf32> to vector<256xf32>
    %broadcast_in_dim3A_3852 = vector.shape_cast %reduce_max3A_3851 : vector<256xf32> to vector<256x1xf32>
    %sub3A_3853 = vector.broadcast %broadcast_in_dim3A_3852 : vector<256x1xf32> to vector<256x20xf32>
    %sub3A_3854 = arith.subf %select_n3A, %sub3A_3853 : vector<256x20xf32>
    %exp3A = math.exp %sub3A_3854 : vector<256x20xf32>
    %reduce_sum3A_3855 = arith.constant dense<0.000000e+00> : vector<256xf32>
    %reduce_sum3A_3856 = vector.multi_reduction <add>, %exp3A, %reduce_sum3A_3855 [1] : vector<256x20xf32> to vector<256xf32>
    %broadcast_in_dim3A_3857 = vector.shape_cast %reduce_sum3A_3856 : vector<256xf32> to vector<256x1xf32>
    %div3A = vector.broadcast %broadcast_in_dim3A_3857 : vector<256x1xf32> to vector<256x20xf32>
    %div3A_3858 = arith.divf %exp3A, %div3A : vector<256x20xf32>
    %broadcast_in_dim3A_3859 = arith.constant 0.000000e+00 : f32
    %broadcast_in_dim3A_3860 = vector.broadcast %broadcast_in_dim3A_3859 : f32 to vector<256x32xf32>
    %broadcast_in_dim3A_3861 = arith.constant 0.000000e+00 : f32
    %broadcast_in_dim3A_3862 = vector.broadcast %broadcast_in_dim3A_3861 : f32 to vector<256x32xf32>
    %slice3A_3863 = vector.extract_strided_slice %div3A_3858 {offsets = [0, 0], sizes = [256, 1], strides = [1, 1]} : vector<256x20xf32> to vector<256x1xf32>
    %get3A_3864 = arith.constant 0 : index
    %get3A_3865 = arith.constant 0 : index
    %get3A_3866 = arith.constant 0 : index
    %get3A_3867 = vector.load %arg21[%get3A_3864, %get3A_3865, %get3A_3866] : memref<20x256x32xf32, #tpu.memory_space<vmem>>, vector<1x256x32xf32>
    %get3A_3868 = vector.shape_cast %get3A_3867 : vector<1x256x32xf32> to vector<256x32xf32>
    %mul3A_3869 = vector.broadcast %slice3A_3863 : vector<256x1xf32> to vector<256x32xf32>
    %mul3A_3870 = arith.mulf %mul3A_3869, %get3A_3868 : vector<256x32xf32>
    %add3A_3871 = arith.addf %broadcast_in_dim3A_3860, %mul3A_3870 : vector<256x32xf32>
    %get3A_3872 = arith.constant 0 : index
    %get3A_3873 = arith.constant 0 : index
    %get3A_3874 = arith.constant 0 : index
    %get3A_3875 = vector.load %arg22[%get3A_3872, %get3A_3873, %get3A_3874] : memref<20x256x32xf32, #tpu.memory_space<vmem>>, vector<1x256x32xf32>
    %get3A_3876 = vector.shape_cast %get3A_3875 : vector<1x256x32xf32> to vector<256x32xf32>
    %mul3A_3877 = vector.broadcast %slice3A_3863 : vector<256x1xf32> to vector<256x32xf32>
    %mul3A_3878 = arith.mulf %mul3A_3877, %get3A_3876 : vector<256x32xf32>
    %add3A_3879 = arith.addf %broadcast_in_dim3A_3862, %mul3A_3878 : vector<256x32xf32>
    %slice3A_3880 = vector.extract_strided_slice %div3A_3858 {offsets = [0, 1], sizes = [256, 1], strides = [1, 1]} : vector<256x20xf32> to vector<256x1xf32>
    %get3A_3881 = arith.constant 1 : index
    %get3A_3882 = arith.constant 0 : index
    %get3A_3883 = arith.constant 0 : index
    %get3A_3884 = vector.load %arg21[%get3A_3881, %get3A_3882, %get3A_3883] : memref<20x256x32xf32, #tpu.memory_space<vmem>>, vector<1x256x32xf32>
    %get3A_3885 = vector.shape_cast %get3A_3884 : vector<1x256x32xf32> to vector<256x32xf32>
    %mul3A_3886 = vector.broadcast %slice3A_3880 : vector<256x1xf32> to vector<256x32xf32>
    %mul3A_3887 = arith.mulf %mul3A_3886, %get3A_3885 : vector<256x32xf32>
    %add3A_3888 = arith.addf %add3A_3871, %mul3A_3887 : vector<256x32xf32>
    %get3A_3889 = arith.constant 1 : index
    %get3A_3890 = arith.constant 0 : index
    %get3A_3891 = arith.constant 0 : index
    %get3A_3892 = vector.load %arg22[%get3A_3889, %get3A_3890, %get3A_3891] : memref<20x256x32xf32, #tpu.memory_space<vmem>>, vector<1x256x32xf32>
    %get3A_3893 = vector.shape_cast %get3A_3892 : vector<1x256x32xf32> to vector<256x32xf32>
    %mul3A_3894 = vector.broadcast %slice3A_3880 : vector<256x1xf32> to vector<256x32xf32>
    %mul3A_3895 = arith.mulf %mul3A_3894, %get3A_3893 : vector<256x32xf32>
    %add3A_3896 = arith.addf %add3A_3879, %mul3A_3895 : vector<256x32xf32>
    %slice3A_3897 = vector.extract_strided_slice %div3A_3858 {offsets = [0, 2], sizes = [256, 1], strides = [1, 1]} : vector<256x20xf32> to vector<256x1xf32>
    %get3A_3898 = arith.constant 2 : index
    %get3A_3899 = arith.constant 0 : index
    %get3A_3900 = arith.constant 0 : index
    %get3A_3901 = vector.load %arg21[%get3A_3898, %get3A_3899, %get3A_3900] : memref<20x256x32xf32, #tpu.memory_space<vmem>>, vector<1x256x32xf32>
    %get3A_3902 = vector.shape_cast %get3A_3901 : vector<1x256x32xf32> to vector<256x32xf32>
    %mul3A_3903 = vector.broadcast %slice3A_3897 : vector<256x1xf32> to vector<256x32xf32>
    %mul3A_3904 = arith.mulf %mul3A_3903, %get3A_3902 : vector<256x32xf32>
    %add3A_3905 = arith.addf %add3A_3888, %mul3A_3904 : vector<256x32xf32>
    %get3A_3906 = arith.constant 2 : index
    %get3A_3907 = arith.constant 0 : index
    %get3A_3908 = arith.constant 0 : index
    %get3A_3909 = vector.load %arg22[%get3A_3906, %get3A_3907, %get3A_3908] : memref<20x256x32xf32, #tpu.memory_space<vmem>>, vector<1x256x32xf32>
    %get3A_3910 = vector.shape_cast %get3A_3909 : vector<1x256x32xf32> to vector<256x32xf32>
    %mul3A_3911 = vector.broadcast %slice3A_3897 : vector<256x1xf32> to vector<256x32xf32>
    %mul3A_3912 = arith.mulf %mul3A_3911, %get3A_3910 : vector<256x32xf32>
    %add3A_3913 = arith.addf %add3A_3896, %mul3A_3912 : vector<256x32xf32>
    %slice3A_3914 = vector.extract_strided_slice %div3A_3858 {offsets = [0, 3], sizes = [256, 1], strides = [1, 1]} : vector<256x20xf32> to vector<256x1xf32>
    %get3A_3915 = arith.constant 3 : index
    %get3A_3916 = arith.constant 0 : index
    %get3A_3917 = arith.constant 0 : index
    %get3A_3918 = vector.load %arg21[%get3A_3915, %get3A_3916, %get3A_3917] : memref<20x256x32xf32, #tpu.memory_space<vmem>>, vector<1x256x32xf32>
    %get3A_3919 = vector.shape_cast %get3A_3918 : vector<1x256x32xf32> to vector<256x32xf32>
    %mul3A_3920 = vector.broadcast %slice3A_3914 : vector<256x1xf32> to vector<256x32xf32>
    %mul3A_3921 = arith.mulf %mul3A_3920, %get3A_3919 : vector<256x32xf32>
    %add3A_3922 = arith.addf %add3A_3905, %mul3A_3921 : vector<256x32xf32>
    %get3A_3923 = arith.constant 3 : index
    %get3A_3924 = arith.constant 0 : index
    %get3A_3925 = arith.constant 0 : index
    %get3A_3926 = vector.load %arg22[%get3A_3923, %get3A_3924, %get3A_3925] : memref<20x256x32xf32, #tpu.memory_space<vmem>>, vector<1x256x32xf32>
    %get3A_3927 = vector.shape_cast %get3A_3926 : vector<1x256x32xf32> to vector<256x32xf32>
    %mul3A_3928 = vector.broadcast %slice3A_3914 : vector<256x1xf32> to vector<256x32xf32>
    %mul3A_3929 = arith.mulf %mul3A_3928, %get3A_3927 : vector<256x32xf32>
    %add3A_3930 = arith.addf %add3A_3913, %mul3A_3929 : vector<256x32xf32>
    %slice3A_3931 = vector.extract_strided_slice %div3A_3858 {offsets = [0, 4], sizes = [256, 1], strides = [1, 1]} : vector<256x20xf32> to vector<256x1xf32>
    %get3A_3932 = arith.constant 4 : index
    %get3A_3933 = arith.constant 0 : index
    %get3A_3934 = arith.constant 0 : index
    %get3A_3935 = vector.load %arg21[%get3A_3932, %get3A_3933, %get3A_3934] : memref<20x256x32xf32, #tpu.memory_space<vmem>>, vector<1x256x32xf32>
    %get3A_3936 = vector.shape_cast %get3A_3935 : vector<1x256x32xf32> to vector<256x32xf32>
    %mul3A_3937 = vector.broadcast %slice3A_3931 : vector<256x1xf32> to vector<256x32xf32>
    %mul3A_3938 = arith.mulf %mul3A_3937, %get3A_3936 : vector<256x32xf32>
    %add3A_3939 = arith.addf %add3A_3922, %mul3A_3938 : vector<256x32xf32>
    %get3A_3940 = arith.constant 4 : index
    %get3A_3941 = arith.constant 0 : index
    %get3A_3942 = arith.constant 0 : index
    %get3A_3943 = vector.load %arg22[%get3A_3940, %get3A_3941, %get3A_3942] : memref<20x256x32xf32, #tpu.memory_space<vmem>>, vector<1x256x32xf32>
    %get3A_3944 = vector.shape_cast %get3A_3943 : vector<1x256x32xf32> to vector<256x32xf32>
    %mul3A_3945 = vector.broadcast %slice3A_3931 : vector<256x1xf32> to vector<256x32xf32>
    %mul3A_3946 = arith.mulf %mul3A_3945, %get3A_3944 : vector<256x32xf32>
    %add3A_3947 = arith.addf %add3A_3930, %mul3A_3946 : vector<256x32xf32>
    %slice3A_3948 = vector.extract_strided_slice %div3A_3858 {offsets = [0, 5], sizes = [256, 1], strides = [1, 1]} : vector<256x20xf32> to vector<256x1xf32>
    %get3A_3949 = arith.constant 5 : index
    %get3A_3950 = arith.constant 0 : index
    %get3A_3951 = arith.constant 0 : index
    %get3A_3952 = vector.load %arg21[%get3A_3949, %get3A_3950, %get3A_3951] : memref<20x256x32xf32, #tpu.memory_space<vmem>>, vector<1x256x32xf32>
    %get3A_3953 = vector.shape_cast %get3A_3952 : vector<1x256x32xf32> to vector<256x32xf32>
    %mul3A_3954 = vector.broadcast %slice3A_3948 : vector<256x1xf32> to vector<256x32xf32>
    %mul3A_3955 = arith.mulf %mul3A_3954, %get3A_3953 : vector<256x32xf32>
    %add3A_3956 = arith.addf %add3A_3939, %mul3A_3955 : vector<256x32xf32>
    %get3A_3957 = arith.constant 5 : index
    %get3A_3958 = arith.constant 0 : index
    %get3A_3959 = arith.constant 0 : index
    %get3A_3960 = vector.load %arg22[%get3A_3957, %get3A_3958, %get3A_3959] : memref<20x256x32xf32, #tpu.memory_space<vmem>>, vector<1x256x32xf32>
    %get3A_3961 = vector.shape_cast %get3A_3960 : vector<1x256x32xf32> to vector<256x32xf32>
    %mul3A_3962 = vector.broadcast %slice3A_3948 : vector<256x1xf32> to vector<256x32xf32>
    %mul3A_3963 = arith.mulf %mul3A_3962, %get3A_3961 : vector<256x32xf32>
    %add3A_3964 = arith.addf %add3A_3947, %mul3A_3963 : vector<256x32xf32>
    %slice3A_3965 = vector.extract_strided_slice %div3A_3858 {offsets = [0, 6], sizes = [256, 1], strides = [1, 1]} : vector<256x20xf32> to vector<256x1xf32>
    %get3A_3966 = arith.constant 6 : index
    %get3A_3967 = arith.constant 0 : index
    %get3A_3968 = arith.constant 0 : index
    %get3A_3969 = vector.load %arg21[%get3A_3966, %get3A_3967, %get3A_3968] : memref<20x256x32xf32, #tpu.memory_space<vmem>>, vector<1x256x32xf32>
    %get3A_3970 = vector.shape_cast %get3A_3969 : vector<1x256x32xf32> to vector<256x32xf32>
    %mul3A_3971 = vector.broadcast %slice3A_3965 : vector<256x1xf32> to vector<256x32xf32>
    %mul3A_3972 = arith.mulf %mul3A_3971, %get3A_3970 : vector<256x32xf32>
    %add3A_3973 = arith.addf %add3A_3956, %mul3A_3972 : vector<256x32xf32>
    %get3A_3974 = arith.constant 6 : index
    %get3A_3975 = arith.constant 0 : index
    %get3A_3976 = arith.constant 0 : index
    %get3A_3977 = vector.load %arg22[%get3A_3974, %get3A_3975, %get3A_3976] : memref<20x256x32xf32, #tpu.memory_space<vmem>>, vector<1x256x32xf32>
    %get3A_3978 = vector.shape_cast %get3A_3977 : vector<1x256x32xf32> to vector<256x32xf32>
    %mul3A_3979 = vector.broadcast %slice3A_3965 : vector<256x1xf32> to vector<256x32xf32>
    %mul3A_3980 = arith.mulf %mul3A_3979, %get3A_3978 : vector<256x32xf32>
    %add3A_3981 = arith.addf %add3A_3964, %mul3A_3980 : vector<256x32xf32>
    %slice3A_3982 = vector.extract_strided_slice %div3A_3858 {offsets = [0, 7], sizes = [256, 1], strides = [1, 1]} : vector<256x20xf32> to vector<256x1xf32>
    %get3A_3983 = arith.constant 7 : index
    %get3A_3984 = arith.constant 0 : index
    %get3A_3985 = arith.constant 0 : index
    %get3A_3986 = vector.load %arg21[%get3A_3983, %get3A_3984, %get3A_3985] : memref<20x256x32xf32, #tpu.memory_space<vmem>>, vector<1x256x32xf32>
    %get3A_3987 = vector.shape_cast %get3A_3986 : vector<1x256x32xf32> to vector<256x32xf32>
    %mul3A_3988 = vector.broadcast %slice3A_3982 : vector<256x1xf32> to vector<256x32xf32>
    %mul3A_3989 = arith.mulf %mul3A_3988, %get3A_3987 : vector<256x32xf32>
    %add3A_3990 = arith.addf %add3A_3973, %mul3A_3989 : vector<256x32xf32>
    %get3A_3991 = arith.constant 7 : index
    %get3A_3992 = arith.constant 0 : index
    %get3A_3993 = arith.constant 0 : index
    %get3A_3994 = vector.load %arg22[%get3A_3991, %get3A_3992, %get3A_3993] : memref<20x256x32xf32, #tpu.memory_space<vmem>>, vector<1x256x32xf32>
    %get3A_3995 = vector.shape_cast %get3A_3994 : vector<1x256x32xf32> to vector<256x32xf32>
    %mul3A_3996 = vector.broadcast %slice3A_3982 : vector<256x1xf32> to vector<256x32xf32>
    %mul3A_3997 = arith.mulf %mul3A_3996, %get3A_3995 : vector<256x32xf32>
    %add3A_3998 = arith.addf %add3A_3981, %mul3A_3997 : vector<256x32xf32>
    %slice3A_3999 = vector.extract_strided_slice %div3A_3858 {offsets = [0, 8], sizes = [256, 1], strides = [1, 1]} : vector<256x20xf32> to vector<256x1xf32>
    %get3A_4000 = arith.constant 8 : index
    %get3A_4001 = arith.constant 0 : index
    %get3A_4002 = arith.constant 0 : index
    %get3A_4003 = vector.load %arg21[%get3A_4000, %get3A_4001, %get3A_4002] : memref<20x256x32xf32, #tpu.memory_space<vmem>>, vector<1x256x32xf32>
    %get3A_4004 = vector.shape_cast %get3A_4003 : vector<1x256x32xf32> to vector<256x32xf32>
    %mul3A_4005 = vector.broadcast %slice3A_3999 : vector<256x1xf32> to vector<256x32xf32>
    %mul3A_4006 = arith.mulf %mul3A_4005, %get3A_4004 : vector<256x32xf32>
    %add3A_4007 = arith.addf %add3A_3990, %mul3A_4006 : vector<256x32xf32>
    %get3A_4008 = arith.constant 8 : index
    %get3A_4009 = arith.constant 0 : index
    %get3A_4010 = arith.constant 0 : index
    %get3A_4011 = vector.load %arg22[%get3A_4008, %get3A_4009, %get3A_4010] : memref<20x256x32xf32, #tpu.memory_space<vmem>>, vector<1x256x32xf32>
    %get3A_4012 = vector.shape_cast %get3A_4011 : vector<1x256x32xf32> to vector<256x32xf32>
    %mul3A_4013 = vector.broadcast %slice3A_3999 : vector<256x1xf32> to vector<256x32xf32>
    %mul3A_4014 = arith.mulf %mul3A_4013, %get3A_4012 : vector<256x32xf32>
    %add3A_4015 = arith.addf %add3A_3998, %mul3A_4014 : vector<256x32xf32>
    %slice3A_4016 = vector.extract_strided_slice %div3A_3858 {offsets = [0, 9], sizes = [256, 1], strides = [1, 1]} : vector<256x20xf32> to vector<256x1xf32>
    %get3A_4017 = arith.constant 9 : index
    %get3A_4018 = arith.constant 0 : index
    %get3A_4019 = arith.constant 0 : index
    %get3A_4020 = vector.load %arg21[%get3A_4017, %get3A_4018, %get3A_4019] : memref<20x256x32xf32, #tpu.memory_space<vmem>>, vector<1x256x32xf32>
    %get3A_4021 = vector.shape_cast %get3A_4020 : vector<1x256x32xf32> to vector<256x32xf32>
    %mul3A_4022 = vector.broadcast %slice3A_4016 : vector<256x1xf32> to vector<256x32xf32>
    %mul3A_4023 = arith.mulf %mul3A_4022, %get3A_4021 : vector<256x32xf32>
    %add3A_4024 = arith.addf %add3A_4007, %mul3A_4023 : vector<256x32xf32>
    %get3A_4025 = arith.constant 9 : index
    %get3A_4026 = arith.constant 0 : index
    %get3A_4027 = arith.constant 0 : index
    %get3A_4028 = vector.load %arg22[%get3A_4025, %get3A_4026, %get3A_4027] : memref<20x256x32xf32, #tpu.memory_space<vmem>>, vector<1x256x32xf32>
    %get3A_4029 = vector.shape_cast %get3A_4028 : vector<1x256x32xf32> to vector<256x32xf32>
    %mul3A_4030 = vector.broadcast %slice3A_4016 : vector<256x1xf32> to vector<256x32xf32>
    %mul3A_4031 = arith.mulf %mul3A_4030, %get3A_4029 : vector<256x32xf32>
    %add3A_4032 = arith.addf %add3A_4015, %mul3A_4031 : vector<256x32xf32>
    %slice3A_4033 = vector.extract_strided_slice %div3A_3858 {offsets = [0, 10], sizes = [256, 1], strides = [1, 1]} : vector<256x20xf32> to vector<256x1xf32>
    %get3A_4034 = arith.constant 10 : index
    %get3A_4035 = arith.constant 0 : index
    %get3A_4036 = arith.constant 0 : index
    %get3A_4037 = vector.load %arg21[%get3A_4034, %get3A_4035, %get3A_4036] : memref<20x256x32xf32, #tpu.memory_space<vmem>>, vector<1x256x32xf32>
    %get3A_4038 = vector.shape_cast %get3A_4037 : vector<1x256x32xf32> to vector<256x32xf32>
    %mul3A_4039 = vector.broadcast %slice3A_4033 : vector<256x1xf32> to vector<256x32xf32>
    %mul3A_4040 = arith.mulf %mul3A_4039, %get3A_4038 : vector<256x32xf32>
    %add3A_4041 = arith.addf %add3A_4024, %mul3A_4040 : vector<256x32xf32>
    %get3A_4042 = arith.constant 10 : index
    %get3A_4043 = arith.constant 0 : index
    %get3A_4044 = arith.constant 0 : index
    %get3A_4045 = vector.load %arg22[%get3A_4042, %get3A_4043, %get3A_4044] : memref<20x256x32xf32, #tpu.memory_space<vmem>>, vector<1x256x32xf32>
    %get3A_4046 = vector.shape_cast %get3A_4045 : vector<1x256x32xf32> to vector<256x32xf32>
    %mul3A_4047 = vector.broadcast %slice3A_4033 : vector<256x1xf32> to vector<256x32xf32>
    %mul3A_4048 = arith.mulf %mul3A_4047, %get3A_4046 : vector<256x32xf32>
    %add3A_4049 = arith.addf %add3A_4032, %mul3A_4048 : vector<256x32xf32>
    %slice3A_4050 = vector.extract_strided_slice %div3A_3858 {offsets = [0, 11], sizes = [256, 1], strides = [1, 1]} : vector<256x20xf32> to vector<256x1xf32>
    %get3A_4051 = arith.constant 11 : index
    %get3A_4052 = arith.constant 0 : index
    %get3A_4053 = arith.constant 0 : index
    %get3A_4054 = vector.load %arg21[%get3A_4051, %get3A_4052, %get3A_4053] : memref<20x256x32xf32, #tpu.memory_space<vmem>>, vector<1x256x32xf32>
    %get3A_4055 = vector.shape_cast %get3A_4054 : vector<1x256x32xf32> to vector<256x32xf32>
    %mul3A_4056 = vector.broadcast %slice3A_4050 : vector<256x1xf32> to vector<256x32xf32>
    %mul3A_4057 = arith.mulf %mul3A_4056, %get3A_4055 : vector<256x32xf32>
    %add3A_4058 = arith.addf %add3A_4041, %mul3A_4057 : vector<256x32xf32>
    %get3A_4059 = arith.constant 11 : index
    %get3A_4060 = arith.constant 0 : index
    %get3A_4061 = arith.constant 0 : index
    %get3A_4062 = vector.load %arg22[%get3A_4059, %get3A_4060, %get3A_4061] : memref<20x256x32xf32, #tpu.memory_space<vmem>>, vector<1x256x32xf32>
    %get3A_4063 = vector.shape_cast %get3A_4062 : vector<1x256x32xf32> to vector<256x32xf32>
    %mul3A_4064 = vector.broadcast %slice3A_4050 : vector<256x1xf32> to vector<256x32xf32>
    %mul3A_4065 = arith.mulf %mul3A_4064, %get3A_4063 : vector<256x32xf32>
    %add3A_4066 = arith.addf %add3A_4049, %mul3A_4065 : vector<256x32xf32>
    %slice3A_4067 = vector.extract_strided_slice %div3A_3858 {offsets = [0, 12], sizes = [256, 1], strides = [1, 1]} : vector<256x20xf32> to vector<256x1xf32>
    %get3A_4068 = arith.constant 12 : index
    %get3A_4069 = arith.constant 0 : index
    %get3A_4070 = arith.constant 0 : index
    %get3A_4071 = vector.load %arg21[%get3A_4068, %get3A_4069, %get3A_4070] : memref<20x256x32xf32, #tpu.memory_space<vmem>>, vector<1x256x32xf32>
    %get3A_4072 = vector.shape_cast %get3A_4071 : vector<1x256x32xf32> to vector<256x32xf32>
    %mul3A_4073 = vector.broadcast %slice3A_4067 : vector<256x1xf32> to vector<256x32xf32>
    %mul3A_4074 = arith.mulf %mul3A_4073, %get3A_4072 : vector<256x32xf32>
    %add3A_4075 = arith.addf %add3A_4058, %mul3A_4074 : vector<256x32xf32>
    %get3A_4076 = arith.constant 12 : index
    %get3A_4077 = arith.constant 0 : index
    %get3A_4078 = arith.constant 0 : index
    %get3A_4079 = vector.load %arg22[%get3A_4076, %get3A_4077, %get3A_4078] : memref<20x256x32xf32, #tpu.memory_space<vmem>>, vector<1x256x32xf32>
    %get3A_4080 = vector.shape_cast %get3A_4079 : vector<1x256x32xf32> to vector<256x32xf32>
    %mul3A_4081 = vector.broadcast %slice3A_4067 : vector<256x1xf32> to vector<256x32xf32>
    %mul3A_4082 = arith.mulf %mul3A_4081, %get3A_4080 : vector<256x32xf32>
    %add3A_4083 = arith.addf %add3A_4066, %mul3A_4082 : vector<256x32xf32>
    %slice3A_4084 = vector.extract_strided_slice %div3A_3858 {offsets = [0, 13], sizes = [256, 1], strides = [1, 1]} : vector<256x20xf32> to vector<256x1xf32>
    %get3A_4085 = arith.constant 13 : index
    %get3A_4086 = arith.constant 0 : index
    %get3A_4087 = arith.constant 0 : index
    %get3A_4088 = vector.load %arg21[%get3A_4085, %get3A_4086, %get3A_4087] : memref<20x256x32xf32, #tpu.memory_space<vmem>>, vector<1x256x32xf32>
    %get3A_4089 = vector.shape_cast %get3A_4088 : vector<1x256x32xf32> to vector<256x32xf32>
    %mul3A_4090 = vector.broadcast %slice3A_4084 : vector<256x1xf32> to vector<256x32xf32>
    %mul3A_4091 = arith.mulf %mul3A_4090, %get3A_4089 : vector<256x32xf32>
    %add3A_4092 = arith.addf %add3A_4075, %mul3A_4091 : vector<256x32xf32>
    %get3A_4093 = arith.constant 13 : index
    %get3A_4094 = arith.constant 0 : index
    %get3A_4095 = arith.constant 0 : index
    %get3A_4096 = vector.load %arg22[%get3A_4093, %get3A_4094, %get3A_4095] : memref<20x256x32xf32, #tpu.memory_space<vmem>>, vector<1x256x32xf32>
    %get3A_4097 = vector.shape_cast %get3A_4096 : vector<1x256x32xf32> to vector<256x32xf32>
    %mul3A_4098 = vector.broadcast %slice3A_4084 : vector<256x1xf32> to vector<256x32xf32>
    %mul3A_4099 = arith.mulf %mul3A_4098, %get3A_4097 : vector<256x32xf32>
    %add3A_4100 = arith.addf %add3A_4083, %mul3A_4099 : vector<256x32xf32>
    %slice3A_4101 = vector.extract_strided_slice %div3A_3858 {offsets = [0, 14], sizes = [256, 1], strides = [1, 1]} : vector<256x20xf32> to vector<256x1xf32>
    %get3A_4102 = arith.constant 14 : index
    %get3A_4103 = arith.constant 0 : index
    %get3A_4104 = arith.constant 0 : index
    %get3A_4105 = vector.load %arg21[%get3A_4102, %get3A_4103, %get3A_4104] : memref<20x256x32xf32, #tpu.memory_space<vmem>>, vector<1x256x32xf32>
    %get3A_4106 = vector.shape_cast %get3A_4105 : vector<1x256x32xf32> to vector<256x32xf32>
    %mul3A_4107 = vector.broadcast %slice3A_4101 : vector<256x1xf32> to vector<256x32xf32>
    %mul3A_4108 = arith.mulf %mul3A_4107, %get3A_4106 : vector<256x32xf32>
    %add3A_4109 = arith.addf %add3A_4092, %mul3A_4108 : vector<256x32xf32>
    %get3A_4110 = arith.constant 14 : index
    %get3A_4111 = arith.constant 0 : index
    %get3A_4112 = arith.constant 0 : index
    %get3A_4113 = vector.load %arg22[%get3A_4110, %get3A_4111, %get3A_4112] : memref<20x256x32xf32, #tpu.memory_space<vmem>>, vector<1x256x32xf32>
    %get3A_4114 = vector.shape_cast %get3A_4113 : vector<1x256x32xf32> to vector<256x32xf32>
    %mul3A_4115 = vector.broadcast %slice3A_4101 : vector<256x1xf32> to vector<256x32xf32>
    %mul3A_4116 = arith.mulf %mul3A_4115, %get3A_4114 : vector<256x32xf32>
    %add3A_4117 = arith.addf %add3A_4100, %mul3A_4116 : vector<256x32xf32>
    %slice3A_4118 = vector.extract_strided_slice %div3A_3858 {offsets = [0, 15], sizes = [256, 1], strides = [1, 1]} : vector<256x20xf32> to vector<256x1xf32>
    %get3A_4119 = arith.constant 15 : index
    %get3A_4120 = arith.constant 0 : index
    %get3A_4121 = arith.constant 0 : index
    %get3A_4122 = vector.load %arg21[%get3A_4119, %get3A_4120, %get3A_4121] : memref<20x256x32xf32, #tpu.memory_space<vmem>>, vector<1x256x32xf32>
    %get3A_4123 = vector.shape_cast %get3A_4122 : vector<1x256x32xf32> to vector<256x32xf32>
    %mul3A_4124 = vector.broadcast %slice3A_4118 : vector<256x1xf32> to vector<256x32xf32>
    %mul3A_4125 = arith.mulf %mul3A_4124, %get3A_4123 : vector<256x32xf32>
    %add3A_4126 = arith.addf %add3A_4109, %mul3A_4125 : vector<256x32xf32>
    %get3A_4127 = arith.constant 15 : index
    %get3A_4128 = arith.constant 0 : index
    %get3A_4129 = arith.constant 0 : index
    %get3A_4130 = vector.load %arg22[%get3A_4127, %get3A_4128, %get3A_4129] : memref<20x256x32xf32, #tpu.memory_space<vmem>>, vector<1x256x32xf32>
    %get3A_4131 = vector.shape_cast %get3A_4130 : vector<1x256x32xf32> to vector<256x32xf32>
    %mul3A_4132 = vector.broadcast %slice3A_4118 : vector<256x1xf32> to vector<256x32xf32>
    %mul3A_4133 = arith.mulf %mul3A_4132, %get3A_4131 : vector<256x32xf32>
    %add3A_4134 = arith.addf %add3A_4117, %mul3A_4133 : vector<256x32xf32>
    %slice3A_4135 = vector.extract_strided_slice %div3A_3858 {offsets = [0, 16], sizes = [256, 1], strides = [1, 1]} : vector<256x20xf32> to vector<256x1xf32>
    %get3A_4136 = arith.constant 16 : index
    %get3A_4137 = arith.constant 0 : index
    %get3A_4138 = arith.constant 0 : index
    %get3A_4139 = vector.load %arg21[%get3A_4136, %get3A_4137, %get3A_4138] : memref<20x256x32xf32, #tpu.memory_space<vmem>>, vector<1x256x32xf32>
    %get3A_4140 = vector.shape_cast %get3A_4139 : vector<1x256x32xf32> to vector<256x32xf32>
    %mul3A_4141 = vector.broadcast %slice3A_4135 : vector<256x1xf32> to vector<256x32xf32>
    %mul3A_4142 = arith.mulf %mul3A_4141, %get3A_4140 : vector<256x32xf32>
    %add3A_4143 = arith.addf %add3A_4126, %mul3A_4142 : vector<256x32xf32>
    %get3A_4144 = arith.constant 16 : index
    %get3A_4145 = arith.constant 0 : index
    %get3A_4146 = arith.constant 0 : index
    %get3A_4147 = vector.load %arg22[%get3A_4144, %get3A_4145, %get3A_4146] : memref<20x256x32xf32, #tpu.memory_space<vmem>>, vector<1x256x32xf32>
    %get3A_4148 = vector.shape_cast %get3A_4147 : vector<1x256x32xf32> to vector<256x32xf32>
    %mul3A_4149 = vector.broadcast %slice3A_4135 : vector<256x1xf32> to vector<256x32xf32>
    %mul3A_4150 = arith.mulf %mul3A_4149, %get3A_4148 : vector<256x32xf32>
    %add3A_4151 = arith.addf %add3A_4134, %mul3A_4150 : vector<256x32xf32>
    %slice3A_4152 = vector.extract_strided_slice %div3A_3858 {offsets = [0, 17], sizes = [256, 1], strides = [1, 1]} : vector<256x20xf32> to vector<256x1xf32>
    %get3A_4153 = arith.constant 17 : index
    %get3A_4154 = arith.constant 0 : index
    %get3A_4155 = arith.constant 0 : index
    %get3A_4156 = vector.load %arg21[%get3A_4153, %get3A_4154, %get3A_4155] : memref<20x256x32xf32, #tpu.memory_space<vmem>>, vector<1x256x32xf32>
    %get3A_4157 = vector.shape_cast %get3A_4156 : vector<1x256x32xf32> to vector<256x32xf32>
    %mul3A_4158 = vector.broadcast %slice3A_4152 : vector<256x1xf32> to vector<256x32xf32>
    %mul3A_4159 = arith.mulf %mul3A_4158, %get3A_4157 : vector<256x32xf32>
    %add3A_4160 = arith.addf %add3A_4143, %mul3A_4159 : vector<256x32xf32>
    %get3A_4161 = arith.constant 17 : index
    %get3A_4162 = arith.constant 0 : index
    %get3A_4163 = arith.constant 0 : index
    %get3A_4164 = vector.load %arg22[%get3A_4161, %get3A_4162, %get3A_4163] : memref<20x256x32xf32, #tpu.memory_space<vmem>>, vector<1x256x32xf32>
    %get3A_4165 = vector.shape_cast %get3A_4164 : vector<1x256x32xf32> to vector<256x32xf32>
    %mul3A_4166 = vector.broadcast %slice3A_4152 : vector<256x1xf32> to vector<256x32xf32>
    %mul3A_4167 = arith.mulf %mul3A_4166, %get3A_4165 : vector<256x32xf32>
    %add3A_4168 = arith.addf %add3A_4151, %mul3A_4167 : vector<256x32xf32>
    %slice3A_4169 = vector.extract_strided_slice %div3A_3858 {offsets = [0, 18], sizes = [256, 1], strides = [1, 1]} : vector<256x20xf32> to vector<256x1xf32>
    %get3A_4170 = arith.constant 18 : index
    %get3A_4171 = arith.constant 0 : index
    %get3A_4172 = arith.constant 0 : index
    %get3A_4173 = vector.load %arg21[%get3A_4170, %get3A_4171, %get3A_4172] : memref<20x256x32xf32, #tpu.memory_space<vmem>>, vector<1x256x32xf32>
    %get3A_4174 = vector.shape_cast %get3A_4173 : vector<1x256x32xf32> to vector<256x32xf32>
    %mul3A_4175 = vector.broadcast %slice3A_4169 : vector<256x1xf32> to vector<256x32xf32>
    %mul3A_4176 = arith.mulf %mul3A_4175, %get3A_4174 : vector<256x32xf32>
    %add3A_4177 = arith.addf %add3A_4160, %mul3A_4176 : vector<256x32xf32>
    %get3A_4178 = arith.constant 18 : index
    %get3A_4179 = arith.constant 0 : index
    %get3A_4180 = arith.constant 0 : index
    %get3A_4181 = vector.load %arg22[%get3A_4178, %get3A_4179, %get3A_4180] : memref<20x256x32xf32, #tpu.memory_space<vmem>>, vector<1x256x32xf32>
    %get3A_4182 = vector.shape_cast %get3A_4181 : vector<1x256x32xf32> to vector<256x32xf32>
    %mul3A_4183 = vector.broadcast %slice3A_4169 : vector<256x1xf32> to vector<256x32xf32>
    %mul3A_4184 = arith.mulf %mul3A_4183, %get3A_4182 : vector<256x32xf32>
    %add3A_4185 = arith.addf %add3A_4168, %mul3A_4184 : vector<256x32xf32>
    %slice3A_4186 = vector.extract_strided_slice %div3A_3858 {offsets = [0, 19], sizes = [256, 1], strides = [1, 1]} : vector<256x20xf32> to vector<256x1xf32>
    %get3A_4187 = arith.constant 19 : index
    %get3A_4188 = arith.constant 0 : index
    %get3A_4189 = arith.constant 0 : index
    %get3A_4190 = vector.load %arg21[%get3A_4187, %get3A_4188, %get3A_4189] : memref<20x256x32xf32, #tpu.memory_space<vmem>>, vector<1x256x32xf32>
    %get3A_4191 = vector.shape_cast %get3A_4190 : vector<1x256x32xf32> to vector<256x32xf32>
    %mul3A_4192 = vector.broadcast %slice3A_4186 : vector<256x1xf32> to vector<256x32xf32>
    %mul3A_4193 = arith.mulf %mul3A_4192, %get3A_4191 : vector<256x32xf32>
    %add3A_4194 = arith.addf %add3A_4177, %mul3A_4193 : vector<256x32xf32>
    %get3A_4195 = arith.constant 19 : index
    %get3A_4196 = arith.constant 0 : index
    %get3A_4197 = arith.constant 0 : index
    %get3A_4198 = vector.load %arg22[%get3A_4195, %get3A_4196, %get3A_4197] : memref<20x256x32xf32, #tpu.memory_space<vmem>>, vector<1x256x32xf32>
    %get3A_4199 = vector.shape_cast %get3A_4198 : vector<1x256x32xf32> to vector<256x32xf32>
    %mul3A_4200 = vector.broadcast %slice3A_4186 : vector<256x1xf32> to vector<256x32xf32>
    %mul3A_4201 = arith.mulf %mul3A_4200, %get3A_4199 : vector<256x32xf32>
    %add3A_4202 = arith.addf %add3A_4185, %mul3A_4201 : vector<256x32xf32>
    %concatenate3A_4203 = tpu.concatenate %add3A_4194, %add3A_4202 in 1 : vector<256x32xf32>, vector<256x32xf32> -> vector<256x64xf32>
    %swap3A_4204 = arith.constant 0 : index
    %swap3A_4205 = arith.constant 0 : index
    %swap3A_4206 = vector.load %arg19[%swap3A_4204, %swap3A_4205] : memref<256x64xf32, #tpu.memory_space<vmem>>, vector<256x64xf32>
    tpu.vector_store %arg19[%swap3A_4204, %swap3A_4205], %concatenate3A_4203 {strides = array<i32>} : memref<256x64xf32, #tpu.memory_space<vmem>>, vector<256x64xf32>,
    return
  }
  func.func @transform_0(%arg0: i32) -> (i32, i32, i32) {
    %c0_i32 = arith.constant 0 : i32
    %c0_i32_0 = arith.constant 0 : i32
    %c0_i32_1 = arith.constant 0 : i32
    return %c0_i32, %arg0, %c0_i32_0 : i32, i32, i32
  }
  func.func @transform_1(%arg0: i32) -> (i32, i32, i32) {
    %c0_i32 = arith.constant 0 : i32
    %c0_i32_0 = arith.constant 0 : i32
    %c0_i32_1 = arith.constant 0 : i32
    return %arg0, %c0_i32, %c0_i32_0 : i32, i32, i32
  }
  func.func @transform_2(%arg0: i32) -> (i32, i32) {
    %c0_i32 = arith.constant 0 : i32
    %c0_i32_0 = arith.constant 0 : i32
    return %arg0, %c0_i32 : i32, i32
  }
  func.func @transform_3(%arg0: i32) -> (i32, i32) {
    %c0_i32 = arith.constant 0 : i32
    %c0_i32_0 = arith.constant 0 : i32
    %c0_i32_1 = arith.constant 0 : i32
    return %c0_i32, %c0_i32_0 : i32, i32
  }
  func.func @transform_4(%arg0: i32) -> (i32, i32) {
    %c0_i32 = arith.constant 0 : i32
    %c0_i32_0 = arith.constant 0 : i32
    %c0_i32_1 = arith.constant 0 : i32
    return %c0_i32, %c0_i32_0 : i32, i32
  }
  func.func @transform_5(%arg0: i32) -> (i32, i32) {
    %c0_i32 = arith.constant 0 : i32
    %c0_i32_0 = arith.constant 0 : i32
    %c0_i32_1 = arith.constant 0 : i32
    return %c0_i32, %c0_i32_0 : i32, i32
  }
  func.func @transform_6(%arg0: i32) -> (i32, i32) {
    %c0_i32 = arith.constant 0 : i32
    %c0_i32_0 = arith.constant 0 : i32
    %c0_i32_1 = arith.constant 0 : i32
    return %c0_i32, %c0_i32_0 : i32, i32
  }
  func.func @transform_7(%arg0: i32) -> (i32, i32) {
    %c0_i32 = arith.constant 0 : i32
    %c0_i32_0 = arith.constant 0 : i32
    %c0_i32_1 = arith.constant 0 : i32
    return %c0_i32, %c0_i32_0 : i32, i32
  }
  func.func @transform_8(%arg0: i32) -> (i32, i32) {
    %c0_i32 = arith.constant 0 : i32
    %c0_i32_0 = arith.constant 0 : i32
    %c0_i32_1 = arith.constant 0 : i32
    return %c0_i32, %c0_i32_0 : i32, i32
  }
  func.func @transform_9(%arg0: i32) -> (i32, i32) {
    %c0_i32 = arith.constant 0 : i32
    %c0_i32_0 = arith.constant 0 : i32
    %c0_i32_1 = arith.constant 0 : i32
    return %c0_i32, %c0_i32_0 : i32, i32
  }
  func.func @transform_10(%arg0: i32) -> (i32, i32) {
    %c0_i32 = arith.constant 0 : i32
    %c0_i32_0 = arith.constant 0 : i32
    %c0_i32_1 = arith.constant 0 : i32
    return %c0_i32, %c0_i32_0 : i32, i32
  }
  func.func @transform_11(%arg0: i32) -> (i32, i32) {
    %c0_i32 = arith.constant 0 : i32
    %c0_i32_0 = arith.constant 0 : i32
    %c0_i32_1 = arith.constant 0 : i32
    return %c0_i32, %c0_i32_0 : i32, i32
  }
  func.func @transform_12(%arg0: i32) -> (i32, i32) {
    %c0_i32 = arith.constant 0 : i32
    %c0_i32_0 = arith.constant 0 : i32
    %c0_i32_1 = arith.constant 0 : i32
    return %c0_i32, %c0_i32_0 : i32, i32
  }
  func.func @transform_13(%arg0: i32) -> (i32, i32) {
    %c0_i32 = arith.constant 0 : i32
    %c0_i32_0 = arith.constant 0 : i32
    %c0_i32_1 = arith.constant 0 : i32
    return %c0_i32, %c0_i32_0 : i32, i32
  }
  func.func @transform_14(%arg0: i32) -> (i32, i32) {
    %c0_i32 = arith.constant 0 : i32
    %c0_i32_0 = arith.constant 0 : i32
    %c0_i32_1 = arith.constant 0 : i32
    return %c0_i32, %c0_i32_0 : i32, i32
  }
  func.func @transform_15(%arg0: i32) -> (i32, i32) {
    %c0_i32 = arith.constant 0 : i32
    %c0_i32_0 = arith.constant 0 : i32
    %c0_i32_1 = arith.constant 0 : i32
    return %c0_i32, %c0_i32_0 : i32, i32
  }
  func.func @transform_16(%arg0: i32) -> (i32, i32) {
    %c0_i32 = arith.constant 0 : i32
    %c0_i32_0 = arith.constant 0 : i32
    %c0_i32_1 = arith.constant 0 : i32
    return %c0_i32, %c0_i32_0 : i32, i32
  }
  func.func @transform_17(%arg0: i32) -> (i32, i32) {
    %c0_i32 = arith.constant 0 : i32
    %c0_i32_0 = arith.constant 0 : i32
    %c0_i32_1 = arith.constant 0 : i32
    return %c0_i32, %c0_i32_0 : i32, i32
  }
  func.func @transform_18(%arg0: i32) -> (i32, i32) {
    %c0_i32 = arith.constant 0 : i32
    %c0_i32_0 = arith.constant 0 : i32
    return %arg0, %c0_i32 : i32, i32
  }
}

</mosaic_0001>

<sc_bundles>
// kernel: kernel.4.cloned.1.call-start
scs
__scs_entry_jumppad:
0x0: {  	(pc) =	sbr.rel $0x88, $3  }
0x1: {  	(tag) =	ssettag $0x0;
	lr =	simm.s32 $0x1  }
0x2: {  	[smem:$0x3F8F] =	sst lr;
	_ =	strace $0xD0000000  }
0x3: {  	_ = 	snop  }
0x4: {  	_ = 	snop  }
0x5: {  	_ = 	snop  }
0x6: {  	_ = 	snop  }
0x7: {  	_ = 	snop  }
__scs_overlays_trampoline_lowered:
0x8: {  	[smem:$0x3F9E] =	sst s0  }
0x9: {  	[smem:$0x3F9F] =	sst s1  }
0xa: {  	[smem:$0x3FA0] =	sst s2  }
0xb: {  	[smem:$0x3FA1] =	sst s3  }
0xc: {  	[smem:$0x3FA2] =	sst s4  }
0xd: {  	[smem:$0x3FA3] =	sst s5  }
0xe: {  	[smem:$0x3FA4] =	sst s6  }
0xf: {  	[smem:$0x3FA5] =	sst s7  }
0x10: {  	[smem:$0x3FA6] =	sst s8  }
0x11: {  	[smem:$0x3FA7] =	sst s9;
	s0 =	simm.s32 @!p0 $0x0  }
0x12: {  	s1 =	sld [smem:$0x3F8D];
	s0 =	simm.s32 @p0 $0x1  }
0x13: {  	[smem:$0x3FA8] =	sst s0;
	s0 =	simm.s32 @!p1 $0x0  }
0x14: {  	s2 =	sld [smem:$0x3F8C];
	s0 =	simm.s32 @p1 $0x1  }
0x15: {  	[smem:$0x3FA9] =	sst s0;
	s0 =	simm.s32 @!p2 $0x0  }
0x16: {  	s3 =	sld [smem:$0x3FDB];
	s0 =	simm.s32 @p2 $0x1  }
0x17: {  	s4 =	simm.s32 $0x1BF5;
	[smem:$0x3FAB] =	sst s0  }
0x18: {  	s0 =	sld [smem:$0x3F8E];
	_ =	swait.ge [sflag:s4], $0x0  }
0x19: {  	s7 =	sld [smem:$0x3F8F]  }
0x1a: {  	s8 =	sadd.s32 $0xFFFFE003, lr  }
0x1b: {  	s9 =	sadd.s32 $0xFFFFFEF7, lr;
	s5 =	simm.s32 $0xFFFFFFFF;
	p2 =	slt.u32 s8, $0xFFFFF086  }
0x1c: {  	p1 =	slt.u32 s9, $0xF7A;
	s5 =	simm.s32 @!p2 $0x0  }
0x1d: {  	s5 =	simm.s32 @p1 $0x1;
	p0 =	seq.s32 s7, s2  }
0x1e: {  	s7 =	smul.u32 @!p0 $0xF7A, s2;
	p2 =	seq.s32 @!p0 s5, $0x0  }
0x1f: {  	s9 =	smul.u32 $0xF7A, s1;
	s8 =	simm.s32 @!p0 $0x1BF5;
	p2 =	por !p2, p0  }
0x20: {  	[sflag:s8] =	ssyncset.s32 @!p0 $0xFFFFF086;
	s6 =	sadd.s32 @!p0 s3, s7;
	s7 =	simm.s32 @!p0 $0x108  }
0x21: {  	s3 =	sadd.s32 s3, s9;
	s6 =	sadd.s32 @!p0 $0x88, s6;
	s7 =	simm.s32 @p2 $0x1082  }
0x22: {  	[simem:s7], [sflag:s8] =	dma.local @!p0 [hbm:s6], $0xF7A  }
0x23: {  	s9 =	sor.u32 $0xD0000000, s2;
	s6 =	simm.s32 $0x108;
	_ =	swait.ge @!p0 [sflag:s8], $0x0  }
0x24: {  	s3 =	sadd.s32 $0x88, s3;
	s6 =	simm.s32 @!p1 $0x1082;
	[sflag:s4] =	ssyncset.s32 $0xFFFFF086  }
0x25: {  	[simem:s6], [sflag:s4] =	dma.local [hbm:s3], $0xF7A  }
0x26: {  	[smem:$0x3F8F] =	sst s1;
	(tag) =	ssettag s2;
	_ =	strace s9  }
0x27: {  	s1 =	sld [smem:$0x3F9F]  }
0x28: {  	s2 =	sld [smem:$0x3FA0]  }
0x29: {  	s4 =	sld [smem:$0x3FA2]  }
0x2a: {  	p0 =	seq.s32 s5, $0x0;
	s5 =	sld [smem:$0x3FA3]  }
0x2b: {  	s6 =	sld [smem:$0x3FA4]  }
0x2c: {  	s7 =	sld [smem:$0x3FA5]  }
0x2d: {  	s3 =	simm.s32 $0x108;
	s8 =	sld [smem:$0x3FA6]  }
0x2e: {  	s3 =	simm.s32 @!p0 $0x1082;
	s9 =	sld [smem:$0x3FA7]  }
0x2f: {  	lr =	sadd.s32 s0, s3;
	s0 =	sld [smem:$0x3F9E]  }
0x30: {  	s3 =	sld [smem:$0x3FA1]  }
0x31: {  	[smem:$0x3FAA] =	sst s10  }
0x32: {  	s10 =	sld [smem:$0x3FA8];
	_ =	sdelay $0x3  }
0x33: {  	p0 =	seq.s32 s10, $0x1;
	s10 =	sld [smem:$0x3FAA];
	_ =	sdelay $0x3  }
0x34: {  	[smem:$0x3FAA] =	sst s10  }
0x35: {  	s10 =	sld [smem:$0x3FA9];
	_ =	sdelay $0x3  }
0x36: {  	p1 =	seq.s32 s10, $0x1;
	s10 =	sld [smem:$0x3FAA];
	_ =	sdelay $0x3  }
0x37: {  	[smem:$0x3FAA] =	sst s10  }
0x38: {  	s10 =	sld [smem:$0x3FAB]  }
0x39: {  	_ = 	snop;
	(pc) =	sbr.ind lr, $3  }
0x3a: {  	_ = 	snop  }
0x3b: {  	_ = 	snop  }
0x3c: {  	p2 =	seq.s32 s10, $0x1;
	s10 =	sld [smem:$0x3FAA]  }
0x3d: {  	_ =	shalt  }
0x3e: {  	_ =	shalt  }
0x3f: {  	_ =	shalt  }
0x40: {  	_ =	shalt  }
0x41: {  	_ =	shalt  }
0x42: {  	_ =	shalt  }
0x43: {  	_ =	shalt  }
0x44: {  	_ =	shalt  }
0x45: {  	_ =	shalt  }
0x46: {  	_ =	shalt  }
0x47: {  	_ =	shalt  }
0x48: {  	_ =	shalt  }
0x49: {  	_ =	shalt  }
0x4a: {  	_ =	shalt  }
0x4b: {  	_ =	shalt  }
0x4c: {  	_ =	shalt  }
0x4d: {  	_ =	shalt  }
0x4e: {  	_ =	shalt  }
0x4f: {  	_ =	shalt  }
0x50: {  	_ =	shalt  }
0x51: {  	_ =	shalt  }
0x52: {  	_ =	shalt  }
0x53: {  	_ =	shalt  }
0x54: {  	_ =	shalt  }
0x55: {  	_ =	shalt  }
0x56: {  	_ =	shalt  }
0x57: {  	_ =	shalt  }
0x58: {  	_ =	shalt  }
0x59: {  	_ =	shalt  }
0x5a: {  	_ =	shalt  }
0x5b: {  	_ =	shalt  }
0x5c: {  	_ =	shalt  }
0x5d: {  	_ =	shalt  }
0x5e: {  	_ =	shalt  }
0x5f: {  	_ =	shalt  }
0x60: {  	_ =	shalt  }
0x61: {  	_ =	shalt  }
0x62: {  	_ =	shalt  }
0x63: {  	_ =	shalt  }
0x64: {  	_ =	shalt  }
0x65: {  	_ =	shalt  }
0x66: {  	_ =	shalt  }
0x67: {  	_ =	shalt  }
0x68: {  	_ =	shalt  }
0x69: {  	_ =	shalt  }
0x6a: {  	_ =	shalt  }
0x6b: {  	_ =	shalt  }
0x6c: {  	_ =	shalt  }
0x6d: {  	_ =	shalt  }
0x6e: {  	_ =	shalt  }
0x6f: {  	_ =	shalt  }
0x70: {  	_ =	shalt  }
0x71: {  	_ =	shalt  }
0x72: {  	_ =	shalt  }
0x73: {  	_ =	shalt  }
0x74: {  	_ =	shalt  }
0x75: {  	_ =	shalt  }
0x76: {  	_ =	shalt  }
0x77: {  	_ =	shalt  }
0x78: {  	_ =	shalt  }
0x79: {  	_ =	shalt  }
0x7a: {  	_ =	shalt  }
0x7b: {  	_ =	shalt  }
0x7c: {  	_ =	shalt  }
0x7d: {  	_ =	shalt  }
0x7e: {  	_ =	shalt  }
0x7f: {  	_ =	shalt  }
0x80: {  	_ =	shalt  }
0x81: {  	_ =	shalt  }
0x82: {  	_ =	shalt  }
0x83: {  	_ =	shalt  }
0x84: {  	_ =	shalt  }
0x85: {  	_ =	shalt  }
0x86: {  	_ =	shalt  }
0x87: {  	_ =	shalt  }
.Lfunc_end0:
.L_simem_size_0:
called_computation_lowered:
.L_overlay_start_0:
0x88: {  	s2 =	sld [smem:$0x3FD9]  }
0x89: {  	s3 =	sld [smem:$0x3FFE];
	_ =	sdelay $0x1  }
0x8a: {  	s1 =	srdreg.scid  }
0x8b: {  	s0 =	sand.u32 $0x1, s1  }
0x8c: {  	s17 =	sshll.u32 s0, $0xA;
	s2 =	sadd.s32 s3, s2  }
0x8d: {  	s2 =	sadd.s32 s2, s17  }
0x8e: {  	[smem:$0x3FB6] =	sst s2  }
0x8f: {  	_ = 	snop  }
0x90: {  	s2 =	sld [smem:$0x3FD0];
	(tm) =	ssettm $0x1  }
0x91: {  	s18 =	sld [smem:$0x3FFB];
	_ =	sdelay $0x3  }
0x92: {  	_ =	strace s18  }
0x93: {  	s3 =	sld [smem:$0x3FFC];
	_ =	sdelay $0x3  }
0x94: {  	_ =	strace s3  }
0x95: {  	s3 =	sld [smem:$0x3FFD];
	_ =	sdelay $0x3  }
0x96: {  	_ =	strace s3  }
0x97: {  	_ =	strace $0x8FFFFFFF  }
0x98: {  	s19 =	sld [smem:$0x3FDB];
	_ =	sdelay $0x1  }
0x99: {  	s4 =	simm.s32 $_scs_section_size  }
0x9a: {  	s5 =	simm.s32 $_size__tile_overlayer_lowered;
	s6 =	simm.s32 $_tile_overlayer_lowered  }
0x9b: {  	s22 =	simm.s32 $0x1BFF;
	s21 =	sshll.u32 s6, $0x1;
	s3 =	sadd.s32 s4, s19  }
0x9c: {  	s7 =	simm.s32 $0x0;
	s20 =	sshll.u32 s5, $0x1;
	s5 =	sadd.s32 s21, s3  }
0x9d: {  	[timem:s7], [sflag:s22] =	dma.local [hbm:s5], s20  }
0x9e: {  	_ =	swait.ge [sflag:s22], s20  }
0x9f: {  	s4 =	ssub.s32 $0x0, s20;
	[sflag:s22] =	ssyncset.done $0x0  }
0xa0: {  	[sflag:s22] =	ssyncadd.s32 s4;
	_ =	sdelay $0x1  }
0xa1: {  	s23 =	simm.s32 $0x1B8B  }
0xa2: {  	_ =	swait.ge [sflag:s23], $0x1  }
0xa3: {  	[sflag:s23] =	ssyncset.done $0x0  }
0xa4: {  	s25 =	simm.s32 $0x1B8E;
	s24 =	sld [smem:$0x3FFE];
	[sflag:s23] =	ssyncadd.s32 $0xFFFFFFFF  }
0xa5: {  	s26 =	simm.s32 $execute0_lowered;
	[smem:$0x3FD2] =	sst s25  }
0xa6: {  	s5 =	sshll.u32 s26, $0x1;
	_ =	strace $0x80000046;
	[dreg:$0x1] =	wrdreg $0xFFFFFFFF  }
0xa7: {  	s28 =	simm.s32 $_size_execute0_lowered;
	s3 =	sadd.s32 s3, s5;
	[dreg:$0x0] =	wrdreg $0x0  }
0xa8: {  	s5 =	sshll.u32 s28, $0x1;
	[dreg:$0x2] =	wrdreg s3  }
0xa9: {  	[dreg:$0x3] =	wrdreg s5  }
0xaa: {  	[dreg:$0x4] =	wrdreg $0xC0  }
0xab: {  	_ =	task [dreg:s7], $0x5FFFF  }
0xac: {  	[dreg:$0x1] =	wrdreg $0xFFFFFFFF  }
0xad: {  	[dreg:$0x0] =	wrdreg $0x60  }
0xae: {  	[dreg:$0x2] =	wrdreg s2  }
0xaf: {  	[dreg:$0x3] =	wrdreg s24  }
0xb0: {  	[dreg:$0x4] =	wrdreg $0x9  }
0xb1: {  	_ =	task.clear_ibuf [dreg:s7], $0x5FFFF;
	_ =	strace $0x90000046  }
0xb2: {  	s29 =	simm.s32 $0x9;
	_ =	strace $0x80000048  }
0xb3: {  	_ =	swait.ge [sflag:s29], $0x1  }
0xb4: {  	[sflag:s29] =	ssyncadd.s32 $0xFFFFFFFF  }
0xb5: {  	_ =	strace $0x90000048  }
0xb6: {  	_ =	sfence  }
0xb7: {  	s30 =	sld [smem:$0x0];
	_ =	sdelay $0x2  }
0xb8: {  	s31 =	sshll.u32 s1, $0xD;
	s1 =	sshrl.u32 s1, $0x2  }
0xb9: {  	s3 =	sand.u32 $0x4000, s31;
	s1 =	sadd.s32 s1, s30  }
0xba: {  	s0 =	sor.u32 s3, s0;
	s1 =	sshll.u32 s1, $0x11  }
0xbb: {  	s0 =	sor.u32 s1, s0  }
0xbc: {  	s0 =	sadd.s32 $0x8F2B, s0  }
0xbd: {  	[sflag:s0] =	ssyncadd.remote.s32 $0x1  }
0xbe: {  	_ =	sfence.sel $0xFFFF  }
0xbf: {  	[dreg:$0x0] =	wrdreg $0xFFFFFFFF;
	(pc) =	sbr.abs _section_cstart, $3  }
0xc0: {  	[dreg:$0x1] =	wrdreg $0xFFFFFFFF  }
0xc1: {  	_ =	task.clear_ibuf [dreg:s7], $0x2FFFF;
	_ =	strace $0x9FFFFFFF  }
0xc2: {  	(tm) =	ssettm $0x7FFFFFFF  }
0xc3: {  	_ =	shalt  }
tec
execute0_lowered:
.L_overlay_start_1:
0x0: {  	(tag) =	ssettag $0x1  }
0x1: {  	s7 =	rddreg [dreg:$0x0]  }
0x2: {  	s5 =	rddreg [dreg:$0x1]  }
0x3: {  	s0 =	rddreg [dreg:$0x2];
	s1 =	stileid.u32  }
0x4: {  	s3 =	srdreg.scid;
	s6 =	smul.u32 $0x28000, s1  }
0x5: {  	s2 =	simm.s32 $0x0;
	s4 =	sand.u32 $0x1, s3;
	s9 =	smul.u32 $0x5000, s1  }
0x6: {  	s12 =	simm.s32 $0x0;
	[smem:$0x7FF] =	sst s2;
	s8 =	smul.u32 $0x14000, s4  }
0x7: {  	s3 =	sadd.s32 $0x2800, s5;
	s10 =	ssub.s32 $0x2, s4;
	s11 =	smul.u32 $0x2800, s4  }
0x8: {  	s4 =	sadd.s32 $0xF44C00, s5;
	s5 =	sadd.s32 s6, s5;
	s30 =	sshrl.u32 s10, $0x1  }
0x9: {  	_ =	strace $0x80000047;
	s6 =	ssub.s32 s10, s30;
	s8 =	sadd.s32 s8, s5  }
0xa: {  	s9 =	sadd.s32 s11, s9;
	s10 =	simm.s32 $0x1;
	s11 =	simm.s32 $0x100  }
0xb: {  	s5 =	smax.u32 s6, $0x1;
	s6 =	sadd.s32 $0x5A00, s8;
	s31 =	sshrl.u32 s9, $0x3  }
0xc: {  	s8 =	simm.s32 $0x2;
	s9 =	simm.s32 $0x80;
	s7 =	sadd.s32 s31, s7  }
.LBB2_1:
0xd: {  	s13 =	sadd.s32 $0x0, s7  }
0xe: {  	[tilespmem:s2], [sflag:$0x2] =	stream.linear.gather [hbm4b:s13+s2], $0x80, $0x38;
	[tilespmem:$0x2100] =	vst v63  }
0xf: {  	_ =	swait.ge [sflag:s8], $0x80  }
0x10: {  	[sflag:s8] =	ssyncset.done $0x0  }
0x11: {  	[sflag:s8] =	ssyncadd.s32 $0xFFFFFF80  }
0x12: {  	[tilespmem:s9], [sflag:$0x1] =	stream.indirect.gather [hbm4b:s3+s9], $0x1, s2, s9, $0xb8;
	[tilespmem:$0x2100] =	vst v63  }
0x13: {  	_ =	swait.ge [sflag:s10], $0x80  }
0x14: {  	[sflag:s10] =	ssyncset.done $0x0  }
0x15: {  	[sflag:s10] =	ssyncadd.s32 $0xFFFFFF80  }
0x16: {  	[tilespmem:s11], [sflag:$0x1] =	stream.indirect.gather [hbm4b:s4+s9], $0x40, s9, s9, $0xb8;
	[tilespmem:$0x2100] =	vst v63  }
0x17: {  	_ =	swait.ge [sflag:s10], $0x2000  }
0x18: {  	[sflag:s10] =	ssyncset.done $0x0  }
0x19: {  	[sflag:s10] =	ssyncadd.s32 $0xFFFFE000  }
0x1a: {  	[hbm4b:s6+s2] =	stream.linear.scatter [tilespmem:s11], [sflag:$0x2], $0x2000, $0x38;
	[tilespmem:$0x2100] =	vst v63  }
0x1b: {  	s14 =	simm.s32 $0x10;
	_ =	swait.ge [sflag:s8], $0x2000  }
0x1c: {  	s15 =	simm.s32 $0x20;
	s13 =	sadd.s32 $0x400, s6;
	[sflag:s8] =	ssyncset.done $0x0  }
.LBB2_2:
0x1d: {  	s16 =	sadd.s32 s14, s7  }
0x1e: {  	[sflag:s8] =	ssyncadd.s32 $0xFFFFE000;
	s14 =	smov.u32 s15;
	s17 =	sadd.s32 $0x10, s15  }
0x1f: {  	[tilespmem:s2], [sflag:$0x2] =	stream.linear.gather [hbm4b:s16+s2], $0x80, $0x38;
	[tilespmem:$0x2100] =	vst v63  }
0x20: {  	p0 =	sne.s32 s15, $0x4F0;
	_ =	swait.ge [sflag:s8], $0x80  }
0x21: {  	[sflag:s8] =	ssyncset.done $0x0  }
0x22: {  	[sflag:s8] =	ssyncadd.s32 $0xFFFFFF80  }
0x23: {  	[tilespmem:s9], [sflag:$0x1] =	stream.indirect.gather [hbm4b:s3+s9], $0x1, s2, s9, $0xb8;
	[tilespmem:$0x2100] =	vst v63  }
0x24: {  	_ =	swait.ge [sflag:s10], $0x80  }
0x25: {  	[sflag:s10] =	ssyncset.done $0x0  }
0x26: {  	[sflag:s10] =	ssyncadd.s32 $0xFFFFFF80  }
0x27: {  	[tilespmem:s11], [sflag:$0x1] =	stream.indirect.gather [hbm4b:s4+s9], $0x40, s9, s9, $0xb8;
	[tilespmem:$0x2100] =	vst v63  }
0x28: {  	_ =	swait.ge [sflag:s10], $0x2000  }
.Ltmp0:
0x29: {  	[sflag:s10] =	ssyncset.done $0x0;
	(pc) =	sbr.rel @p0 .LBB2_2-.Ltmp0, $4  }
0x2a: {  	[sflag:s10] =	ssyncadd.s32 $0xFFFFE000  }
0x2b: {  	[hbm4b:s13+s2] =	stream.linear.scatter [tilespmem:s11], [sflag:$0x2], $0x2000, $0x38;
	[tilespmem:$0x2100] =	vst v63  }
0x2c: {  	_ =	swait.ge [sflag:s8], $0x2000  }
0x2d: {  	s15 =	smov.u32 s17;
	s13 =	sadd.s32 $0x400, s13;
	[sflag:s8] =	ssyncset.done $0x0  }
0x2e: {  	s14 =	sadd.s32 s14, s7;
	[sflag:s8] =	ssyncadd.s32 $0xFFFFE000  }
0x2f: {  	[tilespmem:s2], [sflag:$0x2] =	stream.linear.gather [hbm4b:s14+s2], $0x80, $0x38;
	[tilespmem:$0x2100] =	vst v63  }
0x30: {  	_ =	swait.ge [sflag:s8], $0x80  }
0x31: {  	[sflag:s8] =	ssyncset.done $0x0  }
0x32: {  	[sflag:s8] =	ssyncadd.s32 $0xFFFFFF80  }
0x33: {  	[tilespmem:s9], [sflag:$0x1] =	stream.indirect.gather [hbm4b:s3+s9], $0x1, s2, s9, $0xb8;
	[tilespmem:$0x2100] =	vst v63  }
0x34: {  	_ =	swait.ge [sflag:s10], $0x80  }
0x35: {  	[sflag:s10] =	ssyncset.done $0x0  }
0x36: {  	[sflag:s10] =	ssyncadd.s32 $0xFFFFFF80  }
0x37: {  	[tilespmem:s11], [sflag:$0x1] =	stream.indirect.gather [hbm4b:s4+s9], $0x40, s9, s9, $0xb8;
	[tilespmem:$0x2100] =	vst v63  }
0x38: {  	s12 =	sadd.s32 $0x1, s12;
	_ =	swait.ge [sflag:s10], $0x2000  }
0x39: {  	p0 =	sne.s32 s12, s5;
	[sflag:s10] =	ssyncset.done $0x0  }
.Ltmp1:
0x3a: {  	[sflag:s10] =	ssyncadd.s32 $0xFFFFE000;
	(pc) =	sbr.rel @p0 .LBB2_1-.Ltmp1, $4  }
0x3b: {  	[hbm4b:s13+s2] =	stream.linear.scatter [tilespmem:s11], [sflag:$0x2], $0x2000, $0x38;
	[tilespmem:$0x2100] =	vst v63  }
0x3c: {  	_ =	swait.ge [sflag:s8], $0x2000  }
0x3d: {  	[sflag:s8] =	ssyncset.done $0x0  }
0x3e: {  	[sflag:s8] =	ssyncadd.s32 $0xFFFFE000  }
0x3f: {  	_ =	sfence.sel $0x180000  }
0x40: {  	[bflag:$0x0] =	sbarrier.arrive $0xFFFF  }
0x41: {  	p0 =	sne.s32 s1, $0x0;
	_ =	strace $0x90000047  }
0x42: {  	s0 =	sadd.s32 @!p0 $0x100000, s0;
	[bflag:$0x2] =	sbarrier.arrive $0xFFFF  }
0x43: {  	[sflag:s0] =	ssyncadd.tile.s32 @!p0 $0x1;
	_ =	shalt  }
.Lfunc_end2:
_tile_overlayer_lowered:
.L_overlay_start_2:
0x44: {  	(tag) =	ssettag $0x2  }
0x45: {  	s0 =	rddreg [dreg:$0x0];
	s2 =	stileid.u32  }
0x46: {  	s1 =	rddreg [dreg:$0x1];
	p0 =	sne.s32 s2, $0x0  }
0x47: {  	s3 =	rddreg [dreg:$0x2];
	[bflag:$0x3] =	sbarrier.arrive $0xFFFF;
	s2 =	simm.s32 @!p0 $0x1C02  }
0x48: {  	[timem:s3], [sflag:s2] =	dma.local @!p0 [hbm:s0], s1  }
0x49: {  	s0 =	simm.s32 @!p0 $0x2  }
0x4a: {  	_ =	swait.ge @!p0 [sflag:s0], s1  }
0x4b: {  	s1 =	ssub.s32 @!p0 $0x0, s1;
	[sflag:s0] =	ssyncset.done @!p0 $0x0  }
0x4c: {  	[sflag:s0] =	ssyncadd.s32 @!p0 s1  }
0x4d: {  	[bflag:$0x3] =	sbarrier.arrive $0xFFFF  }
0x4e: {  	_ =	shalt  }

</sc_bundles>
